<compile_context>
chip_gen: v7x
topology: tpu7x:2x2x1
jax: 0.10.2.dev20260603
libtpu: 0.0.44.dev20260713+nightly
codegen_flags: <defaults>
</compile_context>

<pallas_src>
import functools

import jax
import jax.numpy as jnp
from jax import lax
from jax.experimental import pallas as pl
from jax.experimental.pallas import tpu as pltpu
from jax.experimental.pallas import tpu_sc as plsc

HIDDEN = 768
N_TOK = 8192
NC, NS, L = 2, 16, 16
NW = NC * NS
TOK_W = N_TOK // NW
TMAX = 32
HB = HIDDEN // L
U = 8
NWB = 3
NPB = 2

_SIZES = [8, 8, 16] + [32] * 7
assert sum(_SIZES) == TOK_W
_STARTS = [sum(_SIZES[:i]) for i in range(len(_SIZES))]
CHUNKS = list(zip(_STARTS, _SIZES))

_mesh = plsc.VectorSubcoreMesh(core_axis_name="c", subcore_axis_name="s")


@functools.partial(
    pl.kernel,
    mesh=_mesh,
    compiler_params=pltpu.CompilerParams(needs_layout_passes=False),
    out_type=jax.ShapeDtypeStruct((N_TOK, HIDDEN), jnp.float32),
    scratch_types=[
        pltpu.VMEM((TOK_W,), jnp.int32),
        pltpu.VMEM((TOK_W,), jnp.int32),
        pltpu.VMEM((TOK_W,), jnp.int32),
        pltpu.VMEM((NWB, TMAX, HIDDEN), jnp.float32),
        pltpu.VMEM((NPB, TMAX, HIDDEN), jnp.float32),
        pltpu.VMEM((2, HIDDEN), jnp.float32),
        pltpu.VMEM((TMAX, L), jnp.int32),
        pltpu.SemaphoreType.DMA,
        pltpu.SemaphoreType.DMA,
        pltpu.SemaphoreType.DMA,
        pltpu.SemaphoreType.DMA,
        pltpu.SemaphoreType.DMA,
        pltpu.SemaphoreType.DMA,
        pltpu.SemaphoreType.DMA,
        pltpu.SemaphoreType.DMA,
    ],
)
def _emb_kernel(idw_hbm, idp_hbm, idt_hbm, wtab_hbm, ptab_hbm, ttab_hbm,
                out_hbm, idw_v, idp_v, idt_v, wbuf, pbuf, tbuf, tidb_v,
                semw0, semw1, semw2, semp0, semp1, semo0, semo1, semo2):
    semw = (semw0, semw1, semw2)
    semp = (semp0, semp1)
    semo = (semo0, semo1, semo2)
    wid = lax.axis_index("s") * NC + lax.axis_index("c")
    base = wid * TOK_W
    h1 = pltpu.async_copy(idw_hbm.at[pl.ds(base, TOK_W)], idw_v, semo0)
    h2 = pltpu.async_copy(idp_hbm.at[pl.ds(base, TOK_W)], idp_v, semo1)
    h3 = pltpu.async_copy(idt_hbm.at[pl.ds(base, TOK_W)], idt_v, semo2)
    h4 = pltpu.async_copy(ttab_hbm, tbuf, semp0)
    h1.wait()
    h2.wait()

    def gathers(c):
        st, sz = CHUNKS[c]
        ws, ps = c % NWB, c % NPB
        gw = pltpu.async_copy(wtab_hbm.at[idw_v.at[pl.ds(st, sz)]],
                              wbuf.at[ws].at[pl.ds(0, sz)], semw[ws])
        gp = pltpu.async_copy(ptab_hbm.at[idp_v.at[pl.ds(st, sz)]],
                              pbuf.at[ps].at[pl.ds(0, sz)], semp[ps])
        return gw, gp

    pend_g = {0: gathers(0)}
    h3.wait()
    h4.wait()
    pend_o = {}
    for c in range(len(CHUNKS)):
        st, sz = CHUNKS[c]
        ws = c % NWB
        if c + 1 < len(CHUNKS):
            if c - 2 >= 0:
                pend_o.pop(c - 2).wait()
            pend_g[c + 1] = gathers(c + 1)
        @plsc.parallel_loop(0, sz, 1, unroll=4)
        def pre_body(t):
            tidb_v[t] = plsc.load_gather(
                idt_v, [jnp.full((L,), st + t, jnp.int32)])

        gw, gp = pend_g.pop(c)
        gw.wait()
        gp.wait()

        wv = wbuf.at[ws]
        pv = pbuf.at[c % NPB]

        def h_body(h, _):
            h16 = h * L
            a0 = tbuf[0, pl.ds(h16, L)]
            a1 = tbuf[1, pl.ds(h16, L)]

            @plsc.parallel_loop(0, sz, 1, unroll=min(U, sz))
            def t_loop(t):
                w = wv[t, pl.ds(h16, L)]
                p = pv[t, pl.ds(h16, L)]
                ti = tidb_v[t]
                wv[t, pl.ds(h16, L)] = w + p + jnp.where(ti != 0, a1, a0)

            return 0

        lax.fori_loop(0, HB, h_body, 0)
        pend_o[c] = pltpu.async_copy(
            wv.at[pl.ds(0, sz)], out_hbm.at[pl.ds(base + st, sz)], semo[ws])
    for c in sorted(pend_o):
        pend_o.pop(c).wait()


def kernel(input_ids, position_ids, token_type_ids, word_embeddings,
           position_embeddings, token_type_embeddings):
    B, S = input_ids.shape
    idw = input_ids.reshape(N_TOK).astype(jnp.int32)
    idp = position_ids.reshape(N_TOK).astype(jnp.int32)
    idt = token_type_ids.reshape(N_TOK).astype(jnp.int32)
    out = _emb_kernel(idw, idp, idt, word_embeddings.astype(jnp.float32),
                      position_embeddings.astype(jnp.float32),
                      token_type_embeddings.astype(jnp.float32))
    return out.reshape(B, S, HIDDEN)

# --- scband reference (transcript-rebuilt; emitter-appended) ---
"""Pipeline reference for scband-bert-embeddings-30159260353167 (READ-ONLY COPY).

The authoritative reference and input builder live on the scoring server;
editing this copy changes nothing except your own understanding.
"""

import jax, jax.numpy as jnp
import numpy as np

VOCAB = 100000
HIDDEN = 768
MAX_POS = 2048
TYPE_VOCAB = 2
PAD_IDX = 0
B, S = 4, 2048


def setup_inputs(seed: int = 0) -> dict:
    key = jax.random.key(seed)
    k1, k2, k3, k4, k5, k6 = jax.random.split(key, 6)
    input_ids = jax.random.randint(k1, (B, S), 0, VOCAB, dtype=jnp.int64 if jax.config.jax_enable_x64 else jnp.int32)
    position_ids = jax.random.randint(k2, (B, S), 0, MAX_POS, dtype=input_ids.dtype)
    token_type_ids = jax.random.randint(k3, (B, S), 0, TYPE_VOCAB, dtype=input_ids.dtype)
    word_embeddings = jax.random.normal(k4, (VOCAB, HIDDEN), dtype=jnp.float32)
    # padding_idx row is zero-initialized in torch nn.Embedding
    word_embeddings = word_embeddings.at[PAD_IDX].set(0.0)
    position_embeddings = jax.random.normal(k5, (MAX_POS, HIDDEN), dtype=jnp.float32)
    token_type_embeddings = jax.random.normal(k6, (TYPE_VOCAB, HIDDEN), dtype=jnp.float32)
    return {
        "input_ids": input_ids,
        "position_ids": position_ids,
        "token_type_ids": token_type_ids,
        "word_embeddings": word_embeddings,
        "position_embeddings": position_embeddings,
        "token_type_embeddings": token_type_embeddings,
    }


def reference(input_ids, position_ids, token_type_ids, word_embeddings, position_embeddings, token_type_embeddings):
    # word embedding lookup (gather)
    embeddings = jnp.take(word_embeddings, input_ids, axis=0)
    # position embedding lookup
    embeddings = embeddings + jnp.take(position_embeddings, position_ids, axis=0)
    # token type embedding lookup
    embeddings = embeddings + jnp.take(token_type_embeddings, token_type_ids, axis=0)
    return embeddings

if __name__ == "__main__":
    import jax
    _d = setup_inputs()
    print(jax.jit(kernel)(*tuple(_d.values())))

</pallas_src>

<mosaic_0001>
#map = affine_map<(d0, d1) -> (0)>
#map1 = affine_map<(d0, d1) -> (0, 0)>
module attributes {stable_mosaic.version = 14 : i64} {
  func.func @_emb_kernel(%arg0: i32, %arg1: i32, %arg2: memref<8192xi32, #tpu.memory_space<hbm>>, %arg3: memref<8192xi32, #tpu.memory_space<hbm>>, %arg4: memref<8192xi32, #tpu.memory_space<hbm>>, %arg5: memref<100000x768xf32, #tpu.memory_space<hbm>>, %arg6: memref<2048x768xf32, #tpu.memory_space<hbm>>, %arg7: memref<2x768xf32, #tpu.memory_space<hbm>>, %arg8: memref<8192x768xf32, #tpu.memory_space<hbm>>, %arg9: memref<256xi32, #tpu.memory_space<vmem>>, %arg10: memref<256xi32, #tpu.memory_space<vmem>>, %arg11: memref<256xi32, #tpu.memory_space<vmem>>, %arg12: memref<3x32x768xf32, #tpu.memory_space<vmem>>, %arg13: memref<2x32x768xf32, #tpu.memory_space<vmem>>, %arg14: memref<2x768xf32, #tpu.memory_space<vmem>>, %arg15: memref<32x16xi32, #tpu.memory_space<vmem>>, %arg16: memref<!tpu.dma_semaphore, #tpu.memory_space<semaphore_mem>>, %arg17: memref<!tpu.dma_semaphore, #tpu.memory_space<semaphore_mem>>, %arg18: memref<!tpu.dma_semaphore, #tpu.memory_space<semaphore_mem>>, %arg19: memref<!tpu.dma_semaphore, #tpu.memory_space<semaphore_mem>>, %arg20: memref<!tpu.dma_semaphore, #tpu.memory_space<semaphore_mem>>, %arg21: memref<!tpu.dma_semaphore, #tpu.memory_space<semaphore_mem>>, %arg22: memref<!tpu.dma_semaphore, #tpu.memory_space<semaphore_mem>>, %arg23: memref<!tpu.dma_semaphore, #tpu.memory_space<semaphore_mem>>) attributes {dimension_semantics = [#tpu.dimension_semantics<core_parallel>, #tpu.dimension_semantics<subcore_parallel>], iteration_bounds = array<i64: 2, 16>, scalar_prefetch = 0 : i64, scratch_operands = 15 : i64, tpu.core_type = #tpu.core_type<sc_vector_subcore>, window_params = [{transform_indices = #map}, {transform_indices = #map}, {transform_indices = #map}, {transform_indices = #map1}, {transform_indices = #map1}, {transform_indices = #map1}, {transform_indices = #map1}]} {
    %mul3A = arith.constant 2 : i32
    %mul3A_0 = arith.muli %arg1, %mul3A : i32
    %add3A = arith.addi %mul3A_0, %arg0 : i32
    %mul3A_1 = arith.constant 256 : i32
    %mul3A_2 = arith.muli %add3A, %mul3A_1 : i32
    %dma_start3A = tpu.memref_slice %arg2[%mul3A_2] : memref<8192xi32, #tpu.memory_space<hbm>> -> memref<256xi32, #tpu.memory_space<hbm>>
    %dma_start3A_3 = tpu.memref_slice %arg2[%mul3A_2] : memref<8192xi32, #tpu.memory_space<hbm>> -> memref<256xi32, #tpu.memory_space<hbm>>
    tpu.enqueue_dma source(%dma_start3A_3 : memref<256xi32, #tpu.memory_space<hbm>>) target(%arg9 : memref<256xi32, #tpu.memory_space<vmem>>) target_semaphore(%arg21 : memref<!tpu.dma_semaphore, #tpu.memory_space<semaphore_mem>>)
    %dma_start3A_4 = tpu.memref_slice %arg3[%mul3A_2] : memref<8192xi32, #tpu.memory_space<hbm>> -> memref<256xi32, #tpu.memory_space<hbm>>
    %dma_start3A_5 = tpu.memref_slice %arg3[%mul3A_2] : memref<8192xi32, #tpu.memory_space<hbm>> -> memref<256xi32, #tpu.memory_space<hbm>>
    tpu.enqueue_dma source(%dma_start3A_5 : memref<256xi32, #tpu.memory_space<hbm>>) target(%arg10 : memref<256xi32, #tpu.memory_space<vmem>>) target_semaphore(%arg22 : memref<!tpu.dma_semaphore, #tpu.memory_space<semaphore_mem>>)
    %dma_start3A_6 = tpu.memref_slice %arg4[%mul3A_2] : memref<8192xi32, #tpu.memory_space<hbm>> -> memref<256xi32, #tpu.memory_space<hbm>>
    %dma_start3A_7 = tpu.memref_slice %arg4[%mul3A_2] : memref<8192xi32, #tpu.memory_space<hbm>> -> memref<256xi32, #tpu.memory_space<hbm>>
    tpu.enqueue_dma source(%dma_start3A_7 : memref<256xi32, #tpu.memory_space<hbm>>) target(%arg11 : memref<256xi32, #tpu.memory_space<vmem>>) target_semaphore(%arg23 : memref<!tpu.dma_semaphore, #tpu.memory_space<semaphore_mem>>)
    tpu.enqueue_dma source(%arg7 : memref<2x768xf32, #tpu.memory_space<hbm>>) target(%arg14 : memref<2x768xf32, #tpu.memory_space<vmem>>) target_semaphore(%arg19 : memref<!tpu.dma_semaphore, #tpu.memory_space<semaphore_mem>>)
    %dma_wait3A = tpu.memref_slice %arg2[%mul3A_2] : memref<8192xi32, #tpu.memory_space<hbm>> -> memref<256xi32, #tpu.memory_space<hbm>>
    %dma_wait3A_8 = tpu.memref_slice %arg2[%mul3A_2] : memref<8192xi32, #tpu.memory_space<hbm>> -> memref<256xi32, #tpu.memory_space<hbm>>
    tpu.wait_dma2 semaphore(%arg21 : memref<!tpu.dma_semaphore, #tpu.memory_space<semaphore_mem>>) src(%dma_wait3A_8 : memref<256xi32, #tpu.memory_space<hbm>>) dst(%arg9 : memref<256xi32, #tpu.memory_space<vmem>>)
    %dma_wait3A_9 = tpu.memref_slice %arg3[%mul3A_2] : memref<8192xi32, #tpu.memory_space<hbm>> -> memref<256xi32, #tpu.memory_space<hbm>>
    %dma_wait3A_10 = tpu.memref_slice %arg3[%mul3A_2] : memref<8192xi32, #tpu.memory_space<hbm>> -> memref<256xi32, #tpu.memory_space<hbm>>
    tpu.wait_dma2 semaphore(%arg22 : memref<!tpu.dma_semaphore, #tpu.memory_space<semaphore_mem>>) src(%dma_wait3A_10 : memref<256xi32, #tpu.memory_space<hbm>>) dst(%arg10 : memref<256xi32, #tpu.memory_space<vmem>>)
    %dma_start3A_11 = arith.constant 0 : i32
    %dma_start3A_12 = arith.constant 0 : i32
    %dma_start3A_13 = arith.constant 0 : i32
    %dma_start3A_14 = tpu.memref_slice %arg12[%dma_start3A_11, %dma_start3A_12, %dma_start3A_13] : memref<3x32x768xf32, #tpu.memory_space<vmem>> -> memref<1x32x768xf32, #tpu.memory_space<vmem>>
    %dma_start3A_15 = tpu.memref_squeeze %dma_start3A_14 : memref<1x32x768xf32, #tpu.memory_space<vmem>> -> memref<32x768xf32, #tpu.memory_space<vmem>>
    %dma_start3A_16 = arith.constant 0 : i32
    %dma_start3A_17 = arith.constant 0 : i32
    %dma_start3A_18 = tpu.memref_slice %dma_start3A_15[%dma_start3A_16, %dma_start3A_17] : memref<32x768xf32, #tpu.memory_space<vmem>> -> memref<8x768xf32, #tpu.memory_space<vmem>>
    %dma_start3A_19 = arith.constant 0 : i32
    %dma_start3A_20 = tpu.memref_slice %arg9[%dma_start3A_19] : memref<256xi32, #tpu.memory_space<vmem>> -> memref<8xi32, #tpu.memory_space<vmem>>
    %dma_start3A_21 = arith.constant 0 : i32
    %dma_start3A_22 = arith.constant 0 : i32
    %dma_start3A_23 = tpu.memref_slice %arg5[%dma_start3A_21, %dma_start3A_22] : memref<100000x768xf32, #tpu.memory_space<hbm>> -> memref<100000x768xf32, #tpu.memory_space<hbm>>
    tpu.enqueue_indirect_dma source(%dma_start3A_23 : memref<100000x768xf32, #tpu.memory_space<hbm>>) target(%dma_start3A_18 : memref<8x768xf32, #tpu.memory_space<vmem>>) offsets(%dma_start3A_20 : memref<8xi32, #tpu.memory_space<vmem>>) semaphore(%arg16 : memref<!tpu.dma_semaphore, #tpu.memory_space<semaphore_mem>>)
    %dma_start3A_24 = arith.constant 0 : i32
    %dma_start3A_25 = arith.constant 0 : i32
    %dma_start3A_26 = arith.constant 0 : i32
    %dma_start3A_27 = tpu.memref_slice %arg13[%dma_start3A_24, %dma_start3A_25, %dma_start3A_26] : memref<2x32x768xf32, #tpu.memory_space<vmem>> -> memref<1x32x768xf32, #tpu.memory_space<vmem>>
    %dma_start3A_28 = tpu.memref_squeeze %dma_start3A_27 : memref<1x32x768xf32, #tpu.memory_space<vmem>> -> memref<32x768xf32, #tpu.memory_space<vmem>>
    %dma_start3A_29 = arith.constant 0 : i32
    %dma_start3A_30 = arith.constant 0 : i32
    %dma_start3A_31 = tpu.memref_slice %dma_start3A_28[%dma_start3A_29, %dma_start3A_30] : memref<32x768xf32, #tpu.memory_space<vmem>> -> memref<8x768xf32, #tpu.memory_space<vmem>>
    %dma_start3A_32 = arith.constant 0 : i32
    %dma_start3A_33 = tpu.memref_slice %arg10[%dma_start3A_32] : memref<256xi32, #tpu.memory_space<vmem>> -> memref<8xi32, #tpu.memory_space<vmem>>
    %dma_start3A_34 = arith.constant 0 : i32
    %dma_start3A_35 = arith.constant 0 : i32
    %dma_start3A_36 = tpu.memref_slice %arg6[%dma_start3A_34, %dma_start3A_35] : memref<2048x768xf32, #tpu.memory_space<hbm>> -> memref<2048x768xf32, #tpu.memory_space<hbm>>
    tpu.enqueue_indirect_dma source(%dma_start3A_36 : memref<2048x768xf32, #tpu.memory_space<hbm>>) target(%dma_start3A_31 : memref<8x768xf32, #tpu.memory_space<vmem>>) offsets(%dma_start3A_33 : memref<8xi32, #tpu.memory_space<vmem>>) semaphore(%arg19 : memref<!tpu.dma_semaphore, #tpu.memory_space<semaphore_mem>>)
    %dma_wait3A_37 = tpu.memref_slice %arg4[%mul3A_2] : memref<8192xi32, #tpu.memory_space<hbm>> -> memref<256xi32, #tpu.memory_space<hbm>>
    %dma_wait3A_38 = tpu.memref_slice %arg4[%mul3A_2] : memref<8192xi32, #tpu.memory_space<hbm>> -> memref<256xi32, #tpu.memory_space<hbm>>
    tpu.wait_dma2 semaphore(%arg23 : memref<!tpu.dma_semaphore, #tpu.memory_space<semaphore_mem>>) src(%dma_wait3A_38 : memref<256xi32, #tpu.memory_space<hbm>>) dst(%arg11 : memref<256xi32, #tpu.memory_space<vmem>>)
    tpu.wait_dma2 semaphore(%arg19 : memref<!tpu.dma_semaphore, #tpu.memory_space<semaphore_mem>>) src(%arg7 : memref<2x768xf32, #tpu.memory_space<hbm>>) dst(%arg14 : memref<2x768xf32, #tpu.memory_space<vmem>>)
    %dma_start3A_39 = arith.constant 1 : i32
    %dma_start3A_40 = arith.constant 0 : i32
    %dma_start3A_41 = arith.constant 0 : i32
    %dma_start3A_42 = tpu.memref_slice %arg12[%dma_start3A_39, %dma_start3A_40, %dma_start3A_41] : memref<3x32x768xf32, #tpu.memory_space<vmem>> -> memref<1x32x768xf32, #tpu.memory_space<vmem>>
    %dma_start3A_43 = tpu.memref_squeeze %dma_start3A_42 : memref<1x32x768xf32, #tpu.memory_space<vmem>> -> memref<32x768xf32, #tpu.memory_space<vmem>>
    %dma_start3A_44 = arith.constant 0 : i32
    %dma_start3A_45 = arith.constant 0 : i32
    %dma_start3A_46 = tpu.memref_slice %dma_start3A_43[%dma_start3A_44, %dma_start3A_45] : memref<32x768xf32, #tpu.memory_space<vmem>> -> memref<8x768xf32, #tpu.memory_space<vmem>>
    %dma_start3A_47 = arith.constant 8 : i32
    %dma_start3A_48 = tpu.memref_slice %arg9[%dma_start3A_47] : memref<256xi32, #tpu.memory_space<vmem>> -> memref<8xi32, #tpu.memory_space<vmem>>
    %dma_start3A_49 = arith.constant 0 : i32
    %dma_start3A_50 = arith.constant 0 : i32
    %dma_start3A_51 = tpu.memref_slice %arg5[%dma_start3A_49, %dma_start3A_50] : memref<100000x768xf32, #tpu.memory_space<hbm>> -> memref<100000x768xf32, #tpu.memory_space<hbm>>
    tpu.enqueue_indirect_dma source(%dma_start3A_51 : memref<100000x768xf32, #tpu.memory_space<hbm>>) target(%dma_start3A_46 : memref<8x768xf32, #tpu.memory_space<vmem>>) offsets(%dma_start3A_48 : memref<8xi32, #tpu.memory_space<vmem>>) semaphore(%arg17 : memref<!tpu.dma_semaphore, #tpu.memory_space<semaphore_mem>>)
    %dma_start3A_52 = arith.constant 1 : i32
    %dma_start3A_53 = arith.constant 0 : i32
    %dma_start3A_54 = arith.constant 0 : i32
    %dma_start3A_55 = tpu.memref_slice %arg13[%dma_start3A_52, %dma_start3A_53, %dma_start3A_54] : memref<2x32x768xf32, #tpu.memory_space<vmem>> -> memref<1x32x768xf32, #tpu.memory_space<vmem>>
    %dma_start3A_56 = tpu.memref_squeeze %dma_start3A_55 : memref<1x32x768xf32, #tpu.memory_space<vmem>> -> memref<32x768xf32, #tpu.memory_space<vmem>>
    %dma_start3A_57 = arith.constant 0 : i32
    %dma_start3A_58 = arith.constant 0 : i32
    %dma_start3A_59 = tpu.memref_slice %dma_start3A_56[%dma_start3A_57, %dma_start3A_58] : memref<32x768xf32, #tpu.memory_space<vmem>> -> memref<8x768xf32, #tpu.memory_space<vmem>>
    %dma_start3A_60 = arith.constant 8 : i32
    %dma_start3A_61 = tpu.memref_slice %arg10[%dma_start3A_60] : memref<256xi32, #tpu.memory_space<vmem>> -> memref<8xi32, #tpu.memory_space<vmem>>
    %dma_start3A_62 = arith.constant 0 : i32
    %dma_start3A_63 = arith.constant 0 : i32
    %dma_start3A_64 = tpu.memref_slice %arg6[%dma_start3A_62, %dma_start3A_63] : memref<2048x768xf32, #tpu.memory_space<hbm>> -> memref<2048x768xf32, #tpu.memory_space<hbm>>
    tpu.enqueue_indirect_dma source(%dma_start3A_64 : memref<2048x768xf32, #tpu.memory_space<hbm>>) target(%dma_start3A_59 : memref<8x768xf32, #tpu.memory_space<vmem>>) offsets(%dma_start3A_61 : memref<8xi32, #tpu.memory_space<vmem>>) semaphore(%arg20 : memref<!tpu.dma_semaphore, #tpu.memory_space<semaphore_mem>>)
    %parallel_loop3A = arith.constant 0 : i32
    %parallel_loop3A_65 = arith.constant 8 : i32
    %parallel_loop3A_66 = arith.constant 1 : i32
    scf.for %parallel_loop3A_1051 = %parallel_loop3A to %parallel_loop3A_65 step %parallel_loop3A_66  : i32 {
      %parallel_loop3A_1052 = arith.constant 0 : i32
      %parallel_loop3A_1053 = arith.addi %parallel_loop3A_1052, %parallel_loop3A_1051 : i32
      %parallel_loop3A_1054 = vector.broadcast %parallel_loop3A_1053 : i32 to vector<16xi32>
      %parallel_loop3A_1055 = tpu.vector_load_idx %arg11[%parallel_loop3A_1054] : memref<256xi32, #tpu.memory_space<vmem>>[vector<16xi32>], vector<16xi32>,
      %parallel_loop3A_1056 = arith.index_cast %parallel_loop3A_1051 : i32 to index
      %parallel_loop3A_1057 = arith.constant 0 : index
      %parallel_loop3A_1058 = tpu.vector_load %arg15[%parallel_loop3A_1056, %parallel_loop3A_1057] {strides = array<i32>} : memref<32x16xi32, #tpu.memory_space<vmem>>, vector<16xi32>,
      tpu.vector_store %arg15[%parallel_loop3A_1056, %parallel_loop3A_1057], %parallel_loop3A_1055 {strides = array<i32>} : memref<32x16xi32, #tpu.memory_space<vmem>>, vector<16xi32>,
    } {sc.loop_unroll_factor = 4 : i64, sc.parallel_access}
    %dma_wait3A_67 = arith.constant 0 : i32
    %dma_wait3A_68 = arith.constant 0 : i32
    %dma_wait3A_69 = arith.constant 0 : i32
    %dma_wait3A_70 = tpu.memref_slice %arg12[%dma_wait3A_67, %dma_wait3A_68, %dma_wait3A_69] : memref<3x32x768xf32, #tpu.memory_space<vmem>> -> memref<1x32x768xf32, #tpu.memory_space<vmem>>
    %dma_wait3A_71 = tpu.memref_squeeze %dma_wait3A_70 : memref<1x32x768xf32, #tpu.memory_space<vmem>> -> memref<32x768xf32, #tpu.memory_space<vmem>>
    %dma_wait3A_72 = arith.constant 0 : i32
    %dma_wait3A_73 = arith.constant 0 : i32
    %dma_wait3A_74 = tpu.memref_slice %dma_wait3A_71[%dma_wait3A_72, %dma_wait3A_73] : memref<32x768xf32, #tpu.memory_space<vmem>> -> memref<8x768xf32, #tpu.memory_space<vmem>>
    %dma_wait3A_75 = arith.constant 0 : i32
    %dma_wait3A_76 = tpu.memref_slice %arg9[%dma_wait3A_75] : memref<256xi32, #tpu.memory_space<vmem>> -> memref<8xi32, #tpu.memory_space<vmem>>
    %dma_wait3A_77 = arith.constant 0 : i32
    %dma_wait3A_78 = arith.constant 0 : i32
    %dma_wait3A_79 = tpu.memref_slice %arg5[%dma_wait3A_77, %dma_wait3A_78] : memref<100000x768xf32, #tpu.memory_space<hbm>> -> memref<100000x768xf32, #tpu.memory_space<hbm>>
    tpu.wait_indirect_dma semaphore(%arg16 : memref<!tpu.dma_semaphore, #tpu.memory_space<semaphore_mem>>) src(%dma_wait3A_79 : memref<100000x768xf32, #tpu.memory_space<hbm>>) dst(%dma_wait3A_74 : memref<8x768xf32, #tpu.memory_space<vmem>>)
    %dma_wait3A_80 = arith.constant 0 : i32
    %dma_wait3A_81 = arith.constant 0 : i32
    %dma_wait3A_82 = arith.constant 0 : i32
    %dma_wait3A_83 = tpu.memref_slice %arg13[%dma_wait3A_80, %dma_wait3A_81, %dma_wait3A_82] : memref<2x32x768xf32, #tpu.memory_space<vmem>> -> memref<1x32x768xf32, #tpu.memory_space<vmem>>
    %dma_wait3A_84 = tpu.memref_squeeze %dma_wait3A_83 : memref<1x32x768xf32, #tpu.memory_space<vmem>> -> memref<32x768xf32, #tpu.memory_space<vmem>>
    %dma_wait3A_85 = arith.constant 0 : i32
    %dma_wait3A_86 = arith.constant 0 : i32
    %dma_wait3A_87 = tpu.memref_slice %dma_wait3A_84[%dma_wait3A_85, %dma_wait3A_86] : memref<32x768xf32, #tpu.memory_space<vmem>> -> memref<8x768xf32, #tpu.memory_space<vmem>>
    %dma_wait3A_88 = arith.constant 0 : i32
    %dma_wait3A_89 = tpu.memref_slice %arg10[%dma_wait3A_88] : memref<256xi32, #tpu.memory_space<vmem>> -> memref<8xi32, #tpu.memory_space<vmem>>
    %dma_wait3A_90 = arith.constant 0 : i32
    %dma_wait3A_91 = arith.constant 0 : i32
    %dma_wait3A_92 = tpu.memref_slice %arg6[%dma_wait3A_90, %dma_wait3A_91] : memref<2048x768xf32, #tpu.memory_space<hbm>> -> memref<2048x768xf32, #tpu.memory_space<hbm>>
    tpu.wait_indirect_dma semaphore(%arg19 : memref<!tpu.dma_semaphore, #tpu.memory_space<semaphore_mem>>) src(%dma_wait3A_92 : memref<2048x768xf32, #tpu.memory_space<hbm>>) dst(%dma_wait3A_87 : memref<8x768xf32, #tpu.memory_space<vmem>>)
    %scan3A = arith.constant 0 : i32
    %scan3A_93 = arith.constant 0 : i32
    %scan3A_94 = arith.constant 0 : i32
    %scan3A_95 = arith.constant 0 : i32
    %scan3A_96 = arith.constant 48 : i32
    %scan3A_97 = arith.addi %scan3A_95, %scan3A_96 : i32
    %scan3A_98 = arith.constant 1 : i32
    %scan3A_99 = scf.for %scan3A_1051 = %scan3A_95 to %scan3A_97 step %scan3A_98 iter_args(%scan3A_1052 = %scan3A_94) -> (i32)  : i32 {
      %mul3A_1053 = arith.constant 16 : i32
      %mul3A_1054 = arith.muli %scan3A_1051, %mul3A_1053 : i32
      %get3A = arith.constant 0 : i32
      %get3A_1055 = arith.index_cast %get3A : i32 to index
      %get3A_1056 = arith.index_cast %mul3A_1054 : i32 to index
      %get3A_1057 = tpu.vector_load %arg14[%get3A_1055, %get3A_1056] {strides = array<i32>} : memref<2x768xf32, #tpu.memory_space<vmem>>, vector<16xf32>,
      %get3A_1058 = arith.constant 1 : i32
      %get3A_1059 = arith.index_cast %get3A_1058 : i32 to index
      %get3A_1060 = arith.index_cast %mul3A_1054 : i32 to index
      %get3A_1061 = tpu.vector_load %arg14[%get3A_1059, %get3A_1060] {strides = array<i32>} : memref<2x768xf32, #tpu.memory_space<vmem>>, vector<16xf32>,
      %parallel_loop3A_1062 = arith.constant 0 : i32
      %parallel_loop3A_1063 = arith.constant 8 : i32
      %parallel_loop3A_1064 = arith.constant 1 : i32
      scf.for %parallel_loop3A_1066 = %parallel_loop3A_1062 to %parallel_loop3A_1063 step %parallel_loop3A_1064  : i32 {
        %parallel_loop3A_1067 = arith.constant 0 : i32
        %parallel_loop3A_1068 = arith.constant 0 : i32
        %parallel_loop3A_1069 = tpu.memref_slice %arg12[%scan3A, %parallel_loop3A_1067, %parallel_loop3A_1068] : memref<3x32x768xf32, #tpu.memory_space<vmem>> -> memref<1x32x768xf32, #tpu.memory_space<vmem>>
        %parallel_loop3A_1070 = tpu.memref_squeeze %parallel_loop3A_1069 : memref<1x32x768xf32, #tpu.memory_space<vmem>> -> memref<32x768xf32, #tpu.memory_space<vmem>>
        %parallel_loop3A_1071 = arith.index_cast %parallel_loop3A_1066 : i32 to index
        %parallel_loop3A_1072 = arith.index_cast %mul3A_1054 : i32 to index
        %parallel_loop3A_1073 = tpu.vector_load %parallel_loop3A_1070[%parallel_loop3A_1071, %parallel_loop3A_1072] {strides = array<i32>} : memref<32x768xf32, #tpu.memory_space<vmem>>, vector<16xf32>,
        %parallel_loop3A_1074 = arith.constant 0 : i32
        %parallel_loop3A_1075 = arith.constant 0 : i32
        %parallel_loop3A_1076 = tpu.memref_slice %arg13[%scan3A_93, %parallel_loop3A_1074, %parallel_loop3A_1075] : memref<2x32x768xf32, #tpu.memory_space<vmem>> -> memref<1x32x768xf32, #tpu.memory_space<vmem>>
        %parallel_loop3A_1077 = tpu.memref_squeeze %parallel_loop3A_1076 : memref<1x32x768xf32, #tpu.memory_space<vmem>> -> memref<32x768xf32, #tpu.memory_space<vmem>>
        %parallel_loop3A_1078 = arith.index_cast %parallel_loop3A_1066 : i32 to index
        %parallel_loop3A_1079 = arith.index_cast %mul3A_1054 : i32 to index
        %parallel_loop3A_1080 = tpu.vector_load %parallel_loop3A_1077[%parallel_loop3A_1078, %parallel_loop3A_1079] {strides = array<i32>} : memref<32x768xf32, #tpu.memory_space<vmem>>, vector<16xf32>,
        %parallel_loop3A_1081 = arith.index_cast %parallel_loop3A_1066 : i32 to index
        %parallel_loop3A_1082 = arith.constant 0 : index
        %parallel_loop3A_1083 = tpu.vector_load %arg15[%parallel_loop3A_1081, %parallel_loop3A_1082] {strides = array<i32>} : memref<32x16xi32, #tpu.memory_space<vmem>>, vector<16xi32>,
        %parallel_loop3A_1084 = arith.addf %parallel_loop3A_1073, %parallel_loop3A_1080 : vector<16xf32>
        %parallel_loop3A_1085 = arith.constant 0 : i32
        %parallel_loop3A_1086 = vector.broadcast %parallel_loop3A_1085 : i32 to vector<16xi32>
        %parallel_loop3A_1087 = arith.cmpi ne, %parallel_loop3A_1083, %parallel_loop3A_1086 : vector<16xi32>
        %parallel_loop3A_1088 = arith.select %parallel_loop3A_1087, %get3A_1061, %get3A_1057 : vector<16xi1>, vector<16xf32>
        %parallel_loop3A_1089 = arith.addf %parallel_loop3A_1084, %parallel_loop3A_1088 : vector<16xf32>
        %parallel_loop3A_1090 = arith.constant 0 : i32
        %parallel_loop3A_1091 = arith.constant 0 : i32
        %parallel_loop3A_1092 = tpu.memref_slice %arg12[%scan3A, %parallel_loop3A_1090, %parallel_loop3A_1091] : memref<3x32x768xf32, #tpu.memory_space<vmem>> -> memref<1x32x768xf32, #tpu.memory_space<vmem>>
        %parallel_loop3A_1093 = tpu.memref_squeeze %parallel_loop3A_1092 : memref<1x32x768xf32, #tpu.memory_space<vmem>> -> memref<32x768xf32, #tpu.memory_space<vmem>>
        %parallel_loop3A_1094 = arith.index_cast %parallel_loop3A_1066 : i32 to index
        %parallel_loop3A_1095 = arith.index_cast %mul3A_1054 : i32 to index
        %parallel_loop3A_1096 = tpu.vector_load %parallel_loop3A_1093[%parallel_loop3A_1094, %parallel_loop3A_1095] {strides = array<i32>} : memref<32x768xf32, #tpu.memory_space<vmem>>, vector<16xf32>,
        tpu.vector_store %parallel_loop3A_1093[%parallel_loop3A_1094, %parallel_loop3A_1095], %parallel_loop3A_1089 {strides = array<i32>} : memref<32x768xf32, #tpu.memory_space<vmem>>, vector<16xf32>,
      } {sc.loop_unroll_factor = 8 : i64, sc.parallel_access}
      %scan3A_1065 = arith.constant 0 : i32
      scf.yield %scan3A_1065 : i32
    }
    %scan3A_100 = arith.constant 48 : i32
    %add3A_101 = arith.constant 0 : i32
    %add3A_102 = arith.addi %mul3A_2, %add3A_101 : i32
    %dma_start3A_103 = arith.constant 0 : i32
    %dma_start3A_104 = arith.constant 0 : i32
    %dma_start3A_105 = arith.constant 0 : i32
    %dma_start3A_106 = tpu.memref_slice %arg12[%dma_start3A_103, %dma_start3A_104, %dma_start3A_105] : memref<3x32x768xf32, #tpu.memory_space<vmem>> -> memref<1x32x768xf32, #tpu.memory_space<vmem>>
    %dma_start3A_107 = tpu.memref_squeeze %dma_start3A_106 : memref<1x32x768xf32, #tpu.memory_space<vmem>> -> memref<32x768xf32, #tpu.memory_space<vmem>>
    %dma_start3A_108 = arith.constant 0 : i32
    %dma_start3A_109 = arith.constant 0 : i32
    %dma_start3A_110 = tpu.memref_slice %dma_start3A_107[%dma_start3A_108, %dma_start3A_109] : memref<32x768xf32, #tpu.memory_space<vmem>> -> memref<8x768xf32, #tpu.memory_space<vmem>>
    %dma_start3A_111 = arith.constant 0 : i32
    %dma_start3A_112 = tpu.memref_slice %arg8[%add3A_102, %dma_start3A_111] : memref<8192x768xf32, #tpu.memory_space<hbm>> -> memref<8x768xf32, #tpu.memory_space<hbm>>
    %dma_start3A_113 = arith.constant 0 : i32
    %dma_start3A_114 = tpu.memref_slice %arg8[%add3A_102, %dma_start3A_113] : memref<8192x768xf32, #tpu.memory_space<hbm>> -> memref<8x768xf32, #tpu.memory_space<hbm>>
    %dma_start3A_115 = arith.constant 0 : i32
    %dma_start3A_116 = arith.constant 0 : i32
    %dma_start3A_117 = tpu.memref_slice %arg12[%dma_start3A_103, %dma_start3A_115, %dma_start3A_116] : memref<3x32x768xf32, #tpu.memory_space<vmem>> -> memref<1x32x768xf32, #tpu.memory_space<vmem>>
    %dma_start3A_118 = tpu.memref_squeeze %dma_start3A_117 : memref<1x32x768xf32, #tpu.memory_space<vmem>> -> memref<32x768xf32, #tpu.memory_space<vmem>>
    %dma_start3A_119 = arith.constant 0 : i32
    %dma_start3A_120 = arith.constant 0 : i32
    %dma_start3A_121 = tpu.memref_slice %dma_start3A_118[%dma_start3A_119, %dma_start3A_120] : memref<32x768xf32, #tpu.memory_space<vmem>> -> memref<8x768xf32, #tpu.memory_space<vmem>>
    tpu.enqueue_dma source(%dma_start3A_121 : memref<8x768xf32, #tpu.memory_space<vmem>>) target(%dma_start3A_114 : memref<8x768xf32, #tpu.memory_space<hbm>>) target_semaphore(%arg21 : memref<!tpu.dma_semaphore, #tpu.memory_space<semaphore_mem>>)
    %dma_start3A_122 = arith.constant 2 : i32
    %dma_start3A_123 = arith.constant 0 : i32
    %dma_start3A_124 = arith.constant 0 : i32
    %dma_start3A_125 = tpu.memref_slice %arg12[%dma_start3A_122, %dma_start3A_123, %dma_start3A_124] : memref<3x32x768xf32, #tpu.memory_space<vmem>> -> memref<1x32x768xf32, #tpu.memory_space<vmem>>
    %dma_start3A_126 = tpu.memref_squeeze %dma_start3A_125 : memref<1x32x768xf32, #tpu.memory_space<vmem>> -> memref<32x768xf32, #tpu.memory_space<vmem>>
    %dma_start3A_127 = arith.constant 0 : i32
    %dma_start3A_128 = arith.constant 0 : i32
    %dma_start3A_129 = tpu.memref_slice %dma_start3A_126[%dma_start3A_127, %dma_start3A_128] : memref<32x768xf32, #tpu.memory_space<vmem>> -> memref<16x768xf32, #tpu.memory_space<vmem>>
    %dma_start3A_130 = arith.constant 16 : i32
    %dma_start3A_131 = tpu.memref_slice %arg9[%dma_start3A_130] : memref<256xi32, #tpu.memory_space<vmem>> -> memref<16xi32, #tpu.memory_space<vmem>>
    %dma_start3A_132 = arith.constant 0 : i32
    %dma_start3A_133 = arith.constant 0 : i32
    %dma_start3A_134 = tpu.memref_slice %arg5[%dma_start3A_132, %dma_start3A_133] : memref<100000x768xf32, #tpu.memory_space<hbm>> -> memref<100000x768xf32, #tpu.memory_space<hbm>>
    tpu.enqueue_indirect_dma source(%dma_start3A_134 : memref<100000x768xf32, #tpu.memory_space<hbm>>) target(%dma_start3A_129 : memref<16x768xf32, #tpu.memory_space<vmem>>) offsets(%dma_start3A_131 : memref<16xi32, #tpu.memory_space<vmem>>) semaphore(%arg18 : memref<!tpu.dma_semaphore, #tpu.memory_space<semaphore_mem>>)
    %dma_start3A_135 = arith.constant 0 : i32
    %dma_start3A_136 = arith.constant 0 : i32
    %dma_start3A_137 = arith.constant 0 : i32
    %dma_start3A_138 = tpu.memref_slice %arg13[%dma_start3A_135, %dma_start3A_136, %dma_start3A_137] : memref<2x32x768xf32, #tpu.memory_space<vmem>> -> memref<1x32x768xf32, #tpu.memory_space<vmem>>
    %dma_start3A_139 = tpu.memref_squeeze %dma_start3A_138 : memref<1x32x768xf32, #tpu.memory_space<vmem>> -> memref<32x768xf32, #tpu.memory_space<vmem>>
    %dma_start3A_140 = arith.constant 0 : i32
    %dma_start3A_141 = arith.constant 0 : i32
    %dma_start3A_142 = tpu.memref_slice %dma_start3A_139[%dma_start3A_140, %dma_start3A_141] : memref<32x768xf32, #tpu.memory_space<vmem>> -> memref<16x768xf32, #tpu.memory_space<vmem>>
    %dma_start3A_143 = arith.constant 16 : i32
    %dma_start3A_144 = tpu.memref_slice %arg10[%dma_start3A_143] : memref<256xi32, #tpu.memory_space<vmem>> -> memref<16xi32, #tpu.memory_space<vmem>>
    %dma_start3A_145 = arith.constant 0 : i32
    %dma_start3A_146 = arith.constant 0 : i32
    %dma_start3A_147 = tpu.memref_slice %arg6[%dma_start3A_145, %dma_start3A_146] : memref<2048x768xf32, #tpu.memory_space<hbm>> -> memref<2048x768xf32, #tpu.memory_space<hbm>>
    tpu.enqueue_indirect_dma source(%dma_start3A_147 : memref<2048x768xf32, #tpu.memory_space<hbm>>) target(%dma_start3A_142 : memref<16x768xf32, #tpu.memory_space<vmem>>) offsets(%dma_start3A_144 : memref<16xi32, #tpu.memory_space<vmem>>) semaphore(%arg19 : memref<!tpu.dma_semaphore, #tpu.memory_space<semaphore_mem>>)
    %parallel_loop3A_148 = arith.constant 0 : i32
    %parallel_loop3A_149 = arith.constant 8 : i32
    %parallel_loop3A_150 = arith.constant 1 : i32
    scf.for %parallel_loop3A_1051 = %parallel_loop3A_148 to %parallel_loop3A_149 step %parallel_loop3A_150  : i32 {
      %parallel_loop3A_1052 = arith.constant 8 : i32
      %parallel_loop3A_1053 = arith.addi %parallel_loop3A_1052, %parallel_loop3A_1051 : i32
      %parallel_loop3A_1054 = vector.broadcast %parallel_loop3A_1053 : i32 to vector<16xi32>
      %parallel_loop3A_1055 = tpu.vector_load_idx %arg11[%parallel_loop3A_1054] : memref<256xi32, #tpu.memory_space<vmem>>[vector<16xi32>], vector<16xi32>,
      %parallel_loop3A_1056 = arith.index_cast %parallel_loop3A_1051 : i32 to index
      %parallel_loop3A_1057 = arith.constant 0 : index
      %parallel_loop3A_1058 = tpu.vector_load %arg15[%parallel_loop3A_1056, %parallel_loop3A_1057] {strides = array<i32>} : memref<32x16xi32, #tpu.memory_space<vmem>>, vector<16xi32>,
      tpu.vector_store %arg15[%parallel_loop3A_1056, %parallel_loop3A_1057], %parallel_loop3A_1055 {strides = array<i32>} : memref<32x16xi32, #tpu.memory_space<vmem>>, vector<16xi32>,
    } {sc.loop_unroll_factor = 4 : i64, sc.parallel_access}
    %dma_wait3A_151 = arith.constant 1 : i32
    %dma_wait3A_152 = arith.constant 0 : i32
    %dma_wait3A_153 = arith.constant 0 : i32
    %dma_wait3A_154 = tpu.memref_slice %arg12[%dma_wait3A_151, %dma_wait3A_152, %dma_wait3A_153] : memref<3x32x768xf32, #tpu.memory_space<vmem>> -> memref<1x32x768xf32, #tpu.memory_space<vmem>>
    %dma_wait3A_155 = tpu.memref_squeeze %dma_wait3A_154 : memref<1x32x768xf32, #tpu.memory_space<vmem>> -> memref<32x768xf32, #tpu.memory_space<vmem>>
    %dma_wait3A_156 = arith.constant 0 : i32
    %dma_wait3A_157 = arith.constant 0 : i32
    %dma_wait3A_158 = tpu.memref_slice %dma_wait3A_155[%dma_wait3A_156, %dma_wait3A_157] : memref<32x768xf32, #tpu.memory_space<vmem>> -> memref<8x768xf32, #tpu.memory_space<vmem>>
    %dma_wait3A_159 = arith.constant 8 : i32
    %dma_wait3A_160 = tpu.memref_slice %arg9[%dma_wait3A_159] : memref<256xi32, #tpu.memory_space<vmem>> -> memref<8xi32, #tpu.memory_space<vmem>>
    %dma_wait3A_161 = arith.constant 0 : i32
    %dma_wait3A_162 = arith.constant 0 : i32
    %dma_wait3A_163 = tpu.memref_slice %arg5[%dma_wait3A_161, %dma_wait3A_162] : memref<100000x768xf32, #tpu.memory_space<hbm>> -> memref<100000x768xf32, #tpu.memory_space<hbm>>
    tpu.wait_indirect_dma semaphore(%arg17 : memref<!tpu.dma_semaphore, #tpu.memory_space<semaphore_mem>>) src(%dma_wait3A_163 : memref<100000x768xf32, #tpu.memory_space<hbm>>) dst(%dma_wait3A_158 : memref<8x768xf32, #tpu.memory_space<vmem>>)
    %dma_wait3A_164 = arith.constant 1 : i32
    %dma_wait3A_165 = arith.constant 0 : i32
    %dma_wait3A_166 = arith.constant 0 : i32
    %dma_wait3A_167 = tpu.memref_slice %arg13[%dma_wait3A_164, %dma_wait3A_165, %dma_wait3A_166] : memref<2x32x768xf32, #tpu.memory_space<vmem>> -> memref<1x32x768xf32, #tpu.memory_space<vmem>>
    %dma_wait3A_168 = tpu.memref_squeeze %dma_wait3A_167 : memref<1x32x768xf32, #tpu.memory_space<vmem>> -> memref<32x768xf32, #tpu.memory_space<vmem>>
    %dma_wait3A_169 = arith.constant 0 : i32
    %dma_wait3A_170 = arith.constant 0 : i32
    %dma_wait3A_171 = tpu.memref_slice %dma_wait3A_168[%dma_wait3A_169, %dma_wait3A_170] : memref<32x768xf32, #tpu.memory_space<vmem>> -> memref<8x768xf32, #tpu.memory_space<vmem>>
    %dma_wait3A_172 = arith.constant 8 : i32
    %dma_wait3A_173 = tpu.memref_slice %arg10[%dma_wait3A_172] : memref<256xi32, #tpu.memory_space<vmem>> -> memref<8xi32, #tpu.memory_space<vmem>>
    %dma_wait3A_174 = arith.constant 0 : i32
    %dma_wait3A_175 = arith.constant 0 : i32
    %dma_wait3A_176 = tpu.memref_slice %arg6[%dma_wait3A_174, %dma_wait3A_175] : memref<2048x768xf32, #tpu.memory_space<hbm>> -> memref<2048x768xf32, #tpu.memory_space<hbm>>
    tpu.wait_indirect_dma semaphore(%arg20 : memref<!tpu.dma_semaphore, #tpu.memory_space<semaphore_mem>>) src(%dma_wait3A_176 : memref<2048x768xf32, #tpu.memory_space<hbm>>) dst(%dma_wait3A_171 : memref<8x768xf32, #tpu.memory_space<vmem>>)
    %scan3A_177 = arith.constant 1 : i32
    %scan3A_178 = arith.constant 1 : i32
    %scan3A_179 = arith.constant 0 : i32
    %scan3A_180 = arith.constant 0 : i32
    %scan3A_181 = arith.constant 48 : i32
    %scan3A_182 = arith.addi %scan3A_180, %scan3A_181 : i32
    %scan3A_183 = arith.constant 1 : i32
    %scan3A_184 = scf.for %scan3A_1051 = %scan3A_180 to %scan3A_182 step %scan3A_183 iter_args(%scan3A_1052 = %scan3A_179) -> (i32)  : i32 {
      %mul3A_1053 = arith.constant 16 : i32
      %mul3A_1054 = arith.muli %scan3A_1051, %mul3A_1053 : i32
      %get3A = arith.constant 0 : i32
      %get3A_1055 = arith.index_cast %get3A : i32 to index
      %get3A_1056 = arith.index_cast %mul3A_1054 : i32 to index
      %get3A_1057 = tpu.vector_load %arg14[%get3A_1055, %get3A_1056] {strides = array<i32>} : memref<2x768xf32, #tpu.memory_space<vmem>>, vector<16xf32>,
      %get3A_1058 = arith.constant 1 : i32
      %get3A_1059 = arith.index_cast %get3A_1058 : i32 to index
      %get3A_1060 = arith.index_cast %mul3A_1054 : i32 to index
      %get3A_1061 = tpu.vector_load %arg14[%get3A_1059, %get3A_1060] {strides = array<i32>} : memref<2x768xf32, #tpu.memory_space<vmem>>, vector<16xf32>,
      %parallel_loop3A_1062 = arith.constant 0 : i32
      %parallel_loop3A_1063 = arith.constant 8 : i32
      %parallel_loop3A_1064 = arith.constant 1 : i32
      scf.for %parallel_loop3A_1066 = %parallel_loop3A_1062 to %parallel_loop3A_1063 step %parallel_loop3A_1064  : i32 {
        %parallel_loop3A_1067 = arith.constant 0 : i32
        %parallel_loop3A_1068 = arith.constant 0 : i32
        %parallel_loop3A_1069 = tpu.memref_slice %arg12[%scan3A_177, %parallel_loop3A_1067, %parallel_loop3A_1068] : memref<3x32x768xf32, #tpu.memory_space<vmem>> -> memref<1x32x768xf32, #tpu.memory_space<vmem>>
        %parallel_loop3A_1070 = tpu.memref_squeeze %parallel_loop3A_1069 : memref<1x32x768xf32, #tpu.memory_space<vmem>> -> memref<32x768xf32, #tpu.memory_space<vmem>>
        %parallel_loop3A_1071 = arith.index_cast %parallel_loop3A_1066 : i32 to index
        %parallel_loop3A_1072 = arith.index_cast %mul3A_1054 : i32 to index
        %parallel_loop3A_1073 = tpu.vector_load %parallel_loop3A_1070[%parallel_loop3A_1071, %parallel_loop3A_1072] {strides = array<i32>} : memref<32x768xf32, #tpu.memory_space<vmem>>, vector<16xf32>,
        %parallel_loop3A_1074 = arith.constant 0 : i32
        %parallel_loop3A_1075 = arith.constant 0 : i32
        %parallel_loop3A_1076 = tpu.memref_slice %arg13[%scan3A_178, %parallel_loop3A_1074, %parallel_loop3A_1075] : memref<2x32x768xf32, #tpu.memory_space<vmem>> -> memref<1x32x768xf32, #tpu.memory_space<vmem>>
        %parallel_loop3A_1077 = tpu.memref_squeeze %parallel_loop3A_1076 : memref<1x32x768xf32, #tpu.memory_space<vmem>> -> memref<32x768xf32, #tpu.memory_space<vmem>>
        %parallel_loop3A_1078 = arith.index_cast %parallel_loop3A_1066 : i32 to index
        %parallel_loop3A_1079 = arith.index_cast %mul3A_1054 : i32 to index
        %parallel_loop3A_1080 = tpu.vector_load %parallel_loop3A_1077[%parallel_loop3A_1078, %parallel_loop3A_1079] {strides = array<i32>} : memref<32x768xf32, #tpu.memory_space<vmem>>, vector<16xf32>,
        %parallel_loop3A_1081 = arith.index_cast %parallel_loop3A_1066 : i32 to index
        %parallel_loop3A_1082 = arith.constant 0 : index
        %parallel_loop3A_1083 = tpu.vector_load %arg15[%parallel_loop3A_1081, %parallel_loop3A_1082] {strides = array<i32>} : memref<32x16xi32, #tpu.memory_space<vmem>>, vector<16xi32>,
        %parallel_loop3A_1084 = arith.addf %parallel_loop3A_1073, %parallel_loop3A_1080 : vector<16xf32>
        %parallel_loop3A_1085 = arith.constant 0 : i32
        %parallel_loop3A_1086 = vector.broadcast %parallel_loop3A_1085 : i32 to vector<16xi32>
        %parallel_loop3A_1087 = arith.cmpi ne, %parallel_loop3A_1083, %parallel_loop3A_1086 : vector<16xi32>
        %parallel_loop3A_1088 = arith.select %parallel_loop3A_1087, %get3A_1061, %get3A_1057 : vector<16xi1>, vector<16xf32>
        %parallel_loop3A_1089 = arith.addf %parallel_loop3A_1084, %parallel_loop3A_1088 : vector<16xf32>
        %parallel_loop3A_1090 = arith.constant 0 : i32
        %parallel_loop3A_1091 = arith.constant 0 : i32
        %parallel_loop3A_1092 = tpu.memref_slice %arg12[%scan3A_177, %parallel_loop3A_1090, %parallel_loop3A_1091] : memref<3x32x768xf32, #tpu.memory_space<vmem>> -> memref<1x32x768xf32, #tpu.memory_space<vmem>>
        %parallel_loop3A_1093 = tpu.memref_squeeze %parallel_loop3A_1092 : memref<1x32x768xf32, #tpu.memory_space<vmem>> -> memref<32x768xf32, #tpu.memory_space<vmem>>
        %parallel_loop3A_1094 = arith.index_cast %parallel_loop3A_1066 : i32 to index
        %parallel_loop3A_1095 = arith.index_cast %mul3A_1054 : i32 to index
        %parallel_loop3A_1096 = tpu.vector_load %parallel_loop3A_1093[%parallel_loop3A_1094, %parallel_loop3A_1095] {strides = array<i32>} : memref<32x768xf32, #tpu.memory_space<vmem>>, vector<16xf32>,
        tpu.vector_store %parallel_loop3A_1093[%parallel_loop3A_1094, %parallel_loop3A_1095], %parallel_loop3A_1089 {strides = array<i32>} : memref<32x768xf32, #tpu.memory_space<vmem>>, vector<16xf32>,
      } {sc.loop_unroll_factor = 8 : i64, sc.parallel_access}
      %scan3A_1065 = arith.constant 0 : i32
      scf.yield %scan3A_1065 : i32
    }
    %scan3A_185 = arith.constant 48 : i32
    %add3A_186 = arith.constant 8 : i32
    %add3A_187 = arith.addi %mul3A_2, %add3A_186 : i32
    %dma_start3A_188 = arith.constant 1 : i32
    %dma_start3A_189 = arith.constant 0 : i32
    %dma_start3A_190 = arith.constant 0 : i32
    %dma_start3A_191 = tpu.memref_slice %arg12[%dma_start3A_188, %dma_start3A_189, %dma_start3A_190] : memref<3x32x768xf32, #tpu.memory_space<vmem>> -> memref<1x32x768xf32, #tpu.memory_space<vmem>>
    %dma_start3A_192 = tpu.memref_squeeze %dma_start3A_191 : memref<1x32x768xf32, #tpu.memory_space<vmem>> -> memref<32x768xf32, #tpu.memory_space<vmem>>
    %dma_start3A_193 = arith.constant 0 : i32
    %dma_start3A_194 = arith.constant 0 : i32
    %dma_start3A_195 = tpu.memref_slice %dma_start3A_192[%dma_start3A_193, %dma_start3A_194] : memref<32x768xf32, #tpu.memory_space<vmem>> -> memref<8x768xf32, #tpu.memory_space<vmem>>
    %dma_start3A_196 = arith.constant 0 : i32
    %dma_start3A_197 = tpu.memref_slice %arg8[%add3A_187, %dma_start3A_196] : memref<8192x768xf32, #tpu.memory_space<hbm>> -> memref<8x768xf32, #tpu.memory_space<hbm>>
    %dma_start3A_198 = arith.constant 0 : i32
    %dma_start3A_199 = tpu.memref_slice %arg8[%add3A_187, %dma_start3A_198] : memref<8192x768xf32, #tpu.memory_space<hbm>> -> memref<8x768xf32, #tpu.memory_space<hbm>>
    %dma_start3A_200 = arith.constant 0 : i32
    %dma_start3A_201 = arith.constant 0 : i32
    %dma_start3A_202 = tpu.memref_slice %arg12[%dma_start3A_188, %dma_start3A_200, %dma_start3A_201] : memref<3x32x768xf32, #tpu.memory_space<vmem>> -> memref<1x32x768xf32, #tpu.memory_space<vmem>>
    %dma_start3A_203 = tpu.memref_squeeze %dma_start3A_202 : memref<1x32x768xf32, #tpu.memory_space<vmem>> -> memref<32x768xf32, #tpu.memory_space<vmem>>
    %dma_start3A_204 = arith.constant 0 : i32
    %dma_start3A_205 = arith.constant 0 : i32
    %dma_start3A_206 = tpu.memref_slice %dma_start3A_203[%dma_start3A_204, %dma_start3A_205] : memref<32x768xf32, #tpu.memory_space<vmem>> -> memref<8x768xf32, #tpu.memory_space<vmem>>
    tpu.enqueue_dma source(%dma_start3A_206 : memref<8x768xf32, #tpu.memory_space<vmem>>) target(%dma_start3A_199 : memref<8x768xf32, #tpu.memory_space<hbm>>) target_semaphore(%arg22 : memref<!tpu.dma_semaphore, #tpu.memory_space<semaphore_mem>>)
    %dma_wait3A_207 = arith.constant 0 : i32
    %dma_wait3A_208 = arith.constant 0 : i32
    %dma_wait3A_209 = arith.constant 0 : i32
    %dma_wait3A_210 = tpu.memref_slice %arg12[%dma_wait3A_207, %dma_wait3A_208, %dma_wait3A_209] : memref<3x32x768xf32, #tpu.memory_space<vmem>> -> memref<1x32x768xf32, #tpu.memory_space<vmem>>
    %dma_wait3A_211 = tpu.memref_squeeze %dma_wait3A_210 : memref<1x32x768xf32, #tpu.memory_space<vmem>> -> memref<32x768xf32, #tpu.memory_space<vmem>>
    %dma_wait3A_212 = arith.constant 0 : i32
    %dma_wait3A_213 = arith.constant 0 : i32
    %dma_wait3A_214 = tpu.memref_slice %dma_wait3A_211[%dma_wait3A_212, %dma_wait3A_213] : memref<32x768xf32, #tpu.memory_space<vmem>> -> memref<8x768xf32, #tpu.memory_space<vmem>>
    %dma_wait3A_215 = arith.constant 0 : i32
    %dma_wait3A_216 = tpu.memref_slice %arg8[%add3A_102, %dma_wait3A_215] : memref<8192x768xf32, #tpu.memory_space<hbm>> -> memref<8x768xf32, #tpu.memory_space<hbm>>
    %dma_wait3A_217 = arith.constant 0 : i32
    %dma_wait3A_218 = tpu.memref_slice %arg8[%add3A_102, %dma_wait3A_217] : memref<8192x768xf32, #tpu.memory_space<hbm>> -> memref<8x768xf32, #tpu.memory_space<hbm>>
    %dma_wait3A_219 = arith.constant 0 : i32
    %dma_wait3A_220 = arith.constant 0 : i32
    %dma_wait3A_221 = tpu.memref_slice %arg12[%dma_wait3A_207, %dma_wait3A_219, %dma_wait3A_220] : memref<3x32x768xf32, #tpu.memory_space<vmem>> -> memref<1x32x768xf32, #tpu.memory_space<vmem>>
    %dma_wait3A_222 = tpu.memref_squeeze %dma_wait3A_221 : memref<1x32x768xf32, #tpu.memory_space<vmem>> -> memref<32x768xf32, #tpu.memory_space<vmem>>
    %dma_wait3A_223 = arith.constant 0 : i32
    %dma_wait3A_224 = arith.constant 0 : i32
    %dma_wait3A_225 = tpu.memref_slice %dma_wait3A_222[%dma_wait3A_223, %dma_wait3A_224] : memref<32x768xf32, #tpu.memory_space<vmem>> -> memref<8x768xf32, #tpu.memory_space<vmem>>
    tpu.wait_dma2 semaphore(%arg21 : memref<!tpu.dma_semaphore, #tpu.memory_space<semaphore_mem>>) src(%dma_wait3A_225 : memref<8x768xf32, #tpu.memory_space<vmem>>) dst(%dma_wait3A_218 : memref<8x768xf32, #tpu.memory_space<hbm>>)
    %dma_start3A_226 = arith.constant 0 : i32
    %dma_start3A_227 = arith.constant 0 : i32
    %dma_start3A_228 = arith.constant 0 : i32
    %dma_start3A_229 = tpu.memref_slice %arg12[%dma_start3A_226, %dma_start3A_227, %dma_start3A_228] : memref<3x32x768xf32, #tpu.memory_space<vmem>> -> memref<1x32x768xf32, #tpu.memory_space<vmem>>
    %dma_start3A_230 = tpu.memref_squeeze %dma_start3A_229 : memref<1x32x768xf32, #tpu.memory_space<vmem>> -> memref<32x768xf32, #tpu.memory_space<vmem>>
    %dma_start3A_231 = arith.constant 0 : i32
    %dma_start3A_232 = arith.constant 0 : i32
    %dma_start3A_233 = tpu.memref_slice %dma_start3A_230[%dma_start3A_231, %dma_start3A_232] : memref<32x768xf32, #tpu.memory_space<vmem>> -> memref<32x768xf32, #tpu.memory_space<vmem>>
    %dma_start3A_234 = arith.constant 32 : i32
    %dma_start3A_235 = tpu.memref_slice %arg9[%dma_start3A_234] : memref<256xi32, #tpu.memory_space<vmem>> -> memref<32xi32, #tpu.memory_space<vmem>>
    %dma_start3A_236 = arith.constant 0 : i32
    %dma_start3A_237 = arith.constant 0 : i32
    %dma_start3A_238 = tpu.memref_slice %arg5[%dma_start3A_236, %dma_start3A_237] : memref<100000x768xf32, #tpu.memory_space<hbm>> -> memref<100000x768xf32, #tpu.memory_space<hbm>>
    tpu.enqueue_indirect_dma source(%dma_start3A_238 : memref<100000x768xf32, #tpu.memory_space<hbm>>) target(%dma_start3A_233 : memref<32x768xf32, #tpu.memory_space<vmem>>) offsets(%dma_start3A_235 : memref<32xi32, #tpu.memory_space<vmem>>) semaphore(%arg16 : memref<!tpu.dma_semaphore, #tpu.memory_space<semaphore_mem>>)
    %dma_start3A_239 = arith.constant 1 : i32
    %dma_start3A_240 = arith.constant 0 : i32
    %dma_start3A_241 = arith.constant 0 : i32
    %dma_start3A_242 = tpu.memref_slice %arg13[%dma_start3A_239, %dma_start3A_240, %dma_start3A_241] : memref<2x32x768xf32, #tpu.memory_space<vmem>> -> memref<1x32x768xf32, #tpu.memory_space<vmem>>
    %dma_start3A_243 = tpu.memref_squeeze %dma_start3A_242 : memref<1x32x768xf32, #tpu.memory_space<vmem>> -> memref<32x768xf32, #tpu.memory_space<vmem>>
    %dma_start3A_244 = arith.constant 0 : i32
    %dma_start3A_245 = arith.constant 0 : i32
    %dma_start3A_246 = tpu.memref_slice %dma_start3A_243[%dma_start3A_244, %dma_start3A_245] : memref<32x768xf32, #tpu.memory_space<vmem>> -> memref<32x768xf32, #tpu.memory_space<vmem>>
    %dma_start3A_247 = arith.constant 32 : i32
    %dma_start3A_248 = tpu.memref_slice %arg10[%dma_start3A_247] : memref<256xi32, #tpu.memory_space<vmem>> -> memref<32xi32, #tpu.memory_space<vmem>>
    %dma_start3A_249 = arith.constant 0 : i32
    %dma_start3A_250 = arith.constant 0 : i32
    %dma_start3A_251 = tpu.memref_slice %arg6[%dma_start3A_249, %dma_start3A_250] : memref<2048x768xf32, #tpu.memory_space<hbm>> -> memref<2048x768xf32, #tpu.memory_space<hbm>>
    tpu.enqueue_indirect_dma source(%dma_start3A_251 : memref<2048x768xf32, #tpu.memory_space<hbm>>) target(%dma_start3A_246 : memref<32x768xf32, #tpu.memory_space<vmem>>) offsets(%dma_start3A_248 : memref<32xi32, #tpu.memory_space<vmem>>) semaphore(%arg20 : memref<!tpu.dma_semaphore, #tpu.memory_space<semaphore_mem>>)
    %parallel_loop3A_252 = arith.constant 0 : i32
    %parallel_loop3A_253 = arith.constant 16 : i32
    %parallel_loop3A_254 = arith.constant 1 : i32
    scf.for %parallel_loop3A_1051 = %parallel_loop3A_252 to %parallel_loop3A_253 step %parallel_loop3A_254  : i32 {
      %parallel_loop3A_1052 = arith.constant 16 : i32
      %parallel_loop3A_1053 = arith.addi %parallel_loop3A_1052, %parallel_loop3A_1051 : i32
      %parallel_loop3A_1054 = vector.broadcast %parallel_loop3A_1053 : i32 to vector<16xi32>
      %parallel_loop3A_1055 = tpu.vector_load_idx %arg11[%parallel_loop3A_1054] : memref<256xi32, #tpu.memory_space<vmem>>[vector<16xi32>], vector<16xi32>,
      %parallel_loop3A_1056 = arith.index_cast %parallel_loop3A_1051 : i32 to index
      %parallel_loop3A_1057 = arith.constant 0 : index
      %parallel_loop3A_1058 = tpu.vector_load %arg15[%parallel_loop3A_1056, %parallel_loop3A_1057] {strides = array<i32>} : memref<32x16xi32, #tpu.memory_space<vmem>>, vector<16xi32>,
      tpu.vector_store %arg15[%parallel_loop3A_1056, %parallel_loop3A_1057], %parallel_loop3A_1055 {strides = array<i32>} : memref<32x16xi32, #tpu.memory_space<vmem>>, vector<16xi32>,
    } {sc.loop_unroll_factor = 4 : i64, sc.parallel_access}
    %dma_wait3A_255 = arith.constant 2 : i32
    %dma_wait3A_256 = arith.constant 0 : i32
    %dma_wait3A_257 = arith.constant 0 : i32
    %dma_wait3A_258 = tpu.memref_slice %arg12[%dma_wait3A_255, %dma_wait3A_256, %dma_wait3A_257] : memref<3x32x768xf32, #tpu.memory_space<vmem>> -> memref<1x32x768xf32, #tpu.memory_space<vmem>>
    %dma_wait3A_259 = tpu.memref_squeeze %dma_wait3A_258 : memref<1x32x768xf32, #tpu.memory_space<vmem>> -> memref<32x768xf32, #tpu.memory_space<vmem>>
    %dma_wait3A_260 = arith.constant 0 : i32
    %dma_wait3A_261 = arith.constant 0 : i32
    %dma_wait3A_262 = tpu.memref_slice %dma_wait3A_259[%dma_wait3A_260, %dma_wait3A_261] : memref<32x768xf32, #tpu.memory_space<vmem>> -> memref<16x768xf32, #tpu.memory_space<vmem>>
    %dma_wait3A_263 = arith.constant 16 : i32
    %dma_wait3A_264 = tpu.memref_slice %arg9[%dma_wait3A_263] : memref<256xi32, #tpu.memory_space<vmem>> -> memref<16xi32, #tpu.memory_space<vmem>>
    %dma_wait3A_265 = arith.constant 0 : i32
    %dma_wait3A_266 = arith.constant 0 : i32
    %dma_wait3A_267 = tpu.memref_slice %arg5[%dma_wait3A_265, %dma_wait3A_266] : memref<100000x768xf32, #tpu.memory_space<hbm>> -> memref<100000x768xf32, #tpu.memory_space<hbm>>
    tpu.wait_indirect_dma semaphore(%arg18 : memref<!tpu.dma_semaphore, #tpu.memory_space<semaphore_mem>>) src(%dma_wait3A_267 : memref<100000x768xf32, #tpu.memory_space<hbm>>) dst(%dma_wait3A_262 : memref<16x768xf32, #tpu.memory_space<vmem>>)
    %dma_wait3A_268 = arith.constant 0 : i32
    %dma_wait3A_269 = arith.constant 0 : i32
    %dma_wait3A_270 = arith.constant 0 : i32
    %dma_wait3A_271 = tpu.memref_slice %arg13[%dma_wait3A_268, %dma_wait3A_269, %dma_wait3A_270] : memref<2x32x768xf32, #tpu.memory_space<vmem>> -> memref<1x32x768xf32, #tpu.memory_space<vmem>>
    %dma_wait3A_272 = tpu.memref_squeeze %dma_wait3A_271 : memref<1x32x768xf32, #tpu.memory_space<vmem>> -> memref<32x768xf32, #tpu.memory_space<vmem>>
    %dma_wait3A_273 = arith.constant 0 : i32
    %dma_wait3A_274 = arith.constant 0 : i32
    %dma_wait3A_275 = tpu.memref_slice %dma_wait3A_272[%dma_wait3A_273, %dma_wait3A_274] : memref<32x768xf32, #tpu.memory_space<vmem>> -> memref<16x768xf32, #tpu.memory_space<vmem>>
    %dma_wait3A_276 = arith.constant 16 : i32
    %dma_wait3A_277 = tpu.memref_slice %arg10[%dma_wait3A_276] : memref<256xi32, #tpu.memory_space<vmem>> -> memref<16xi32, #tpu.memory_space<vmem>>
    %dma_wait3A_278 = arith.constant 0 : i32
    %dma_wait3A_279 = arith.constant 0 : i32
    %dma_wait3A_280 = tpu.memref_slice %arg6[%dma_wait3A_278, %dma_wait3A_279] : memref<2048x768xf32, #tpu.memory_space<hbm>> -> memref<2048x768xf32, #tpu.memory_space<hbm>>
    tpu.wait_indirect_dma semaphore(%arg19 : memref<!tpu.dma_semaphore, #tpu.memory_space<semaphore_mem>>) src(%dma_wait3A_280 : memref<2048x768xf32, #tpu.memory_space<hbm>>) dst(%dma_wait3A_275 : memref<16x768xf32, #tpu.memory_space<vmem>>)
    %scan3A_281 = arith.constant 2 : i32
    %scan3A_282 = arith.constant 0 : i32
    %scan3A_283 = arith.constant 0 : i32
    %scan3A_284 = arith.constant 0 : i32
    %scan3A_285 = arith.constant 48 : i32
    %scan3A_286 = arith.addi %scan3A_284, %scan3A_285 : i32
    %scan3A_287 = arith.constant 1 : i32
    %scan3A_288 = scf.for %scan3A_1051 = %scan3A_284 to %scan3A_286 step %scan3A_287 iter_args(%scan3A_1052 = %scan3A_283) -> (i32)  : i32 {
      %mul3A_1053 = arith.constant 16 : i32
      %mul3A_1054 = arith.muli %scan3A_1051, %mul3A_1053 : i32
      %get3A = arith.constant 0 : i32
      %get3A_1055 = arith.index_cast %get3A : i32 to index
      %get3A_1056 = arith.index_cast %mul3A_1054 : i32 to index
      %get3A_1057 = tpu.vector_load %arg14[%get3A_1055, %get3A_1056] {strides = array<i32>} : memref<2x768xf32, #tpu.memory_space<vmem>>, vector<16xf32>,
      %get3A_1058 = arith.constant 1 : i32
      %get3A_1059 = arith.index_cast %get3A_1058 : i32 to index
      %get3A_1060 = arith.index_cast %mul3A_1054 : i32 to index
      %get3A_1061 = tpu.vector_load %arg14[%get3A_1059, %get3A_1060] {strides = array<i32>} : memref<2x768xf32, #tpu.memory_space<vmem>>, vector<16xf32>,
      %parallel_loop3A_1062 = arith.constant 0 : i32
      %parallel_loop3A_1063 = arith.constant 16 : i32
      %parallel_loop3A_1064 = arith.constant 1 : i32
      scf.for %parallel_loop3A_1066 = %parallel_loop3A_1062 to %parallel_loop3A_1063 step %parallel_loop3A_1064  : i32 {
        %parallel_loop3A_1067 = arith.constant 0 : i32
        %parallel_loop3A_1068 = arith.constant 0 : i32
        %parallel_loop3A_1069 = tpu.memref_slice %arg12[%scan3A_281, %parallel_loop3A_1067, %parallel_loop3A_1068] : memref<3x32x768xf32, #tpu.memory_space<vmem>> -> memref<1x32x768xf32, #tpu.memory_space<vmem>>
        %parallel_loop3A_1070 = tpu.memref_squeeze %parallel_loop3A_1069 : memref<1x32x768xf32, #tpu.memory_space<vmem>> -> memref<32x768xf32, #tpu.memory_space<vmem>>
        %parallel_loop3A_1071 = arith.index_cast %parallel_loop3A_1066 : i32 to index
        %parallel_loop3A_1072 = arith.index_cast %mul3A_1054 : i32 to index
        %parallel_loop3A_1073 = tpu.vector_load %parallel_loop3A_1070[%parallel_loop3A_1071, %parallel_loop3A_1072] {strides = array<i32>} : memref<32x768xf32, #tpu.memory_space<vmem>>, vector<16xf32>,
        %parallel_loop3A_1074 = arith.constant 0 : i32
        %parallel_loop3A_1075 = arith.constant 0 : i32
        %parallel_loop3A_1076 = tpu.memref_slice %arg13[%scan3A_282, %parallel_loop3A_1074, %parallel_loop3A_1075] : memref<2x32x768xf32, #tpu.memory_space<vmem>> -> memref<1x32x768xf32, #tpu.memory_space<vmem>>
        %parallel_loop3A_1077 = tpu.memref_squeeze %parallel_loop3A_1076 : memref<1x32x768xf32, #tpu.memory_space<vmem>> -> memref<32x768xf32, #tpu.memory_space<vmem>>
        %parallel_loop3A_1078 = arith.index_cast %parallel_loop3A_1066 : i32 to index
        %parallel_loop3A_1079 = arith.index_cast %mul3A_1054 : i32 to index
        %parallel_loop3A_1080 = tpu.vector_load %parallel_loop3A_1077[%parallel_loop3A_1078, %parallel_loop3A_1079] {strides = array<i32>} : memref<32x768xf32, #tpu.memory_space<vmem>>, vector<16xf32>,
        %parallel_loop3A_1081 = arith.index_cast %parallel_loop3A_1066 : i32 to index
        %parallel_loop3A_1082 = arith.constant 0 : index
        %parallel_loop3A_1083 = tpu.vector_load %arg15[%parallel_loop3A_1081, %parallel_loop3A_1082] {strides = array<i32>} : memref<32x16xi32, #tpu.memory_space<vmem>>, vector<16xi32>,
        %parallel_loop3A_1084 = arith.addf %parallel_loop3A_1073, %parallel_loop3A_1080 : vector<16xf32>
        %parallel_loop3A_1085 = arith.constant 0 : i32
        %parallel_loop3A_1086 = vector.broadcast %parallel_loop3A_1085 : i32 to vector<16xi32>
        %parallel_loop3A_1087 = arith.cmpi ne, %parallel_loop3A_1083, %parallel_loop3A_1086 : vector<16xi32>
        %parallel_loop3A_1088 = arith.select %parallel_loop3A_1087, %get3A_1061, %get3A_1057 : vector<16xi1>, vector<16xf32>
        %parallel_loop3A_1089 = arith.addf %parallel_loop3A_1084, %parallel_loop3A_1088 : vector<16xf32>
        %parallel_loop3A_1090 = arith.constant 0 : i32
        %parallel_loop3A_1091 = arith.constant 0 : i32
        %parallel_loop3A_1092 = tpu.memref_slice %arg12[%scan3A_281, %parallel_loop3A_1090, %parallel_loop3A_1091] : memref<3x32x768xf32, #tpu.memory_space<vmem>> -> memref<1x32x768xf32, #tpu.memory_space<vmem>>
        %parallel_loop3A_1093 = tpu.memref_squeeze %parallel_loop3A_1092 : memref<1x32x768xf32, #tpu.memory_space<vmem>> -> memref<32x768xf32, #tpu.memory_space<vmem>>
        %parallel_loop3A_1094 = arith.index_cast %parallel_loop3A_1066 : i32 to index
        %parallel_loop3A_1095 = arith.index_cast %mul3A_1054 : i32 to index
        %parallel_loop3A_1096 = tpu.vector_load %parallel_loop3A_1093[%parallel_loop3A_1094, %parallel_loop3A_1095] {strides = array<i32>} : memref<32x768xf32, #tpu.memory_space<vmem>>, vector<16xf32>,
        tpu.vector_store %parallel_loop3A_1093[%parallel_loop3A_1094, %parallel_loop3A_1095], %parallel_loop3A_1089 {strides = array<i32>} : memref<32x768xf32, #tpu.memory_space<vmem>>, vector<16xf32>,
      } {sc.loop_unroll_factor = 8 : i64, sc.parallel_access}
      %scan3A_1065 = arith.constant 0 : i32
      scf.yield %scan3A_1065 : i32
    }
    %scan3A_289 = arith.constant 48 : i32
    %add3A_290 = arith.constant 16 : i32
    %add3A_291 = arith.addi %mul3A_2, %add3A_290 : i32
    %dma_start3A_292 = arith.constant 2 : i32
    %dma_start3A_293 = arith.constant 0 : i32
    %dma_start3A_294 = arith.constant 0 : i32
    %dma_start3A_295 = tpu.memref_slice %arg12[%dma_start3A_292, %dma_start3A_293, %dma_start3A_294] : memref<3x32x768xf32, #tpu.memory_space<vmem>> -> memref<1x32x768xf32, #tpu.memory_space<vmem>>
    %dma_start3A_296 = tpu.memref_squeeze %dma_start3A_295 : memref<1x32x768xf32, #tpu.memory_space<vmem>> -> memref<32x768xf32, #tpu.memory_space<vmem>>
    %dma_start3A_297 = arith.constant 0 : i32
    %dma_start3A_298 = arith.constant 0 : i32
    %dma_start3A_299 = tpu.memref_slice %dma_start3A_296[%dma_start3A_297, %dma_start3A_298] : memref<32x768xf32, #tpu.memory_space<vmem>> -> memref<16x768xf32, #tpu.memory_space<vmem>>
    %dma_start3A_300 = arith.constant 0 : i32
    %dma_start3A_301 = tpu.memref_slice %arg8[%add3A_291, %dma_start3A_300] : memref<8192x768xf32, #tpu.memory_space<hbm>> -> memref<16x768xf32, #tpu.memory_space<hbm>>
    %dma_start3A_302 = arith.constant 0 : i32
    %dma_start3A_303 = tpu.memref_slice %arg8[%add3A_291, %dma_start3A_302] : memref<8192x768xf32, #tpu.memory_space<hbm>> -> memref<16x768xf32, #tpu.memory_space<hbm>>
    %dma_start3A_304 = arith.constant 0 : i32
    %dma_start3A_305 = arith.constant 0 : i32
    %dma_start3A_306 = tpu.memref_slice %arg12[%dma_start3A_292, %dma_start3A_304, %dma_start3A_305] : memref<3x32x768xf32, #tpu.memory_space<vmem>> -> memref<1x32x768xf32, #tpu.memory_space<vmem>>
    %dma_start3A_307 = tpu.memref_squeeze %dma_start3A_306 : memref<1x32x768xf32, #tpu.memory_space<vmem>> -> memref<32x768xf32, #tpu.memory_space<vmem>>
    %dma_start3A_308 = arith.constant 0 : i32
    %dma_start3A_309 = arith.constant 0 : i32
    %dma_start3A_310 = tpu.memref_slice %dma_start3A_307[%dma_start3A_308, %dma_start3A_309] : memref<32x768xf32, #tpu.memory_space<vmem>> -> memref<16x768xf32, #tpu.memory_space<vmem>>
    tpu.enqueue_dma source(%dma_start3A_310 : memref<16x768xf32, #tpu.memory_space<vmem>>) target(%dma_start3A_303 : memref<16x768xf32, #tpu.memory_space<hbm>>) target_semaphore(%arg23 : memref<!tpu.dma_semaphore, #tpu.memory_space<semaphore_mem>>)
    %dma_wait3A_311 = arith.constant 1 : i32
    %dma_wait3A_312 = arith.constant 0 : i32
    %dma_wait3A_313 = arith.constant 0 : i32
    %dma_wait3A_314 = tpu.memref_slice %arg12[%dma_wait3A_311, %dma_wait3A_312, %dma_wait3A_313] : memref<3x32x768xf32, #tpu.memory_space<vmem>> -> memref<1x32x768xf32, #tpu.memory_space<vmem>>
    %dma_wait3A_315 = tpu.memref_squeeze %dma_wait3A_314 : memref<1x32x768xf32, #tpu.memory_space<vmem>> -> memref<32x768xf32, #tpu.memory_space<vmem>>
    %dma_wait3A_316 = arith.constant 0 : i32
    %dma_wait3A_317 = arith.constant 0 : i32
    %dma_wait3A_318 = tpu.memref_slice %dma_wait3A_315[%dma_wait3A_316, %dma_wait3A_317] : memref<32x768xf32, #tpu.memory_space<vmem>> -> memref<8x768xf32, #tpu.memory_space<vmem>>
    %dma_wait3A_319 = arith.constant 0 : i32
    %dma_wait3A_320 = tpu.memref_slice %arg8[%add3A_187, %dma_wait3A_319] : memref<8192x768xf32, #tpu.memory_space<hbm>> -> memref<8x768xf32, #tpu.memory_space<hbm>>
    %dma_wait3A_321 = arith.constant 0 : i32
    %dma_wait3A_322 = tpu.memref_slice %arg8[%add3A_187, %dma_wait3A_321] : memref<8192x768xf32, #tpu.memory_space<hbm>> -> memref<8x768xf32, #tpu.memory_space<hbm>>
    %dma_wait3A_323 = arith.constant 0 : i32
    %dma_wait3A_324 = arith.constant 0 : i32
    %dma_wait3A_325 = tpu.memref_slice %arg12[%dma_wait3A_311, %dma_wait3A_323, %dma_wait3A_324] : memref<3x32x768xf32, #tpu.memory_space<vmem>> -> memref<1x32x768xf32, #tpu.memory_space<vmem>>
    %dma_wait3A_326 = tpu.memref_squeeze %dma_wait3A_325 : memref<1x32x768xf32, #tpu.memory_space<vmem>> -> memref<32x768xf32, #tpu.memory_space<vmem>>
    %dma_wait3A_327 = arith.constant 0 : i32
    %dma_wait3A_328 = arith.constant 0 : i32
    %dma_wait3A_329 = tpu.memref_slice %dma_wait3A_326[%dma_wait3A_327, %dma_wait3A_328] : memref<32x768xf32, #tpu.memory_space<vmem>> -> memref<8x768xf32, #tpu.memory_space<vmem>>
    tpu.wait_dma2 semaphore(%arg22 : memref<!tpu.dma_semaphore, #tpu.memory_space<semaphore_mem>>) src(%dma_wait3A_329 : memref<8x768xf32, #tpu.memory_space<vmem>>) dst(%dma_wait3A_322 : memref<8x768xf32, #tpu.memory_space<hbm>>)
    %dma_start3A_330 = arith.constant 1 : i32
    %dma_start3A_331 = arith.constant 0 : i32
    %dma_start3A_332 = arith.constant 0 : i32
    %dma_start3A_333 = tpu.memref_slice %arg12[%dma_start3A_330, %dma_start3A_331, %dma_start3A_332] : memref<3x32x768xf32, #tpu.memory_space<vmem>> -> memref<1x32x768xf32, #tpu.memory_space<vmem>>
    %dma_start3A_334 = tpu.memref_squeeze %dma_start3A_333 : memref<1x32x768xf32, #tpu.memory_space<vmem>> -> memref<32x768xf32, #tpu.memory_space<vmem>>
    %dma_start3A_335 = arith.constant 0 : i32
    %dma_start3A_336 = arith.constant 0 : i32
    %dma_start3A_337 = tpu.memref_slice %dma_start3A_334[%dma_start3A_335, %dma_start3A_336] : memref<32x768xf32, #tpu.memory_space<vmem>> -> memref<32x768xf32, #tpu.memory_space<vmem>>
    %dma_start3A_338 = arith.constant 64 : i32
    %dma_start3A_339 = tpu.memref_slice %arg9[%dma_start3A_338] : memref<256xi32, #tpu.memory_space<vmem>> -> memref<32xi32, #tpu.memory_space<vmem>>
    %dma_start3A_340 = arith.constant 0 : i32
    %dma_start3A_341 = arith.constant 0 : i32
    %dma_start3A_342 = tpu.memref_slice %arg5[%dma_start3A_340, %dma_start3A_341] : memref<100000x768xf32, #tpu.memory_space<hbm>> -> memref<100000x768xf32, #tpu.memory_space<hbm>>
    tpu.enqueue_indirect_dma source(%dma_start3A_342 : memref<100000x768xf32, #tpu.memory_space<hbm>>) target(%dma_start3A_337 : memref<32x768xf32, #tpu.memory_space<vmem>>) offsets(%dma_start3A_339 : memref<32xi32, #tpu.memory_space<vmem>>) semaphore(%arg17 : memref<!tpu.dma_semaphore, #tpu.memory_space<semaphore_mem>>)
    %dma_start3A_343 = arith.constant 0 : i32
    %dma_start3A_344 = arith.constant 0 : i32
    %dma_start3A_345 = arith.constant 0 : i32
    %dma_start3A_346 = tpu.memref_slice %arg13[%dma_start3A_343, %dma_start3A_344, %dma_start3A_345] : memref<2x32x768xf32, #tpu.memory_space<vmem>> -> memref<1x32x768xf32, #tpu.memory_space<vmem>>
    %dma_start3A_347 = tpu.memref_squeeze %dma_start3A_346 : memref<1x32x768xf32, #tpu.memory_space<vmem>> -> memref<32x768xf32, #tpu.memory_space<vmem>>
    %dma_start3A_348 = arith.constant 0 : i32
    %dma_start3A_349 = arith.constant 0 : i32
    %dma_start3A_350 = tpu.memref_slice %dma_start3A_347[%dma_start3A_348, %dma_start3A_349] : memref<32x768xf32, #tpu.memory_space<vmem>> -> memref<32x768xf32, #tpu.memory_space<vmem>>
    %dma_start3A_351 = arith.constant 64 : i32
    %dma_start3A_352 = tpu.memref_slice %arg10[%dma_start3A_351] : memref<256xi32, #tpu.memory_space<vmem>> -> memref<32xi32, #tpu.memory_space<vmem>>
    %dma_start3A_353 = arith.constant 0 : i32
    %dma_start3A_354 = arith.constant 0 : i32
    %dma_start3A_355 = tpu.memref_slice %arg6[%dma_start3A_353, %dma_start3A_354] : memref<2048x768xf32, #tpu.memory_space<hbm>> -> memref<2048x768xf32, #tpu.memory_space<hbm>>
    tpu.enqueue_indirect_dma source(%dma_start3A_355 : memref<2048x768xf32, #tpu.memory_space<hbm>>) target(%dma_start3A_350 : memref<32x768xf32, #tpu.memory_space<vmem>>) offsets(%dma_start3A_352 : memref<32xi32, #tpu.memory_space<vmem>>) semaphore(%arg19 : memref<!tpu.dma_semaphore, #tpu.memory_space<semaphore_mem>>)
    %parallel_loop3A_356 = arith.constant 0 : i32
    %parallel_loop3A_357 = arith.constant 32 : i32
    %parallel_loop3A_358 = arith.constant 1 : i32
    scf.for %parallel_loop3A_1051 = %parallel_loop3A_356 to %parallel_loop3A_357 step %parallel_loop3A_358  : i32 {
      %parallel_loop3A_1052 = arith.constant 32 : i32
      %parallel_loop3A_1053 = arith.addi %parallel_loop3A_1052, %parallel_loop3A_1051 : i32
      %parallel_loop3A_1054 = vector.broadcast %parallel_loop3A_1053 : i32 to vector<16xi32>
      %parallel_loop3A_1055 = tpu.vector_load_idx %arg11[%parallel_loop3A_1054] : memref<256xi32, #tpu.memory_space<vmem>>[vector<16xi32>], vector<16xi32>,
      %parallel_loop3A_1056 = arith.index_cast %parallel_loop3A_1051 : i32 to index
      %parallel_loop3A_1057 = arith.constant 0 : index
      %parallel_loop3A_1058 = tpu.vector_load %arg15[%parallel_loop3A_1056, %parallel_loop3A_1057] {strides = array<i32>} : memref<32x16xi32, #tpu.memory_space<vmem>>, vector<16xi32>,
      tpu.vector_store %arg15[%parallel_loop3A_1056, %parallel_loop3A_1057], %parallel_loop3A_1055 {strides = array<i32>} : memref<32x16xi32, #tpu.memory_space<vmem>>, vector<16xi32>,
    } {sc.loop_unroll_factor = 4 : i64, sc.parallel_access}
    %dma_wait3A_359 = arith.constant 0 : i32
    %dma_wait3A_360 = arith.constant 0 : i32
    %dma_wait3A_361 = arith.constant 0 : i32
    %dma_wait3A_362 = tpu.memref_slice %arg12[%dma_wait3A_359, %dma_wait3A_360, %dma_wait3A_361] : memref<3x32x768xf32, #tpu.memory_space<vmem>> -> memref<1x32x768xf32, #tpu.memory_space<vmem>>
    %dma_wait3A_363 = tpu.memref_squeeze %dma_wait3A_362 : memref<1x32x768xf32, #tpu.memory_space<vmem>> -> memref<32x768xf32, #tpu.memory_space<vmem>>
    %dma_wait3A_364 = arith.constant 0 : i32
    %dma_wait3A_365 = arith.constant 0 : i32
    %dma_wait3A_366 = tpu.memref_slice %dma_wait3A_363[%dma_wait3A_364, %dma_wait3A_365] : memref<32x768xf32, #tpu.memory_space<vmem>> -> memref<32x768xf32, #tpu.memory_space<vmem>>
    %dma_wait3A_367 = arith.constant 32 : i32
    %dma_wait3A_368 = tpu.memref_slice %arg9[%dma_wait3A_367] : memref<256xi32, #tpu.memory_space<vmem>> -> memref<32xi32, #tpu.memory_space<vmem>>
    %dma_wait3A_369 = arith.constant 0 : i32
    %dma_wait3A_370 = arith.constant 0 : i32
    %dma_wait3A_371 = tpu.memref_slice %arg5[%dma_wait3A_369, %dma_wait3A_370] : memref<100000x768xf32, #tpu.memory_space<hbm>> -> memref<100000x768xf32, #tpu.memory_space<hbm>>
    tpu.wait_indirect_dma semaphore(%arg16 : memref<!tpu.dma_semaphore, #tpu.memory_space<semaphore_mem>>) src(%dma_wait3A_371 : memref<100000x768xf32, #tpu.memory_space<hbm>>) dst(%dma_wait3A_366 : memref<32x768xf32, #tpu.memory_space<vmem>>)
    %dma_wait3A_372 = arith.constant 1 : i32
    %dma_wait3A_373 = arith.constant 0 : i32
    %dma_wait3A_374 = arith.constant 0 : i32
    %dma_wait3A_375 = tpu.memref_slice %arg13[%dma_wait3A_372, %dma_wait3A_373, %dma_wait3A_374] : memref<2x32x768xf32, #tpu.memory_space<vmem>> -> memref<1x32x768xf32, #tpu.memory_space<vmem>>
    %dma_wait3A_376 = tpu.memref_squeeze %dma_wait3A_375 : memref<1x32x768xf32, #tpu.memory_space<vmem>> -> memref<32x768xf32, #tpu.memory_space<vmem>>
    %dma_wait3A_377 = arith.constant 0 : i32
    %dma_wait3A_378 = arith.constant 0 : i32
    %dma_wait3A_379 = tpu.memref_slice %dma_wait3A_376[%dma_wait3A_377, %dma_wait3A_378] : memref<32x768xf32, #tpu.memory_space<vmem>> -> memref<32x768xf32, #tpu.memory_space<vmem>>
    %dma_wait3A_380 = arith.constant 32 : i32
    %dma_wait3A_381 = tpu.memref_slice %arg10[%dma_wait3A_380] : memref<256xi32, #tpu.memory_space<vmem>> -> memref<32xi32, #tpu.memory_space<vmem>>
    %dma_wait3A_382 = arith.constant 0 : i32
    %dma_wait3A_383 = arith.constant 0 : i32
    %dma_wait3A_384 = tpu.memref_slice %arg6[%dma_wait3A_382, %dma_wait3A_383] : memref<2048x768xf32, #tpu.memory_space<hbm>> -> memref<2048x768xf32, #tpu.memory_space<hbm>>
    tpu.wait_indirect_dma semaphore(%arg20 : memref<!tpu.dma_semaphore, #tpu.memory_space<semaphore_mem>>) src(%dma_wait3A_384 : memref<2048x768xf32, #tpu.memory_space<hbm>>) dst(%dma_wait3A_379 : memref<32x768xf32, #tpu.memory_space<vmem>>)
    %scan3A_385 = arith.constant 0 : i32
    %scan3A_386 = arith.constant 1 : i32
    %scan3A_387 = arith.constant 0 : i32
    %scan3A_388 = arith.constant 0 : i32
    %scan3A_389 = arith.constant 48 : i32
    %scan3A_390 = arith.addi %scan3A_388, %scan3A_389 : i32
    %scan3A_391 = arith.constant 1 : i32
    %scan3A_392 = scf.for %scan3A_1051 = %scan3A_388 to %scan3A_390 step %scan3A_391 iter_args(%scan3A_1052 = %scan3A_387) -> (i32)  : i32 {
      %mul3A_1053 = arith.constant 16 : i32
      %mul3A_1054 = arith.muli %scan3A_1051, %mul3A_1053 : i32
      %get3A = arith.constant 0 : i32
      %get3A_1055 = arith.index_cast %get3A : i32 to index
      %get3A_1056 = arith.index_cast %mul3A_1054 : i32 to index
      %get3A_1057 = tpu.vector_load %arg14[%get3A_1055, %get3A_1056] {strides = array<i32>} : memref<2x768xf32, #tpu.memory_space<vmem>>, vector<16xf32>,
      %get3A_1058 = arith.constant 1 : i32
      %get3A_1059 = arith.index_cast %get3A_1058 : i32 to index
      %get3A_1060 = arith.index_cast %mul3A_1054 : i32 to index
      %get3A_1061 = tpu.vector_load %arg14[%get3A_1059, %get3A_1060] {strides = array<i32>} : memref<2x768xf32, #tpu.memory_space<vmem>>, vector<16xf32>,
      %parallel_loop3A_1062 = arith.constant 0 : i32
      %parallel_loop3A_1063 = arith.constant 32 : i32
      %parallel_loop3A_1064 = arith.constant 1 : i32
      scf.for %parallel_loop3A_1066 = %parallel_loop3A_1062 to %parallel_loop3A_1063 step %parallel_loop3A_1064  : i32 {
        %parallel_loop3A_1067 = arith.constant 0 : i32
        %parallel_loop3A_1068 = arith.constant 0 : i32
        %parallel_loop3A_1069 = tpu.memref_slice %arg12[%scan3A_385, %parallel_loop3A_1067, %parallel_loop3A_1068] : memref<3x32x768xf32, #tpu.memory_space<vmem>> -> memref<1x32x768xf32, #tpu.memory_space<vmem>>
        %parallel_loop3A_1070 = tpu.memref_squeeze %parallel_loop3A_1069 : memref<1x32x768xf32, #tpu.memory_space<vmem>> -> memref<32x768xf32, #tpu.memory_space<vmem>>
        %parallel_loop3A_1071 = arith.index_cast %parallel_loop3A_1066 : i32 to index
        %parallel_loop3A_1072 = arith.index_cast %mul3A_1054 : i32 to index
        %parallel_loop3A_1073 = tpu.vector_load %parallel_loop3A_1070[%parallel_loop3A_1071, %parallel_loop3A_1072] {strides = array<i32>} : memref<32x768xf32, #tpu.memory_space<vmem>>, vector<16xf32>,
        %parallel_loop3A_1074 = arith.constant 0 : i32
        %parallel_loop3A_1075 = arith.constant 0 : i32
        %parallel_loop3A_1076 = tpu.memref_slice %arg13[%scan3A_386, %parallel_loop3A_1074, %parallel_loop3A_1075] : memref<2x32x768xf32, #tpu.memory_space<vmem>> -> memref<1x32x768xf32, #tpu.memory_space<vmem>>
        %parallel_loop3A_1077 = tpu.memref_squeeze %parallel_loop3A_1076 : memref<1x32x768xf32, #tpu.memory_space<vmem>> -> memref<32x768xf32, #tpu.memory_space<vmem>>
        %parallel_loop3A_1078 = arith.index_cast %parallel_loop3A_1066 : i32 to index
        %parallel_loop3A_1079 = arith.index_cast %mul3A_1054 : i32 to index
        %parallel_loop3A_1080 = tpu.vector_load %parallel_loop3A_1077[%parallel_loop3A_1078, %parallel_loop3A_1079] {strides = array<i32>} : memref<32x768xf32, #tpu.memory_space<vmem>>, vector<16xf32>,
        %parallel_loop3A_1081 = arith.index_cast %parallel_loop3A_1066 : i32 to index
        %parallel_loop3A_1082 = arith.constant 0 : index
        %parallel_loop3A_1083 = tpu.vector_load %arg15[%parallel_loop3A_1081, %parallel_loop3A_1082] {strides = array<i32>} : memref<32x16xi32, #tpu.memory_space<vmem>>, vector<16xi32>,
        %parallel_loop3A_1084 = arith.addf %parallel_loop3A_1073, %parallel_loop3A_1080 : vector<16xf32>
        %parallel_loop3A_1085 = arith.constant 0 : i32
        %parallel_loop3A_1086 = vector.broadcast %parallel_loop3A_1085 : i32 to vector<16xi32>
        %parallel_loop3A_1087 = arith.cmpi ne, %parallel_loop3A_1083, %parallel_loop3A_1086 : vector<16xi32>
        %parallel_loop3A_1088 = arith.select %parallel_loop3A_1087, %get3A_1061, %get3A_1057 : vector<16xi1>, vector<16xf32>
        %parallel_loop3A_1089 = arith.addf %parallel_loop3A_1084, %parallel_loop3A_1088 : vector<16xf32>
        %parallel_loop3A_1090 = arith.constant 0 : i32
        %parallel_loop3A_1091 = arith.constant 0 : i32
        %parallel_loop3A_1092 = tpu.memref_slice %arg12[%scan3A_385, %parallel_loop3A_1090, %parallel_loop3A_1091] : memref<3x32x768xf32, #tpu.memory_space<vmem>> -> memref<1x32x768xf32, #tpu.memory_space<vmem>>
        %parallel_loop3A_1093 = tpu.memref_squeeze %parallel_loop3A_1092 : memref<1x32x768xf32, #tpu.memory_space<vmem>> -> memref<32x768xf32, #tpu.memory_space<vmem>>
        %parallel_loop3A_1094 = arith.index_cast %parallel_loop3A_1066 : i32 to index
        %parallel_loop3A_1095 = arith.index_cast %mul3A_1054 : i32 to index
        %parallel_loop3A_1096 = tpu.vector_load %parallel_loop3A_1093[%parallel_loop3A_1094, %parallel_loop3A_1095] {strides = array<i32>} : memref<32x768xf32, #tpu.memory_space<vmem>>, vector<16xf32>,
        tpu.vector_store %parallel_loop3A_1093[%parallel_loop3A_1094, %parallel_loop3A_1095], %parallel_loop3A_1089 {strides = array<i32>} : memref<32x768xf32, #tpu.memory_space<vmem>>, vector<16xf32>,
      } {sc.loop_unroll_factor = 8 : i64, sc.parallel_access}
      %scan3A_1065 = arith.constant 0 : i32
      scf.yield %scan3A_1065 : i32
    }
    %scan3A_393 = arith.constant 48 : i32
    %add3A_394 = arith.constant 32 : i32
    %add3A_395 = arith.addi %mul3A_2, %add3A_394 : i32
    %dma_start3A_396 = arith.constant 0 : i32
    %dma_start3A_397 = arith.constant 0 : i32
    %dma_start3A_398 = arith.constant 0 : i32
    %dma_start3A_399 = tpu.memref_slice %arg12[%dma_start3A_396, %dma_start3A_397, %dma_start3A_398] : memref<3x32x768xf32, #tpu.memory_space<vmem>> -> memref<1x32x768xf32, #tpu.memory_space<vmem>>
    %dma_start3A_400 = tpu.memref_squeeze %dma_start3A_399 : memref<1x32x768xf32, #tpu.memory_space<vmem>> -> memref<32x768xf32, #tpu.memory_space<vmem>>
    %dma_start3A_401 = arith.constant 0 : i32
    %dma_start3A_402 = arith.constant 0 : i32
    %dma_start3A_403 = tpu.memref_slice %dma_start3A_400[%dma_start3A_401, %dma_start3A_402] : memref<32x768xf32, #tpu.memory_space<vmem>> -> memref<32x768xf32, #tpu.memory_space<vmem>>
    %dma_start3A_404 = arith.constant 0 : i32
    %dma_start3A_405 = tpu.memref_slice %arg8[%add3A_395, %dma_start3A_404] : memref<8192x768xf32, #tpu.memory_space<hbm>> -> memref<32x768xf32, #tpu.memory_space<hbm>>
    %dma_start3A_406 = arith.constant 0 : i32
    %dma_start3A_407 = tpu.memref_slice %arg8[%add3A_395, %dma_start3A_406] : memref<8192x768xf32, #tpu.memory_space<hbm>> -> memref<32x768xf32, #tpu.memory_space<hbm>>
    %dma_start3A_408 = arith.constant 0 : i32
    %dma_start3A_409 = arith.constant 0 : i32
    %dma_start3A_410 = tpu.memref_slice %arg12[%dma_start3A_396, %dma_start3A_408, %dma_start3A_409] : memref<3x32x768xf32, #tpu.memory_space<vmem>> -> memref<1x32x768xf32, #tpu.memory_space<vmem>>
    %dma_start3A_411 = tpu.memref_squeeze %dma_start3A_410 : memref<1x32x768xf32, #tpu.memory_space<vmem>> -> memref<32x768xf32, #tpu.memory_space<vmem>>
    %dma_start3A_412 = arith.constant 0 : i32
    %dma_start3A_413 = arith.constant 0 : i32
    %dma_start3A_414 = tpu.memref_slice %dma_start3A_411[%dma_start3A_412, %dma_start3A_413] : memref<32x768xf32, #tpu.memory_space<vmem>> -> memref<32x768xf32, #tpu.memory_space<vmem>>
    tpu.enqueue_dma source(%dma_start3A_414 : memref<32x768xf32, #tpu.memory_space<vmem>>) target(%dma_start3A_407 : memref<32x768xf32, #tpu.memory_space<hbm>>) target_semaphore(%arg21 : memref<!tpu.dma_semaphore, #tpu.memory_space<semaphore_mem>>)
    %dma_wait3A_415 = arith.constant 2 : i32
    %dma_wait3A_416 = arith.constant 0 : i32
    %dma_wait3A_417 = arith.constant 0 : i32
    %dma_wait3A_418 = tpu.memref_slice %arg12[%dma_wait3A_415, %dma_wait3A_416, %dma_wait3A_417] : memref<3x32x768xf32, #tpu.memory_space<vmem>> -> memref<1x32x768xf32, #tpu.memory_space<vmem>>
    %dma_wait3A_419 = tpu.memref_squeeze %dma_wait3A_418 : memref<1x32x768xf32, #tpu.memory_space<vmem>> -> memref<32x768xf32, #tpu.memory_space<vmem>>
    %dma_wait3A_420 = arith.constant 0 : i32
    %dma_wait3A_421 = arith.constant 0 : i32
    %dma_wait3A_422 = tpu.memref_slice %dma_wait3A_419[%dma_wait3A_420, %dma_wait3A_421] : memref<32x768xf32, #tpu.memory_space<vmem>> -> memref<16x768xf32, #tpu.memory_space<vmem>>
    %dma_wait3A_423 = arith.constant 0 : i32
    %dma_wait3A_424 = tpu.memref_slice %arg8[%add3A_291, %dma_wait3A_423] : memref<8192x768xf32, #tpu.memory_space<hbm>> -> memref<16x768xf32, #tpu.memory_space<hbm>>
    %dma_wait3A_425 = arith.constant 0 : i32
    %dma_wait3A_426 = tpu.memref_slice %arg8[%add3A_291, %dma_wait3A_425] : memref<8192x768xf32, #tpu.memory_space<hbm>> -> memref<16x768xf32, #tpu.memory_space<hbm>>
    %dma_wait3A_427 = arith.constant 0 : i32
    %dma_wait3A_428 = arith.constant 0 : i32
    %dma_wait3A_429 = tpu.memref_slice %arg12[%dma_wait3A_415, %dma_wait3A_427, %dma_wait3A_428] : memref<3x32x768xf32, #tpu.memory_space<vmem>> -> memref<1x32x768xf32, #tpu.memory_space<vmem>>
    %dma_wait3A_430 = tpu.memref_squeeze %dma_wait3A_429 : memref<1x32x768xf32, #tpu.memory_space<vmem>> -> memref<32x768xf32, #tpu.memory_space<vmem>>
    %dma_wait3A_431 = arith.constant 0 : i32
    %dma_wait3A_432 = arith.constant 0 : i32
    %dma_wait3A_433 = tpu.memref_slice %dma_wait3A_430[%dma_wait3A_431, %dma_wait3A_432] : memref<32x768xf32, #tpu.memory_space<vmem>> -> memref<16x768xf32, #tpu.memory_space<vmem>>
    tpu.wait_dma2 semaphore(%arg23 : memref<!tpu.dma_semaphore, #tpu.memory_space<semaphore_mem>>) src(%dma_wait3A_433 : memref<16x768xf32, #tpu.memory_space<vmem>>) dst(%dma_wait3A_426 : memref<16x768xf32, #tpu.memory_space<hbm>>)
    %dma_start3A_434 = arith.constant 2 : i32
    %dma_start3A_435 = arith.constant 0 : i32
    %dma_start3A_436 = arith.constant 0 : i32
    %dma_start3A_437 = tpu.memref_slice %arg12[%dma_start3A_434, %dma_start3A_435, %dma_start3A_436] : memref<3x32x768xf32, #tpu.memory_space<vmem>> -> memref<1x32x768xf32, #tpu.memory_space<vmem>>
    %dma_start3A_438 = tpu.memref_squeeze %dma_start3A_437 : memref<1x32x768xf32, #tpu.memory_space<vmem>> -> memref<32x768xf32, #tpu.memory_space<vmem>>
    %dma_start3A_439 = arith.constant 0 : i32
    %dma_start3A_440 = arith.constant 0 : i32
    %dma_start3A_441 = tpu.memref_slice %dma_start3A_438[%dma_start3A_439, %dma_start3A_440] : memref<32x768xf32, #tpu.memory_space<vmem>> -> memref<32x768xf32, #tpu.memory_space<vmem>>
    %dma_start3A_442 = arith.constant 96 : i32
    %dma_start3A_443 = tpu.memref_slice %arg9[%dma_start3A_442] : memref<256xi32, #tpu.memory_space<vmem>> -> memref<32xi32, #tpu.memory_space<vmem>>
    %dma_start3A_444 = arith.constant 0 : i32
    %dma_start3A_445 = arith.constant 0 : i32
    %dma_start3A_446 = tpu.memref_slice %arg5[%dma_start3A_444, %dma_start3A_445] : memref<100000x768xf32, #tpu.memory_space<hbm>> -> memref<100000x768xf32, #tpu.memory_space<hbm>>
    tpu.enqueue_indirect_dma source(%dma_start3A_446 : memref<100000x768xf32, #tpu.memory_space<hbm>>) target(%dma_start3A_441 : memref<32x768xf32, #tpu.memory_space<vmem>>) offsets(%dma_start3A_443 : memref<32xi32, #tpu.memory_space<vmem>>) semaphore(%arg18 : memref<!tpu.dma_semaphore, #tpu.memory_space<semaphore_mem>>)
    %dma_start3A_447 = arith.constant 1 : i32
    %dma_start3A_448 = arith.constant 0 : i32
    %dma_start3A_449 = arith.constant 0 : i32
    %dma_start3A_450 = tpu.memref_slice %arg13[%dma_start3A_447, %dma_start3A_448, %dma_start3A_449] : memref<2x32x768xf32, #tpu.memory_space<vmem>> -> memref<1x32x768xf32, #tpu.memory_space<vmem>>
    %dma_start3A_451 = tpu.memref_squeeze %dma_start3A_450 : memref<1x32x768xf32, #tpu.memory_space<vmem>> -> memref<32x768xf32, #tpu.memory_space<vmem>>
    %dma_start3A_452 = arith.constant 0 : i32
    %dma_start3A_453 = arith.constant 0 : i32
    %dma_start3A_454 = tpu.memref_slice %dma_start3A_451[%dma_start3A_452, %dma_start3A_453] : memref<32x768xf32, #tpu.memory_space<vmem>> -> memref<32x768xf32, #tpu.memory_space<vmem>>
    %dma_start3A_455 = arith.constant 96 : i32
    %dma_start3A_456 = tpu.memref_slice %arg10[%dma_start3A_455] : memref<256xi32, #tpu.memory_space<vmem>> -> memref<32xi32, #tpu.memory_space<vmem>>
    %dma_start3A_457 = arith.constant 0 : i32
    %dma_start3A_458 = arith.constant 0 : i32
    %dma_start3A_459 = tpu.memref_slice %arg6[%dma_start3A_457, %dma_start3A_458] : memref<2048x768xf32, #tpu.memory_space<hbm>> -> memref<2048x768xf32, #tpu.memory_space<hbm>>
    tpu.enqueue_indirect_dma source(%dma_start3A_459 : memref<2048x768xf32, #tpu.memory_space<hbm>>) target(%dma_start3A_454 : memref<32x768xf32, #tpu.memory_space<vmem>>) offsets(%dma_start3A_456 : memref<32xi32, #tpu.memory_space<vmem>>) semaphore(%arg20 : memref<!tpu.dma_semaphore, #tpu.memory_space<semaphore_mem>>)
    %parallel_loop3A_460 = arith.constant 0 : i32
    %parallel_loop3A_461 = arith.constant 32 : i32
    %parallel_loop3A_462 = arith.constant 1 : i32
    scf.for %parallel_loop3A_1051 = %parallel_loop3A_460 to %parallel_loop3A_461 step %parallel_loop3A_462  : i32 {
      %parallel_loop3A_1052 = arith.constant 64 : i32
      %parallel_loop3A_1053 = arith.addi %parallel_loop3A_1052, %parallel_loop3A_1051 : i32
      %parallel_loop3A_1054 = vector.broadcast %parallel_loop3A_1053 : i32 to vector<16xi32>
      %parallel_loop3A_1055 = tpu.vector_load_idx %arg11[%parallel_loop3A_1054] : memref<256xi32, #tpu.memory_space<vmem>>[vector<16xi32>], vector<16xi32>,
      %parallel_loop3A_1056 = arith.index_cast %parallel_loop3A_1051 : i32 to index
      %parallel_loop3A_1057 = arith.constant 0 : index
      %parallel_loop3A_1058 = tpu.vector_load %arg15[%parallel_loop3A_1056, %parallel_loop3A_1057] {strides = array<i32>} : memref<32x16xi32, #tpu.memory_space<vmem>>, vector<16xi32>,
      tpu.vector_store %arg15[%parallel_loop3A_1056, %parallel_loop3A_1057], %parallel_loop3A_1055 {strides = array<i32>} : memref<32x16xi32, #tpu.memory_space<vmem>>, vector<16xi32>,
    } {sc.loop_unroll_factor = 4 : i64, sc.parallel_access}
    %dma_wait3A_463 = arith.constant 1 : i32
    %dma_wait3A_464 = arith.constant 0 : i32
    %dma_wait3A_465 = arith.constant 0 : i32
    %dma_wait3A_466 = tpu.memref_slice %arg12[%dma_wait3A_463, %dma_wait3A_464, %dma_wait3A_465] : memref<3x32x768xf32, #tpu.memory_space<vmem>> -> memref<1x32x768xf32, #tpu.memory_space<vmem>>
    %dma_wait3A_467 = tpu.memref_squeeze %dma_wait3A_466 : memref<1x32x768xf32, #tpu.memory_space<vmem>> -> memref<32x768xf32, #tpu.memory_space<vmem>>
    %dma_wait3A_468 = arith.constant 0 : i32
    %dma_wait3A_469 = arith.constant 0 : i32
    %dma_wait3A_470 = tpu.memref_slice %dma_wait3A_467[%dma_wait3A_468, %dma_wait3A_469] : memref<32x768xf32, #tpu.memory_space<vmem>> -> memref<32x768xf32, #tpu.memory_space<vmem>>
    %dma_wait3A_471 = arith.constant 64 : i32
    %dma_wait3A_472 = tpu.memref_slice %arg9[%dma_wait3A_471] : memref<256xi32, #tpu.memory_space<vmem>> -> memref<32xi32, #tpu.memory_space<vmem>>
    %dma_wait3A_473 = arith.constant 0 : i32
    %dma_wait3A_474 = arith.constant 0 : i32
    %dma_wait3A_475 = tpu.memref_slice %arg5[%dma_wait3A_473, %dma_wait3A_474] : memref<100000x768xf32, #tpu.memory_space<hbm>> -> memref<100000x768xf32, #tpu.memory_space<hbm>>
    tpu.wait_indirect_dma semaphore(%arg17 : memref<!tpu.dma_semaphore, #tpu.memory_space<semaphore_mem>>) src(%dma_wait3A_475 : memref<100000x768xf32, #tpu.memory_space<hbm>>) dst(%dma_wait3A_470 : memref<32x768xf32, #tpu.memory_space<vmem>>)
    %dma_wait3A_476 = arith.constant 0 : i32
    %dma_wait3A_477 = arith.constant 0 : i32
    %dma_wait3A_478 = arith.constant 0 : i32
    %dma_wait3A_479 = tpu.memref_slice %arg13[%dma_wait3A_476, %dma_wait3A_477, %dma_wait3A_478] : memref<2x32x768xf32, #tpu.memory_space<vmem>> -> memref<1x32x768xf32, #tpu.memory_space<vmem>>
    %dma_wait3A_480 = tpu.memref_squeeze %dma_wait3A_479 : memref<1x32x768xf32, #tpu.memory_space<vmem>> -> memref<32x768xf32, #tpu.memory_space<vmem>>
    %dma_wait3A_481 = arith.constant 0 : i32
    %dma_wait3A_482 = arith.constant 0 : i32
    %dma_wait3A_483 = tpu.memref_slice %dma_wait3A_480[%dma_wait3A_481, %dma_wait3A_482] : memref<32x768xf32, #tpu.memory_space<vmem>> -> memref<32x768xf32, #tpu.memory_space<vmem>>
    %dma_wait3A_484 = arith.constant 64 : i32
    %dma_wait3A_485 = tpu.memref_slice %arg10[%dma_wait3A_484] : memref<256xi32, #tpu.memory_space<vmem>> -> memref<32xi32, #tpu.memory_space<vmem>>
    %dma_wait3A_486 = arith.constant 0 : i32
    %dma_wait3A_487 = arith.constant 0 : i32
    %dma_wait3A_488 = tpu.memref_slice %arg6[%dma_wait3A_486, %dma_wait3A_487] : memref<2048x768xf32, #tpu.memory_space<hbm>> -> memref<2048x768xf32, #tpu.memory_space<hbm>>
    tpu.wait_indirect_dma semaphore(%arg19 : memref<!tpu.dma_semaphore, #tpu.memory_space<semaphore_mem>>) src(%dma_wait3A_488 : memref<2048x768xf32, #tpu.memory_space<hbm>>) dst(%dma_wait3A_483 : memref<32x768xf32, #tpu.memory_space<vmem>>)
    %scan3A_489 = arith.constant 1 : i32
    %scan3A_490 = arith.constant 0 : i32
    %scan3A_491 = arith.constant 0 : i32
    %scan3A_492 = arith.constant 0 : i32
    %scan3A_493 = arith.constant 48 : i32
    %scan3A_494 = arith.addi %scan3A_492, %scan3A_493 : i32
    %scan3A_495 = arith.constant 1 : i32
    %scan3A_496 = scf.for %scan3A_1051 = %scan3A_492 to %scan3A_494 step %scan3A_495 iter_args(%scan3A_1052 = %scan3A_491) -> (i32)  : i32 {
      %mul3A_1053 = arith.constant 16 : i32
      %mul3A_1054 = arith.muli %scan3A_1051, %mul3A_1053 : i32
      %get3A = arith.constant 0 : i32
      %get3A_1055 = arith.index_cast %get3A : i32 to index
      %get3A_1056 = arith.index_cast %mul3A_1054 : i32 to index
      %get3A_1057 = tpu.vector_load %arg14[%get3A_1055, %get3A_1056] {strides = array<i32>} : memref<2x768xf32, #tpu.memory_space<vmem>>, vector<16xf32>,
      %get3A_1058 = arith.constant 1 : i32
      %get3A_1059 = arith.index_cast %get3A_1058 : i32 to index
      %get3A_1060 = arith.index_cast %mul3A_1054 : i32 to index
      %get3A_1061 = tpu.vector_load %arg14[%get3A_1059, %get3A_1060] {strides = array<i32>} : memref<2x768xf32, #tpu.memory_space<vmem>>, vector<16xf32>,
      %parallel_loop3A_1062 = arith.constant 0 : i32
      %parallel_loop3A_1063 = arith.constant 32 : i32
      %parallel_loop3A_1064 = arith.constant 1 : i32
      scf.for %parallel_loop3A_1066 = %parallel_loop3A_1062 to %parallel_loop3A_1063 step %parallel_loop3A_1064  : i32 {
        %parallel_loop3A_1067 = arith.constant 0 : i32
        %parallel_loop3A_1068 = arith.constant 0 : i32
        %parallel_loop3A_1069 = tpu.memref_slice %arg12[%scan3A_489, %parallel_loop3A_1067, %parallel_loop3A_1068] : memref<3x32x768xf32, #tpu.memory_space<vmem>> -> memref<1x32x768xf32, #tpu.memory_space<vmem>>
        %parallel_loop3A_1070 = tpu.memref_squeeze %parallel_loop3A_1069 : memref<1x32x768xf32, #tpu.memory_space<vmem>> -> memref<32x768xf32, #tpu.memory_space<vmem>>
        %parallel_loop3A_1071 = arith.index_cast %parallel_loop3A_1066 : i32 to index
        %parallel_loop3A_1072 = arith.index_cast %mul3A_1054 : i32 to index
        %parallel_loop3A_1073 = tpu.vector_load %parallel_loop3A_1070[%parallel_loop3A_1071, %parallel_loop3A_1072] {strides = array<i32>} : memref<32x768xf32, #tpu.memory_space<vmem>>, vector<16xf32>,
        %parallel_loop3A_1074 = arith.constant 0 : i32
        %parallel_loop3A_1075 = arith.constant 0 : i32
        %parallel_loop3A_1076 = tpu.memref_slice %arg13[%scan3A_490, %parallel_loop3A_1074, %parallel_loop3A_1075] : memref<2x32x768xf32, #tpu.memory_space<vmem>> -> memref<1x32x768xf32, #tpu.memory_space<vmem>>
        %parallel_loop3A_1077 = tpu.memref_squeeze %parallel_loop3A_1076 : memref<1x32x768xf32, #tpu.memory_space<vmem>> -> memref<32x768xf32, #tpu.memory_space<vmem>>
        %parallel_loop3A_1078 = arith.index_cast %parallel_loop3A_1066 : i32 to index
        %parallel_loop3A_1079 = arith.index_cast %mul3A_1054 : i32 to index
        %parallel_loop3A_1080 = tpu.vector_load %parallel_loop3A_1077[%parallel_loop3A_1078, %parallel_loop3A_1079] {strides = array<i32>} : memref<32x768xf32, #tpu.memory_space<vmem>>, vector<16xf32>,
        %parallel_loop3A_1081 = arith.index_cast %parallel_loop3A_1066 : i32 to index
        %parallel_loop3A_1082 = arith.constant 0 : index
        %parallel_loop3A_1083 = tpu.vector_load %arg15[%parallel_loop3A_1081, %parallel_loop3A_1082] {strides = array<i32>} : memref<32x16xi32, #tpu.memory_space<vmem>>, vector<16xi32>,
        %parallel_loop3A_1084 = arith.addf %parallel_loop3A_1073, %parallel_loop3A_1080 : vector<16xf32>
        %parallel_loop3A_1085 = arith.constant 0 : i32
        %parallel_loop3A_1086 = vector.broadcast %parallel_loop3A_1085 : i32 to vector<16xi32>
        %parallel_loop3A_1087 = arith.cmpi ne, %parallel_loop3A_1083, %parallel_loop3A_1086 : vector<16xi32>
        %parallel_loop3A_1088 = arith.select %parallel_loop3A_1087, %get3A_1061, %get3A_1057 : vector<16xi1>, vector<16xf32>
        %parallel_loop3A_1089 = arith.addf %parallel_loop3A_1084, %parallel_loop3A_1088 : vector<16xf32>
        %parallel_loop3A_1090 = arith.constant 0 : i32
        %parallel_loop3A_1091 = arith.constant 0 : i32
        %parallel_loop3A_1092 = tpu.memref_slice %arg12[%scan3A_489, %parallel_loop3A_1090, %parallel_loop3A_1091] : memref<3x32x768xf32, #tpu.memory_space<vmem>> -> memref<1x32x768xf32, #tpu.memory_space<vmem>>
        %parallel_loop3A_1093 = tpu.memref_squeeze %parallel_loop3A_1092 : memref<1x32x768xf32, #tpu.memory_space<vmem>> -> memref<32x768xf32, #tpu.memory_space<vmem>>
        %parallel_loop3A_1094 = arith.index_cast %parallel_loop3A_1066 : i32 to index
        %parallel_loop3A_1095 = arith.index_cast %mul3A_1054 : i32 to index
        %parallel_loop3A_1096 = tpu.vector_load %parallel_loop3A_1093[%parallel_loop3A_1094, %parallel_loop3A_1095] {strides = array<i32>} : memref<32x768xf32, #tpu.memory_space<vmem>>, vector<16xf32>,
        tpu.vector_store %parallel_loop3A_1093[%parallel_loop3A_1094, %parallel_loop3A_1095], %parallel_loop3A_1089 {strides = array<i32>} : memref<32x768xf32, #tpu.memory_space<vmem>>, vector<16xf32>,
      } {sc.loop_unroll_factor = 8 : i64, sc.parallel_access}
      %scan3A_1065 = arith.constant 0 : i32
      scf.yield %scan3A_1065 : i32
    }
    %scan3A_497 = arith.constant 48 : i32
    %add3A_498 = arith.constant 64 : i32
    %add3A_499 = arith.addi %mul3A_2, %add3A_498 : i32
    %dma_start3A_500 = arith.constant 1 : i32
    %dma_start3A_501 = arith.constant 0 : i32
    %dma_start3A_502 = arith.constant 0 : i32
    %dma_start3A_503 = tpu.memref_slice %arg12[%dma_start3A_500, %dma_start3A_501, %dma_start3A_502] : memref<3x32x768xf32, #tpu.memory_space<vmem>> -> memref<1x32x768xf32, #tpu.memory_space<vmem>>
    %dma_start3A_504 = tpu.memref_squeeze %dma_start3A_503 : memref<1x32x768xf32, #tpu.memory_space<vmem>> -> memref<32x768xf32, #tpu.memory_space<vmem>>
    %dma_start3A_505 = arith.constant 0 : i32
    %dma_start3A_506 = arith.constant 0 : i32
    %dma_start3A_507 = tpu.memref_slice %dma_start3A_504[%dma_start3A_505, %dma_start3A_506] : memref<32x768xf32, #tpu.memory_space<vmem>> -> memref<32x768xf32, #tpu.memory_space<vmem>>
    %dma_start3A_508 = arith.constant 0 : i32
    %dma_start3A_509 = tpu.memref_slice %arg8[%add3A_499, %dma_start3A_508] : memref<8192x768xf32, #tpu.memory_space<hbm>> -> memref<32x768xf32, #tpu.memory_space<hbm>>
    %dma_start3A_510 = arith.constant 0 : i32
    %dma_start3A_511 = tpu.memref_slice %arg8[%add3A_499, %dma_start3A_510] : memref<8192x768xf32, #tpu.memory_space<hbm>> -> memref<32x768xf32, #tpu.memory_space<hbm>>
    %dma_start3A_512 = arith.constant 0 : i32
    %dma_start3A_513 = arith.constant 0 : i32
    %dma_start3A_514 = tpu.memref_slice %arg12[%dma_start3A_500, %dma_start3A_512, %dma_start3A_513] : memref<3x32x768xf32, #tpu.memory_space<vmem>> -> memref<1x32x768xf32, #tpu.memory_space<vmem>>
    %dma_start3A_515 = tpu.memref_squeeze %dma_start3A_514 : memref<1x32x768xf32, #tpu.memory_space<vmem>> -> memref<32x768xf32, #tpu.memory_space<vmem>>
    %dma_start3A_516 = arith.constant 0 : i32
    %dma_start3A_517 = arith.constant 0 : i32
    %dma_start3A_518 = tpu.memref_slice %dma_start3A_515[%dma_start3A_516, %dma_start3A_517] : memref<32x768xf32, #tpu.memory_space<vmem>> -> memref<32x768xf32, #tpu.memory_space<vmem>>
    tpu.enqueue_dma source(%dma_start3A_518 : memref<32x768xf32, #tpu.memory_space<vmem>>) target(%dma_start3A_511 : memref<32x768xf32, #tpu.memory_space<hbm>>) target_semaphore(%arg22 : memref<!tpu.dma_semaphore, #tpu.memory_space<semaphore_mem>>)
    %dma_wait3A_519 = arith.constant 0 : i32
    %dma_wait3A_520 = arith.constant 0 : i32
    %dma_wait3A_521 = arith.constant 0 : i32
    %dma_wait3A_522 = tpu.memref_slice %arg12[%dma_wait3A_519, %dma_wait3A_520, %dma_wait3A_521] : memref<3x32x768xf32, #tpu.memory_space<vmem>> -> memref<1x32x768xf32, #tpu.memory_space<vmem>>
    %dma_wait3A_523 = tpu.memref_squeeze %dma_wait3A_522 : memref<1x32x768xf32, #tpu.memory_space<vmem>> -> memref<32x768xf32, #tpu.memory_space<vmem>>
    %dma_wait3A_524 = arith.constant 0 : i32
    %dma_wait3A_525 = arith.constant 0 : i32
    %dma_wait3A_526 = tpu.memref_slice %dma_wait3A_523[%dma_wait3A_524, %dma_wait3A_525] : memref<32x768xf32, #tpu.memory_space<vmem>> -> memref<32x768xf32, #tpu.memory_space<vmem>>
    %dma_wait3A_527 = arith.constant 0 : i32
    %dma_wait3A_528 = tpu.memref_slice %arg8[%add3A_395, %dma_wait3A_527] : memref<8192x768xf32, #tpu.memory_space<hbm>> -> memref<32x768xf32, #tpu.memory_space<hbm>>
    %dma_wait3A_529 = arith.constant 0 : i32
    %dma_wait3A_530 = tpu.memref_slice %arg8[%add3A_395, %dma_wait3A_529] : memref<8192x768xf32, #tpu.memory_space<hbm>> -> memref<32x768xf32, #tpu.memory_space<hbm>>
    %dma_wait3A_531 = arith.constant 0 : i32
    %dma_wait3A_532 = arith.constant 0 : i32
    %dma_wait3A_533 = tpu.memref_slice %arg12[%dma_wait3A_519, %dma_wait3A_531, %dma_wait3A_532] : memref<3x32x768xf32, #tpu.memory_space<vmem>> -> memref<1x32x768xf32, #tpu.memory_space<vmem>>
    %dma_wait3A_534 = tpu.memref_squeeze %dma_wait3A_533 : memref<1x32x768xf32, #tpu.memory_space<vmem>> -> memref<32x768xf32, #tpu.memory_space<vmem>>
    %dma_wait3A_535 = arith.constant 0 : i32
    %dma_wait3A_536 = arith.constant 0 : i32
    %dma_wait3A_537 = tpu.memref_slice %dma_wait3A_534[%dma_wait3A_535, %dma_wait3A_536] : memref<32x768xf32, #tpu.memory_space<vmem>> -> memref<32x768xf32, #tpu.memory_space<vmem>>
    tpu.wait_dma2 semaphore(%arg21 : memref<!tpu.dma_semaphore, #tpu.memory_space<semaphore_mem>>) src(%dma_wait3A_537 : memref<32x768xf32, #tpu.memory_space<vmem>>) dst(%dma_wait3A_530 : memref<32x768xf32, #tpu.memory_space<hbm>>)
    %dma_start3A_538 = arith.constant 0 : i32
    %dma_start3A_539 = arith.constant 0 : i32
    %dma_start3A_540 = arith.constant 0 : i32
    %dma_start3A_541 = tpu.memref_slice %arg12[%dma_start3A_538, %dma_start3A_539, %dma_start3A_540] : memref<3x32x768xf32, #tpu.memory_space<vmem>> -> memref<1x32x768xf32, #tpu.memory_space<vmem>>
    %dma_start3A_542 = tpu.memref_squeeze %dma_start3A_541 : memref<1x32x768xf32, #tpu.memory_space<vmem>> -> memref<32x768xf32, #tpu.memory_space<vmem>>
    %dma_start3A_543 = arith.constant 0 : i32
    %dma_start3A_544 = arith.constant 0 : i32
    %dma_start3A_545 = tpu.memref_slice %dma_start3A_542[%dma_start3A_543, %dma_start3A_544] : memref<32x768xf32, #tpu.memory_space<vmem>> -> memref<32x768xf32, #tpu.memory_space<vmem>>
    %dma_start3A_546 = arith.constant 128 : i32
    %dma_start3A_547 = tpu.memref_slice %arg9[%dma_start3A_546] : memref<256xi32, #tpu.memory_space<vmem>> -> memref<32xi32, #tpu.memory_space<vmem>>
    %dma_start3A_548 = arith.constant 0 : i32
    %dma_start3A_549 = arith.constant 0 : i32
    %dma_start3A_550 = tpu.memref_slice %arg5[%dma_start3A_548, %dma_start3A_549] : memref<100000x768xf32, #tpu.memory_space<hbm>> -> memref<100000x768xf32, #tpu.memory_space<hbm>>
    tpu.enqueue_indirect_dma source(%dma_start3A_550 : memref<100000x768xf32, #tpu.memory_space<hbm>>) target(%dma_start3A_545 : memref<32x768xf32, #tpu.memory_space<vmem>>) offsets(%dma_start3A_547 : memref<32xi32, #tpu.memory_space<vmem>>) semaphore(%arg16 : memref<!tpu.dma_semaphore, #tpu.memory_space<semaphore_mem>>)
    %dma_start3A_551 = arith.constant 0 : i32
    %dma_start3A_552 = arith.constant 0 : i32
    %dma_start3A_553 = arith.constant 0 : i32
    %dma_start3A_554 = tpu.memref_slice %arg13[%dma_start3A_551, %dma_start3A_552, %dma_start3A_553] : memref<2x32x768xf32, #tpu.memory_space<vmem>> -> memref<1x32x768xf32, #tpu.memory_space<vmem>>
    %dma_start3A_555 = tpu.memref_squeeze %dma_start3A_554 : memref<1x32x768xf32, #tpu.memory_space<vmem>> -> memref<32x768xf32, #tpu.memory_space<vmem>>
    %dma_start3A_556 = arith.constant 0 : i32
    %dma_start3A_557 = arith.constant 0 : i32
    %dma_start3A_558 = tpu.memref_slice %dma_start3A_555[%dma_start3A_556, %dma_start3A_557] : memref<32x768xf32, #tpu.memory_space<vmem>> -> memref<32x768xf32, #tpu.memory_space<vmem>>
    %dma_start3A_559 = arith.constant 128 : i32
    %dma_start3A_560 = tpu.memref_slice %arg10[%dma_start3A_559] : memref<256xi32, #tpu.memory_space<vmem>> -> memref<32xi32, #tpu.memory_space<vmem>>
    %dma_start3A_561 = arith.constant 0 : i32
    %dma_start3A_562 = arith.constant 0 : i32
    %dma_start3A_563 = tpu.memref_slice %arg6[%dma_start3A_561, %dma_start3A_562] : memref<2048x768xf32, #tpu.memory_space<hbm>> -> memref<2048x768xf32, #tpu.memory_space<hbm>>
    tpu.enqueue_indirect_dma source(%dma_start3A_563 : memref<2048x768xf32, #tpu.memory_space<hbm>>) target(%dma_start3A_558 : memref<32x768xf32, #tpu.memory_space<vmem>>) offsets(%dma_start3A_560 : memref<32xi32, #tpu.memory_space<vmem>>) semaphore(%arg19 : memref<!tpu.dma_semaphore, #tpu.memory_space<semaphore_mem>>)
    %parallel_loop3A_564 = arith.constant 0 : i32
    %parallel_loop3A_565 = arith.constant 32 : i32
    %parallel_loop3A_566 = arith.constant 1 : i32
    scf.for %parallel_loop3A_1051 = %parallel_loop3A_564 to %parallel_loop3A_565 step %parallel_loop3A_566  : i32 {
      %parallel_loop3A_1052 = arith.constant 96 : i32
      %parallel_loop3A_1053 = arith.addi %parallel_loop3A_1052, %parallel_loop3A_1051 : i32
      %parallel_loop3A_1054 = vector.broadcast %parallel_loop3A_1053 : i32 to vector<16xi32>
      %parallel_loop3A_1055 = tpu.vector_load_idx %arg11[%parallel_loop3A_1054] : memref<256xi32, #tpu.memory_space<vmem>>[vector<16xi32>], vector<16xi32>,
      %parallel_loop3A_1056 = arith.index_cast %parallel_loop3A_1051 : i32 to index
      %parallel_loop3A_1057 = arith.constant 0 : index
      %parallel_loop3A_1058 = tpu.vector_load %arg15[%parallel_loop3A_1056, %parallel_loop3A_1057] {strides = array<i32>} : memref<32x16xi32, #tpu.memory_space<vmem>>, vector<16xi32>,
      tpu.vector_store %arg15[%parallel_loop3A_1056, %parallel_loop3A_1057], %parallel_loop3A_1055 {strides = array<i32>} : memref<32x16xi32, #tpu.memory_space<vmem>>, vector<16xi32>,
    } {sc.loop_unroll_factor = 4 : i64, sc.parallel_access}
    %dma_wait3A_567 = arith.constant 2 : i32
    %dma_wait3A_568 = arith.constant 0 : i32
    %dma_wait3A_569 = arith.constant 0 : i32
    %dma_wait3A_570 = tpu.memref_slice %arg12[%dma_wait3A_567, %dma_wait3A_568, %dma_wait3A_569] : memref<3x32x768xf32, #tpu.memory_space<vmem>> -> memref<1x32x768xf32, #tpu.memory_space<vmem>>
    %dma_wait3A_571 = tpu.memref_squeeze %dma_wait3A_570 : memref<1x32x768xf32, #tpu.memory_space<vmem>> -> memref<32x768xf32, #tpu.memory_space<vmem>>
    %dma_wait3A_572 = arith.constant 0 : i32
    %dma_wait3A_573 = arith.constant 0 : i32
    %dma_wait3A_574 = tpu.memref_slice %dma_wait3A_571[%dma_wait3A_572, %dma_wait3A_573] : memref<32x768xf32, #tpu.memory_space<vmem>> -> memref<32x768xf32, #tpu.memory_space<vmem>>
    %dma_wait3A_575 = arith.constant 96 : i32
    %dma_wait3A_576 = tpu.memref_slice %arg9[%dma_wait3A_575] : memref<256xi32, #tpu.memory_space<vmem>> -> memref<32xi32, #tpu.memory_space<vmem>>
    %dma_wait3A_577 = arith.constant 0 : i32
    %dma_wait3A_578 = arith.constant 0 : i32
    %dma_wait3A_579 = tpu.memref_slice %arg5[%dma_wait3A_577, %dma_wait3A_578] : memref<100000x768xf32, #tpu.memory_space<hbm>> -> memref<100000x768xf32, #tpu.memory_space<hbm>>
    tpu.wait_indirect_dma semaphore(%arg18 : memref<!tpu.dma_semaphore, #tpu.memory_space<semaphore_mem>>) src(%dma_wait3A_579 : memref<100000x768xf32, #tpu.memory_space<hbm>>) dst(%dma_wait3A_574 : memref<32x768xf32, #tpu.memory_space<vmem>>)
    %dma_wait3A_580 = arith.constant 1 : i32
    %dma_wait3A_581 = arith.constant 0 : i32
    %dma_wait3A_582 = arith.constant 0 : i32
    %dma_wait3A_583 = tpu.memref_slice %arg13[%dma_wait3A_580, %dma_wait3A_581, %dma_wait3A_582] : memref<2x32x768xf32, #tpu.memory_space<vmem>> -> memref<1x32x768xf32, #tpu.memory_space<vmem>>
    %dma_wait3A_584 = tpu.memref_squeeze %dma_wait3A_583 : memref<1x32x768xf32, #tpu.memory_space<vmem>> -> memref<32x768xf32, #tpu.memory_space<vmem>>
    %dma_wait3A_585 = arith.constant 0 : i32
    %dma_wait3A_586 = arith.constant 0 : i32
    %dma_wait3A_587 = tpu.memref_slice %dma_wait3A_584[%dma_wait3A_585, %dma_wait3A_586] : memref<32x768xf32, #tpu.memory_space<vmem>> -> memref<32x768xf32, #tpu.memory_space<vmem>>
    %dma_wait3A_588 = arith.constant 96 : i32
    %dma_wait3A_589 = tpu.memref_slice %arg10[%dma_wait3A_588] : memref<256xi32, #tpu.memory_space<vmem>> -> memref<32xi32, #tpu.memory_space<vmem>>
    %dma_wait3A_590 = arith.constant 0 : i32
    %dma_wait3A_591 = arith.constant 0 : i32
    %dma_wait3A_592 = tpu.memref_slice %arg6[%dma_wait3A_590, %dma_wait3A_591] : memref<2048x768xf32, #tpu.memory_space<hbm>> -> memref<2048x768xf32, #tpu.memory_space<hbm>>
    tpu.wait_indirect_dma semaphore(%arg20 : memref<!tpu.dma_semaphore, #tpu.memory_space<semaphore_mem>>) src(%dma_wait3A_592 : memref<2048x768xf32, #tpu.memory_space<hbm>>) dst(%dma_wait3A_587 : memref<32x768xf32, #tpu.memory_space<vmem>>)
    %scan3A_593 = arith.constant 2 : i32
    %scan3A_594 = arith.constant 1 : i32
    %scan3A_595 = arith.constant 0 : i32
    %scan3A_596 = arith.constant 0 : i32
    %scan3A_597 = arith.constant 48 : i32
    %scan3A_598 = arith.addi %scan3A_596, %scan3A_597 : i32
    %scan3A_599 = arith.constant 1 : i32
    %scan3A_600 = scf.for %scan3A_1051 = %scan3A_596 to %scan3A_598 step %scan3A_599 iter_args(%scan3A_1052 = %scan3A_595) -> (i32)  : i32 {
      %mul3A_1053 = arith.constant 16 : i32
      %mul3A_1054 = arith.muli %scan3A_1051, %mul3A_1053 : i32
      %get3A = arith.constant 0 : i32
      %get3A_1055 = arith.index_cast %get3A : i32 to index
      %get3A_1056 = arith.index_cast %mul3A_1054 : i32 to index
      %get3A_1057 = tpu.vector_load %arg14[%get3A_1055, %get3A_1056] {strides = array<i32>} : memref<2x768xf32, #tpu.memory_space<vmem>>, vector<16xf32>,
      %get3A_1058 = arith.constant 1 : i32
      %get3A_1059 = arith.index_cast %get3A_1058 : i32 to index
      %get3A_1060 = arith.index_cast %mul3A_1054 : i32 to index
      %get3A_1061 = tpu.vector_load %arg14[%get3A_1059, %get3A_1060] {strides = array<i32>} : memref<2x768xf32, #tpu.memory_space<vmem>>, vector<16xf32>,
      %parallel_loop3A_1062 = arith.constant 0 : i32
      %parallel_loop3A_1063 = arith.constant 32 : i32
      %parallel_loop3A_1064 = arith.constant 1 : i32
      scf.for %parallel_loop3A_1066 = %parallel_loop3A_1062 to %parallel_loop3A_1063 step %parallel_loop3A_1064  : i32 {
        %parallel_loop3A_1067 = arith.constant 0 : i32
        %parallel_loop3A_1068 = arith.constant 0 : i32
        %parallel_loop3A_1069 = tpu.memref_slice %arg12[%scan3A_593, %parallel_loop3A_1067, %parallel_loop3A_1068] : memref<3x32x768xf32, #tpu.memory_space<vmem>> -> memref<1x32x768xf32, #tpu.memory_space<vmem>>
        %parallel_loop3A_1070 = tpu.memref_squeeze %parallel_loop3A_1069 : memref<1x32x768xf32, #tpu.memory_space<vmem>> -> memref<32x768xf32, #tpu.memory_space<vmem>>
        %parallel_loop3A_1071 = arith.index_cast %parallel_loop3A_1066 : i32 to index
        %parallel_loop3A_1072 = arith.index_cast %mul3A_1054 : i32 to index
        %parallel_loop3A_1073 = tpu.vector_load %parallel_loop3A_1070[%parallel_loop3A_1071, %parallel_loop3A_1072] {strides = array<i32>} : memref<32x768xf32, #tpu.memory_space<vmem>>, vector<16xf32>,
        %parallel_loop3A_1074 = arith.constant 0 : i32
        %parallel_loop3A_1075 = arith.constant 0 : i32
        %parallel_loop3A_1076 = tpu.memref_slice %arg13[%scan3A_594, %parallel_loop3A_1074, %parallel_loop3A_1075] : memref<2x32x768xf32, #tpu.memory_space<vmem>> -> memref<1x32x768xf32, #tpu.memory_space<vmem>>
        %parallel_loop3A_1077 = tpu.memref_squeeze %parallel_loop3A_1076 : memref<1x32x768xf32, #tpu.memory_space<vmem>> -> memref<32x768xf32, #tpu.memory_space<vmem>>
        %parallel_loop3A_1078 = arith.index_cast %parallel_loop3A_1066 : i32 to index
        %parallel_loop3A_1079 = arith.index_cast %mul3A_1054 : i32 to index
        %parallel_loop3A_1080 = tpu.vector_load %parallel_loop3A_1077[%parallel_loop3A_1078, %parallel_loop3A_1079] {strides = array<i32>} : memref<32x768xf32, #tpu.memory_space<vmem>>, vector<16xf32>,
        %parallel_loop3A_1081 = arith.index_cast %parallel_loop3A_1066 : i32 to index
        %parallel_loop3A_1082 = arith.constant 0 : index
        %parallel_loop3A_1083 = tpu.vector_load %arg15[%parallel_loop3A_1081, %parallel_loop3A_1082] {strides = array<i32>} : memref<32x16xi32, #tpu.memory_space<vmem>>, vector<16xi32>,
        %parallel_loop3A_1084 = arith.addf %parallel_loop3A_1073, %parallel_loop3A_1080 : vector<16xf32>
        %parallel_loop3A_1085 = arith.constant 0 : i32
        %parallel_loop3A_1086 = vector.broadcast %parallel_loop3A_1085 : i32 to vector<16xi32>
        %parallel_loop3A_1087 = arith.cmpi ne, %parallel_loop3A_1083, %parallel_loop3A_1086 : vector<16xi32>
        %parallel_loop3A_1088 = arith.select %parallel_loop3A_1087, %get3A_1061, %get3A_1057 : vector<16xi1>, vector<16xf32>
        %parallel_loop3A_1089 = arith.addf %parallel_loop3A_1084, %parallel_loop3A_1088 : vector<16xf32>
        %parallel_loop3A_1090 = arith.constant 0 : i32
        %parallel_loop3A_1091 = arith.constant 0 : i32
        %parallel_loop3A_1092 = tpu.memref_slice %arg12[%scan3A_593, %parallel_loop3A_1090, %parallel_loop3A_1091] : memref<3x32x768xf32, #tpu.memory_space<vmem>> -> memref<1x32x768xf32, #tpu.memory_space<vmem>>
        %parallel_loop3A_1093 = tpu.memref_squeeze %parallel_loop3A_1092 : memref<1x32x768xf32, #tpu.memory_space<vmem>> -> memref<32x768xf32, #tpu.memory_space<vmem>>
        %parallel_loop3A_1094 = arith.index_cast %parallel_loop3A_1066 : i32 to index
        %parallel_loop3A_1095 = arith.index_cast %mul3A_1054 : i32 to index
        %parallel_loop3A_1096 = tpu.vector_load %parallel_loop3A_1093[%parallel_loop3A_1094, %parallel_loop3A_1095] {strides = array<i32>} : memref<32x768xf32, #tpu.memory_space<vmem>>, vector<16xf32>,
        tpu.vector_store %parallel_loop3A_1093[%parallel_loop3A_1094, %parallel_loop3A_1095], %parallel_loop3A_1089 {strides = array<i32>} : memref<32x768xf32, #tpu.memory_space<vmem>>, vector<16xf32>,
      } {sc.loop_unroll_factor = 8 : i64, sc.parallel_access}
      %scan3A_1065 = arith.constant 0 : i32
      scf.yield %scan3A_1065 : i32
    }
    %scan3A_601 = arith.constant 48 : i32
    %add3A_602 = arith.constant 96 : i32
    %add3A_603 = arith.addi %mul3A_2, %add3A_602 : i32
    %dma_start3A_604 = arith.constant 2 : i32
    %dma_start3A_605 = arith.constant 0 : i32
    %dma_start3A_606 = arith.constant 0 : i32
    %dma_start3A_607 = tpu.memref_slice %arg12[%dma_start3A_604, %dma_start3A_605, %dma_start3A_606] : memref<3x32x768xf32, #tpu.memory_space<vmem>> -> memref<1x32x768xf32, #tpu.memory_space<vmem>>
    %dma_start3A_608 = tpu.memref_squeeze %dma_start3A_607 : memref<1x32x768xf32, #tpu.memory_space<vmem>> -> memref<32x768xf32, #tpu.memory_space<vmem>>
    %dma_start3A_609 = arith.constant 0 : i32
    %dma_start3A_610 = arith.constant 0 : i32
    %dma_start3A_611 = tpu.memref_slice %dma_start3A_608[%dma_start3A_609, %dma_start3A_610] : memref<32x768xf32, #tpu.memory_space<vmem>> -> memref<32x768xf32, #tpu.memory_space<vmem>>
    %dma_start3A_612 = arith.constant 0 : i32
    %dma_start3A_613 = tpu.memref_slice %arg8[%add3A_603, %dma_start3A_612] : memref<8192x768xf32, #tpu.memory_space<hbm>> -> memref<32x768xf32, #tpu.memory_space<hbm>>
    %dma_start3A_614 = arith.constant 0 : i32
    %dma_start3A_615 = tpu.memref_slice %arg8[%add3A_603, %dma_start3A_614] : memref<8192x768xf32, #tpu.memory_space<hbm>> -> memref<32x768xf32, #tpu.memory_space<hbm>>
    %dma_start3A_616 = arith.constant 0 : i32
    %dma_start3A_617 = arith.constant 0 : i32
    %dma_start3A_618 = tpu.memref_slice %arg12[%dma_start3A_604, %dma_start3A_616, %dma_start3A_617] : memref<3x32x768xf32, #tpu.memory_space<vmem>> -> memref<1x32x768xf32, #tpu.memory_space<vmem>>
    %dma_start3A_619 = tpu.memref_squeeze %dma_start3A_618 : memref<1x32x768xf32, #tpu.memory_space<vmem>> -> memref<32x768xf32, #tpu.memory_space<vmem>>
    %dma_start3A_620 = arith.constant 0 : i32
    %dma_start3A_621 = arith.constant 0 : i32
    %dma_start3A_622 = tpu.memref_slice %dma_start3A_619[%dma_start3A_620, %dma_start3A_621] : memref<32x768xf32, #tpu.memory_space<vmem>> -> memref<32x768xf32, #tpu.memory_space<vmem>>
    tpu.enqueue_dma source(%dma_start3A_622 : memref<32x768xf32, #tpu.memory_space<vmem>>) target(%dma_start3A_615 : memref<32x768xf32, #tpu.memory_space<hbm>>) target_semaphore(%arg23 : memref<!tpu.dma_semaphore, #tpu.memory_space<semaphore_mem>>)
    %dma_wait3A_623 = arith.constant 1 : i32
    %dma_wait3A_624 = arith.constant 0 : i32
    %dma_wait3A_625 = arith.constant 0 : i32
    %dma_wait3A_626 = tpu.memref_slice %arg12[%dma_wait3A_623, %dma_wait3A_624, %dma_wait3A_625] : memref<3x32x768xf32, #tpu.memory_space<vmem>> -> memref<1x32x768xf32, #tpu.memory_space<vmem>>
    %dma_wait3A_627 = tpu.memref_squeeze %dma_wait3A_626 : memref<1x32x768xf32, #tpu.memory_space<vmem>> -> memref<32x768xf32, #tpu.memory_space<vmem>>
    %dma_wait3A_628 = arith.constant 0 : i32
    %dma_wait3A_629 = arith.constant 0 : i32
    %dma_wait3A_630 = tpu.memref_slice %dma_wait3A_627[%dma_wait3A_628, %dma_wait3A_629] : memref<32x768xf32, #tpu.memory_space<vmem>> -> memref<32x768xf32, #tpu.memory_space<vmem>>
    %dma_wait3A_631 = arith.constant 0 : i32
    %dma_wait3A_632 = tpu.memref_slice %arg8[%add3A_499, %dma_wait3A_631] : memref<8192x768xf32, #tpu.memory_space<hbm>> -> memref<32x768xf32, #tpu.memory_space<hbm>>
    %dma_wait3A_633 = arith.constant 0 : i32
    %dma_wait3A_634 = tpu.memref_slice %arg8[%add3A_499, %dma_wait3A_633] : memref<8192x768xf32, #tpu.memory_space<hbm>> -> memref<32x768xf32, #tpu.memory_space<hbm>>
    %dma_wait3A_635 = arith.constant 0 : i32
    %dma_wait3A_636 = arith.constant 0 : i32
    %dma_wait3A_637 = tpu.memref_slice %arg12[%dma_wait3A_623, %dma_wait3A_635, %dma_wait3A_636] : memref<3x32x768xf32, #tpu.memory_space<vmem>> -> memref<1x32x768xf32, #tpu.memory_space<vmem>>
    %dma_wait3A_638 = tpu.memref_squeeze %dma_wait3A_637 : memref<1x32x768xf32, #tpu.memory_space<vmem>> -> memref<32x768xf32, #tpu.memory_space<vmem>>
    %dma_wait3A_639 = arith.constant 0 : i32
    %dma_wait3A_640 = arith.constant 0 : i32
    %dma_wait3A_641 = tpu.memref_slice %dma_wait3A_638[%dma_wait3A_639, %dma_wait3A_640] : memref<32x768xf32, #tpu.memory_space<vmem>> -> memref<32x768xf32, #tpu.memory_space<vmem>>
    tpu.wait_dma2 semaphore(%arg22 : memref<!tpu.dma_semaphore, #tpu.memory_space<semaphore_mem>>) src(%dma_wait3A_641 : memref<32x768xf32, #tpu.memory_space<vmem>>) dst(%dma_wait3A_634 : memref<32x768xf32, #tpu.memory_space<hbm>>)
    %dma_start3A_642 = arith.constant 1 : i32
    %dma_start3A_643 = arith.constant 0 : i32
    %dma_start3A_644 = arith.constant 0 : i32
    %dma_start3A_645 = tpu.memref_slice %arg12[%dma_start3A_642, %dma_start3A_643, %dma_start3A_644] : memref<3x32x768xf32, #tpu.memory_space<vmem>> -> memref<1x32x768xf32, #tpu.memory_space<vmem>>
    %dma_start3A_646 = tpu.memref_squeeze %dma_start3A_645 : memref<1x32x768xf32, #tpu.memory_space<vmem>> -> memref<32x768xf32, #tpu.memory_space<vmem>>
    %dma_start3A_647 = arith.constant 0 : i32
    %dma_start3A_648 = arith.constant 0 : i32
    %dma_start3A_649 = tpu.memref_slice %dma_start3A_646[%dma_start3A_647, %dma_start3A_648] : memref<32x768xf32, #tpu.memory_space<vmem>> -> memref<32x768xf32, #tpu.memory_space<vmem>>
    %dma_start3A_650 = arith.constant 160 : i32
    %dma_start3A_651 = tpu.memref_slice %arg9[%dma_start3A_650] : memref<256xi32, #tpu.memory_space<vmem>> -> memref<32xi32, #tpu.memory_space<vmem>>
    %dma_start3A_652 = arith.constant 0 : i32
    %dma_start3A_653 = arith.constant 0 : i32
    %dma_start3A_654 = tpu.memref_slice %arg5[%dma_start3A_652, %dma_start3A_653] : memref<100000x768xf32, #tpu.memory_space<hbm>> -> memref<100000x768xf32, #tpu.memory_space<hbm>>
    tpu.enqueue_indirect_dma source(%dma_start3A_654 : memref<100000x768xf32, #tpu.memory_space<hbm>>) target(%dma_start3A_649 : memref<32x768xf32, #tpu.memory_space<vmem>>) offsets(%dma_start3A_651 : memref<32xi32, #tpu.memory_space<vmem>>) semaphore(%arg17 : memref<!tpu.dma_semaphore, #tpu.memory_space<semaphore_mem>>)
    %dma_start3A_655 = arith.constant 1 : i32
    %dma_start3A_656 = arith.constant 0 : i32
    %dma_start3A_657 = arith.constant 0 : i32
    %dma_start3A_658 = tpu.memref_slice %arg13[%dma_start3A_655, %dma_start3A_656, %dma_start3A_657] : memref<2x32x768xf32, #tpu.memory_space<vmem>> -> memref<1x32x768xf32, #tpu.memory_space<vmem>>
    %dma_start3A_659 = tpu.memref_squeeze %dma_start3A_658 : memref<1x32x768xf32, #tpu.memory_space<vmem>> -> memref<32x768xf32, #tpu.memory_space<vmem>>
    %dma_start3A_660 = arith.constant 0 : i32
    %dma_start3A_661 = arith.constant 0 : i32
    %dma_start3A_662 = tpu.memref_slice %dma_start3A_659[%dma_start3A_660, %dma_start3A_661] : memref<32x768xf32, #tpu.memory_space<vmem>> -> memref<32x768xf32, #tpu.memory_space<vmem>>
    %dma_start3A_663 = arith.constant 160 : i32
    %dma_start3A_664 = tpu.memref_slice %arg10[%dma_start3A_663] : memref<256xi32, #tpu.memory_space<vmem>> -> memref<32xi32, #tpu.memory_space<vmem>>
    %dma_start3A_665 = arith.constant 0 : i32
    %dma_start3A_666 = arith.constant 0 : i32
    %dma_start3A_667 = tpu.memref_slice %arg6[%dma_start3A_665, %dma_start3A_666] : memref<2048x768xf32, #tpu.memory_space<hbm>> -> memref<2048x768xf32, #tpu.memory_space<hbm>>
    tpu.enqueue_indirect_dma source(%dma_start3A_667 : memref<2048x768xf32, #tpu.memory_space<hbm>>) target(%dma_start3A_662 : memref<32x768xf32, #tpu.memory_space<vmem>>) offsets(%dma_start3A_664 : memref<32xi32, #tpu.memory_space<vmem>>) semaphore(%arg20 : memref<!tpu.dma_semaphore, #tpu.memory_space<semaphore_mem>>)
    %parallel_loop3A_668 = arith.constant 0 : i32
    %parallel_loop3A_669 = arith.constant 32 : i32
    %parallel_loop3A_670 = arith.constant 1 : i32
    scf.for %parallel_loop3A_1051 = %parallel_loop3A_668 to %parallel_loop3A_669 step %parallel_loop3A_670  : i32 {
      %parallel_loop3A_1052 = arith.constant 128 : i32
      %parallel_loop3A_1053 = arith.addi %parallel_loop3A_1052, %parallel_loop3A_1051 : i32
      %parallel_loop3A_1054 = vector.broadcast %parallel_loop3A_1053 : i32 to vector<16xi32>
      %parallel_loop3A_1055 = tpu.vector_load_idx %arg11[%parallel_loop3A_1054] : memref<256xi32, #tpu.memory_space<vmem>>[vector<16xi32>], vector<16xi32>,
      %parallel_loop3A_1056 = arith.index_cast %parallel_loop3A_1051 : i32 to index
      %parallel_loop3A_1057 = arith.constant 0 : index
      %parallel_loop3A_1058 = tpu.vector_load %arg15[%parallel_loop3A_1056, %parallel_loop3A_1057] {strides = array<i32>} : memref<32x16xi32, #tpu.memory_space<vmem>>, vector<16xi32>,
      tpu.vector_store %arg15[%parallel_loop3A_1056, %parallel_loop3A_1057], %parallel_loop3A_1055 {strides = array<i32>} : memref<32x16xi32, #tpu.memory_space<vmem>>, vector<16xi32>,
    } {sc.loop_unroll_factor = 4 : i64, sc.parallel_access}
    %dma_wait3A_671 = arith.constant 0 : i32
    %dma_wait3A_672 = arith.constant 0 : i32
    %dma_wait3A_673 = arith.constant 0 : i32
    %dma_wait3A_674 = tpu.memref_slice %arg12[%dma_wait3A_671, %dma_wait3A_672, %dma_wait3A_673] : memref<3x32x768xf32, #tpu.memory_space<vmem>> -> memref<1x32x768xf32, #tpu.memory_space<vmem>>
    %dma_wait3A_675 = tpu.memref_squeeze %dma_wait3A_674 : memref<1x32x768xf32, #tpu.memory_space<vmem>> -> memref<32x768xf32, #tpu.memory_space<vmem>>
    %dma_wait3A_676 = arith.constant 0 : i32
    %dma_wait3A_677 = arith.constant 0 : i32
    %dma_wait3A_678 = tpu.memref_slice %dma_wait3A_675[%dma_wait3A_676, %dma_wait3A_677] : memref<32x768xf32, #tpu.memory_space<vmem>> -> memref<32x768xf32, #tpu.memory_space<vmem>>
    %dma_wait3A_679 = arith.constant 128 : i32
    %dma_wait3A_680 = tpu.memref_slice %arg9[%dma_wait3A_679] : memref<256xi32, #tpu.memory_space<vmem>> -> memref<32xi32, #tpu.memory_space<vmem>>
    %dma_wait3A_681 = arith.constant 0 : i32
    %dma_wait3A_682 = arith.constant 0 : i32
    %dma_wait3A_683 = tpu.memref_slice %arg5[%dma_wait3A_681, %dma_wait3A_682] : memref<100000x768xf32, #tpu.memory_space<hbm>> -> memref<100000x768xf32, #tpu.memory_space<hbm>>
    tpu.wait_indirect_dma semaphore(%arg16 : memref<!tpu.dma_semaphore, #tpu.memory_space<semaphore_mem>>) src(%dma_wait3A_683 : memref<100000x768xf32, #tpu.memory_space<hbm>>) dst(%dma_wait3A_678 : memref<32x768xf32, #tpu.memory_space<vmem>>)
    %dma_wait3A_684 = arith.constant 0 : i32
    %dma_wait3A_685 = arith.constant 0 : i32
    %dma_wait3A_686 = arith.constant 0 : i32
    %dma_wait3A_687 = tpu.memref_slice %arg13[%dma_wait3A_684, %dma_wait3A_685, %dma_wait3A_686] : memref<2x32x768xf32, #tpu.memory_space<vmem>> -> memref<1x32x768xf32, #tpu.memory_space<vmem>>
    %dma_wait3A_688 = tpu.memref_squeeze %dma_wait3A_687 : memref<1x32x768xf32, #tpu.memory_space<vmem>> -> memref<32x768xf32, #tpu.memory_space<vmem>>
    %dma_wait3A_689 = arith.constant 0 : i32
    %dma_wait3A_690 = arith.constant 0 : i32
    %dma_wait3A_691 = tpu.memref_slice %dma_wait3A_688[%dma_wait3A_689, %dma_wait3A_690] : memref<32x768xf32, #tpu.memory_space<vmem>> -> memref<32x768xf32, #tpu.memory_space<vmem>>
    %dma_wait3A_692 = arith.constant 128 : i32
    %dma_wait3A_693 = tpu.memref_slice %arg10[%dma_wait3A_692] : memref<256xi32, #tpu.memory_space<vmem>> -> memref<32xi32, #tpu.memory_space<vmem>>
    %dma_wait3A_694 = arith.constant 0 : i32
    %dma_wait3A_695 = arith.constant 0 : i32
    %dma_wait3A_696 = tpu.memref_slice %arg6[%dma_wait3A_694, %dma_wait3A_695] : memref<2048x768xf32, #tpu.memory_space<hbm>> -> memref<2048x768xf32, #tpu.memory_space<hbm>>
    tpu.wait_indirect_dma semaphore(%arg19 : memref<!tpu.dma_semaphore, #tpu.memory_space<semaphore_mem>>) src(%dma_wait3A_696 : memref<2048x768xf32, #tpu.memory_space<hbm>>) dst(%dma_wait3A_691 : memref<32x768xf32, #tpu.memory_space<vmem>>)
    %scan3A_697 = arith.constant 0 : i32
    %scan3A_698 = arith.constant 0 : i32
    %scan3A_699 = arith.constant 0 : i32
    %scan3A_700 = arith.constant 0 : i32
    %scan3A_701 = arith.constant 48 : i32
    %scan3A_702 = arith.addi %scan3A_700, %scan3A_701 : i32
    %scan3A_703 = arith.constant 1 : i32
    %scan3A_704 = scf.for %scan3A_1051 = %scan3A_700 to %scan3A_702 step %scan3A_703 iter_args(%scan3A_1052 = %scan3A_699) -> (i32)  : i32 {
      %mul3A_1053 = arith.constant 16 : i32
      %mul3A_1054 = arith.muli %scan3A_1051, %mul3A_1053 : i32
      %get3A = arith.constant 0 : i32
      %get3A_1055 = arith.index_cast %get3A : i32 to index
      %get3A_1056 = arith.index_cast %mul3A_1054 : i32 to index
      %get3A_1057 = tpu.vector_load %arg14[%get3A_1055, %get3A_1056] {strides = array<i32>} : memref<2x768xf32, #tpu.memory_space<vmem>>, vector<16xf32>,
      %get3A_1058 = arith.constant 1 : i32
      %get3A_1059 = arith.index_cast %get3A_1058 : i32 to index
      %get3A_1060 = arith.index_cast %mul3A_1054 : i32 to index
      %get3A_1061 = tpu.vector_load %arg14[%get3A_1059, %get3A_1060] {strides = array<i32>} : memref<2x768xf32, #tpu.memory_space<vmem>>, vector<16xf32>,
      %parallel_loop3A_1062 = arith.constant 0 : i32
      %parallel_loop3A_1063 = arith.constant 32 : i32
      %parallel_loop3A_1064 = arith.constant 1 : i32
      scf.for %parallel_loop3A_1066 = %parallel_loop3A_1062 to %parallel_loop3A_1063 step %parallel_loop3A_1064  : i32 {
        %parallel_loop3A_1067 = arith.constant 0 : i32
        %parallel_loop3A_1068 = arith.constant 0 : i32
        %parallel_loop3A_1069 = tpu.memref_slice %arg12[%scan3A_697, %parallel_loop3A_1067, %parallel_loop3A_1068] : memref<3x32x768xf32, #tpu.memory_space<vmem>> -> memref<1x32x768xf32, #tpu.memory_space<vmem>>
        %parallel_loop3A_1070 = tpu.memref_squeeze %parallel_loop3A_1069 : memref<1x32x768xf32, #tpu.memory_space<vmem>> -> memref<32x768xf32, #tpu.memory_space<vmem>>
        %parallel_loop3A_1071 = arith.index_cast %parallel_loop3A_1066 : i32 to index
        %parallel_loop3A_1072 = arith.index_cast %mul3A_1054 : i32 to index
        %parallel_loop3A_1073 = tpu.vector_load %parallel_loop3A_1070[%parallel_loop3A_1071, %parallel_loop3A_1072] {strides = array<i32>} : memref<32x768xf32, #tpu.memory_space<vmem>>, vector<16xf32>,
        %parallel_loop3A_1074 = arith.constant 0 : i32
        %parallel_loop3A_1075 = arith.constant 0 : i32
        %parallel_loop3A_1076 = tpu.memref_slice %arg13[%scan3A_698, %parallel_loop3A_1074, %parallel_loop3A_1075] : memref<2x32x768xf32, #tpu.memory_space<vmem>> -> memref<1x32x768xf32, #tpu.memory_space<vmem>>
        %parallel_loop3A_1077 = tpu.memref_squeeze %parallel_loop3A_1076 : memref<1x32x768xf32, #tpu.memory_space<vmem>> -> memref<32x768xf32, #tpu.memory_space<vmem>>
        %parallel_loop3A_1078 = arith.index_cast %parallel_loop3A_1066 : i32 to index
        %parallel_loop3A_1079 = arith.index_cast %mul3A_1054 : i32 to index
        %parallel_loop3A_1080 = tpu.vector_load %parallel_loop3A_1077[%parallel_loop3A_1078, %parallel_loop3A_1079] {strides = array<i32>} : memref<32x768xf32, #tpu.memory_space<vmem>>, vector<16xf32>,
        %parallel_loop3A_1081 = arith.index_cast %parallel_loop3A_1066 : i32 to index
        %parallel_loop3A_1082 = arith.constant 0 : index
        %parallel_loop3A_1083 = tpu.vector_load %arg15[%parallel_loop3A_1081, %parallel_loop3A_1082] {strides = array<i32>} : memref<32x16xi32, #tpu.memory_space<vmem>>, vector<16xi32>,
        %parallel_loop3A_1084 = arith.addf %parallel_loop3A_1073, %parallel_loop3A_1080 : vector<16xf32>
        %parallel_loop3A_1085 = arith.constant 0 : i32
        %parallel_loop3A_1086 = vector.broadcast %parallel_loop3A_1085 : i32 to vector<16xi32>
        %parallel_loop3A_1087 = arith.cmpi ne, %parallel_loop3A_1083, %parallel_loop3A_1086 : vector<16xi32>
        %parallel_loop3A_1088 = arith.select %parallel_loop3A_1087, %get3A_1061, %get3A_1057 : vector<16xi1>, vector<16xf32>
        %parallel_loop3A_1089 = arith.addf %parallel_loop3A_1084, %parallel_loop3A_1088 : vector<16xf32>
        %parallel_loop3A_1090 = arith.constant 0 : i32
        %parallel_loop3A_1091 = arith.constant 0 : i32
        %parallel_loop3A_1092 = tpu.memref_slice %arg12[%scan3A_697, %parallel_loop3A_1090, %parallel_loop3A_1091] : memref<3x32x768xf32, #tpu.memory_space<vmem>> -> memref<1x32x768xf32, #tpu.memory_space<vmem>>
        %parallel_loop3A_1093 = tpu.memref_squeeze %parallel_loop3A_1092 : memref<1x32x768xf32, #tpu.memory_space<vmem>> -> memref<32x768xf32, #tpu.memory_space<vmem>>
        %parallel_loop3A_1094 = arith.index_cast %parallel_loop3A_1066 : i32 to index
        %parallel_loop3A_1095 = arith.index_cast %mul3A_1054 : i32 to index
        %parallel_loop3A_1096 = tpu.vector_load %parallel_loop3A_1093[%parallel_loop3A_1094, %parallel_loop3A_1095] {strides = array<i32>} : memref<32x768xf32, #tpu.memory_space<vmem>>, vector<16xf32>,
        tpu.vector_store %parallel_loop3A_1093[%parallel_loop3A_1094, %parallel_loop3A_1095], %parallel_loop3A_1089 {strides = array<i32>} : memref<32x768xf32, #tpu.memory_space<vmem>>, vector<16xf32>,
      } {sc.loop_unroll_factor = 8 : i64, sc.parallel_access}
      %scan3A_1065 = arith.constant 0 : i32
      scf.yield %scan3A_1065 : i32
    }
    %scan3A_705 = arith.constant 48 : i32
    %add3A_706 = arith.constant 128 : i32
    %add3A_707 = arith.addi %mul3A_2, %add3A_706 : i32
    %dma_start3A_708 = arith.constant 0 : i32
    %dma_start3A_709 = arith.constant 0 : i32
    %dma_start3A_710 = arith.constant 0 : i32
    %dma_start3A_711 = tpu.memref_slice %arg12[%dma_start3A_708, %dma_start3A_709, %dma_start3A_710] : memref<3x32x768xf32, #tpu.memory_space<vmem>> -> memref<1x32x768xf32, #tpu.memory_space<vmem>>
    %dma_start3A_712 = tpu.memref_squeeze %dma_start3A_711 : memref<1x32x768xf32, #tpu.memory_space<vmem>> -> memref<32x768xf32, #tpu.memory_space<vmem>>
    %dma_start3A_713 = arith.constant 0 : i32
    %dma_start3A_714 = arith.constant 0 : i32
    %dma_start3A_715 = tpu.memref_slice %dma_start3A_712[%dma_start3A_713, %dma_start3A_714] : memref<32x768xf32, #tpu.memory_space<vmem>> -> memref<32x768xf32, #tpu.memory_space<vmem>>
    %dma_start3A_716 = arith.constant 0 : i32
    %dma_start3A_717 = tpu.memref_slice %arg8[%add3A_707, %dma_start3A_716] : memref<8192x768xf32, #tpu.memory_space<hbm>> -> memref<32x768xf32, #tpu.memory_space<hbm>>
    %dma_start3A_718 = arith.constant 0 : i32
    %dma_start3A_719 = tpu.memref_slice %arg8[%add3A_707, %dma_start3A_718] : memref<8192x768xf32, #tpu.memory_space<hbm>> -> memref<32x768xf32, #tpu.memory_space<hbm>>
    %dma_start3A_720 = arith.constant 0 : i32
    %dma_start3A_721 = arith.constant 0 : i32
    %dma_start3A_722 = tpu.memref_slice %arg12[%dma_start3A_708, %dma_start3A_720, %dma_start3A_721] : memref<3x32x768xf32, #tpu.memory_space<vmem>> -> memref<1x32x768xf32, #tpu.memory_space<vmem>>
    %dma_start3A_723 = tpu.memref_squeeze %dma_start3A_722 : memref<1x32x768xf32, #tpu.memory_space<vmem>> -> memref<32x768xf32, #tpu.memory_space<vmem>>
    %dma_start3A_724 = arith.constant 0 : i32
    %dma_start3A_725 = arith.constant 0 : i32
    %dma_start3A_726 = tpu.memref_slice %dma_start3A_723[%dma_start3A_724, %dma_start3A_725] : memref<32x768xf32, #tpu.memory_space<vmem>> -> memref<32x768xf32, #tpu.memory_space<vmem>>
    tpu.enqueue_dma source(%dma_start3A_726 : memref<32x768xf32, #tpu.memory_space<vmem>>) target(%dma_start3A_719 : memref<32x768xf32, #tpu.memory_space<hbm>>) target_semaphore(%arg21 : memref<!tpu.dma_semaphore, #tpu.memory_space<semaphore_mem>>)
    %dma_wait3A_727 = arith.constant 2 : i32
    %dma_wait3A_728 = arith.constant 0 : i32
    %dma_wait3A_729 = arith.constant 0 : i32
    %dma_wait3A_730 = tpu.memref_slice %arg12[%dma_wait3A_727, %dma_wait3A_728, %dma_wait3A_729] : memref<3x32x768xf32, #tpu.memory_space<vmem>> -> memref<1x32x768xf32, #tpu.memory_space<vmem>>
    %dma_wait3A_731 = tpu.memref_squeeze %dma_wait3A_730 : memref<1x32x768xf32, #tpu.memory_space<vmem>> -> memref<32x768xf32, #tpu.memory_space<vmem>>
    %dma_wait3A_732 = arith.constant 0 : i32
    %dma_wait3A_733 = arith.constant 0 : i32
    %dma_wait3A_734 = tpu.memref_slice %dma_wait3A_731[%dma_wait3A_732, %dma_wait3A_733] : memref<32x768xf32, #tpu.memory_space<vmem>> -> memref<32x768xf32, #tpu.memory_space<vmem>>
    %dma_wait3A_735 = arith.constant 0 : i32
    %dma_wait3A_736 = tpu.memref_slice %arg8[%add3A_603, %dma_wait3A_735] : memref<8192x768xf32, #tpu.memory_space<hbm>> -> memref<32x768xf32, #tpu.memory_space<hbm>>
    %dma_wait3A_737 = arith.constant 0 : i32
    %dma_wait3A_738 = tpu.memref_slice %arg8[%add3A_603, %dma_wait3A_737] : memref<8192x768xf32, #tpu.memory_space<hbm>> -> memref<32x768xf32, #tpu.memory_space<hbm>>
    %dma_wait3A_739 = arith.constant 0 : i32
    %dma_wait3A_740 = arith.constant 0 : i32
    %dma_wait3A_741 = tpu.memref_slice %arg12[%dma_wait3A_727, %dma_wait3A_739, %dma_wait3A_740] : memref<3x32x768xf32, #tpu.memory_space<vmem>> -> memref<1x32x768xf32, #tpu.memory_space<vmem>>
    %dma_wait3A_742 = tpu.memref_squeeze %dma_wait3A_741 : memref<1x32x768xf32, #tpu.memory_space<vmem>> -> memref<32x768xf32, #tpu.memory_space<vmem>>
    %dma_wait3A_743 = arith.constant 0 : i32
    %dma_wait3A_744 = arith.constant 0 : i32
    %dma_wait3A_745 = tpu.memref_slice %dma_wait3A_742[%dma_wait3A_743, %dma_wait3A_744] : memref<32x768xf32, #tpu.memory_space<vmem>> -> memref<32x768xf32, #tpu.memory_space<vmem>>
    tpu.wait_dma2 semaphore(%arg23 : memref<!tpu.dma_semaphore, #tpu.memory_space<semaphore_mem>>) src(%dma_wait3A_745 : memref<32x768xf32, #tpu.memory_space<vmem>>) dst(%dma_wait3A_738 : memref<32x768xf32, #tpu.memory_space<hbm>>)
    %dma_start3A_746 = arith.constant 2 : i32
    %dma_start3A_747 = arith.constant 0 : i32
    %dma_start3A_748 = arith.constant 0 : i32
    %dma_start3A_749 = tpu.memref_slice %arg12[%dma_start3A_746, %dma_start3A_747, %dma_start3A_748] : memref<3x32x768xf32, #tpu.memory_space<vmem>> -> memref<1x32x768xf32, #tpu.memory_space<vmem>>
    %dma_start3A_750 = tpu.memref_squeeze %dma_start3A_749 : memref<1x32x768xf32, #tpu.memory_space<vmem>> -> memref<32x768xf32, #tpu.memory_space<vmem>>
    %dma_start3A_751 = arith.constant 0 : i32
    %dma_start3A_752 = arith.constant 0 : i32
    %dma_start3A_753 = tpu.memref_slice %dma_start3A_750[%dma_start3A_751, %dma_start3A_752] : memref<32x768xf32, #tpu.memory_space<vmem>> -> memref<32x768xf32, #tpu.memory_space<vmem>>
    %dma_start3A_754 = arith.constant 192 : i32
    %dma_start3A_755 = tpu.memref_slice %arg9[%dma_start3A_754] : memref<256xi32, #tpu.memory_space<vmem>> -> memref<32xi32, #tpu.memory_space<vmem>>
    %dma_start3A_756 = arith.constant 0 : i32
    %dma_start3A_757 = arith.constant 0 : i32
    %dma_start3A_758 = tpu.memref_slice %arg5[%dma_start3A_756, %dma_start3A_757] : memref<100000x768xf32, #tpu.memory_space<hbm>> -> memref<100000x768xf32, #tpu.memory_space<hbm>>
    tpu.enqueue_indirect_dma source(%dma_start3A_758 : memref<100000x768xf32, #tpu.memory_space<hbm>>) target(%dma_start3A_753 : memref<32x768xf32, #tpu.memory_space<vmem>>) offsets(%dma_start3A_755 : memref<32xi32, #tpu.memory_space<vmem>>) semaphore(%arg18 : memref<!tpu.dma_semaphore, #tpu.memory_space<semaphore_mem>>)
    %dma_start3A_759 = arith.constant 0 : i32
    %dma_start3A_760 = arith.constant 0 : i32
    %dma_start3A_761 = arith.constant 0 : i32
    %dma_start3A_762 = tpu.memref_slice %arg13[%dma_start3A_759, %dma_start3A_760, %dma_start3A_761] : memref<2x32x768xf32, #tpu.memory_space<vmem>> -> memref<1x32x768xf32, #tpu.memory_space<vmem>>
    %dma_start3A_763 = tpu.memref_squeeze %dma_start3A_762 : memref<1x32x768xf32, #tpu.memory_space<vmem>> -> memref<32x768xf32, #tpu.memory_space<vmem>>
    %dma_start3A_764 = arith.constant 0 : i32
    %dma_start3A_765 = arith.constant 0 : i32
    %dma_start3A_766 = tpu.memref_slice %dma_start3A_763[%dma_start3A_764, %dma_start3A_765] : memref<32x768xf32, #tpu.memory_space<vmem>> -> memref<32x768xf32, #tpu.memory_space<vmem>>
    %dma_start3A_767 = arith.constant 192 : i32
    %dma_start3A_768 = tpu.memref_slice %arg10[%dma_start3A_767] : memref<256xi32, #tpu.memory_space<vmem>> -> memref<32xi32, #tpu.memory_space<vmem>>
    %dma_start3A_769 = arith.constant 0 : i32
    %dma_start3A_770 = arith.constant 0 : i32
    %dma_start3A_771 = tpu.memref_slice %arg6[%dma_start3A_769, %dma_start3A_770] : memref<2048x768xf32, #tpu.memory_space<hbm>> -> memref<2048x768xf32, #tpu.memory_space<hbm>>
    tpu.enqueue_indirect_dma source(%dma_start3A_771 : memref<2048x768xf32, #tpu.memory_space<hbm>>) target(%dma_start3A_766 : memref<32x768xf32, #tpu.memory_space<vmem>>) offsets(%dma_start3A_768 : memref<32xi32, #tpu.memory_space<vmem>>) semaphore(%arg19 : memref<!tpu.dma_semaphore, #tpu.memory_space<semaphore_mem>>)
    %parallel_loop3A_772 = arith.constant 0 : i32
    %parallel_loop3A_773 = arith.constant 32 : i32
    %parallel_loop3A_774 = arith.constant 1 : i32
    scf.for %parallel_loop3A_1051 = %parallel_loop3A_772 to %parallel_loop3A_773 step %parallel_loop3A_774  : i32 {
      %parallel_loop3A_1052 = arith.constant 160 : i32
      %parallel_loop3A_1053 = arith.addi %parallel_loop3A_1052, %parallel_loop3A_1051 : i32
      %parallel_loop3A_1054 = vector.broadcast %parallel_loop3A_1053 : i32 to vector<16xi32>
      %parallel_loop3A_1055 = tpu.vector_load_idx %arg11[%parallel_loop3A_1054] : memref<256xi32, #tpu.memory_space<vmem>>[vector<16xi32>], vector<16xi32>,
      %parallel_loop3A_1056 = arith.index_cast %parallel_loop3A_1051 : i32 to index
      %parallel_loop3A_1057 = arith.constant 0 : index
      %parallel_loop3A_1058 = tpu.vector_load %arg15[%parallel_loop3A_1056, %parallel_loop3A_1057] {strides = array<i32>} : memref<32x16xi32, #tpu.memory_space<vmem>>, vector<16xi32>,
      tpu.vector_store %arg15[%parallel_loop3A_1056, %parallel_loop3A_1057], %parallel_loop3A_1055 {strides = array<i32>} : memref<32x16xi32, #tpu.memory_space<vmem>>, vector<16xi32>,
    } {sc.loop_unroll_factor = 4 : i64, sc.parallel_access}
    %dma_wait3A_775 = arith.constant 1 : i32
    %dma_wait3A_776 = arith.constant 0 : i32
    %dma_wait3A_777 = arith.constant 0 : i32
    %dma_wait3A_778 = tpu.memref_slice %arg12[%dma_wait3A_775, %dma_wait3A_776, %dma_wait3A_777] : memref<3x32x768xf32, #tpu.memory_space<vmem>> -> memref<1x32x768xf32, #tpu.memory_space<vmem>>
    %dma_wait3A_779 = tpu.memref_squeeze %dma_wait3A_778 : memref<1x32x768xf32, #tpu.memory_space<vmem>> -> memref<32x768xf32, #tpu.memory_space<vmem>>
    %dma_wait3A_780 = arith.constant 0 : i32
    %dma_wait3A_781 = arith.constant 0 : i32
    %dma_wait3A_782 = tpu.memref_slice %dma_wait3A_779[%dma_wait3A_780, %dma_wait3A_781] : memref<32x768xf32, #tpu.memory_space<vmem>> -> memref<32x768xf32, #tpu.memory_space<vmem>>
    %dma_wait3A_783 = arith.constant 160 : i32
    %dma_wait3A_784 = tpu.memref_slice %arg9[%dma_wait3A_783] : memref<256xi32, #tpu.memory_space<vmem>> -> memref<32xi32, #tpu.memory_space<vmem>>
    %dma_wait3A_785 = arith.constant 0 : i32
    %dma_wait3A_786 = arith.constant 0 : i32
    %dma_wait3A_787 = tpu.memref_slice %arg5[%dma_wait3A_785, %dma_wait3A_786] : memref<100000x768xf32, #tpu.memory_space<hbm>> -> memref<100000x768xf32, #tpu.memory_space<hbm>>
    tpu.wait_indirect_dma semaphore(%arg17 : memref<!tpu.dma_semaphore, #tpu.memory_space<semaphore_mem>>) src(%dma_wait3A_787 : memref<100000x768xf32, #tpu.memory_space<hbm>>) dst(%dma_wait3A_782 : memref<32x768xf32, #tpu.memory_space<vmem>>)
    %dma_wait3A_788 = arith.constant 1 : i32
    %dma_wait3A_789 = arith.constant 0 : i32
    %dma_wait3A_790 = arith.constant 0 : i32
    %dma_wait3A_791 = tpu.memref_slice %arg13[%dma_wait3A_788, %dma_wait3A_789, %dma_wait3A_790] : memref<2x32x768xf32, #tpu.memory_space<vmem>> -> memref<1x32x768xf32, #tpu.memory_space<vmem>>
    %dma_wait3A_792 = tpu.memref_squeeze %dma_wait3A_791 : memref<1x32x768xf32, #tpu.memory_space<vmem>> -> memref<32x768xf32, #tpu.memory_space<vmem>>
    %dma_wait3A_793 = arith.constant 0 : i32
    %dma_wait3A_794 = arith.constant 0 : i32
    %dma_wait3A_795 = tpu.memref_slice %dma_wait3A_792[%dma_wait3A_793, %dma_wait3A_794] : memref<32x768xf32, #tpu.memory_space<vmem>> -> memref<32x768xf32, #tpu.memory_space<vmem>>
    %dma_wait3A_796 = arith.constant 160 : i32
    %dma_wait3A_797 = tpu.memref_slice %arg10[%dma_wait3A_796] : memref<256xi32, #tpu.memory_space<vmem>> -> memref<32xi32, #tpu.memory_space<vmem>>
    %dma_wait3A_798 = arith.constant 0 : i32
    %dma_wait3A_799 = arith.constant 0 : i32
    %dma_wait3A_800 = tpu.memref_slice %arg6[%dma_wait3A_798, %dma_wait3A_799] : memref<2048x768xf32, #tpu.memory_space<hbm>> -> memref<2048x768xf32, #tpu.memory_space<hbm>>
    tpu.wait_indirect_dma semaphore(%arg20 : memref<!tpu.dma_semaphore, #tpu.memory_space<semaphore_mem>>) src(%dma_wait3A_800 : memref<2048x768xf32, #tpu.memory_space<hbm>>) dst(%dma_wait3A_795 : memref<32x768xf32, #tpu.memory_space<vmem>>)
    %scan3A_801 = arith.constant 1 : i32
    %scan3A_802 = arith.constant 1 : i32
    %scan3A_803 = arith.constant 0 : i32
    %scan3A_804 = arith.constant 0 : i32
    %scan3A_805 = arith.constant 48 : i32
    %scan3A_806 = arith.addi %scan3A_804, %scan3A_805 : i32
    %scan3A_807 = arith.constant 1 : i32
    %scan3A_808 = scf.for %scan3A_1051 = %scan3A_804 to %scan3A_806 step %scan3A_807 iter_args(%scan3A_1052 = %scan3A_803) -> (i32)  : i32 {
      %mul3A_1053 = arith.constant 16 : i32
      %mul3A_1054 = arith.muli %scan3A_1051, %mul3A_1053 : i32
      %get3A = arith.constant 0 : i32
      %get3A_1055 = arith.index_cast %get3A : i32 to index
      %get3A_1056 = arith.index_cast %mul3A_1054 : i32 to index
      %get3A_1057 = tpu.vector_load %arg14[%get3A_1055, %get3A_1056] {strides = array<i32>} : memref<2x768xf32, #tpu.memory_space<vmem>>, vector<16xf32>,
      %get3A_1058 = arith.constant 1 : i32
      %get3A_1059 = arith.index_cast %get3A_1058 : i32 to index
      %get3A_1060 = arith.index_cast %mul3A_1054 : i32 to index
      %get3A_1061 = tpu.vector_load %arg14[%get3A_1059, %get3A_1060] {strides = array<i32>} : memref<2x768xf32, #tpu.memory_space<vmem>>, vector<16xf32>,
      %parallel_loop3A_1062 = arith.constant 0 : i32
      %parallel_loop3A_1063 = arith.constant 32 : i32
      %parallel_loop3A_1064 = arith.constant 1 : i32
      scf.for %parallel_loop3A_1066 = %parallel_loop3A_1062 to %parallel_loop3A_1063 step %parallel_loop3A_1064  : i32 {
        %parallel_loop3A_1067 = arith.constant 0 : i32
        %parallel_loop3A_1068 = arith.constant 0 : i32
        %parallel_loop3A_1069 = tpu.memref_slice %arg12[%scan3A_801, %parallel_loop3A_1067, %parallel_loop3A_1068] : memref<3x32x768xf32, #tpu.memory_space<vmem>> -> memref<1x32x768xf32, #tpu.memory_space<vmem>>
        %parallel_loop3A_1070 = tpu.memref_squeeze %parallel_loop3A_1069 : memref<1x32x768xf32, #tpu.memory_space<vmem>> -> memref<32x768xf32, #tpu.memory_space<vmem>>
        %parallel_loop3A_1071 = arith.index_cast %parallel_loop3A_1066 : i32 to index
        %parallel_loop3A_1072 = arith.index_cast %mul3A_1054 : i32 to index
        %parallel_loop3A_1073 = tpu.vector_load %parallel_loop3A_1070[%parallel_loop3A_1071, %parallel_loop3A_1072] {strides = array<i32>} : memref<32x768xf32, #tpu.memory_space<vmem>>, vector<16xf32>,
        %parallel_loop3A_1074 = arith.constant 0 : i32
        %parallel_loop3A_1075 = arith.constant 0 : i32
        %parallel_loop3A_1076 = tpu.memref_slice %arg13[%scan3A_802, %parallel_loop3A_1074, %parallel_loop3A_1075] : memref<2x32x768xf32, #tpu.memory_space<vmem>> -> memref<1x32x768xf32, #tpu.memory_space<vmem>>
        %parallel_loop3A_1077 = tpu.memref_squeeze %parallel_loop3A_1076 : memref<1x32x768xf32, #tpu.memory_space<vmem>> -> memref<32x768xf32, #tpu.memory_space<vmem>>
        %parallel_loop3A_1078 = arith.index_cast %parallel_loop3A_1066 : i32 to index
        %parallel_loop3A_1079 = arith.index_cast %mul3A_1054 : i32 to index
        %parallel_loop3A_1080 = tpu.vector_load %parallel_loop3A_1077[%parallel_loop3A_1078, %parallel_loop3A_1079] {strides = array<i32>} : memref<32x768xf32, #tpu.memory_space<vmem>>, vector<16xf32>,
        %parallel_loop3A_1081 = arith.index_cast %parallel_loop3A_1066 : i32 to index
        %parallel_loop3A_1082 = arith.constant 0 : index
        %parallel_loop3A_1083 = tpu.vector_load %arg15[%parallel_loop3A_1081, %parallel_loop3A_1082] {strides = array<i32>} : memref<32x16xi32, #tpu.memory_space<vmem>>, vector<16xi32>,
        %parallel_loop3A_1084 = arith.addf %parallel_loop3A_1073, %parallel_loop3A_1080 : vector<16xf32>
        %parallel_loop3A_1085 = arith.constant 0 : i32
        %parallel_loop3A_1086 = vector.broadcast %parallel_loop3A_1085 : i32 to vector<16xi32>
        %parallel_loop3A_1087 = arith.cmpi ne, %parallel_loop3A_1083, %parallel_loop3A_1086 : vector<16xi32>
        %parallel_loop3A_1088 = arith.select %parallel_loop3A_1087, %get3A_1061, %get3A_1057 : vector<16xi1>, vector<16xf32>
        %parallel_loop3A_1089 = arith.addf %parallel_loop3A_1084, %parallel_loop3A_1088 : vector<16xf32>
        %parallel_loop3A_1090 = arith.constant 0 : i32
        %parallel_loop3A_1091 = arith.constant 0 : i32
        %parallel_loop3A_1092 = tpu.memref_slice %arg12[%scan3A_801, %parallel_loop3A_1090, %parallel_loop3A_1091] : memref<3x32x768xf32, #tpu.memory_space<vmem>> -> memref<1x32x768xf32, #tpu.memory_space<vmem>>
        %parallel_loop3A_1093 = tpu.memref_squeeze %parallel_loop3A_1092 : memref<1x32x768xf32, #tpu.memory_space<vmem>> -> memref<32x768xf32, #tpu.memory_space<vmem>>
        %parallel_loop3A_1094 = arith.index_cast %parallel_loop3A_1066 : i32 to index
        %parallel_loop3A_1095 = arith.index_cast %mul3A_1054 : i32 to index
        %parallel_loop3A_1096 = tpu.vector_load %parallel_loop3A_1093[%parallel_loop3A_1094, %parallel_loop3A_1095] {strides = array<i32>} : memref<32x768xf32, #tpu.memory_space<vmem>>, vector<16xf32>,
        tpu.vector_store %parallel_loop3A_1093[%parallel_loop3A_1094, %parallel_loop3A_1095], %parallel_loop3A_1089 {strides = array<i32>} : memref<32x768xf32, #tpu.memory_space<vmem>>, vector<16xf32>,
      } {sc.loop_unroll_factor = 8 : i64, sc.parallel_access}
      %scan3A_1065 = arith.constant 0 : i32
      scf.yield %scan3A_1065 : i32
    }
    %scan3A_809 = arith.constant 48 : i32
    %add3A_810 = arith.constant 160 : i32
    %add3A_811 = arith.addi %mul3A_2, %add3A_810 : i32
    %dma_start3A_812 = arith.constant 1 : i32
    %dma_start3A_813 = arith.constant 0 : i32
    %dma_start3A_814 = arith.constant 0 : i32
    %dma_start3A_815 = tpu.memref_slice %arg12[%dma_start3A_812, %dma_start3A_813, %dma_start3A_814] : memref<3x32x768xf32, #tpu.memory_space<vmem>> -> memref<1x32x768xf32, #tpu.memory_space<vmem>>
    %dma_start3A_816 = tpu.memref_squeeze %dma_start3A_815 : memref<1x32x768xf32, #tpu.memory_space<vmem>> -> memref<32x768xf32, #tpu.memory_space<vmem>>
    %dma_start3A_817 = arith.constant 0 : i32
    %dma_start3A_818 = arith.constant 0 : i32
    %dma_start3A_819 = tpu.memref_slice %dma_start3A_816[%dma_start3A_817, %dma_start3A_818] : memref<32x768xf32, #tpu.memory_space<vmem>> -> memref<32x768xf32, #tpu.memory_space<vmem>>
    %dma_start3A_820 = arith.constant 0 : i32
    %dma_start3A_821 = tpu.memref_slice %arg8[%add3A_811, %dma_start3A_820] : memref<8192x768xf32, #tpu.memory_space<hbm>> -> memref<32x768xf32, #tpu.memory_space<hbm>>
    %dma_start3A_822 = arith.constant 0 : i32
    %dma_start3A_823 = tpu.memref_slice %arg8[%add3A_811, %dma_start3A_822] : memref<8192x768xf32, #tpu.memory_space<hbm>> -> memref<32x768xf32, #tpu.memory_space<hbm>>
    %dma_start3A_824 = arith.constant 0 : i32
    %dma_start3A_825 = arith.constant 0 : i32
    %dma_start3A_826 = tpu.memref_slice %arg12[%dma_start3A_812, %dma_start3A_824, %dma_start3A_825] : memref<3x32x768xf32, #tpu.memory_space<vmem>> -> memref<1x32x768xf32, #tpu.memory_space<vmem>>
    %dma_start3A_827 = tpu.memref_squeeze %dma_start3A_826 : memref<1x32x768xf32, #tpu.memory_space<vmem>> -> memref<32x768xf32, #tpu.memory_space<vmem>>
    %dma_start3A_828 = arith.constant 0 : i32
    %dma_start3A_829 = arith.constant 0 : i32
    %dma_start3A_830 = tpu.memref_slice %dma_start3A_827[%dma_start3A_828, %dma_start3A_829] : memref<32x768xf32, #tpu.memory_space<vmem>> -> memref<32x768xf32, #tpu.memory_space<vmem>>
    tpu.enqueue_dma source(%dma_start3A_830 : memref<32x768xf32, #tpu.memory_space<vmem>>) target(%dma_start3A_823 : memref<32x768xf32, #tpu.memory_space<hbm>>) target_semaphore(%arg22 : memref<!tpu.dma_semaphore, #tpu.memory_space<semaphore_mem>>)
    %dma_wait3A_831 = arith.constant 0 : i32
    %dma_wait3A_832 = arith.constant 0 : i32
    %dma_wait3A_833 = arith.constant 0 : i32
    %dma_wait3A_834 = tpu.memref_slice %arg12[%dma_wait3A_831, %dma_wait3A_832, %dma_wait3A_833] : memref<3x32x768xf32, #tpu.memory_space<vmem>> -> memref<1x32x768xf32, #tpu.memory_space<vmem>>
    %dma_wait3A_835 = tpu.memref_squeeze %dma_wait3A_834 : memref<1x32x768xf32, #tpu.memory_space<vmem>> -> memref<32x768xf32, #tpu.memory_space<vmem>>
    %dma_wait3A_836 = arith.constant 0 : i32
    %dma_wait3A_837 = arith.constant 0 : i32
    %dma_wait3A_838 = tpu.memref_slice %dma_wait3A_835[%dma_wait3A_836, %dma_wait3A_837] : memref<32x768xf32, #tpu.memory_space<vmem>> -> memref<32x768xf32, #tpu.memory_space<vmem>>
    %dma_wait3A_839 = arith.constant 0 : i32
    %dma_wait3A_840 = tpu.memref_slice %arg8[%add3A_707, %dma_wait3A_839] : memref<8192x768xf32, #tpu.memory_space<hbm>> -> memref<32x768xf32, #tpu.memory_space<hbm>>
    %dma_wait3A_841 = arith.constant 0 : i32
    %dma_wait3A_842 = tpu.memref_slice %arg8[%add3A_707, %dma_wait3A_841] : memref<8192x768xf32, #tpu.memory_space<hbm>> -> memref<32x768xf32, #tpu.memory_space<hbm>>
    %dma_wait3A_843 = arith.constant 0 : i32
    %dma_wait3A_844 = arith.constant 0 : i32
    %dma_wait3A_845 = tpu.memref_slice %arg12[%dma_wait3A_831, %dma_wait3A_843, %dma_wait3A_844] : memref<3x32x768xf32, #tpu.memory_space<vmem>> -> memref<1x32x768xf32, #tpu.memory_space<vmem>>
    %dma_wait3A_846 = tpu.memref_squeeze %dma_wait3A_845 : memref<1x32x768xf32, #tpu.memory_space<vmem>> -> memref<32x768xf32, #tpu.memory_space<vmem>>
    %dma_wait3A_847 = arith.constant 0 : i32
    %dma_wait3A_848 = arith.constant 0 : i32
    %dma_wait3A_849 = tpu.memref_slice %dma_wait3A_846[%dma_wait3A_847, %dma_wait3A_848] : memref<32x768xf32, #tpu.memory_space<vmem>> -> memref<32x768xf32, #tpu.memory_space<vmem>>
    tpu.wait_dma2 semaphore(%arg21 : memref<!tpu.dma_semaphore, #tpu.memory_space<semaphore_mem>>) src(%dma_wait3A_849 : memref<32x768xf32, #tpu.memory_space<vmem>>) dst(%dma_wait3A_842 : memref<32x768xf32, #tpu.memory_space<hbm>>)
    %dma_start3A_850 = arith.constant 0 : i32
    %dma_start3A_851 = arith.constant 0 : i32
    %dma_start3A_852 = arith.constant 0 : i32
    %dma_start3A_853 = tpu.memref_slice %arg12[%dma_start3A_850, %dma_start3A_851, %dma_start3A_852] : memref<3x32x768xf32, #tpu.memory_space<vmem>> -> memref<1x32x768xf32, #tpu.memory_space<vmem>>
    %dma_start3A_854 = tpu.memref_squeeze %dma_start3A_853 : memref<1x32x768xf32, #tpu.memory_space<vmem>> -> memref<32x768xf32, #tpu.memory_space<vmem>>
    %dma_start3A_855 = arith.constant 0 : i32
    %dma_start3A_856 = arith.constant 0 : i32
    %dma_start3A_857 = tpu.memref_slice %dma_start3A_854[%dma_start3A_855, %dma_start3A_856] : memref<32x768xf32, #tpu.memory_space<vmem>> -> memref<32x768xf32, #tpu.memory_space<vmem>>
    %dma_start3A_858 = arith.constant 224 : i32
    %dma_start3A_859 = tpu.memref_slice %arg9[%dma_start3A_858] : memref<256xi32, #tpu.memory_space<vmem>> -> memref<32xi32, #tpu.memory_space<vmem>>
    %dma_start3A_860 = arith.constant 0 : i32
    %dma_start3A_861 = arith.constant 0 : i32
    %dma_start3A_862 = tpu.memref_slice %arg5[%dma_start3A_860, %dma_start3A_861] : memref<100000x768xf32, #tpu.memory_space<hbm>> -> memref<100000x768xf32, #tpu.memory_space<hbm>>
    tpu.enqueue_indirect_dma source(%dma_start3A_862 : memref<100000x768xf32, #tpu.memory_space<hbm>>) target(%dma_start3A_857 : memref<32x768xf32, #tpu.memory_space<vmem>>) offsets(%dma_start3A_859 : memref<32xi32, #tpu.memory_space<vmem>>) semaphore(%arg16 : memref<!tpu.dma_semaphore, #tpu.memory_space<semaphore_mem>>)
    %dma_start3A_863 = arith.constant 1 : i32
    %dma_start3A_864 = arith.constant 0 : i32
    %dma_start3A_865 = arith.constant 0 : i32
    %dma_start3A_866 = tpu.memref_slice %arg13[%dma_start3A_863, %dma_start3A_864, %dma_start3A_865] : memref<2x32x768xf32, #tpu.memory_space<vmem>> -> memref<1x32x768xf32, #tpu.memory_space<vmem>>
    %dma_start3A_867 = tpu.memref_squeeze %dma_start3A_866 : memref<1x32x768xf32, #tpu.memory_space<vmem>> -> memref<32x768xf32, #tpu.memory_space<vmem>>
    %dma_start3A_868 = arith.constant 0 : i32
    %dma_start3A_869 = arith.constant 0 : i32
    %dma_start3A_870 = tpu.memref_slice %dma_start3A_867[%dma_start3A_868, %dma_start3A_869] : memref<32x768xf32, #tpu.memory_space<vmem>> -> memref<32x768xf32, #tpu.memory_space<vmem>>
    %dma_start3A_871 = arith.constant 224 : i32
    %dma_start3A_872 = tpu.memref_slice %arg10[%dma_start3A_871] : memref<256xi32, #tpu.memory_space<vmem>> -> memref<32xi32, #tpu.memory_space<vmem>>
    %dma_start3A_873 = arith.constant 0 : i32
    %dma_start3A_874 = arith.constant 0 : i32
    %dma_start3A_875 = tpu.memref_slice %arg6[%dma_start3A_873, %dma_start3A_874] : memref<2048x768xf32, #tpu.memory_space<hbm>> -> memref<2048x768xf32, #tpu.memory_space<hbm>>
    tpu.enqueue_indirect_dma source(%dma_start3A_875 : memref<2048x768xf32, #tpu.memory_space<hbm>>) target(%dma_start3A_870 : memref<32x768xf32, #tpu.memory_space<vmem>>) offsets(%dma_start3A_872 : memref<32xi32, #tpu.memory_space<vmem>>) semaphore(%arg20 : memref<!tpu.dma_semaphore, #tpu.memory_space<semaphore_mem>>)
    %parallel_loop3A_876 = arith.constant 0 : i32
    %parallel_loop3A_877 = arith.constant 32 : i32
    %parallel_loop3A_878 = arith.constant 1 : i32
    scf.for %parallel_loop3A_1051 = %parallel_loop3A_876 to %parallel_loop3A_877 step %parallel_loop3A_878  : i32 {
      %parallel_loop3A_1052 = arith.constant 192 : i32
      %parallel_loop3A_1053 = arith.addi %parallel_loop3A_1052, %parallel_loop3A_1051 : i32
      %parallel_loop3A_1054 = vector.broadcast %parallel_loop3A_1053 : i32 to vector<16xi32>
      %parallel_loop3A_1055 = tpu.vector_load_idx %arg11[%parallel_loop3A_1054] : memref<256xi32, #tpu.memory_space<vmem>>[vector<16xi32>], vector<16xi32>,
      %parallel_loop3A_1056 = arith.index_cast %parallel_loop3A_1051 : i32 to index
      %parallel_loop3A_1057 = arith.constant 0 : index
      %parallel_loop3A_1058 = tpu.vector_load %arg15[%parallel_loop3A_1056, %parallel_loop3A_1057] {strides = array<i32>} : memref<32x16xi32, #tpu.memory_space<vmem>>, vector<16xi32>,
      tpu.vector_store %arg15[%parallel_loop3A_1056, %parallel_loop3A_1057], %parallel_loop3A_1055 {strides = array<i32>} : memref<32x16xi32, #tpu.memory_space<vmem>>, vector<16xi32>,
    } {sc.loop_unroll_factor = 4 : i64, sc.parallel_access}
    %dma_wait3A_879 = arith.constant 2 : i32
    %dma_wait3A_880 = arith.constant 0 : i32
    %dma_wait3A_881 = arith.constant 0 : i32
    %dma_wait3A_882 = tpu.memref_slice %arg12[%dma_wait3A_879, %dma_wait3A_880, %dma_wait3A_881] : memref<3x32x768xf32, #tpu.memory_space<vmem>> -> memref<1x32x768xf32, #tpu.memory_space<vmem>>
    %dma_wait3A_883 = tpu.memref_squeeze %dma_wait3A_882 : memref<1x32x768xf32, #tpu.memory_space<vmem>> -> memref<32x768xf32, #tpu.memory_space<vmem>>
    %dma_wait3A_884 = arith.constant 0 : i32
    %dma_wait3A_885 = arith.constant 0 : i32
    %dma_wait3A_886 = tpu.memref_slice %dma_wait3A_883[%dma_wait3A_884, %dma_wait3A_885] : memref<32x768xf32, #tpu.memory_space<vmem>> -> memref<32x768xf32, #tpu.memory_space<vmem>>
    %dma_wait3A_887 = arith.constant 192 : i32
    %dma_wait3A_888 = tpu.memref_slice %arg9[%dma_wait3A_887] : memref<256xi32, #tpu.memory_space<vmem>> -> memref<32xi32, #tpu.memory_space<vmem>>
    %dma_wait3A_889 = arith.constant 0 : i32
    %dma_wait3A_890 = arith.constant 0 : i32
    %dma_wait3A_891 = tpu.memref_slice %arg5[%dma_wait3A_889, %dma_wait3A_890] : memref<100000x768xf32, #tpu.memory_space<hbm>> -> memref<100000x768xf32, #tpu.memory_space<hbm>>
    tpu.wait_indirect_dma semaphore(%arg18 : memref<!tpu.dma_semaphore, #tpu.memory_space<semaphore_mem>>) src(%dma_wait3A_891 : memref<100000x768xf32, #tpu.memory_space<hbm>>) dst(%dma_wait3A_886 : memref<32x768xf32, #tpu.memory_space<vmem>>)
    %dma_wait3A_892 = arith.constant 0 : i32
    %dma_wait3A_893 = arith.constant 0 : i32
    %dma_wait3A_894 = arith.constant 0 : i32
    %dma_wait3A_895 = tpu.memref_slice %arg13[%dma_wait3A_892, %dma_wait3A_893, %dma_wait3A_894] : memref<2x32x768xf32, #tpu.memory_space<vmem>> -> memref<1x32x768xf32, #tpu.memory_space<vmem>>
    %dma_wait3A_896 = tpu.memref_squeeze %dma_wait3A_895 : memref<1x32x768xf32, #tpu.memory_space<vmem>> -> memref<32x768xf32, #tpu.memory_space<vmem>>
    %dma_wait3A_897 = arith.constant 0 : i32
    %dma_wait3A_898 = arith.constant 0 : i32
    %dma_wait3A_899 = tpu.memref_slice %dma_wait3A_896[%dma_wait3A_897, %dma_wait3A_898] : memref<32x768xf32, #tpu.memory_space<vmem>> -> memref<32x768xf32, #tpu.memory_space<vmem>>
    %dma_wait3A_900 = arith.constant 192 : i32
    %dma_wait3A_901 = tpu.memref_slice %arg10[%dma_wait3A_900] : memref<256xi32, #tpu.memory_space<vmem>> -> memref<32xi32, #tpu.memory_space<vmem>>
    %dma_wait3A_902 = arith.constant 0 : i32
    %dma_wait3A_903 = arith.constant 0 : i32
    %dma_wait3A_904 = tpu.memref_slice %arg6[%dma_wait3A_902, %dma_wait3A_903] : memref<2048x768xf32, #tpu.memory_space<hbm>> -> memref<2048x768xf32, #tpu.memory_space<hbm>>
    tpu.wait_indirect_dma semaphore(%arg19 : memref<!tpu.dma_semaphore, #tpu.memory_space<semaphore_mem>>) src(%dma_wait3A_904 : memref<2048x768xf32, #tpu.memory_space<hbm>>) dst(%dma_wait3A_899 : memref<32x768xf32, #tpu.memory_space<vmem>>)
    %scan3A_905 = arith.constant 2 : i32
    %scan3A_906 = arith.constant 0 : i32
    %scan3A_907 = arith.constant 0 : i32
    %scan3A_908 = arith.constant 0 : i32
    %scan3A_909 = arith.constant 48 : i32
    %scan3A_910 = arith.addi %scan3A_908, %scan3A_909 : i32
    %scan3A_911 = arith.constant 1 : i32
    %scan3A_912 = scf.for %scan3A_1051 = %scan3A_908 to %scan3A_910 step %scan3A_911 iter_args(%scan3A_1052 = %scan3A_907) -> (i32)  : i32 {
      %mul3A_1053 = arith.constant 16 : i32
      %mul3A_1054 = arith.muli %scan3A_1051, %mul3A_1053 : i32
      %get3A = arith.constant 0 : i32
      %get3A_1055 = arith.index_cast %get3A : i32 to index
      %get3A_1056 = arith.index_cast %mul3A_1054 : i32 to index
      %get3A_1057 = tpu.vector_load %arg14[%get3A_1055, %get3A_1056] {strides = array<i32>} : memref<2x768xf32, #tpu.memory_space<vmem>>, vector<16xf32>,
      %get3A_1058 = arith.constant 1 : i32
      %get3A_1059 = arith.index_cast %get3A_1058 : i32 to index
      %get3A_1060 = arith.index_cast %mul3A_1054 : i32 to index
      %get3A_1061 = tpu.vector_load %arg14[%get3A_1059, %get3A_1060] {strides = array<i32>} : memref<2x768xf32, #tpu.memory_space<vmem>>, vector<16xf32>,
      %parallel_loop3A_1062 = arith.constant 0 : i32
      %parallel_loop3A_1063 = arith.constant 32 : i32
      %parallel_loop3A_1064 = arith.constant 1 : i32
      scf.for %parallel_loop3A_1066 = %parallel_loop3A_1062 to %parallel_loop3A_1063 step %parallel_loop3A_1064  : i32 {
        %parallel_loop3A_1067 = arith.constant 0 : i32
        %parallel_loop3A_1068 = arith.constant 0 : i32
        %parallel_loop3A_1069 = tpu.memref_slice %arg12[%scan3A_905, %parallel_loop3A_1067, %parallel_loop3A_1068] : memref<3x32x768xf32, #tpu.memory_space<vmem>> -> memref<1x32x768xf32, #tpu.memory_space<vmem>>
        %parallel_loop3A_1070 = tpu.memref_squeeze %parallel_loop3A_1069 : memref<1x32x768xf32, #tpu.memory_space<vmem>> -> memref<32x768xf32, #tpu.memory_space<vmem>>
        %parallel_loop3A_1071 = arith.index_cast %parallel_loop3A_1066 : i32 to index
        %parallel_loop3A_1072 = arith.index_cast %mul3A_1054 : i32 to index
        %parallel_loop3A_1073 = tpu.vector_load %parallel_loop3A_1070[%parallel_loop3A_1071, %parallel_loop3A_1072] {strides = array<i32>} : memref<32x768xf32, #tpu.memory_space<vmem>>, vector<16xf32>,
        %parallel_loop3A_1074 = arith.constant 0 : i32
        %parallel_loop3A_1075 = arith.constant 0 : i32
        %parallel_loop3A_1076 = tpu.memref_slice %arg13[%scan3A_906, %parallel_loop3A_1074, %parallel_loop3A_1075] : memref<2x32x768xf32, #tpu.memory_space<vmem>> -> memref<1x32x768xf32, #tpu.memory_space<vmem>>
        %parallel_loop3A_1077 = tpu.memref_squeeze %parallel_loop3A_1076 : memref<1x32x768xf32, #tpu.memory_space<vmem>> -> memref<32x768xf32, #tpu.memory_space<vmem>>
        %parallel_loop3A_1078 = arith.index_cast %parallel_loop3A_1066 : i32 to index
        %parallel_loop3A_1079 = arith.index_cast %mul3A_1054 : i32 to index
        %parallel_loop3A_1080 = tpu.vector_load %parallel_loop3A_1077[%parallel_loop3A_1078, %parallel_loop3A_1079] {strides = array<i32>} : memref<32x768xf32, #tpu.memory_space<vmem>>, vector<16xf32>,
        %parallel_loop3A_1081 = arith.index_cast %parallel_loop3A_1066 : i32 to index
        %parallel_loop3A_1082 = arith.constant 0 : index
        %parallel_loop3A_1083 = tpu.vector_load %arg15[%parallel_loop3A_1081, %parallel_loop3A_1082] {strides = array<i32>} : memref<32x16xi32, #tpu.memory_space<vmem>>, vector<16xi32>,
        %parallel_loop3A_1084 = arith.addf %parallel_loop3A_1073, %parallel_loop3A_1080 : vector<16xf32>
        %parallel_loop3A_1085 = arith.constant 0 : i32
        %parallel_loop3A_1086 = vector.broadcast %parallel_loop3A_1085 : i32 to vector<16xi32>
        %parallel_loop3A_1087 = arith.cmpi ne, %parallel_loop3A_1083, %parallel_loop3A_1086 : vector<16xi32>
        %parallel_loop3A_1088 = arith.select %parallel_loop3A_1087, %get3A_1061, %get3A_1057 : vector<16xi1>, vector<16xf32>
        %parallel_loop3A_1089 = arith.addf %parallel_loop3A_1084, %parallel_loop3A_1088 : vector<16xf32>
        %parallel_loop3A_1090 = arith.constant 0 : i32
        %parallel_loop3A_1091 = arith.constant 0 : i32
        %parallel_loop3A_1092 = tpu.memref_slice %arg12[%scan3A_905, %parallel_loop3A_1090, %parallel_loop3A_1091] : memref<3x32x768xf32, #tpu.memory_space<vmem>> -> memref<1x32x768xf32, #tpu.memory_space<vmem>>
        %parallel_loop3A_1093 = tpu.memref_squeeze %parallel_loop3A_1092 : memref<1x32x768xf32, #tpu.memory_space<vmem>> -> memref<32x768xf32, #tpu.memory_space<vmem>>
        %parallel_loop3A_1094 = arith.index_cast %parallel_loop3A_1066 : i32 to index
        %parallel_loop3A_1095 = arith.index_cast %mul3A_1054 : i32 to index
        %parallel_loop3A_1096 = tpu.vector_load %parallel_loop3A_1093[%parallel_loop3A_1094, %parallel_loop3A_1095] {strides = array<i32>} : memref<32x768xf32, #tpu.memory_space<vmem>>, vector<16xf32>,
        tpu.vector_store %parallel_loop3A_1093[%parallel_loop3A_1094, %parallel_loop3A_1095], %parallel_loop3A_1089 {strides = array<i32>} : memref<32x768xf32, #tpu.memory_space<vmem>>, vector<16xf32>,
      } {sc.loop_unroll_factor = 8 : i64, sc.parallel_access}
      %scan3A_1065 = arith.constant 0 : i32
      scf.yield %scan3A_1065 : i32
    }
    %scan3A_913 = arith.constant 48 : i32
    %add3A_914 = arith.constant 192 : i32
    %add3A_915 = arith.addi %mul3A_2, %add3A_914 : i32
    %dma_start3A_916 = arith.constant 2 : i32
    %dma_start3A_917 = arith.constant 0 : i32
    %dma_start3A_918 = arith.constant 0 : i32
    %dma_start3A_919 = tpu.memref_slice %arg12[%dma_start3A_916, %dma_start3A_917, %dma_start3A_918] : memref<3x32x768xf32, #tpu.memory_space<vmem>> -> memref<1x32x768xf32, #tpu.memory_space<vmem>>
    %dma_start3A_920 = tpu.memref_squeeze %dma_start3A_919 : memref<1x32x768xf32, #tpu.memory_space<vmem>> -> memref<32x768xf32, #tpu.memory_space<vmem>>
    %dma_start3A_921 = arith.constant 0 : i32
    %dma_start3A_922 = arith.constant 0 : i32
    %dma_start3A_923 = tpu.memref_slice %dma_start3A_920[%dma_start3A_921, %dma_start3A_922] : memref<32x768xf32, #tpu.memory_space<vmem>> -> memref<32x768xf32, #tpu.memory_space<vmem>>
    %dma_start3A_924 = arith.constant 0 : i32
    %dma_start3A_925 = tpu.memref_slice %arg8[%add3A_915, %dma_start3A_924] : memref<8192x768xf32, #tpu.memory_space<hbm>> -> memref<32x768xf32, #tpu.memory_space<hbm>>
    %dma_start3A_926 = arith.constant 0 : i32
    %dma_start3A_927 = tpu.memref_slice %arg8[%add3A_915, %dma_start3A_926] : memref<8192x768xf32, #tpu.memory_space<hbm>> -> memref<32x768xf32, #tpu.memory_space<hbm>>
    %dma_start3A_928 = arith.constant 0 : i32
    %dma_start3A_929 = arith.constant 0 : i32
    %dma_start3A_930 = tpu.memref_slice %arg12[%dma_start3A_916, %dma_start3A_928, %dma_start3A_929] : memref<3x32x768xf32, #tpu.memory_space<vmem>> -> memref<1x32x768xf32, #tpu.memory_space<vmem>>
    %dma_start3A_931 = tpu.memref_squeeze %dma_start3A_930 : memref<1x32x768xf32, #tpu.memory_space<vmem>> -> memref<32x768xf32, #tpu.memory_space<vmem>>
    %dma_start3A_932 = arith.constant 0 : i32
    %dma_start3A_933 = arith.constant 0 : i32
    %dma_start3A_934 = tpu.memref_slice %dma_start3A_931[%dma_start3A_932, %dma_start3A_933] : memref<32x768xf32, #tpu.memory_space<vmem>> -> memref<32x768xf32, #tpu.memory_space<vmem>>
    tpu.enqueue_dma source(%dma_start3A_934 : memref<32x768xf32, #tpu.memory_space<vmem>>) target(%dma_start3A_927 : memref<32x768xf32, #tpu.memory_space<hbm>>) target_semaphore(%arg23 : memref<!tpu.dma_semaphore, #tpu.memory_space<semaphore_mem>>)
    %parallel_loop3A_935 = arith.constant 0 : i32
    %parallel_loop3A_936 = arith.constant 32 : i32
    %parallel_loop3A_937 = arith.constant 1 : i32
    scf.for %parallel_loop3A_1051 = %parallel_loop3A_935 to %parallel_loop3A_936 step %parallel_loop3A_937  : i32 {
      %parallel_loop3A_1052 = arith.constant 224 : i32
      %parallel_loop3A_1053 = arith.addi %parallel_loop3A_1052, %parallel_loop3A_1051 : i32
      %parallel_loop3A_1054 = vector.broadcast %parallel_loop3A_1053 : i32 to vector<16xi32>
      %parallel_loop3A_1055 = tpu.vector_load_idx %arg11[%parallel_loop3A_1054] : memref<256xi32, #tpu.memory_space<vmem>>[vector<16xi32>], vector<16xi32>,
      %parallel_loop3A_1056 = arith.index_cast %parallel_loop3A_1051 : i32 to index
      %parallel_loop3A_1057 = arith.constant 0 : index
      %parallel_loop3A_1058 = tpu.vector_load %arg15[%parallel_loop3A_1056, %parallel_loop3A_1057] {strides = array<i32>} : memref<32x16xi32, #tpu.memory_space<vmem>>, vector<16xi32>,
      tpu.vector_store %arg15[%parallel_loop3A_1056, %parallel_loop3A_1057], %parallel_loop3A_1055 {strides = array<i32>} : memref<32x16xi32, #tpu.memory_space<vmem>>, vector<16xi32>,
    } {sc.loop_unroll_factor = 4 : i64, sc.parallel_access}
    %dma_wait3A_938 = arith.constant 0 : i32
    %dma_wait3A_939 = arith.constant 0 : i32
    %dma_wait3A_940 = arith.constant 0 : i32
    %dma_wait3A_941 = tpu.memref_slice %arg12[%dma_wait3A_938, %dma_wait3A_939, %dma_wait3A_940] : memref<3x32x768xf32, #tpu.memory_space<vmem>> -> memref<1x32x768xf32, #tpu.memory_space<vmem>>
    %dma_wait3A_942 = tpu.memref_squeeze %dma_wait3A_941 : memref<1x32x768xf32, #tpu.memory_space<vmem>> -> memref<32x768xf32, #tpu.memory_space<vmem>>
    %dma_wait3A_943 = arith.constant 0 : i32
    %dma_wait3A_944 = arith.constant 0 : i32
    %dma_wait3A_945 = tpu.memref_slice %dma_wait3A_942[%dma_wait3A_943, %dma_wait3A_944] : memref<32x768xf32, #tpu.memory_space<vmem>> -> memref<32x768xf32, #tpu.memory_space<vmem>>
    %dma_wait3A_946 = arith.constant 224 : i32
    %dma_wait3A_947 = tpu.memref_slice %arg9[%dma_wait3A_946] : memref<256xi32, #tpu.memory_space<vmem>> -> memref<32xi32, #tpu.memory_space<vmem>>
    %dma_wait3A_948 = arith.constant 0 : i32
    %dma_wait3A_949 = arith.constant 0 : i32
    %dma_wait3A_950 = tpu.memref_slice %arg5[%dma_wait3A_948, %dma_wait3A_949] : memref<100000x768xf32, #tpu.memory_space<hbm>> -> memref<100000x768xf32, #tpu.memory_space<hbm>>
    tpu.wait_indirect_dma semaphore(%arg16 : memref<!tpu.dma_semaphore, #tpu.memory_space<semaphore_mem>>) src(%dma_wait3A_950 : memref<100000x768xf32, #tpu.memory_space<hbm>>) dst(%dma_wait3A_945 : memref<32x768xf32, #tpu.memory_space<vmem>>)
    %dma_wait3A_951 = arith.constant 1 : i32
    %dma_wait3A_952 = arith.constant 0 : i32
    %dma_wait3A_953 = arith.constant 0 : i32
    %dma_wait3A_954 = tpu.memref_slice %arg13[%dma_wait3A_951, %dma_wait3A_952, %dma_wait3A_953] : memref<2x32x768xf32, #tpu.memory_space<vmem>> -> memref<1x32x768xf32, #tpu.memory_space<vmem>>
    %dma_wait3A_955 = tpu.memref_squeeze %dma_wait3A_954 : memref<1x32x768xf32, #tpu.memory_space<vmem>> -> memref<32x768xf32, #tpu.memory_space<vmem>>
    %dma_wait3A_956 = arith.constant 0 : i32
    %dma_wait3A_957 = arith.constant 0 : i32
    %dma_wait3A_958 = tpu.memref_slice %dma_wait3A_955[%dma_wait3A_956, %dma_wait3A_957] : memref<32x768xf32, #tpu.memory_space<vmem>> -> memref<32x768xf32, #tpu.memory_space<vmem>>
    %dma_wait3A_959 = arith.constant 224 : i32
    %dma_wait3A_960 = tpu.memref_slice %arg10[%dma_wait3A_959] : memref<256xi32, #tpu.memory_space<vmem>> -> memref<32xi32, #tpu.memory_space<vmem>>
    %dma_wait3A_961 = arith.constant 0 : i32
    %dma_wait3A_962 = arith.constant 0 : i32
    %dma_wait3A_963 = tpu.memref_slice %arg6[%dma_wait3A_961, %dma_wait3A_962] : memref<2048x768xf32, #tpu.memory_space<hbm>> -> memref<2048x768xf32, #tpu.memory_space<hbm>>
    tpu.wait_indirect_dma semaphore(%arg20 : memref<!tpu.dma_semaphore, #tpu.memory_space<semaphore_mem>>) src(%dma_wait3A_963 : memref<2048x768xf32, #tpu.memory_space<hbm>>) dst(%dma_wait3A_958 : memref<32x768xf32, #tpu.memory_space<vmem>>)
    %scan3A_964 = arith.constant 0 : i32
    %scan3A_965 = arith.constant 1 : i32
    %scan3A_966 = arith.constant 0 : i32
    %scan3A_967 = arith.constant 0 : i32
    %scan3A_968 = arith.constant 48 : i32
    %scan3A_969 = arith.addi %scan3A_967, %scan3A_968 : i32
    %scan3A_970 = arith.constant 1 : i32
    %scan3A_971 = scf.for %scan3A_1051 = %scan3A_967 to %scan3A_969 step %scan3A_970 iter_args(%scan3A_1052 = %scan3A_966) -> (i32)  : i32 {
      %mul3A_1053 = arith.constant 16 : i32
      %mul3A_1054 = arith.muli %scan3A_1051, %mul3A_1053 : i32
      %get3A = arith.constant 0 : i32
      %get3A_1055 = arith.index_cast %get3A : i32 to index
      %get3A_1056 = arith.index_cast %mul3A_1054 : i32 to index
      %get3A_1057 = tpu.vector_load %arg14[%get3A_1055, %get3A_1056] {strides = array<i32>} : memref<2x768xf32, #tpu.memory_space<vmem>>, vector<16xf32>,
      %get3A_1058 = arith.constant 1 : i32
      %get3A_1059 = arith.index_cast %get3A_1058 : i32 to index
      %get3A_1060 = arith.index_cast %mul3A_1054 : i32 to index
      %get3A_1061 = tpu.vector_load %arg14[%get3A_1059, %get3A_1060] {strides = array<i32>} : memref<2x768xf32, #tpu.memory_space<vmem>>, vector<16xf32>,
      %parallel_loop3A_1062 = arith.constant 0 : i32
      %parallel_loop3A_1063 = arith.constant 32 : i32
      %parallel_loop3A_1064 = arith.constant 1 : i32
      scf.for %parallel_loop3A_1066 = %parallel_loop3A_1062 to %parallel_loop3A_1063 step %parallel_loop3A_1064  : i32 {
        %parallel_loop3A_1067 = arith.constant 0 : i32
        %parallel_loop3A_1068 = arith.constant 0 : i32
        %parallel_loop3A_1069 = tpu.memref_slice %arg12[%scan3A_964, %parallel_loop3A_1067, %parallel_loop3A_1068] : memref<3x32x768xf32, #tpu.memory_space<vmem>> -> memref<1x32x768xf32, #tpu.memory_space<vmem>>
        %parallel_loop3A_1070 = tpu.memref_squeeze %parallel_loop3A_1069 : memref<1x32x768xf32, #tpu.memory_space<vmem>> -> memref<32x768xf32, #tpu.memory_space<vmem>>
        %parallel_loop3A_1071 = arith.index_cast %parallel_loop3A_1066 : i32 to index
        %parallel_loop3A_1072 = arith.index_cast %mul3A_1054 : i32 to index
        %parallel_loop3A_1073 = tpu.vector_load %parallel_loop3A_1070[%parallel_loop3A_1071, %parallel_loop3A_1072] {strides = array<i32>} : memref<32x768xf32, #tpu.memory_space<vmem>>, vector<16xf32>,
        %parallel_loop3A_1074 = arith.constant 0 : i32
        %parallel_loop3A_1075 = arith.constant 0 : i32
        %parallel_loop3A_1076 = tpu.memref_slice %arg13[%scan3A_965, %parallel_loop3A_1074, %parallel_loop3A_1075] : memref<2x32x768xf32, #tpu.memory_space<vmem>> -> memref<1x32x768xf32, #tpu.memory_space<vmem>>
        %parallel_loop3A_1077 = tpu.memref_squeeze %parallel_loop3A_1076 : memref<1x32x768xf32, #tpu.memory_space<vmem>> -> memref<32x768xf32, #tpu.memory_space<vmem>>
        %parallel_loop3A_1078 = arith.index_cast %parallel_loop3A_1066 : i32 to index
        %parallel_loop3A_1079 = arith.index_cast %mul3A_1054 : i32 to index
        %parallel_loop3A_1080 = tpu.vector_load %parallel_loop3A_1077[%parallel_loop3A_1078, %parallel_loop3A_1079] {strides = array<i32>} : memref<32x768xf32, #tpu.memory_space<vmem>>, vector<16xf32>,
        %parallel_loop3A_1081 = arith.index_cast %parallel_loop3A_1066 : i32 to index
        %parallel_loop3A_1082 = arith.constant 0 : index
        %parallel_loop3A_1083 = tpu.vector_load %arg15[%parallel_loop3A_1081, %parallel_loop3A_1082] {strides = array<i32>} : memref<32x16xi32, #tpu.memory_space<vmem>>, vector<16xi32>,
        %parallel_loop3A_1084 = arith.addf %parallel_loop3A_1073, %parallel_loop3A_1080 : vector<16xf32>
        %parallel_loop3A_1085 = arith.constant 0 : i32
        %parallel_loop3A_1086 = vector.broadcast %parallel_loop3A_1085 : i32 to vector<16xi32>
        %parallel_loop3A_1087 = arith.cmpi ne, %parallel_loop3A_1083, %parallel_loop3A_1086 : vector<16xi32>
        %parallel_loop3A_1088 = arith.select %parallel_loop3A_1087, %get3A_1061, %get3A_1057 : vector<16xi1>, vector<16xf32>
        %parallel_loop3A_1089 = arith.addf %parallel_loop3A_1084, %parallel_loop3A_1088 : vector<16xf32>
        %parallel_loop3A_1090 = arith.constant 0 : i32
        %parallel_loop3A_1091 = arith.constant 0 : i32
        %parallel_loop3A_1092 = tpu.memref_slice %arg12[%scan3A_964, %parallel_loop3A_1090, %parallel_loop3A_1091] : memref<3x32x768xf32, #tpu.memory_space<vmem>> -> memref<1x32x768xf32, #tpu.memory_space<vmem>>
        %parallel_loop3A_1093 = tpu.memref_squeeze %parallel_loop3A_1092 : memref<1x32x768xf32, #tpu.memory_space<vmem>> -> memref<32x768xf32, #tpu.memory_space<vmem>>
        %parallel_loop3A_1094 = arith.index_cast %parallel_loop3A_1066 : i32 to index
        %parallel_loop3A_1095 = arith.index_cast %mul3A_1054 : i32 to index
        %parallel_loop3A_1096 = tpu.vector_load %parallel_loop3A_1093[%parallel_loop3A_1094, %parallel_loop3A_1095] {strides = array<i32>} : memref<32x768xf32, #tpu.memory_space<vmem>>, vector<16xf32>,
        tpu.vector_store %parallel_loop3A_1093[%parallel_loop3A_1094, %parallel_loop3A_1095], %parallel_loop3A_1089 {strides = array<i32>} : memref<32x768xf32, #tpu.memory_space<vmem>>, vector<16xf32>,
      } {sc.loop_unroll_factor = 8 : i64, sc.parallel_access}
      %scan3A_1065 = arith.constant 0 : i32
      scf.yield %scan3A_1065 : i32
    }
    %scan3A_972 = arith.constant 48 : i32
    %add3A_973 = arith.constant 224 : i32
    %add3A_974 = arith.addi %mul3A_2, %add3A_973 : i32
    %dma_start3A_975 = arith.constant 0 : i32
    %dma_start3A_976 = arith.constant 0 : i32
    %dma_start3A_977 = arith.constant 0 : i32
    %dma_start3A_978 = tpu.memref_slice %arg12[%dma_start3A_975, %dma_start3A_976, %dma_start3A_977] : memref<3x32x768xf32, #tpu.memory_space<vmem>> -> memref<1x32x768xf32, #tpu.memory_space<vmem>>
    %dma_start3A_979 = tpu.memref_squeeze %dma_start3A_978 : memref<1x32x768xf32, #tpu.memory_space<vmem>> -> memref<32x768xf32, #tpu.memory_space<vmem>>
    %dma_start3A_980 = arith.constant 0 : i32
    %dma_start3A_981 = arith.constant 0 : i32
    %dma_start3A_982 = tpu.memref_slice %dma_start3A_979[%dma_start3A_980, %dma_start3A_981] : memref<32x768xf32, #tpu.memory_space<vmem>> -> memref<32x768xf32, #tpu.memory_space<vmem>>
    %dma_start3A_983 = arith.constant 0 : i32
    %dma_start3A_984 = tpu.memref_slice %arg8[%add3A_974, %dma_start3A_983] : memref<8192x768xf32, #tpu.memory_space<hbm>> -> memref<32x768xf32, #tpu.memory_space<hbm>>
    %dma_start3A_985 = arith.constant 0 : i32
    %dma_start3A_986 = tpu.memref_slice %arg8[%add3A_974, %dma_start3A_985] : memref<8192x768xf32, #tpu.memory_space<hbm>> -> memref<32x768xf32, #tpu.memory_space<hbm>>
    %dma_start3A_987 = arith.constant 0 : i32
    %dma_start3A_988 = arith.constant 0 : i32
    %dma_start3A_989 = tpu.memref_slice %arg12[%dma_start3A_975, %dma_start3A_987, %dma_start3A_988] : memref<3x32x768xf32, #tpu.memory_space<vmem>> -> memref<1x32x768xf32, #tpu.memory_space<vmem>>
    %dma_start3A_990 = tpu.memref_squeeze %dma_start3A_989 : memref<1x32x768xf32, #tpu.memory_space<vmem>> -> memref<32x768xf32, #tpu.memory_space<vmem>>
    %dma_start3A_991 = arith.constant 0 : i32
    %dma_start3A_992 = arith.constant 0 : i32
    %dma_start3A_993 = tpu.memref_slice %dma_start3A_990[%dma_start3A_991, %dma_start3A_992] : memref<32x768xf32, #tpu.memory_space<vmem>> -> memref<32x768xf32, #tpu.memory_space<vmem>>
    tpu.enqueue_dma source(%dma_start3A_993 : memref<32x768xf32, #tpu.memory_space<vmem>>) target(%dma_start3A_986 : memref<32x768xf32, #tpu.memory_space<hbm>>) target_semaphore(%arg21 : memref<!tpu.dma_semaphore, #tpu.memory_space<semaphore_mem>>)
    %dma_wait3A_994 = arith.constant 1 : i32
    %dma_wait3A_995 = arith.constant 0 : i32
    %dma_wait3A_996 = arith.constant 0 : i32
    %dma_wait3A_997 = tpu.memref_slice %arg12[%dma_wait3A_994, %dma_wait3A_995, %dma_wait3A_996] : memref<3x32x768xf32, #tpu.memory_space<vmem>> -> memref<1x32x768xf32, #tpu.memory_space<vmem>>
    %dma_wait3A_998 = tpu.memref_squeeze %dma_wait3A_997 : memref<1x32x768xf32, #tpu.memory_space<vmem>> -> memref<32x768xf32, #tpu.memory_space<vmem>>
    %dma_wait3A_999 = arith.constant 0 : i32
    %dma_wait3A_1000 = arith.constant 0 : i32
    %dma_wait3A_1001 = tpu.memref_slice %dma_wait3A_998[%dma_wait3A_999, %dma_wait3A_1000] : memref<32x768xf32, #tpu.memory_space<vmem>> -> memref<32x768xf32, #tpu.memory_space<vmem>>
    %dma_wait3A_1002 = arith.constant 0 : i32
    %dma_wait3A_1003 = tpu.memref_slice %arg8[%add3A_811, %dma_wait3A_1002] : memref<8192x768xf32, #tpu.memory_space<hbm>> -> memref<32x768xf32, #tpu.memory_space<hbm>>
    %dma_wait3A_1004 = arith.constant 0 : i32
    %dma_wait3A_1005 = tpu.memref_slice %arg8[%add3A_811, %dma_wait3A_1004] : memref<8192x768xf32, #tpu.memory_space<hbm>> -> memref<32x768xf32, #tpu.memory_space<hbm>>
    %dma_wait3A_1006 = arith.constant 0 : i32
    %dma_wait3A_1007 = arith.constant 0 : i32
    %dma_wait3A_1008 = tpu.memref_slice %arg12[%dma_wait3A_994, %dma_wait3A_1006, %dma_wait3A_1007] : memref<3x32x768xf32, #tpu.memory_space<vmem>> -> memref<1x32x768xf32, #tpu.memory_space<vmem>>
    %dma_wait3A_1009 = tpu.memref_squeeze %dma_wait3A_1008 : memref<1x32x768xf32, #tpu.memory_space<vmem>> -> memref<32x768xf32, #tpu.memory_space<vmem>>
    %dma_wait3A_1010 = arith.constant 0 : i32
    %dma_wait3A_1011 = arith.constant 0 : i32
    %dma_wait3A_1012 = tpu.memref_slice %dma_wait3A_1009[%dma_wait3A_1010, %dma_wait3A_1011] : memref<32x768xf32, #tpu.memory_space<vmem>> -> memref<32x768xf32, #tpu.memory_space<vmem>>
    tpu.wait_dma2 semaphore(%arg22 : memref<!tpu.dma_semaphore, #tpu.memory_space<semaphore_mem>>) src(%dma_wait3A_1012 : memref<32x768xf32, #tpu.memory_space<vmem>>) dst(%dma_wait3A_1005 : memref<32x768xf32, #tpu.memory_space<hbm>>)
    %dma_wait3A_1013 = arith.constant 2 : i32
    %dma_wait3A_1014 = arith.constant 0 : i32
    %dma_wait3A_1015 = arith.constant 0 : i32
    %dma_wait3A_1016 = tpu.memref_slice %arg12[%dma_wait3A_1013, %dma_wait3A_1014, %dma_wait3A_1015] : memref<3x32x768xf32, #tpu.memory_space<vmem>> -> memref<1x32x768xf32, #tpu.memory_space<vmem>>
    %dma_wait3A_1017 = tpu.memref_squeeze %dma_wait3A_1016 : memref<1x32x768xf32, #tpu.memory_space<vmem>> -> memref<32x768xf32, #tpu.memory_space<vmem>>
    %dma_wait3A_1018 = arith.constant 0 : i32
    %dma_wait3A_1019 = arith.constant 0 : i32
    %dma_wait3A_1020 = tpu.memref_slice %dma_wait3A_1017[%dma_wait3A_1018, %dma_wait3A_1019] : memref<32x768xf32, #tpu.memory_space<vmem>> -> memref<32x768xf32, #tpu.memory_space<vmem>>
    %dma_wait3A_1021 = arith.constant 0 : i32
    %dma_wait3A_1022 = tpu.memref_slice %arg8[%add3A_915, %dma_wait3A_1021] : memref<8192x768xf32, #tpu.memory_space<hbm>> -> memref<32x768xf32, #tpu.memory_space<hbm>>
    %dma_wait3A_1023 = arith.constant 0 : i32
    %dma_wait3A_1024 = tpu.memref_slice %arg8[%add3A_915, %dma_wait3A_1023] : memref<8192x768xf32, #tpu.memory_space<hbm>> -> memref<32x768xf32, #tpu.memory_space<hbm>>
    %dma_wait3A_1025 = arith.constant 0 : i32
    %dma_wait3A_1026 = arith.constant 0 : i32
    %dma_wait3A_1027 = tpu.memref_slice %arg12[%dma_wait3A_1013, %dma_wait3A_1025, %dma_wait3A_1026] : memref<3x32x768xf32, #tpu.memory_space<vmem>> -> memref<1x32x768xf32, #tpu.memory_space<vmem>>
    %dma_wait3A_1028 = tpu.memref_squeeze %dma_wait3A_1027 : memref<1x32x768xf32, #tpu.memory_space<vmem>> -> memref<32x768xf32, #tpu.memory_space<vmem>>
    %dma_wait3A_1029 = arith.constant 0 : i32
    %dma_wait3A_1030 = arith.constant 0 : i32
    %dma_wait3A_1031 = tpu.memref_slice %dma_wait3A_1028[%dma_wait3A_1029, %dma_wait3A_1030] : memref<32x768xf32, #tpu.memory_space<vmem>> -> memref<32x768xf32, #tpu.memory_space<vmem>>
    tpu.wait_dma2 semaphore(%arg23 : memref<!tpu.dma_semaphore, #tpu.memory_space<semaphore_mem>>) src(%dma_wait3A_1031 : memref<32x768xf32, #tpu.memory_space<vmem>>) dst(%dma_wait3A_1024 : memref<32x768xf32, #tpu.memory_space<hbm>>)
    %dma_wait3A_1032 = arith.constant 0 : i32
    %dma_wait3A_1033 = arith.constant 0 : i32
    %dma_wait3A_1034 = arith.constant 0 : i32
    %dma_wait3A_1035 = tpu.memref_slice %arg12[%dma_wait3A_1032, %dma_wait3A_1033, %dma_wait3A_1034] : memref<3x32x768xf32, #tpu.memory_space<vmem>> -> memref<1x32x768xf32, #tpu.memory_space<vmem>>
    %dma_wait3A_1036 = tpu.memref_squeeze %dma_wait3A_1035 : memref<1x32x768xf32, #tpu.memory_space<vmem>> -> memref<32x768xf32, #tpu.memory_space<vmem>>
    %dma_wait3A_1037 = arith.constant 0 : i32
    %dma_wait3A_1038 = arith.constant 0 : i32
    %dma_wait3A_1039 = tpu.memref_slice %dma_wait3A_1036[%dma_wait3A_1037, %dma_wait3A_1038] : memref<32x768xf32, #tpu.memory_space<vmem>> -> memref<32x768xf32, #tpu.memory_space<vmem>>
    %dma_wait3A_1040 = arith.constant 0 : i32
    %dma_wait3A_1041 = tpu.memref_slice %arg8[%add3A_974, %dma_wait3A_1040] : memref<8192x768xf32, #tpu.memory_space<hbm>> -> memref<32x768xf32, #tpu.memory_space<hbm>>
    %dma_wait3A_1042 = arith.constant 0 : i32
    %dma_wait3A_1043 = tpu.memref_slice %arg8[%add3A_974, %dma_wait3A_1042] : memref<8192x768xf32, #tpu.memory_space<hbm>> -> memref<32x768xf32, #tpu.memory_space<hbm>>
    %dma_wait3A_1044 = arith.constant 0 : i32
    %dma_wait3A_1045 = arith.constant 0 : i32
    %dma_wait3A_1046 = tpu.memref_slice %arg12[%dma_wait3A_1032, %dma_wait3A_1044, %dma_wait3A_1045] : memref<3x32x768xf32, #tpu.memory_space<vmem>> -> memref<1x32x768xf32, #tpu.memory_space<vmem>>
    %dma_wait3A_1047 = tpu.memref_squeeze %dma_wait3A_1046 : memref<1x32x768xf32, #tpu.memory_space<vmem>> -> memref<32x768xf32, #tpu.memory_space<vmem>>
    %dma_wait3A_1048 = arith.constant 0 : i32
    %dma_wait3A_1049 = arith.constant 0 : i32
    %dma_wait3A_1050 = tpu.memref_slice %dma_wait3A_1047[%dma_wait3A_1048, %dma_wait3A_1049] : memref<32x768xf32, #tpu.memory_space<vmem>> -> memref<32x768xf32, #tpu.memory_space<vmem>>
    tpu.wait_dma2 semaphore(%arg21 : memref<!tpu.dma_semaphore, #tpu.memory_space<semaphore_mem>>) src(%dma_wait3A_1050 : memref<32x768xf32, #tpu.memory_space<vmem>>) dst(%dma_wait3A_1043 : memref<32x768xf32, #tpu.memory_space<hbm>>)
    return
  }
}

</mosaic_0001>

<sc_bundles>
// kernel: kernel.3.cloned.1.call-start
scs
__scs_entry_jumppad:
0x0: {  	(pc) =	sbr.rel $0x88, $3  }
0x1: {  	(tag) =	ssettag $0x0;
	lr =	simm.s32 $0x1  }
0x2: {  	[smem:$0x3F9B] =	sst lr;
	_ =	strace $0xD0000000  }
0x3: {  	_ = 	snop  }
0x4: {  	_ = 	snop  }
0x5: {  	_ = 	snop  }
0x6: {  	_ = 	snop  }
0x7: {  	_ = 	snop  }
__scs_overlays_trampoline_lowered:
0x8: {  	[smem:$0x3FAA] =	sst s0  }
0x9: {  	[smem:$0x3FAB] =	sst s1  }
0xa: {  	[smem:$0x3FAC] =	sst s2  }
0xb: {  	[smem:$0x3FAD] =	sst s3  }
0xc: {  	[smem:$0x3FAE] =	sst s4  }
0xd: {  	[smem:$0x3FAF] =	sst s5  }
0xe: {  	[smem:$0x3FB0] =	sst s6  }
0xf: {  	[smem:$0x3FB1] =	sst s7  }
0x10: {  	[smem:$0x3FB2] =	sst s8  }
0x11: {  	[smem:$0x3FB3] =	sst s9;
	s0 =	simm.s32 @!p0 $0x0  }
0x12: {  	s1 =	sld [smem:$0x3F99];
	s0 =	simm.s32 @p0 $0x1  }
0x13: {  	[smem:$0x3FB4] =	sst s0;
	s0 =	simm.s32 @!p1 $0x0  }
0x14: {  	s2 =	sld [smem:$0x3F98];
	s0 =	simm.s32 @p1 $0x1  }
0x15: {  	[smem:$0x3FB5] =	sst s0;
	s0 =	simm.s32 @!p2 $0x0  }
0x16: {  	s3 =	sld [smem:$0x3FDB];
	s0 =	simm.s32 @p2 $0x1  }
0x17: {  	s4 =	simm.s32 $0x1BF5;
	[smem:$0x3FB7] =	sst s0  }
0x18: {  	s0 =	sld [smem:$0x3F9A];
	_ =	swait.ge [sflag:s4], $0x0  }
0x19: {  	s7 =	sld [smem:$0x3F9B]  }
0x1a: {  	s8 =	sadd.s32 $0xFFFFE003, lr  }
0x1b: {  	s9 =	sadd.s32 $0xFFFFFEF7, lr;
	s5 =	simm.s32 $0xFFFFFFFF;
	p2 =	slt.u32 s8, $0xFFFFF086  }
0x1c: {  	p1 =	slt.u32 s9, $0xF7A;
	s5 =	simm.s32 @!p2 $0x0  }
0x1d: {  	s5 =	simm.s32 @p1 $0x1;
	p0 =	seq.s32 s7, s2  }
0x1e: {  	s7 =	smul.u32 @!p0 $0xF7A, s2;
	p2 =	seq.s32 @!p0 s5, $0x0  }
0x1f: {  	s9 =	smul.u32 $0xF7A, s1;
	s8 =	simm.s32 @!p0 $0x1BF5;
	p2 =	por !p2, p0  }
0x20: {  	[sflag:s8] =	ssyncset.s32 @!p0 $0xFFFFF086;
	s6 =	sadd.s32 @!p0 s3, s7;
	s7 =	simm.s32 @!p0 $0x108  }
0x21: {  	s3 =	sadd.s32 s3, s9;
	s6 =	sadd.s32 @!p0 $0x88, s6;
	s7 =	simm.s32 @p2 $0x1082  }
0x22: {  	[simem:s7], [sflag:s8] =	dma.local @!p0 [hbm:s6], $0xF7A  }
0x23: {  	s9 =	sor.u32 $0xD0000000, s2;
	s6 =	simm.s32 $0x108;
	_ =	swait.ge @!p0 [sflag:s8], $0x0  }
0x24: {  	s3 =	sadd.s32 $0x88, s3;
	s6 =	simm.s32 @!p1 $0x1082;
	[sflag:s4] =	ssyncset.s32 $0xFFFFF086  }
0x25: {  	[simem:s6], [sflag:s4] =	dma.local [hbm:s3], $0xF7A  }
0x26: {  	[smem:$0x3F9B] =	sst s1;
	(tag) =	ssettag s2;
	_ =	strace s9  }
0x27: {  	s1 =	sld [smem:$0x3FAB]  }
0x28: {  	s2 =	sld [smem:$0x3FAC]  }
0x29: {  	s4 =	sld [smem:$0x3FAE]  }
0x2a: {  	p0 =	seq.s32 s5, $0x0;
	s5 =	sld [smem:$0x3FAF]  }
0x2b: {  	s6 =	sld [smem:$0x3FB0]  }
0x2c: {  	s7 =	sld [smem:$0x3FB1]  }
0x2d: {  	s3 =	simm.s32 $0x108;
	s8 =	sld [smem:$0x3FB2]  }
0x2e: {  	s3 =	simm.s32 @!p0 $0x1082;
	s9 =	sld [smem:$0x3FB3]  }
0x2f: {  	lr =	sadd.s32 s0, s3;
	s0 =	sld [smem:$0x3FAA]  }
0x30: {  	s3 =	sld [smem:$0x3FAD]  }
0x31: {  	[smem:$0x3FB6] =	sst s10  }
0x32: {  	s10 =	sld [smem:$0x3FB4];
	_ =	sdelay $0x3  }
0x33: {  	p0 =	seq.s32 s10, $0x1;
	s10 =	sld [smem:$0x3FB6];
	_ =	sdelay $0x3  }
0x34: {  	[smem:$0x3FB6] =	sst s10  }
0x35: {  	s10 =	sld [smem:$0x3FB5];
	_ =	sdelay $0x3  }
0x36: {  	p1 =	seq.s32 s10, $0x1;
	s10 =	sld [smem:$0x3FB6];
	_ =	sdelay $0x3  }
0x37: {  	[smem:$0x3FB6] =	sst s10  }
0x38: {  	s10 =	sld [smem:$0x3FB7]  }
0x39: {  	_ = 	snop;
	(pc) =	sbr.ind lr, $3  }
0x3a: {  	_ = 	snop  }
0x3b: {  	_ = 	snop  }
0x3c: {  	p2 =	seq.s32 s10, $0x1;
	s10 =	sld [smem:$0x3FB6]  }
0x3d: {  	_ =	shalt  }
0x3e: {  	_ =	shalt  }
0x3f: {  	_ =	shalt  }
0x40: {  	_ =	shalt  }
0x41: {  	_ =	shalt  }
0x42: {  	_ =	shalt  }
0x43: {  	_ =	shalt  }
0x44: {  	_ =	shalt  }
0x45: {  	_ =	shalt  }
0x46: {  	_ =	shalt  }
0x47: {  	_ =	shalt  }
0x48: {  	_ =	shalt  }
0x49: {  	_ =	shalt  }
0x4a: {  	_ =	shalt  }
0x4b: {  	_ =	shalt  }
0x4c: {  	_ =	shalt  }
0x4d: {  	_ =	shalt  }
0x4e: {  	_ =	shalt  }
0x4f: {  	_ =	shalt  }
0x50: {  	_ =	shalt  }
0x51: {  	_ =	shalt  }
0x52: {  	_ =	shalt  }
0x53: {  	_ =	shalt  }
0x54: {  	_ =	shalt  }
0x55: {  	_ =	shalt  }
0x56: {  	_ =	shalt  }
0x57: {  	_ =	shalt  }
0x58: {  	_ =	shalt  }
0x59: {  	_ =	shalt  }
0x5a: {  	_ =	shalt  }
0x5b: {  	_ =	shalt  }
0x5c: {  	_ =	shalt  }
0x5d: {  	_ =	shalt  }
0x5e: {  	_ =	shalt  }
0x5f: {  	_ =	shalt  }
0x60: {  	_ =	shalt  }
0x61: {  	_ =	shalt  }
0x62: {  	_ =	shalt  }
0x63: {  	_ =	shalt  }
0x64: {  	_ =	shalt  }
0x65: {  	_ =	shalt  }
0x66: {  	_ =	shalt  }
0x67: {  	_ =	shalt  }
0x68: {  	_ =	shalt  }
0x69: {  	_ =	shalt  }
0x6a: {  	_ =	shalt  }
0x6b: {  	_ =	shalt  }
0x6c: {  	_ =	shalt  }
0x6d: {  	_ =	shalt  }
0x6e: {  	_ =	shalt  }
0x6f: {  	_ =	shalt  }
0x70: {  	_ =	shalt  }
0x71: {  	_ =	shalt  }
0x72: {  	_ =	shalt  }
0x73: {  	_ =	shalt  }
0x74: {  	_ =	shalt  }
0x75: {  	_ =	shalt  }
0x76: {  	_ =	shalt  }
0x77: {  	_ =	shalt  }
0x78: {  	_ =	shalt  }
0x79: {  	_ =	shalt  }
0x7a: {  	_ =	shalt  }
0x7b: {  	_ =	shalt  }
0x7c: {  	_ =	shalt  }
0x7d: {  	_ =	shalt  }
0x7e: {  	_ =	shalt  }
0x7f: {  	_ =	shalt  }
0x80: {  	_ =	shalt  }
0x81: {  	_ =	shalt  }
0x82: {  	_ =	shalt  }
0x83: {  	_ =	shalt  }
0x84: {  	_ =	shalt  }
0x85: {  	_ =	shalt  }
0x86: {  	_ =	shalt  }
0x87: {  	_ =	shalt  }
.Lfunc_end0:
.L_simem_size_0:
called_computation_lowered:
.L_overlay_start_0:
0x88: {  	s2 =	sld [smem:$0x3FD9]  }
0x89: {  	s3 =	sld [smem:$0x3FFE];
	_ =	sdelay $0x1  }
0x8a: {  	s1 =	srdreg.scid  }
0x8b: {  	s0 =	sand.u32 $0x1, s1  }
0x8c: {  	s17 =	sshll.u32 s0, $0xA;
	s2 =	sadd.s32 s3, s2  }
0x8d: {  	s2 =	sadd.s32 s2, s17  }
0x8e: {  	[smem:$0x3FC2] =	sst s2  }
0x8f: {  	_ = 	snop  }
0x90: {  	s2 =	sld [smem:$0x3FC6]  }
0x91: {  	s18 =	sld [smem:$0x3FC5]  }
0x92: {  	s4 =	sld [smem:$0x3FC4]  }
0x93: {  	s5 =	sld [smem:$0x3FD0];
	(tm) =	ssettm $0x1  }
0x94: {  	s6 =	sld [smem:$0x3FFB];
	_ =	sdelay $0x3  }
0x95: {  	_ =	strace s6  }
0x96: {  	s6 =	sld [smem:$0x3FFC];
	_ =	sdelay $0x3  }
0x97: {  	_ =	strace s6  }
0x98: {  	s6 =	sld [smem:$0x3FFD];
	_ =	sdelay $0x3  }
0x99: {  	_ =	strace s6  }
0x9a: {  	_ =	strace $0x8FFFFFFF  }
0x9b: {  	s19 =	sld [smem:$0x3FDB];
	_ =	sdelay $0x1  }
0x9c: {  	s7 =	simm.s32 $_scs_section_size  }
0x9d: {  	s8 =	simm.s32 $_size__tile_overlayer_lowered;
	s9 =	simm.s32 $_tile_overlayer_lowered  }
0x9e: {  	s22 =	simm.s32 $0x1BFF;
	s21 =	sshll.u32 s9, $0x1;
	s6 =	sadd.s32 s7, s19  }
0x9f: {  	s10 =	simm.s32 $0x0;
	s20 =	sshll.u32 s8, $0x1;
	s8 =	sadd.s32 s21, s6  }
0xa0: {  	[timem:s10], [sflag:s22] =	dma.local [hbm:s8], s20  }
0xa1: {  	_ =	swait.ge [sflag:s22], s20  }
0xa2: {  	s7 =	ssub.s32 $0x0, s20;
	[sflag:s22] =	ssyncset.done $0x0  }
0xa3: {  	[sflag:s22] =	ssyncadd.s32 s7;
	_ =	sdelay $0x1  }
0xa4: {  	s23 =	simm.s32 $0x1B8B  }
0xa5: {  	_ =	swait.ge [sflag:s23], $0x1  }
0xa6: {  	[sflag:s23] =	ssyncset.done $0x0  }
0xa7: {  	s25 =	simm.s32 $0x1B8E;
	s24 =	sld [smem:$0x3FFE];
	[sflag:s23] =	ssyncadd.s32 $0xFFFFFFFF  }
0xa8: {  	s26 =	simm.s32 $execute0_lowered;
	[smem:$0x3FD2] =	sst s25  }
0xa9: {  	s8 =	sshll.u32 s26, $0x1;
	_ =	strace $0x80000046;
	[dreg:$0x1] =	wrdreg $0xFFFFFFFF  }
0xaa: {  	s28 =	simm.s32 $_size_execute0_lowered;
	s6 =	sadd.s32 s6, s8;
	[dreg:$0x0] =	wrdreg $0x0  }
0xab: {  	s8 =	sshll.u32 s28, $0x1;
	[dreg:$0x2] =	wrdreg s6  }
0xac: {  	[dreg:$0x3] =	wrdreg s8  }
0xad: {  	[dreg:$0x4] =	wrdreg $0xC0  }
0xae: {  	_ =	task [dreg:s10], $0x5FFFF  }
0xaf: {  	[dreg:$0x1] =	wrdreg $0xFFFFFFFF  }
0xb0: {  	[dreg:$0x0] =	wrdreg $0x60  }
0xb1: {  	[dreg:$0x2] =	wrdreg s24  }
0xb2: {  	[dreg:$0x3] =	wrdreg s2  }
0xb3: {  	[dreg:$0x4] =	wrdreg s18  }
0xb4: {  	[dreg:$0x5] =	wrdreg s4  }
0xb5: {  	[dreg:$0x6] =	wrdreg s5  }
0xb6: {  	[dreg:$0x7] =	wrdreg $0x9  }
0xb7: {  	_ =	task.clear_ibuf [dreg:s10], $0x8FFFF;
	_ =	strace $0x90000046  }
0xb8: {  	s29 =	simm.s32 $0x9;
	_ =	strace $0x80000048  }
0xb9: {  	_ =	swait.ge [sflag:s29], $0x1  }
0xba: {  	[sflag:s29] =	ssyncadd.s32 $0xFFFFFFFF  }
0xbb: {  	_ =	strace $0x90000048  }
0xbc: {  	_ =	sfence  }
0xbd: {  	s30 =	sld [smem:$0x0];
	_ =	sdelay $0x2  }
0xbe: {  	s31 =	sshll.u32 s1, $0xD;
	s1 =	sshrl.u32 s1, $0x2  }
0xbf: {  	s3 =	sand.u32 $0x4000, s31;
	s1 =	sadd.s32 s1, s30  }
0xc0: {  	s0 =	sor.u32 s3, s0;
	s1 =	sshll.u32 s1, $0x11  }
0xc1: {  	s0 =	sor.u32 s1, s0  }
0xc2: {  	s0 =	sadd.s32 $0x8F2B, s0  }
0xc3: {  	[sflag:s0] =	ssyncadd.remote.s32 $0x1  }
0xc4: {  	_ =	sfence.sel $0xFFFF  }
0xc5: {  	[dreg:$0x0] =	wrdreg $0xFFFFFFFF;
	(pc) =	sbr.abs _section_cstart, $3  }
0xc6: {  	[dreg:$0x1] =	wrdreg $0xFFFFFFFF  }
0xc7: {  	_ =	task.clear_ibuf [dreg:s10], $0x2FFFF;
	_ =	strace $0x9FFFFFFF  }
0xc8: {  	(tm) =	ssettm $0x7FFFFFFF  }
0xc9: {  	_ =	shalt  }
tec
execute0_lowered:
.L_overlay_start_1:
0x0: {  	(tag) =	ssettag $0x1  }
0x1: {  	s1 =	rddreg [dreg:$0x0]  }
0x2: {  	s0 =	rddreg [dreg:$0x1]  }
0x3: {  	s3 =	rddreg [dreg:$0x2]  }
0x4: {  	s2 =	srdreg.scid;
	s4 =	rddreg [dreg:$0x4]  }
0x5: {  	s5 =	stileid.u32;
	s28 =	simm.s32 $0x6;
	s29 =	simm.s32 $0x7  }
0x6: {  	s30 =	simm.s32 $0x300;
	s31 =	simm.s32 $0x3;
	s2 =	sand.u32 $0x1, s2  }
0x7: {  	s6 =	sshll.u32 s5, $0x6;
	s5 =	simm.s32 $0x0;
	s7 =	sshll.u32 s2, $0x5  }
0x8: {  	s9 =	sadd.s32 $0x100, s0;
	s10 =	sadd.s32 $0x200, s0;
	s6 =	sor.u32 s7, s6  }
0x9: {  	s2 =	ssub.s32 $0x2, s2;
	[smem:$0x7FF] =	sst s5;
	s1 =	sadd.s32 s6, s1  }
0xa: {  	s14 =	sshrl.u32 s2, $0x1;
	_ =	strace $0x80000047;
	s15 =	sadd.s32 $0x400, s1  }
0xb: {  	s2 =	ssub.s32 s2, s14;
	s16 =	sadd.s32 $0x800, s1;
	[dreg:$0x6] =	wrdreg s15  }
0xc: {  	s17 =	smul.u32 $0x300, s6;
	s1 =	sadd.s32 $0xC00, s1;
	[dreg:$0x7] =	wrdreg s16  }
0xd: {  	s11 =	sadd.s32 $0x100, s3;
	s26 =	smax.u32 s2, $0x1;
	[dreg:$0x8] =	wrdreg s1  }
0xe: {  	s6 =	smul.u32 $0x1800, s6;
	s18 =	sadd.s32 s4, s17;
	[dreg:$0x13] =	wrdreg s26  }
0xf: {  	s12 =	sadd.s32 $0x200, s3;
	s1 =	sadd.s32 $0x300, s18;
	[dreg:$0x9] =	wrdreg s18  }
0x10: {  	s20 =	sshrl.u32 s6, $0x3;
	s19 =	sadd.s32 $0x600, s18;
	[dreg:$0xa] =	wrdreg s1  }
0x11: {  	s26 =	simm.s32 $0x8;
	s21 =	sadd.s32 $0xC00, s18;
	[dreg:$0xb] =	wrdreg s19  }
0x12: {  	s22 =	sadd.s32 $0x1800, s18;
	[dreg:$0xc] =	wrdreg s21;
	s1 =	sadd.s32 s4, s20  }
0x13: {  	s6 =	simm.s32 $0x4;
	[dreg:$0xd] =	wrdreg s22;
	s4 =	sadd.s32 $0x2400, s1  }
0x14: {  	s18 =	simm.s32 $0x1;
	s23 =	sadd.s32 $0x3000, s1;
	[dreg:$0xe] =	wrdreg s4  }
0x15: {  	s19 =	simm.s32 $0xC300;
	s24 =	sadd.s32 $0x3C00, s1;
	[dreg:$0xf] =	wrdreg s23  }
0x16: {  	v2 =	vlaneseq.u32;
	s21 =	simm.s32 $0x2;
	s25 =	sadd.s32 $0x4800, s1;
	[dreg:$0x10] =	wrdreg s24  }
0x17: {  	vm0 =	vmmov $0xffff;
	v1 =	vshrl.u32 v2, $0x3;
	s22 =	simm.s32 $0x5;
	s1 =	sadd.s32 $0x5400, s1;
	[dreg:$0x11] =	wrdreg s25  }
0x18: {  	v0 =	vand.u32 $0x7, v2;
	v2 =	vor.u32 $0x8, v2;
	v1 =	vmul.u32 $0x8, v1;
	[dreg:$0x12] =	wrdreg s1;
	s25 =	simm.s32 $0x200;
	s1 =	simm.s32 $0x0  }
.LBB2_1:
0x19: {  	s2 =	rddreg [dreg:$0x6]  }
0x1a: {  	[tilespmem:s5], [sflag:$0x6] =	stream.linear.gather [hbm4b:s2+s5], $0x100, $0x38;
	[tilespmem:$0x1F900] =	vst v63  }
0x1b: {  	s17 =	rddreg [dreg:$0x7];
	s4 =	simm.s32 $0x100  }
0x1c: {  	[tilespmem:s4], [sflag:$0x7] =	stream.linear.gather [hbm4b:s17+s5], $0x100, $0x38;
	[tilespmem:$0x1F900] =	vst v63  }
0x1d: {  	s20 =	rddreg [dreg:$0x8]  }
0x1e: {  	[tilespmem:s25], [sflag:$0x8] =	stream.linear.gather [hbm4b:s20+s5], $0x100, $0x38;
	[tilespmem:$0x1F900] =	vst v63  }
0x1f: {  	s23 =	rddreg [dreg:$0x3];
	s24 =	simm.s32 $0x1E300  }
0x20: {  	[tilespmem:s24], [sflag:$0x4] =	stream.linear.gather [hbm4b:s23+s5], $0x600, $0x38;
	[tilespmem:$0x1F900] =	vst v63  }
0x21: {  	_ =	swait.ge [sflag:s28], $0x100  }
0x22: {  	[sflag:s28] =	ssyncset.done $0x0  }
0x23: {  	[sflag:s28] =	ssyncadd.s32 $0xFFFFFF00  }
0x24: {  	_ =	swait.ge [sflag:s29], $0x100  }
0x25: {  	[sflag:s29] =	ssyncset.done $0x0  }
0x26: {  	[sflag:s29] =	ssyncadd.s32 $0xFFFFFF00  }
0x27: {  	v3 =	vld.msk [tilespmem:$0x0], $0xff;
	_ =	sdelay $0x4  }
0x28: {  	v4 =	vshrl.u32 v3, $0x3  }
0x29: {  	v4 =	vmul.u32 $0x30, v4  }
0x2a: {  	v3 =	vand.u32 $0x7, v3  }
0x2b: {  	v3 =	vor.u32 v3, v4  }
0x2c: {  	v3 =	vperm.xlane v3, v0;
	_ =	sdelay $0x1  }
0x2d: {  	v3 =	vadd.s32 v1, v3;
	_ =	sdelay $0x4  }
0x2e: {  	[tilespmem:s30], [sflag:$0x1] =	stream.indirect_vreg.gather [hbm4b:s0+s5], $0x80, v3, vm0, $0xb8;
	[tilespmem:$0x1F900] =	vst v63  }
0x2f: {  	s4 =	simm.s32 $0xB00  }
0x30: {  	[tilespmem:s4], [sflag:$0x1] =	stream.indirect_vreg.gather [hbm4b:s9+s5], $0x80, v3, vm0, $0xb8;
	[tilespmem:$0x1F900] =	vst v63  }
0x31: {  	s7 =	simm.s32 $0x1300  }
0x32: {  	[tilespmem:s7], [sflag:$0x1] =	stream.indirect_vreg.gather [hbm4b:s10+s5], $0x80, v3, vm0, $0xb8;
	[tilespmem:$0x1F900] =	vst v63  }
0x33: {  	v3 =	vld.msk [tilespmem:$0x100], $0xff;
	_ =	sdelay $0x4  }
0x34: {  	v61 =	vshrl.u32 v3, $0x3  }
0x35: {  	v4 =	vmul.u32 $0x30, v61  }
0x36: {  	v3 =	vand.u32 $0x7, v3  }
0x37: {  	v3 =	vor.u32 v3, v4  }
0x38: {  	v3 =	vperm.xlane v3, v0;
	_ =	sdelay $0x1  }
0x39: {  	v3 =	vadd.s32 v1, v3;
	_ =	sdelay $0x3  }
0x3a: {  	s8 =	simm.s32 $0x12300  }
0x3b: {  	[tilespmem:s8], [sflag:$0x4] =	stream.indirect_vreg.gather [hbm4b:s3+s5], $0x80, v3, vm0, $0xb8;
	[tilespmem:$0x1F900] =	vst v63  }
0x3c: {  	s13 =	simm.s32 $0x12B00  }
0x3d: {  	[tilespmem:s13], [sflag:$0x4] =	stream.indirect_vreg.gather [hbm4b:s11+s5], $0x80, v3, vm0, $0xb8;
	[tilespmem:$0x1F900] =	vst v63  }
0x3e: {  	s14 =	simm.s32 $0x13300  }
0x3f: {  	[tilespmem:s14], [sflag:$0x4] =	stream.indirect_vreg.gather [hbm4b:s12+s5], $0x80, v3, vm0, $0xb8;
	[tilespmem:$0x1F900] =	vst v63  }
0x40: {  	_ =	swait.ge [sflag:s26], $0x100  }
0x41: {  	[sflag:s26] =	ssyncset.done $0x0  }
0x42: {  	[sflag:s26] =	ssyncadd.s32 $0xFFFFFF00  }
0x43: {  	_ =	swait.ge [sflag:s6], $0x600  }
0x44: {  	[sflag:s6] =	ssyncset.done $0x0  }
0x45: {  	[sflag:s6] =	ssyncadd.s32 $0xFFFFFA00  }
0x46: {  	v3 =	vld.msk [tilespmem:$0x8], $0xff;
	_ =	sdelay $0x4  }
0x47: {  	v62 =	vshrl.u32 v3, $0x3  }
0x48: {  	v4 =	vmul.u32 $0x30, v62  }
0x49: {  	v3 =	vand.u32 $0x7, v3  }
0x4a: {  	v3 =	vor.u32 v3, v4  }
0x4b: {  	v3 =	vperm.xlane v3, v0;
	_ =	sdelay $0x1  }
0x4c: {  	v3 =	vadd.s32 v1, v3;
	_ =	sdelay $0x3  }
0x4d: {  	s15 =	simm.s32 $0x6300  }
0x4e: {  	[tilespmem:s15], [sflag:$0x2] =	stream.indirect_vreg.gather [hbm4b:s0+s5], $0x80, v3, vm0, $0xb8;
	[tilespmem:$0x1F900] =	vst v63  }
0x4f: {  	s16 =	simm.s32 $0x6B00  }
0x50: {  	[tilespmem:s16], [sflag:$0x2] =	stream.indirect_vreg.gather [hbm4b:s9+s5], $0x80, v3, vm0, $0xb8;
	[tilespmem:$0x1F900] =	vst v63  }
0x51: {  	s17 =	simm.s32 $0x7300  }
0x52: {  	[tilespmem:s17], [sflag:$0x2] =	stream.indirect_vreg.gather [hbm4b:s10+s5], $0x80, v3, vm0, $0xb8;
	[tilespmem:$0x1F900] =	vst v63  }
0x53: {  	v3 =	vld.msk [tilespmem:$0x108], $0xff;
	_ =	sdelay $0x4  }
0x54: {  	v63 =	vshrl.u32 v3, $0x3  }
0x55: {  	v4 =	vmul.u32 $0x30, v63  }
0x56: {  	v3 =	vand.u32 $0x7, v3  }
0x57: {  	v3 =	vor.u32 v3, v4  }
0x58: {  	v3 =	vperm.xlane v3, v0;
	_ =	sdelay $0x1  }
0x59: {  	v3 =	vadd.s32 v1, v3;
	_ =	sdelay $0x3  }
0x5a: {  	s20 =	simm.s32 $0x18300  }
0x5b: {  	[tilespmem:s20], [sflag:$0x5] =	stream.indirect_vreg.gather [hbm4b:s3+s5], $0x80, v3, vm0, $0xb8;
	[tilespmem:$0x1F900] =	vst v63  }
0x5c: {  	s23 =	simm.s32 $0x18B00  }
0x5d: {  	[tilespmem:s23], [sflag:$0x5] =	stream.indirect_vreg.gather [hbm4b:s11+s5], $0x80, v3, vm0, $0xb8;
	[tilespmem:$0x1F900] =	vst v63  }
0x5e: {  	p0 =	por $0x1, $0x1;
	s2 =	simm.s32 $0x0;
	s24 =	simm.s32 $0x19300  }
0x5f: {  	[tilespmem:s24], [sflag:$0x5] =	stream.indirect_vreg.gather [hbm4b:s12+s5], $0x80, v3, vm0, $0xb8;
	[tilespmem:$0x1F900] =	vst v63  }
.LBB2_2:
0x60: {  	v3 =	vmov s2;
	s4 =	sor.u32 $0x1, s2;
	s8 =	sor.u32 $0x2, s2  }
0x61: {  	s13 =	sor.u32 $0x3, s2;
	v3 =	vand.u32 $0xFFFFFFFC, v3;
	v4 =	vmov s4;
	v5 =	vmov s8  }
0x62: {  	v6 =	vmov s13;
	v3 =	vbroadcast v3, $0x0;
	v4 =	vand.u32 $0xFFFFFFFD, v4  }
0x63: {  	v5 =	vand.u32 $0xFFFFFFFE, v5;
	v4 =	vbroadcast v4, $0x0  }
0x64: {  	v5 =	vbroadcast v5, $0x0;
	_ =	sdelay $0x2  }
0x65: {  	v6 =	vld.idx.msk [tilespmem:v6+s25+$0x0], $0xffff  }
0x66: {  	v3 =	vld.idx.msk [tilespmem:v3+s25+$0x0], $0xffff  }
0x67: {  	v4 =	vld.idx.msk [tilespmem:v4+s25+$0x0], $0xffff  }
0x68: {  	p1 =	por p0, p0;
	s23 =	sshll.u32 s13, $0x7;
	v5 =	vld.idx.msk [tilespmem:v5+s25+$0x0], $0xffff  }
.Ltmp0:
0x69: {  	s15 =	sshll.u32 s2, $0x7;
	s24 =	sand.u32 $0x3FFFFF80, s23;
	(pc) =	sbr.rel @p1 .LBB2_2-.Ltmp0, $4  }
0x6a: {  	s2 =	sand.u32 $0x3FFFFF80, s15;
	s4 =	sshll.u32 s4, $0x7;
	[tilespmem:s24+$0x1E900] =	vst v6  }
0x6b: {  	s17 =	sshll.u32 s8, $0x7;
	s16 =	sand.u32 $0x3FFFFF80, s4;
	[tilespmem:s2+$0x1E900] =	vst v3  }
0x6c: {  	s20 =	sand.u32 $0x3FFFFF80, s17;
	[tilespmem:s16+$0x1E900] =	vst v4  }
0x6d: {  	p0 =	por $0x0, $0x0;
	s2 =	simm.s32 $0x4;
	[tilespmem:s20+$0x1E900] =	vst v5  }
0x6e: {  	_ =	swait.ge [sflag:s18], $0x1800  }
0x6f: {  	[sflag:s18] =	ssyncset.done $0x0  }
0x70: {  	[sflag:s18] =	ssyncadd.s32 $0xFFFFE800  }
0x71: {  	s2 =	simm.s32 $0x0;
	_ =	swait.ge [sflag:s6], $0x1800  }
0x72: {  	s4 =	sand.u32 $0x70, s2;
	s14 =	sand.u32 $0x7FFFFC00, s2;
	[sflag:s6] =	ssyncset.done $0x0  }
0x73: {  	s8 =	sor.u32 s4, s14;
	[sflag:s6] =	ssyncadd.s32 $0xFFFFE800  }
0x74: {  	v8 =	vld [tilespmem:s8+$0x12380]  }
0x75: {  	v7 =	vld [tilespmem:s8+$0x12300]  }
0x76: {  	v3 =	vld [tilespmem:s8+$0x12400]  }
0x77: {  	v22 =	vld [tilespmem:s8+$0x12480]  }
0x78: {  	s2 =	sor.u32 s2, s2;
	v9 =	vld [tilespmem:s8+$0x12600]  }
0x79: {  	s13 =	sor.u32 $0x380, s2;
	v10 =	vld [tilespmem:$0x1EC00]  }
0x7a: {  	v4 =	vld [tilespmem:s13+$0x12300]  }
0x7b: {  	v13 =	vld [tilespmem:s8+$0x600]  }
0x7c: {  	v5 =	vld [tilespmem:s8+$0x12580]  }
0x7d: {  	v17 =	vld [tilespmem:s8+$0x300]  }
0x7e: {  	v14 =	vld [tilespmem:$0x1EA00]  }
0x7f: {  	v20 =	vld [tilespmem:$0x1E980]  }
0x80: {  	v11 =	vld [tilespmem:s13+$0x300]  }
0x81: {  	v15 =	vld [tilespmem:s8+$0x12500]  }
0x82: {  	v18 =	vld [tilespmem:$0x1E900]  }
0x83: {  	v12 =	vld [tilespmem:s8+$0x580]  }
0x84: {  	v24 =	vld [tilespmem:s8+$0x480]  }
0x85: {  	v21 =	vld [tilespmem:s8+$0x500]  }
0x86: {  	v19 =	vld [tilespmem:s8+$0x380]  }
0x87: {  	s24 =	sshrl.u32 s14, $0x2;
	v16 =	vld [tilespmem:$0x1EA80]  }
0x88: {  	s2 =	sor.u32 s4, s24;
	v23 =	vld [tilespmem:s8+$0x400]  }
0x89: {  	s4 =	sadd.s32 $0x1E300, s2;
	v6 =	vld [tilespmem:s2+$0x1E300]  }
0x8a: {  	v17 =	vadd.f32 v7, v17;
	v7 =	vld [tilespmem:s4+$0x80]  }
0x8b: {  	s14 =	simm.s32 $0x80;
	s2 =	simm.s32 $0x10;
	v19 =	vadd.f32 v8, v19;
	v8 =	vadd.f32 v22, v24;
	v22 =	vld [tilespmem:$0x1EC80]  }
.LBB2_4:
0x8c: {  	s15 =	sand.u32 $0x70, s2  }
0x8d: {  	s16 =	sand.u32 $0x7FFFFC00, s14;
	v24 =	vld [tilespmem:$0x1EB80];
	v9 =	vadd.f32 v9, v13;
	vm2 =	veq.s32 v10, $0x0;
	s17 =	smov.u32 s14;
	s4 =	sadd.s32 $0x80, s14  }
0x8e: {  	p0 =	sne.s32 s14, $0x1780;
	vm3 =	veq.s32 v20, $0x0;
	vm4 =	veq.s32 v14, $0x0;
	s20 =	sshrl.u32 s16, $0x2;
	s16 =	sor.u32 s15, s16;
	v13 =	vadd.f32 v3, v23;
	v10 =	vld [tilespmem:$0x1EB00]  }
0x8f: {  	vm5 =	veq.s32 v18, $0x0;
	vm1 =	veq.s32 v16, $0x0;
	v14 =	vadd.f32 v15, v21;
	s14 =	sor.u32 s15, s20;
	v25 =	vld [tilespmem:s16+$0x12380]  }
0x90: {  	v12 =	vadd.f32 v5, v12;
	s15 =	sadd.s32 $0x1E300, s14;
	v16 =	vld [tilespmem:s16+$0x12300];
	v15 =	vsel vm4, v6, v7;
	v5 =	vsel vm2, v6, v7  }
0x91: {  	v4 =	vadd.f32 v4, v11;
	s17 =	sor.u32 s17, s2;
	v18 =	vsel vm5, v6, v7;
	v3 =	vld [tilespmem:s16+$0x12400];
	v5 =	vadd.f32 v5, v9  }
0x92: {  	s17 =	sor.u32 $0x380, s17;
	v11 =	vadd.f32 v18, v17;
	v17 =	vsel vm3, v6, v7;
	vm2 =	veq.s32 v22, $0x0;
	v26 =	vld [tilespmem:s16+$0x12480]  }
0x93: {  	v17 =	vadd.f32 v17, v19;
	v9 =	vld [tilespmem:s16+$0x12600];
	vm3 =	veq.s32 v10, $0x0;
	[tilespmem:s8+$0x600] =	vst v5;
	v5 =	vsel vm2, v6, v7  }
0x94: {  	vm2 =	veq.s32 v24, $0x0;
	v10 =	vld [tilespmem:$0x1EC00];
	[tilespmem:s8+$0x300] =	vst v11;
	v11 =	vsel vm3, v6, v7;
	v5 =	vadd.f32 v5, v4  }
0x95: {  	v15 =	vadd.f32 v15, v13;
	v4 =	vld [tilespmem:s17+$0x12300];
	[tilespmem:s8+$0x380] =	vst v17;
	v17 =	vsel vm1, v6, v7;
	v6 =	vsel vm2, v6, v7  }
0x96: {  	v13 =	vld [tilespmem:s16+$0x600];
	v7 =	vadd.f32 v17, v8;
	v8 =	vadd.f32 v11, v14;
	[tilespmem:s13+$0x300] =	vst v5;
	s13 =	smov.u32 s17  }
0x97: {  	v6 =	vadd.f32 v6, v12;
	v5 =	vld [tilespmem:s16+$0x12580];
	[tilespmem:s8+$0x400] =	vst v15  }
0x98: {  	v17 =	vld [tilespmem:s16+$0x300];
	[tilespmem:s8+$0x500] =	vst v8  }
0x99: {  	v14 =	vld [tilespmem:$0x1EA00];
	[tilespmem:s8+$0x580] =	vst v6  }
0x9a: {  	v20 =	vld [tilespmem:$0x1E980];
	[tilespmem:s8+$0x480] =	vst v7;
	s8 =	smov.u32 s16  }
0x9b: {  	v11 =	vld [tilespmem:s13+$0x300]  }
0x9c: {  	v15 =	vld [tilespmem:s8+$0x12500]  }
0x9d: {  	v18 =	vld [tilespmem:$0x1E900]  }
0x9e: {  	v12 =	vld [tilespmem:s8+$0x580]  }
0x9f: {  	v8 =	vld [tilespmem:s8+$0x480]  }
0xa0: {  	v21 =	vld [tilespmem:s8+$0x500]  }
0xa1: {  	v19 =	vld [tilespmem:s8+$0x380]  }
.Ltmp1:
0xa2: {  	v17 =	vadd.f32 v16, v17;
	v16 =	vld [tilespmem:$0x1EA80];
	(pc) =	sbr.rel @p0 .LBB2_4-.Ltmp1, $4  }
0xa3: {  	v23 =	vld [tilespmem:s8+$0x400]  }
0xa4: {  	v6 =	vld [tilespmem:s14+$0x1E300]  }
0xa5: {  	v7 =	vld [tilespmem:s15+$0x80]  }
0xa6: {  	s2 =	sadd.s32 $0x10, s2;
	v8 =	vadd.f32 v26, v8;
	s14 =	smov.u32 s4;
	v19 =	vadd.f32 v25, v19;
	v22 =	vld [tilespmem:$0x1EC80]  }
0xa7: {  	_ = 	snop  }
0xa8: {  	v9 =	vadd.f32 v9, v13;
	vm1 =	veq.s32 v10, $0x0  }
0xa9: {  	vm2 =	veq.s32 v20, $0x0;
	vm3 =	veq.s32 v14, $0x0;
	v51 =	vld [tilespmem:$0x1EB00];
	vm4 =	veq.s32 v18, $0x0  }
0xaa: {  	v52 =	vld [tilespmem:$0x1EB80];
	v53 =	vadd.f32 v15, v21;
	v4 =	vadd.f32 v4, v11;
	v54 =	vsel vm1, v6, v7  }
0xab: {  	v5 =	vadd.f32 v5, v12;
	v18 =	vsel vm4, v6, v7;
	v9 =	vadd.f32 v54, v9  }
0xac: {  	v3 =	vadd.f32 v3, v23;
	v56 =	vsel vm2, v6, v7;
	v55 =	vadd.f32 v18, v17  }
0xad: {  	v57 =	vsel vm3, v6, v7;
	vm1 =	veq.s32 v22, $0x0;
	v15 =	vadd.f32 v56, v19;
	[tilespmem:s8+$0x600] =	vst v9  }
0xae: {  	v3 =	vadd.f32 v57, v3;
	v58 =	vsel vm1, v6, v7;
	vm1 =	veq.s32 v51, $0x0;
	[tilespmem:s8+$0x300] =	vst v55  }
0xaf: {  	v4 =	vadd.f32 v58, v4;
	v59 =	vsel vm1, v6, v7;
	vm1 =	veq.s32 v52, $0x0;
	[tilespmem:s8+$0x380] =	vst v15  }
0xb0: {  	vm2 =	veq.s32 v16, $0x0;
	[tilespmem:s8+$0x400] =	vst v3;
	v60 =	vsel vm1, v6, v7;
	v9 =	vadd.f32 v59, v53  }
0xb1: {  	v61 =	vsel vm2, v6, v7;
	[tilespmem:s13+$0x300] =	vst v4;
	v3 =	vadd.f32 v60, v5  }
0xb2: {  	v4 =	vadd.f32 v61, v8;
	[tilespmem:s8+$0x500] =	vst v9  }
0xb3: {  	[tilespmem:s8+$0x580] =	vst v3  }
0xb4: {  	s2 =	simm.s32 $0x0;
	s4 =	rddreg [dreg:$0x9];
	[tilespmem:s8+$0x480] =	vst v4  }
0xb5: {  	[hbm4b:s4+s2] =	stream.linear.scatter [tilespmem:s30], [sflag:$0x6], $0x1800, $0x38;
	[tilespmem:$0x1F900] =	vst v63  }
0xb6: {  	v3 =	vld [tilespmem:$0x10];
	_ =	sdelay $0x4  }
0xb7: {  	v62 =	vshrl.u32 v3, $0x3  }
0xb8: {  	v4 =	vmul.u32 $0x30, v62  }
0xb9: {  	v3 =	vand.u32 $0x7, v3  }
0xba: {  	v3 =	vor.u32 v3, v4  }
0xbb: {  	v4 =	vperm.xlane v3, v0;
	_ =	sdelay $0x1  }
0xbc: {  	v4 =	vadd.s32 v1, v4;
	_ =	sdelay $0x3  }
0xbd: {  	v3 =	vperm.xlane v3, v2  }
0xbe: {  	[tilespmem:s19], [sflag:$0x3] =	stream.indirect_vreg.gather [hbm4b:s0+s2], $0x80, v4, vm0, $0xb8;
	[tilespmem:$0x1F900] =	vst v63  }
0xbf: {  	s24 =	simm.s32 $0xCB00;
	v3 =	vadd.s32 v1, v3  }
0xc0: {  	[tilespmem:s24], [sflag:$0x3] =	stream.indirect_vreg.gather [hbm4b:s9+s2], $0x80, v4, vm0, $0xb8;
	[tilespmem:$0x1F900] =	vst v63  }
0xc1: {  	s7 =	simm.s32 $0xD300  }
0xc2: {  	[tilespmem:s7], [sflag:$0x3] =	stream.indirect_vreg.gather [hbm4b:s10+s2], $0x80, v4, vm0, $0xb8;
	[tilespmem:$0x1F900] =	vst v63  }
0xc3: {  	s8 =	simm.s32 $0xDB00  }
0xc4: {  	[tilespmem:s8], [sflag:$0x3] =	stream.indirect_vreg.gather [hbm4b:s0+s2], $0x80, v3, vm0, $0xb8;
	[tilespmem:$0x1F900] =	vst v63  }
0xc5: {  	s13 =	simm.s32 $0xE300  }
0xc6: {  	[tilespmem:s13], [sflag:$0x3] =	stream.indirect_vreg.gather [hbm4b:s9+s2], $0x80, v3, vm0, $0xb8;
	[tilespmem:$0x1F900] =	vst v63  }
0xc7: {  	s14 =	simm.s32 $0xEB00  }
0xc8: {  	[tilespmem:s14], [sflag:$0x3] =	stream.indirect_vreg.gather [hbm4b:s10+s2], $0x80, v3, vm0, $0xb8;
	[tilespmem:$0x1F900] =	vst v63  }
0xc9: {  	v3 =	vld [tilespmem:$0x110];
	_ =	sdelay $0x4  }
0xca: {  	v63 =	vshrl.u32 v3, $0x3  }
0xcb: {  	v4 =	vmul.u32 $0x30, v63  }
0xcc: {  	v3 =	vand.u32 $0x7, v3  }
0xcd: {  	v3 =	vor.u32 v3, v4  }
0xce: {  	v4 =	vperm.xlane v3, v0;
	_ =	sdelay $0x1  }
0xcf: {  	v4 =	vadd.s32 v1, v4;
	_ =	sdelay $0x3  }
0xd0: {  	s15 =	simm.s32 $0x12300;
	v3 =	vperm.xlane v3, v2  }
0xd1: {  	[tilespmem:s15], [sflag:$0x4] =	stream.indirect_vreg.gather [hbm4b:s3+s2], $0x80, v4, vm0, $0xb8;
	[tilespmem:$0x1F900] =	vst v63  }
0xd2: {  	s16 =	simm.s32 $0x12B00;
	v3 =	vadd.s32 v1, v3  }
0xd3: {  	[tilespmem:s16], [sflag:$0x4] =	stream.indirect_vreg.gather [hbm4b:s11+s2], $0x80, v4, vm0, $0xb8;
	[tilespmem:$0x1F900] =	vst v63  }
0xd4: {  	s17 =	simm.s32 $0x13300  }
0xd5: {  	[tilespmem:s17], [sflag:$0x4] =	stream.indirect_vreg.gather [hbm4b:s12+s2], $0x80, v4, vm0, $0xb8;
	[tilespmem:$0x1F900] =	vst v63  }
0xd6: {  	s20 =	simm.s32 $0x13B00  }
0xd7: {  	[tilespmem:s20], [sflag:$0x4] =	stream.indirect_vreg.gather [hbm4b:s3+s2], $0x80, v3, vm0, $0xb8;
	[tilespmem:$0x1F900] =	vst v63  }
0xd8: {  	s23 =	simm.s32 $0x14300  }
0xd9: {  	[tilespmem:s23], [sflag:$0x4] =	stream.indirect_vreg.gather [hbm4b:s11+s2], $0x80, v3, vm0, $0xb8;
	[tilespmem:$0x1F900] =	vst v63  }
0xda: {  	p0 =	por $0x1, $0x1;
	s24 =	simm.s32 $0x14B00  }
0xdb: {  	[tilespmem:s24], [sflag:$0x4] =	stream.indirect_vreg.gather [hbm4b:s12+s2], $0x80, v3, vm0, $0xb8;
	[tilespmem:$0x1F900] =	vst v63  }
.LBB2_6:
0xdc: {  	s4 =	sor.u32 $0x8, s2  }
0xdd: {  	s17 =	sor.u32 $0x9, s2;
	s20 =	sor.u32 $0xA, s2;
	v3 =	vmov s4  }
0xde: {  	s23 =	sor.u32 $0xB, s2;
	v4 =	vmov s17;
	v5 =	vmov s20;
	v3 =	vand.u32 $0xFFFFFFFC, v3  }
0xdf: {  	v6 =	vmov s23;
	v4 =	vand.u32 $0xFFFFFFFD, v4;
	v3 =	vbroadcast v3, $0x0  }
0xe0: {  	v5 =	vand.u32 $0xFFFFFFFE, v5;
	v4 =	vbroadcast v4, $0x0  }
0xe1: {  	v5 =	vbroadcast v5, $0x0;
	_ =	sdelay $0x2  }
0xe2: {  	v6 =	vld.idx.msk [tilespmem:v6+s25+$0x0], $0xffff  }
0xe3: {  	v3 =	vld.idx.msk [tilespmem:v3+s25+$0x0], $0xffff  }
0xe4: {  	v4 =	vld.idx.msk [tilespmem:v4+s25+$0x0], $0xffff  }
0xe5: {  	s24 =	sshll.u32 s2, $0x7;
	p1 =	por p0, p0;
	v5 =	vld.idx.msk [tilespmem:v5+s25+$0x0], $0xffff  }
.Ltmp2:
0xe6: {  	s2 =	sand.u32 $0x3FFFFF80, s24;
	(pc) =	sbr.rel @p1 .LBB2_6-.Ltmp2, $4  }
0xe7: {  	[tilespmem:s2+$0x1EA80] =	vst v6  }
0xe8: {  	[tilespmem:s2+$0x1E900] =	vst v3  }
0xe9: {  	[tilespmem:s2+$0x1E980] =	vst v4  }
0xea: {  	p0 =	por $0x0, $0x0;
	[tilespmem:s2+$0x1EA00] =	vst v5;
	s2 =	simm.s32 $0x4  }
0xeb: {  	_ =	swait.ge [sflag:s21], $0x1800  }
0xec: {  	[sflag:s21] =	ssyncset.done $0x0  }
0xed: {  	[sflag:s21] =	ssyncadd.s32 $0xFFFFE800  }
0xee: {  	s2 =	simm.s32 $0x0;
	_ =	swait.ge [sflag:s22], $0x1800  }
0xef: {  	s4 =	sand.u32 $0x70, s2;
	s14 =	sand.u32 $0x7FFFFC00, s2;
	[sflag:s22] =	ssyncset.done $0x0  }
0xf0: {  	s8 =	sor.u32 s4, s14;
	[sflag:s22] =	ssyncadd.s32 $0xFFFFE800  }
0xf1: {  	v8 =	vld [tilespmem:s8+$0x18380]  }
0xf2: {  	v7 =	vld [tilespmem:s8+$0x18300]  }
0xf3: {  	v3 =	vld [tilespmem:s8+$0x18400]  }
0xf4: {  	v22 =	vld [tilespmem:s8+$0x18480]  }
0xf5: {  	s2 =	sor.u32 s2, s2;
	v9 =	vld [tilespmem:s8+$0x18600]  }
0xf6: {  	s13 =	sor.u32 $0x380, s2;
	v10 =	vld [tilespmem:$0x1EC00]  }
0xf7: {  	v4 =	vld [tilespmem:s13+$0x18300]  }
0xf8: {  	v13 =	vld [tilespmem:s8+$0x6600]  }
0xf9: {  	v5 =	vld [tilespmem:s8+$0x18580]  }
0xfa: {  	v17 =	vld [tilespmem:s8+$0x6300]  }
0xfb: {  	v14 =	vld [tilespmem:$0x1EA00]  }
0xfc: {  	v20 =	vld [tilespmem:$0x1E980]  }
0xfd: {  	v11 =	vld [tilespmem:s13+$0x6300]  }
0xfe: {  	v15 =	vld [tilespmem:s8+$0x18500]  }
0xff: {  	v18 =	vld [tilespmem:$0x1E900]  }
0x100: {  	v12 =	vld [tilespmem:s8+$0x6580]  }
0x101: {  	v24 =	vld [tilespmem:s8+$0x6480]  }
0x102: {  	v21 =	vld [tilespmem:s8+$0x6500]  }
0x103: {  	v19 =	vld [tilespmem:s8+$0x6380]  }
0x104: {  	s24 =	sshrl.u32 s14, $0x2;
	v16 =	vld [tilespmem:$0x1EA80]  }
0x105: {  	s2 =	sor.u32 s4, s24;
	v23 =	vld [tilespmem:s8+$0x6400]  }
0x106: {  	s4 =	sadd.s32 $0x1E300, s2;
	v6 =	vld [tilespmem:s2+$0x1E300]  }
0x107: {  	v17 =	vadd.f32 v7, v17;
	v7 =	vld [tilespmem:s4+$0x80]  }
0x108: {  	s14 =	simm.s32 $0x80;
	s2 =	simm.s32 $0x10;
	v19 =	vadd.f32 v8, v19;
	v8 =	vadd.f32 v22, v24;
	v22 =	vld [tilespmem:$0x1EC80]  }
.LBB2_8:
0x109: {  	s15 =	sand.u32 $0x70, s2  }
0x10a: {  	s16 =	sand.u32 $0x7FFFFC00, s14;
	v24 =	vld [tilespmem:$0x1EB80];
	v9 =	vadd.f32 v9, v13;
	vm2 =	veq.s32 v10, $0x0;
	s17 =	smov.u32 s14;
	s4 =	sadd.s32 $0x80, s14  }
0x10b: {  	p0 =	sne.s32 s14, $0x1780;
	vm3 =	veq.s32 v20, $0x0;
	vm4 =	veq.s32 v14, $0x0;
	s20 =	sshrl.u32 s16, $0x2;
	s16 =	sor.u32 s15, s16;
	v13 =	vadd.f32 v3, v23;
	v10 =	vld [tilespmem:$0x1EB00]  }
0x10c: {  	vm5 =	veq.s32 v18, $0x0;
	vm1 =	veq.s32 v16, $0x0;
	v14 =	vadd.f32 v15, v21;
	s14 =	sor.u32 s15, s20;
	v25 =	vld [tilespmem:s16+$0x18380]  }
0x10d: {  	v12 =	vadd.f32 v5, v12;
	s15 =	sadd.s32 $0x1E300, s14;
	v16 =	vld [tilespmem:s16+$0x18300];
	v15 =	vsel vm4, v6, v7;
	v5 =	vsel vm2, v6, v7  }
0x10e: {  	v4 =	vadd.f32 v4, v11;
	s17 =	sor.u32 s17, s2;
	v18 =	vsel vm5, v6, v7;
	v3 =	vld [tilespmem:s16+$0x18400];
	v5 =	vadd.f32 v5, v9  }
0x10f: {  	s17 =	sor.u32 $0x380, s17;
	v11 =	vadd.f32 v18, v17;
	v17 =	vsel vm3, v6, v7;
	vm2 =	veq.s32 v22, $0x0;
	v26 =	vld [tilespmem:s16+$0x18480]  }
0x110: {  	v17 =	vadd.f32 v17, v19;
	v9 =	vld [tilespmem:s16+$0x18600];
	vm3 =	veq.s32 v10, $0x0;
	[tilespmem:s8+$0x6600] =	vst v5;
	v5 =	vsel vm2, v6, v7  }
0x111: {  	vm2 =	veq.s32 v24, $0x0;
	v10 =	vld [tilespmem:$0x1EC00];
	[tilespmem:s8+$0x6300] =	vst v11;
	v11 =	vsel vm3, v6, v7;
	v5 =	vadd.f32 v5, v4  }
0x112: {  	v15 =	vadd.f32 v15, v13;
	v4 =	vld [tilespmem:s17+$0x18300];
	[tilespmem:s8+$0x6380] =	vst v17;
	v17 =	vsel vm1, v6, v7;
	v6 =	vsel vm2, v6, v7  }
0x113: {  	v13 =	vld [tilespmem:s16+$0x6600];
	v7 =	vadd.f32 v17, v8;
	v8 =	vadd.f32 v11, v14;
	[tilespmem:s13+$0x6300] =	vst v5;
	s13 =	smov.u32 s17  }
0x114: {  	v6 =	vadd.f32 v6, v12;
	v5 =	vld [tilespmem:s16+$0x18580];
	[tilespmem:s8+$0x6400] =	vst v15  }
0x115: {  	v17 =	vld [tilespmem:s16+$0x6300];
	[tilespmem:s8+$0x6500] =	vst v8  }
0x116: {  	v14 =	vld [tilespmem:$0x1EA00];
	[tilespmem:s8+$0x6580] =	vst v6  }
0x117: {  	v20 =	vld [tilespmem:$0x1E980];
	[tilespmem:s8+$0x6480] =	vst v7;
	s8 =	smov.u32 s16  }
0x118: {  	v11 =	vld [tilespmem:s13+$0x6300]  }
0x119: {  	v15 =	vld [tilespmem:s8+$0x18500]  }
0x11a: {  	v18 =	vld [tilespmem:$0x1E900]  }
0x11b: {  	v12 =	vld [tilespmem:s8+$0x6580]  }
0x11c: {  	v8 =	vld [tilespmem:s8+$0x6480]  }
0x11d: {  	v21 =	vld [tilespmem:s8+$0x6500]  }
0x11e: {  	v19 =	vld [tilespmem:s8+$0x6380]  }
.Ltmp3:
0x11f: {  	v17 =	vadd.f32 v16, v17;
	v16 =	vld [tilespmem:$0x1EA80];
	(pc) =	sbr.rel @p0 .LBB2_8-.Ltmp3, $4  }
0x120: {  	v23 =	vld [tilespmem:s8+$0x6400]  }
0x121: {  	v6 =	vld [tilespmem:s14+$0x1E300]  }
0x122: {  	v7 =	vld [tilespmem:s15+$0x80]  }
0x123: {  	s2 =	sadd.s32 $0x10, s2;
	v8 =	vadd.f32 v26, v8;
	s14 =	smov.u32 s4;
	v19 =	vadd.f32 v25, v19;
	v22 =	vld [tilespmem:$0x1EC80]  }
0x124: {  	_ = 	snop  }
0x125: {  	v9 =	vadd.f32 v9, v13;
	vm1 =	veq.s32 v10, $0x0  }
0x126: {  	vm2 =	veq.s32 v20, $0x0;
	vm3 =	veq.s32 v14, $0x0;
	v10 =	vld [tilespmem:$0x1EB00];
	vm4 =	veq.s32 v18, $0x0  }
0x127: {  	v13 =	vld [tilespmem:$0x1EB80];
	v14 =	vadd.f32 v15, v21;
	v4 =	vadd.f32 v4, v11;
	v15 =	vsel vm1, v6, v7  }
0x128: {  	v3 =	vadd.f32 v3, v23;
	v18 =	vsel vm4, v6, v7;
	v9 =	vadd.f32 v15, v9  }
0x129: {  	v5 =	vadd.f32 v5, v12;
	v63 =	vsel vm3, v6, v7;
	v11 =	vadd.f32 v18, v17  }
0x12a: {  	v15 =	vsel vm2, v6, v7;
	vm1 =	veq.s32 v22, $0x0;
	v3 =	vadd.f32 v63, v3;
	[tilespmem:s8+$0x6600] =	vst v9  }
0x12b: {  	v15 =	vadd.f32 v15, v19;
	v9 =	vsel vm1, v6, v7;
	vm1 =	veq.s32 v10, $0x0;
	[tilespmem:s8+$0x6300] =	vst v11  }
0x12c: {  	[tilespmem:s8+$0x6400] =	vst v3;
	v4 =	vadd.f32 v9, v4;
	v9 =	vsel vm1, v6, v7;
	vm1 =	veq.s32 v13, $0x0  }
0x12d: {  	vm2 =	veq.s32 v16, $0x0;
	[tilespmem:s8+$0x6380] =	vst v15;
	v10 =	vsel vm1, v6, v7;
	v9 =	vadd.f32 v9, v14  }
0x12e: {  	[tilespmem:s13+$0x6300] =	vst v4;
	v4 =	vsel vm2, v6, v7;
	v3 =	vadd.f32 v10, v5  }
0x12f: {  	v4 =	vadd.f32 v4, v8;
	[tilespmem:s8+$0x6500] =	vst v9  }
0x130: {  	[tilespmem:s8+$0x6580] =	vst v3  }
0x131: {  	s2 =	rddreg [dreg:$0xa];
	s4 =	simm.s32 $0x6300;
	[tilespmem:s8+$0x6480] =	vst v4  }
0x132: {  	[hbm4b:s2+s5] =	stream.linear.scatter [tilespmem:s4], [sflag:$0x7], $0x1800, $0x38;
	[tilespmem:$0x1F900] =	vst v63  }
0x133: {  	_ =	swait.ge [sflag:s28], $0x1800  }
0x134: {  	[sflag:s28] =	ssyncset.done $0x0  }
0x135: {  	[sflag:s28] =	ssyncadd.s32 $0xFFFFE800  }
0x136: {  	v3 =	vld [tilespmem:$0x20];
	_ =	sdelay $0x4  }
0x137: {  	v4 =	vshrl.u32 v3, $0x3  }
0x138: {  	v4 =	vmul.u32 $0x30, v4  }
0x139: {  	v3 =	vand.u32 $0x7, v3  }
0x13a: {  	v3 =	vor.u32 v3, v4  }
0x13b: {  	v4 =	vperm.xlane v3, v0;
	_ =	sdelay $0x1  }
0x13c: {  	v4 =	vadd.s32 v1, v4;
	_ =	sdelay $0x3  }
0x13d: {  	v3 =	vperm.xlane v3, v2  }
0x13e: {  	[tilespmem:s30], [sflag:$0x1] =	stream.indirect_vreg.gather [hbm4b:s0+s5], $0x80, v4, vm0, $0xb8;
	[tilespmem:$0x1F900] =	vst v63  }
0x13f: {  	s23 =	simm.s32 $0xB00;
	v3 =	vadd.s32 v1, v3  }
0x140: {  	[tilespmem:s23], [sflag:$0x1] =	stream.indirect_vreg.gather [hbm4b:s9+s5], $0x80, v4, vm0, $0xb8;
	[tilespmem:$0x1F900] =	vst v63  }
0x141: {  	s24 =	simm.s32 $0x1300  }
0x142: {  	[tilespmem:s24], [sflag:$0x1] =	stream.indirect_vreg.gather [hbm4b:s10+s5], $0x80, v4, vm0, $0xb8;
	[tilespmem:$0x1F900] =	vst v63  }
0x143: {  	s4 =	simm.s32 $0x1B00  }
0x144: {  	[tilespmem:s4], [sflag:$0x1] =	stream.indirect_vreg.gather [hbm4b:s0+s5], $0x80, v3, vm0, $0xb8;
	[tilespmem:$0x1F900] =	vst v63  }
0x145: {  	s7 =	simm.s32 $0x2300  }
0x146: {  	[tilespmem:s7], [sflag:$0x1] =	stream.indirect_vreg.gather [hbm4b:s9+s5], $0x80, v3, vm0, $0xb8;
	[tilespmem:$0x1F900] =	vst v63  }
0x147: {  	s8 =	simm.s32 $0x2B00  }
0x148: {  	[tilespmem:s8], [sflag:$0x1] =	stream.indirect_vreg.gather [hbm4b:s10+s5], $0x80, v3, vm0, $0xb8;
	[tilespmem:$0x1F900] =	vst v63  }
0x149: {  	v3 =	vld [tilespmem:$0x30];
	_ =	sdelay $0x4  }
0x14a: {  	v4 =	vshrl.u32 v3, $0x3  }
0x14b: {  	v4 =	vmul.u32 $0x30, v4  }
0x14c: {  	v3 =	vand.u32 $0x7, v3  }
0x14d: {  	v3 =	vor.u32 v3, v4  }
0x14e: {  	v4 =	vperm.xlane v3, v0;
	_ =	sdelay $0x1  }
0x14f: {  	v4 =	vadd.s32 v1, v4;
	_ =	sdelay $0x3  }
0x150: {  	s13 =	simm.s32 $0x3300;
	v3 =	vperm.xlane v3, v2  }
0x151: {  	[tilespmem:s13], [sflag:$0x1] =	stream.indirect_vreg.gather [hbm4b:s0+s5], $0x80, v4, vm0, $0xb8;
	[tilespmem:$0x1F900] =	vst v63  }
0x152: {  	s14 =	simm.s32 $0x3B00;
	v3 =	vadd.s32 v1, v3  }
0x153: {  	[tilespmem:s14], [sflag:$0x1] =	stream.indirect_vreg.gather [hbm4b:s9+s5], $0x80, v4, vm0, $0xb8;
	[tilespmem:$0x1F900] =	vst v63  }
0x154: {  	s15 =	simm.s32 $0x4300  }
0x155: {  	[tilespmem:s15], [sflag:$0x1] =	stream.indirect_vreg.gather [hbm4b:s10+s5], $0x80, v4, vm0, $0xb8;
	[tilespmem:$0x1F900] =	vst v63  }
0x156: {  	s16 =	simm.s32 $0x4B00  }
0x157: {  	[tilespmem:s16], [sflag:$0x1] =	stream.indirect_vreg.gather [hbm4b:s0+s5], $0x80, v3, vm0, $0xb8;
	[tilespmem:$0x1F900] =	vst v63  }
0x158: {  	s17 =	simm.s32 $0x5300  }
0x159: {  	[tilespmem:s17], [sflag:$0x1] =	stream.indirect_vreg.gather [hbm4b:s9+s5], $0x80, v3, vm0, $0xb8;
	[tilespmem:$0x1F900] =	vst v63  }
0x15a: {  	s20 =	simm.s32 $0x5B00  }
0x15b: {  	[tilespmem:s20], [sflag:$0x1] =	stream.indirect_vreg.gather [hbm4b:s10+s5], $0x80, v3, vm0, $0xb8;
	[tilespmem:$0x1F900] =	vst v63  }
0x15c: {  	v3 =	vld [tilespmem:$0x120];
	_ =	sdelay $0x4  }
0x15d: {  	v4 =	vshrl.u32 v3, $0x3  }
0x15e: {  	v4 =	vmul.u32 $0x30, v4  }
0x15f: {  	v3 =	vand.u32 $0x7, v3  }
0x160: {  	v3 =	vor.u32 v3, v4  }
0x161: {  	v4 =	vperm.xlane v3, v0;
	_ =	sdelay $0x1  }
0x162: {  	v4 =	vadd.s32 v1, v4;
	_ =	sdelay $0x3  }
0x163: {  	s23 =	simm.s32 $0x18300;
	v3 =	vperm.xlane v3, v2  }
0x164: {  	[tilespmem:s23], [sflag:$0x5] =	stream.indirect_vreg.gather [hbm4b:s3+s5], $0x80, v4, vm0, $0xb8;
	[tilespmem:$0x1F900] =	vst v63  }
0x165: {  	s24 =	simm.s32 $0x18B00;
	v3 =	vadd.s32 v1, v3  }
0x166: {  	[tilespmem:s24], [sflag:$0x5] =	stream.indirect_vreg.gather [hbm4b:s11+s5], $0x80, v4, vm0, $0xb8;
	[tilespmem:$0x1F900] =	vst v63  }
0x167: {  	s4 =	simm.s32 $0x19300  }
0x168: {  	[tilespmem:s4], [sflag:$0x5] =	stream.indirect_vreg.gather [hbm4b:s12+s5], $0x80, v4, vm0, $0xb8;
	[tilespmem:$0x1F900] =	vst v63  }
0x169: {  	s7 =	simm.s32 $0x19B00  }
0x16a: {  	[tilespmem:s7], [sflag:$0x5] =	stream.indirect_vreg.gather [hbm4b:s3+s5], $0x80, v3, vm0, $0xb8;
	[tilespmem:$0x1F900] =	vst v63  }
0x16b: {  	s8 =	simm.s32 $0x1A300  }
0x16c: {  	[tilespmem:s8], [sflag:$0x5] =	stream.indirect_vreg.gather [hbm4b:s11+s5], $0x80, v3, vm0, $0xb8;
	[tilespmem:$0x1F900] =	vst v63  }
0x16d: {  	s13 =	simm.s32 $0x1AB00  }
0x16e: {  	[tilespmem:s13], [sflag:$0x5] =	stream.indirect_vreg.gather [hbm4b:s12+s5], $0x80, v3, vm0, $0xb8;
	[tilespmem:$0x1F900] =	vst v63  }
0x16f: {  	v3 =	vld [tilespmem:$0x130];
	_ =	sdelay $0x4  }
0x170: {  	v4 =	vshrl.u32 v3, $0x3  }
0x171: {  	v4 =	vmul.u32 $0x30, v4  }
0x172: {  	v3 =	vand.u32 $0x7, v3  }
0x173: {  	v3 =	vor.u32 v3, v4  }
0x174: {  	v4 =	vperm.xlane v3, v0;
	_ =	sdelay $0x1  }
0x175: {  	v4 =	vadd.s32 v1, v4;
	_ =	sdelay $0x3  }
0x176: {  	s14 =	simm.s32 $0x1B300;
	v3 =	vperm.xlane v3, v2  }
0x177: {  	[tilespmem:s14], [sflag:$0x5] =	stream.indirect_vreg.gather [hbm4b:s3+s5], $0x80, v4, vm0, $0xb8;
	[tilespmem:$0x1F900] =	vst v63  }
0x178: {  	s15 =	simm.s32 $0x1BB00;
	s16 =	simm.s32 $0x1C300;
	v3 =	vadd.s32 v1, v3  }
0x179: {  	[tilespmem:s15], [sflag:$0x5] =	stream.indirect_vreg.gather [hbm4b:s11+s5], $0x80, v4, vm0, $0xb8;
	[tilespmem:$0x1F900] =	vst v63  }
0x17a: {  	s20 =	simm.s32 $0x10;
	s23 =	simm.s32 $0x11;
	s24 =	simm.s32 $0x12  }
0x17b: {  	[tilespmem:s16], [sflag:$0x5] =	stream.indirect_vreg.gather [hbm4b:s12+s5], $0x80, v4, vm0, $0xb8;
	v4 =	vmov s20;
	[tilespmem:$0x1F900] =	vst v63  }
0x17c: {  	s17 =	simm.s32 $0x1CB00;
	v5 =	vmov s23;
	v6 =	vmov s24;
	s7 =	simm.s32 $0x13;
	v4 =	vand.u32 $0xFFFFFFFC, v4  }
0x17d: {  	v6 =	vand.u32 $0xFFFFFFFE, v6;
	v8 =	vmov s7;
	[tilespmem:s17], [sflag:$0x5] =	stream.indirect_vreg.gather [hbm4b:s3+s5], $0x80, v3, vm0, $0xb8;
	v7 =	vbroadcast v4, $0x0;
	[tilespmem:$0x1F900] =	vst v63  }
0x17e: {  	v9 =	vbroadcast v6, $0x0;
	s8 =	simm.s32 $0x1D300;
	s13 =	simm.s32 $0x14;
	s15 =	simm.s32 $0x16;
	v4 =	vand.u32 $0xFFFFFFFD, v5  }
0x17f: {  	v11 =	vbroadcast v4, $0x0;
	[tilespmem:s8], [sflag:$0x5] =	stream.indirect_vreg.gather [hbm4b:s11+s5], $0x80, v3, vm0, $0xb8;
	[tilespmem:$0x1F900] =	vst v63  }
0x180: {  	s14 =	simm.s32 $0x15;
	s16 =	simm.s32 $0x1DB00;
	v5 =	vmov s15;
	s17 =	simm.s32 $0x17;
	v4 =	vmov s13  }
0x181: {  	v6 =	vand.u32 $0xFFFFFFFE, v5;
	v4 =	vand.u32 $0xFFFFFFFC, v4;
	[tilespmem:s16], [sflag:$0x5] =	stream.indirect_vreg.gather [hbm4b:s12+s5], $0x80, v3, vm0, $0xb8;
	[tilespmem:$0x1F900] =	vst v63  }
0x182: {  	s23 =	simm.s32 $0x19;
	v10 =	vmov s17;
	v4 =	vbroadcast v4, $0x0;
	v3 =	vmov s14;
	v5 =	vld.idx.msk [tilespmem:v8+s25+$0x0], $0xffff  }
0x183: {  	v14 =	vmov s23;
	s24 =	simm.s32 $0x1A;
	s20 =	simm.s32 $0x18;
	v3 =	vand.u32 $0xFFFFFFFD, v3;
	v8 =	vbroadcast v6, $0x0;
	v6 =	vld.idx.msk [tilespmem:v7+s25+$0x0], $0xffff  }
0x184: {  	s2 =	simm.s32 $0x1EA00;
	v15 =	vmov s24;
	v12 =	vmov s20;
	v3 =	vbroadcast v3, $0x0;
	v7 =	vld.idx.msk [tilespmem:v9+s25+$0x0], $0xffff  }
0x185: {  	s4 =	simm.s32 $0x1EA00;
	v13 =	vand.u32 $0xFFFFFFFC, v12;
	v12 =	vand.u32 $0xFFFFFFFD, v14;
	s13 =	simm.s32 $0x4;
	s8 =	simm.s32 $0x8;
	v9 =	vld.idx.msk [tilespmem:v11+s25+$0x0], $0xffff;
	v11 =	vand.u32 $0xFFFFFFFE, v15  }
.LBB2_10:
0x186: {  	s14 =	sadd.s32 $0x17, s13;
	s13 =	smov.u32 s8;
	s8 =	sadd.s32 $0x4, s8  }
0x187: {  	v13 =	vbroadcast v13, $0x0;
	v12 =	vbroadcast v12, $0x0;
	[tilespmem:s2+$0x80] =	vst v5;
	v5 =	vld.idx.msk [tilespmem:v10+s25+$0x0], $0xffff;
	s4 =	sadd.s32 $0x200, s4;
	p0 =	slt.u32 s8, $0xC  }
.Ltmp4:
0x188: {  	v11 =	vbroadcast v11, $0x0;
	v10 =	vmov s14;
	[tilespmem:s2+$0xFFFFFF00] =	vst v6;
	v6 =	vld.idx.msk [tilespmem:v4+s25+$0x0], $0xffff;
	(pc) =	sbr.rel @p0 .LBB2_10-.Ltmp4, $4  }
0x189: {  	[tilespmem:s2+$0x0] =	vst v7;
	v7 =	vld.idx.msk [tilespmem:v8+s25+$0x0], $0xffff;
	v4 =	vmov v13  }
0x18a: {  	s14 =	sadd.s32 $0x14, s13;
	s15 =	sadd.s32 $0x15, s13;
	s16 =	sadd.s32 $0x16, s13;
	v8 =	vmov v11;
	[tilespmem:s2+$0xFFFFFF80] =	vst v9;
	v9 =	vld.idx.msk [tilespmem:v3+s25+$0x0], $0xffff;
	v3 =	vmov v12  }
0x18b: {  	v11 =	vmov s14;
	v14 =	vmov s16;
	v12 =	vmov s15;
	s2 =	smov.u32 s4  }
0x18c: {  	v13 =	vand.u32 $0xFFFFFFFC, v11;
	v11 =	vand.u32 $0xFFFFFFFE, v14;
	v12 =	vand.u32 $0xFFFFFFFD, v12  }
0x18d: {  	_ =	sdelay $0x1  }
0x18e: {  	s8 =	sadd.s32 $0x17, s13  }
0x18f: {  	v13 =	vbroadcast v13, $0x0;
	v14 =	vmov s8  }
0x190: {  	v10 =	vld.idx.msk [tilespmem:v10+s25+$0x0], $0xffff;
	v11 =	vbroadcast v11, $0x0  }
0x191: {  	[tilespmem:s2+$0x80] =	vst v5;
	v59 =	vbroadcast v12, $0x0;
	v4 =	vld.idx.msk [tilespmem:v4+s25+$0x0], $0xffff  }
0x192: {  	[tilespmem:s2+$0xFFFFFF00] =	vst v6;
	v60 =	vld.idx.msk [tilespmem:v8+s25+$0x0], $0xffff  }
0x193: {  	v3 =	vld.idx.msk [tilespmem:v3+s25+$0x0], $0xffff;
	[tilespmem:s2+$0x0] =	vst v7  }
0x194: {  	s4 =	sadd.s32 $0x200, s4;
	[tilespmem:s2+$0xFFFFFF80] =	vst v9;
	v61 =	vld.idx.msk [tilespmem:v14+s25+$0x0], $0xffff  }
0x195: {  	[tilespmem:s4+$0x80] =	vst v10;
	v62 =	vld.idx.msk [tilespmem:v13+s25+$0x0], $0xffff  }
0x196: {  	[tilespmem:s4+$0xFFFFFF00] =	vst v4;
	v63 =	vld.idx.msk [tilespmem:v11+s25+$0x0], $0xffff  }
0x197: {  	[tilespmem:s4+$0x0] =	vst v60;
	v5 =	vld.idx.msk [tilespmem:v59+s25+$0x0], $0xffff  }
0x198: {  	s24 =	sadd.s32 $0x200, s4;
	[tilespmem:s4+$0xFFFFFF80] =	vst v3  }
0x199: {  	[tilespmem:s24+$0x80] =	vst v61  }
0x19a: {  	[tilespmem:s24+$0xFFFFFF00] =	vst v62  }
0x19b: {  	[tilespmem:s24+$0x0] =	vst v63  }
0x19c: {  	[tilespmem:s24+$0xFFFFFF80] =	vst v5  }
0x19d: {  	_ =	swait.ge [sflag:s31], $0x3000  }
0x19e: {  	[sflag:s31] =	ssyncset.done $0x0  }
0x19f: {  	[sflag:s31] =	ssyncadd.s32 $0xFFFFD000  }
0x1a0: {  	_ =	swait.ge [sflag:s6], $0x3000  }
0x1a1: {  	[sflag:s6] =	ssyncset.done $0x0  }
0x1a2: {  	s2 =	simm.s32 $0x0;
	[sflag:s6] =	ssyncadd.s32 $0xFFFFD000  }
.LBB2_12:
0x1a3: {  	s4 =	sshll.u32 s2, $0x7  }
0x1a4: {  	s13 =	sshll.u32 s2, $0x4;
	s4 =	sand.u32 $0x7FFFFC00, s4  }
0x1a5: {  	s8 =	sand.u32 $0x70, s13;
	s14 =	sshrl.u32 s4, $0x2  }
0x1a6: {  	s14 =	sor.u32 s8, s14  }
0x1a7: {  	s15 =	sadd.s32 $0x1E300, s14;
	v3 =	vld [tilespmem:s14+$0x1E300]  }
0x1a8: {  	p0 =	por $0x1, $0x1;
	s13 =	sor.u32 $0x380, s13;
	v4 =	vld [tilespmem:s15+$0x80];
	s15 =	simm.s32 $0x0  }
.LBB2_13:
0x1a9: {  	s24 =	sshll.u32 s15, $0x7  }
0x1aa: {  	s14 =	sshrl.u32 s15, $0x3;
	s15 =	sand.u32 $0x3FFFFF80, s24  }
0x1ab: {  	v7 =	vld [tilespmem:s15+$0x1E900]  }
0x1ac: {  	v10 =	vld [tilespmem:s15+$0x1E980]  }
0x1ad: {  	v13 =	vld [tilespmem:s15+$0x1EA00]  }
0x1ae: {  	v16 =	vld [tilespmem:s15+$0x1EA80]  }
0x1af: {  	s14 =	smul.u32 $0x1800, s14;
	v19 =	vld [tilespmem:s15+$0x1EB00]  }
0x1b0: {  	v22 =	vld [tilespmem:s15+$0x1EB80]  }
0x1b1: {  	v49 =	vld [tilespmem:s15+$0x1EC00];
	s16 =	sadd.s32 s4, s14  }
0x1b2: {  	v56 =	vld [tilespmem:s15+$0x1EC80];
	s14 =	sor.u32 s8, s16  }
0x1b3: {  	v5 =	vld [tilespmem:s14+$0xC300]  }
0x1b4: {  	v6 =	vld [tilespmem:s14+$0x12300]  }
0x1b5: {  	v8 =	vld [tilespmem:s14+$0xC380]  }
0x1b6: {  	v9 =	vld [tilespmem:s14+$0x12380]  }
0x1b7: {  	v11 =	vld [tilespmem:s14+$0xC400]  }
0x1b8: {  	v12 =	vld [tilespmem:s14+$0x12400]  }
0x1b9: {  	v14 =	vld [tilespmem:s14+$0xC480]  }
0x1ba: {  	v15 =	vld [tilespmem:s14+$0x12480]  }
0x1bb: {  	v17 =	vld [tilespmem:s14+$0xC500]  }
0x1bc: {  	v18 =	vld [tilespmem:s14+$0x12500]  }
0x1bd: {  	v20 =	vld [tilespmem:s14+$0xC580];
	vm1 =	veq.s32 v7, $0x0  }
0x1be: {  	v21 =	vld [tilespmem:s14+$0x12580];
	v48 =	vsel vm1, v3, v4;
	vm1 =	veq.s32 v10, $0x0  }
0x1bf: {  	s16 =	sor.u32 s13, s16;
	v23 =	vld [tilespmem:s14+$0xC600];
	v51 =	vsel vm1, v3, v4;
	v5 =	vadd.f32 v6, v5  }
0x1c0: {  	v52 =	vld [tilespmem:s16+$0xC300];
	vm1 =	veq.s32 v13, $0x0;
	v7 =	vadd.f32 v9, v8;
	v50 =	vadd.f32 v12, v11  }
0x1c1: {  	v6 =	vld [tilespmem:s14+$0x12600];
	v53 =	vsel vm1, v3, v4;
	v55 =	vadd.f32 v15, v14;
	vm1 =	veq.s32 v16, $0x0  }
0x1c2: {  	v54 =	vld [tilespmem:s16+$0x12300];
	v58 =	vsel vm1, v3, v4;
	vm1 =	veq.s32 v19, $0x0;
	v5 =	vadd.f32 v48, v5  }
0x1c3: {  	v7 =	vadd.f32 v51, v7;
	v59 =	vsel vm1, v3, v4;
	vm1 =	veq.s32 v22, $0x0  }
0x1c4: {  	v57 =	vadd.f32 v18, v17;
	v8 =	vadd.f32 v53, v50;
	v61 =	vsel vm1, v3, v4;
	[tilespmem:s14+$0xC300] =	vst v5  }
0x1c5: {  	vm1 =	veq.s32 v49, $0x0;
	v5 =	vadd.f32 v21, v20;
	[tilespmem:s14+$0xC380] =	vst v7;
	v7 =	vadd.f32 v58, v55  }
0x1c6: {  	p1 =	por p0, p0;
	v60 =	vadd.f32 v59, v57;
	[tilespmem:s14+$0xC400] =	vst v8;
	v62 =	vsel vm1, v3, v4;
	v6 =	vadd.f32 v6, v23  }
.Ltmp5:
0x1c7: {  	vm1 =	veq.s32 v56, $0x0;
	v5 =	vadd.f32 v61, v5;
	[tilespmem:s14+$0xC480] =	vst v7;
	v7 =	vadd.f32 v54, v52;
	(pc) =	sbr.rel @p1 .LBB2_13-.Ltmp5, $4  }
0x1c8: {  	[tilespmem:s14+$0xC500] =	vst v60;
	v63 =	vsel vm1, v3, v4;
	v6 =	vadd.f32 v62, v6  }
0x1c9: {  	[tilespmem:s14+$0xC580] =	vst v5;
	v5 =	vadd.f32 v63, v7  }
0x1ca: {  	[tilespmem:s14+$0xC600] =	vst v6  }
0x1cb: {  	p0 =	por $0x0, $0x0;
	s15 =	simm.s32 $0x8;
	[tilespmem:s16+$0xC300] =	vst v5  }
0x1cc: {  	s2 =	sadd.s32 $0x1, s2  }
0x1cd: {  	p0 =	sne.s32 s2, $0x30  }
.Ltmp6:
0x1ce: {  	_ = 	snop;
	(pc) =	sbr.rel @p0 .LBB2_12-.Ltmp6, $1  }
0x1cf: {  	_ =	sdelay $0x3  }
0x1d0: {  	s2 =	rddreg [dreg:$0xb]  }
0x1d1: {  	[hbm4b:s2+s5] =	stream.linear.scatter [tilespmem:s19], [sflag:$0x8], $0x3000, $0x38;
	[tilespmem:$0x1F900] =	vst v63  }
0x1d2: {  	_ =	swait.ge [sflag:s29], $0x1800  }
0x1d3: {  	[sflag:s29] =	ssyncset.done $0x0  }
0x1d4: {  	[sflag:s29] =	ssyncadd.s32 $0xFFFFE800  }
0x1d5: {  	v3 =	vld [tilespmem:$0x40];
	_ =	sdelay $0x4  }
0x1d6: {  	v4 =	vshrl.u32 v3, $0x3  }
0x1d7: {  	v4 =	vmul.u32 $0x30, v4  }
0x1d8: {  	v3 =	vand.u32 $0x7, v3  }
0x1d9: {  	v3 =	vor.u32 v3, v4  }
0x1da: {  	v4 =	vperm.xlane v3, v0;
	_ =	sdelay $0x1  }
0x1db: {  	v4 =	vadd.s32 v1, v4;
	_ =	sdelay $0x3  }
0x1dc: {  	s7 =	simm.s32 $0x6300;
	v3 =	vperm.xlane v3, v2  }
0x1dd: {  	[tilespmem:s7], [sflag:$0x2] =	stream.indirect_vreg.gather [hbm4b:s0+s5], $0x80, v4, vm0, $0xb8;
	[tilespmem:$0x1F900] =	vst v63  }
0x1de: {  	s8 =	simm.s32 $0x6B00;
	v3 =	vadd.s32 v1, v3  }
0x1df: {  	[tilespmem:s8], [sflag:$0x2] =	stream.indirect_vreg.gather [hbm4b:s9+s5], $0x80, v4, vm0, $0xb8;
	[tilespmem:$0x1F900] =	vst v63  }
0x1e0: {  	s13 =	simm.s32 $0x7300  }
0x1e1: {  	[tilespmem:s13], [sflag:$0x2] =	stream.indirect_vreg.gather [hbm4b:s10+s5], $0x80, v4, vm0, $0xb8;
	[tilespmem:$0x1F900] =	vst v63  }
0x1e2: {  	s14 =	simm.s32 $0x7B00  }
0x1e3: {  	[tilespmem:s14], [sflag:$0x2] =	stream.indirect_vreg.gather [hbm4b:s0+s5], $0x80, v3, vm0, $0xb8;
	[tilespmem:$0x1F900] =	vst v63  }
0x1e4: {  	s15 =	simm.s32 $0x8300  }
0x1e5: {  	[tilespmem:s15], [sflag:$0x2] =	stream.indirect_vreg.gather [hbm4b:s9+s5], $0x80, v3, vm0, $0xb8;
	[tilespmem:$0x1F900] =	vst v63  }
0x1e6: {  	s16 =	simm.s32 $0x8B00  }
0x1e7: {  	[tilespmem:s16], [sflag:$0x2] =	stream.indirect_vreg.gather [hbm4b:s10+s5], $0x80, v3, vm0, $0xb8;
	[tilespmem:$0x1F900] =	vst v63  }
0x1e8: {  	v3 =	vld [tilespmem:$0x50];
	_ =	sdelay $0x4  }
0x1e9: {  	v4 =	vshrl.u32 v3, $0x3  }
0x1ea: {  	v4 =	vmul.u32 $0x30, v4  }
0x1eb: {  	v3 =	vand.u32 $0x7, v3  }
0x1ec: {  	v3 =	vor.u32 v3, v4  }
0x1ed: {  	v4 =	vperm.xlane v3, v0;
	_ =	sdelay $0x1  }
0x1ee: {  	v4 =	vadd.s32 v1, v4;
	_ =	sdelay $0x3  }
0x1ef: {  	s17 =	simm.s32 $0x9300;
	v3 =	vperm.xlane v3, v2  }
0x1f0: {  	[tilespmem:s17], [sflag:$0x2] =	stream.indirect_vreg.gather [hbm4b:s0+s5], $0x80, v4, vm0, $0xb8;
	[tilespmem:$0x1F900] =	vst v63  }
0x1f1: {  	s20 =	simm.s32 $0x9B00;
	v3 =	vadd.s32 v1, v3  }
0x1f2: {  	[tilespmem:s20], [sflag:$0x2] =	stream.indirect_vreg.gather [hbm4b:s9+s5], $0x80, v4, vm0, $0xb8;
	[tilespmem:$0x1F900] =	vst v63  }
0x1f3: {  	s23 =	simm.s32 $0xA300  }
0x1f4: {  	[tilespmem:s23], [sflag:$0x2] =	stream.indirect_vreg.gather [hbm4b:s10+s5], $0x80, v4, vm0, $0xb8;
	[tilespmem:$0x1F900] =	vst v63  }
0x1f5: {  	s24 =	simm.s32 $0xAB00  }
0x1f6: {  	[tilespmem:s24], [sflag:$0x2] =	stream.indirect_vreg.gather [hbm4b:s0+s5], $0x80, v3, vm0, $0xb8;
	[tilespmem:$0x1F900] =	vst v63  }
0x1f7: {  	s4 =	simm.s32 $0xB300  }
0x1f8: {  	[tilespmem:s4], [sflag:$0x2] =	stream.indirect_vreg.gather [hbm4b:s9+s5], $0x80, v3, vm0, $0xb8;
	[tilespmem:$0x1F900] =	vst v63  }
0x1f9: {  	s7 =	simm.s32 $0xBB00  }
0x1fa: {  	[tilespmem:s7], [sflag:$0x2] =	stream.indirect_vreg.gather [hbm4b:s10+s5], $0x80, v3, vm0, $0xb8;
	[tilespmem:$0x1F900] =	vst v63  }
0x1fb: {  	v3 =	vld [tilespmem:$0x140];
	_ =	sdelay $0x4  }
0x1fc: {  	v4 =	vshrl.u32 v3, $0x3  }
0x1fd: {  	v4 =	vmul.u32 $0x30, v4  }
0x1fe: {  	v3 =	vand.u32 $0x7, v3  }
0x1ff: {  	v3 =	vor.u32 v3, v4  }
0x200: {  	v4 =	vperm.xlane v3, v0;
	_ =	sdelay $0x1  }
0x201: {  	v4 =	vadd.s32 v1, v4;
	_ =	sdelay $0x3  }
0x202: {  	s8 =	simm.s32 $0x12300;
	v3 =	vperm.xlane v3, v2  }
0x203: {  	[tilespmem:s8], [sflag:$0x4] =	stream.indirect_vreg.gather [hbm4b:s3+s5], $0x80, v4, vm0, $0xb8;
	[tilespmem:$0x1F900] =	vst v63  }
0x204: {  	s13 =	simm.s32 $0x12B00;
	v3 =	vadd.s32 v1, v3  }
0x205: {  	[tilespmem:s13], [sflag:$0x4] =	stream.indirect_vreg.gather [hbm4b:s11+s5], $0x80, v4, vm0, $0xb8;
	[tilespmem:$0x1F900] =	vst v63  }
0x206: {  	s14 =	simm.s32 $0x13300  }
0x207: {  	[tilespmem:s14], [sflag:$0x4] =	stream.indirect_vreg.gather [hbm4b:s12+s5], $0x80, v4, vm0, $0xb8;
	[tilespmem:$0x1F900] =	vst v63  }
0x208: {  	s15 =	simm.s32 $0x13B00  }
0x209: {  	[tilespmem:s15], [sflag:$0x4] =	stream.indirect_vreg.gather [hbm4b:s3+s5], $0x80, v3, vm0, $0xb8;
	[tilespmem:$0x1F900] =	vst v63  }
0x20a: {  	s16 =	simm.s32 $0x14300  }
0x20b: {  	[tilespmem:s16], [sflag:$0x4] =	stream.indirect_vreg.gather [hbm4b:s11+s5], $0x80, v3, vm0, $0xb8;
	[tilespmem:$0x1F900] =	vst v63  }
0x20c: {  	s17 =	simm.s32 $0x14B00  }
0x20d: {  	[tilespmem:s17], [sflag:$0x4] =	stream.indirect_vreg.gather [hbm4b:s12+s5], $0x80, v3, vm0, $0xb8;
	[tilespmem:$0x1F900] =	vst v63  }
0x20e: {  	v3 =	vld [tilespmem:$0x150];
	_ =	sdelay $0x4  }
0x20f: {  	v4 =	vshrl.u32 v3, $0x3  }
0x210: {  	v4 =	vmul.u32 $0x30, v4  }
0x211: {  	v3 =	vand.u32 $0x7, v3  }
0x212: {  	v3 =	vor.u32 v3, v4  }
0x213: {  	v4 =	vperm.xlane v3, v0;
	_ =	sdelay $0x1  }
0x214: {  	v4 =	vadd.s32 v1, v4;
	_ =	sdelay $0x3  }
0x215: {  	s20 =	simm.s32 $0x15300;
	v3 =	vperm.xlane v3, v2  }
0x216: {  	[tilespmem:s20], [sflag:$0x4] =	stream.indirect_vreg.gather [hbm4b:s3+s5], $0x80, v4, vm0, $0xb8;
	[tilespmem:$0x1F900] =	vst v63  }
0x217: {  	s23 =	simm.s32 $0x15B00;
	v3 =	vadd.s32 v1, v3  }
0x218: {  	[tilespmem:s23], [sflag:$0x4] =	stream.indirect_vreg.gather [hbm4b:s11+s5], $0x80, v4, vm0, $0xb8;
	[tilespmem:$0x1F900] =	vst v63  }
0x219: {  	s24 =	simm.s32 $0x16300  }
0x21a: {  	[tilespmem:s24], [sflag:$0x4] =	stream.indirect_vreg.gather [hbm4b:s12+s5], $0x80, v4, vm0, $0xb8;
	[tilespmem:$0x1F900] =	vst v63  }
0x21b: {  	s4 =	simm.s32 $0x16B00;
	s7 =	simm.s32 $0x20;
	s8 =	simm.s32 $0x22  }
0x21c: {  	v6 =	vmov s8;
	v4 =	vmov s7;
	[tilespmem:s4], [sflag:$0x4] =	stream.indirect_vreg.gather [hbm4b:s3+s5], $0x80, v3, vm0, $0xb8;
	[tilespmem:$0x1F900] =	vst v63  }
0x21d: {  	s8 =	simm.s32 $0x23;
	v6 =	vand.u32 $0xFFFFFFFE, v6;
	v4 =	vand.u32 $0xFFFFFFFC, v4;
	s4 =	simm.s32 $0x21  }
0x21e: {  	v8 =	vmov s8;
	v7 =	vbroadcast v4, $0x0;
	v5 =	vmov s4  }
0x21f: {  	s13 =	simm.s32 $0x17300;
	v9 =	vbroadcast v6, $0x0;
	s14 =	simm.s32 $0x24;
	s15 =	simm.s32 $0x25;
	v4 =	vand.u32 $0xFFFFFFFD, v5  }
0x220: {  	[tilespmem:s13], [sflag:$0x4] =	stream.indirect_vreg.gather [hbm4b:s11+s5], $0x80, v3, vm0, $0xb8;
	v11 =	vbroadcast v4, $0x0;
	[tilespmem:$0x1F900] =	vst v63  }
0x221: {  	s16 =	simm.s32 $0x26;
	s17 =	simm.s32 $0x17B00;
	s20 =	simm.s32 $0x27;
	v4 =	vmov s14  }
0x222: {  	v10 =	vmov s20;
	v5 =	vmov s16;
	[tilespmem:s17], [sflag:$0x4] =	stream.indirect_vreg.gather [hbm4b:s12+s5], $0x80, v3, vm0, $0xb8;
	v4 =	vand.u32 $0xFFFFFFFC, v4;
	[tilespmem:$0x1F900] =	vst v63  }
0x223: {  	s23 =	simm.s32 $0x28;
	v6 =	vand.u32 $0xFFFFFFFE, v5;
	v3 =	vmov s15;
	v4 =	vbroadcast v4, $0x0;
	v5 =	vld.idx.msk [tilespmem:v8+s25+$0x0], $0xffff  }
0x224: {  	v12 =	vmov s23;
	s24 =	simm.s32 $0x29;
	s13 =	simm.s32 $0x2A;
	v3 =	vand.u32 $0xFFFFFFFD, v3;
	v8 =	vbroadcast v6, $0x0;
	v6 =	vld.idx.msk [tilespmem:v7+s25+$0x0], $0xffff  }
0x225: {  	s2 =	simm.s32 $0x1EA00;
	v14 =	vmov s24;
	v15 =	vmov s13;
	v3 =	vbroadcast v3, $0x0;
	v7 =	vld.idx.msk [tilespmem:v9+s25+$0x0], $0xffff  }
0x226: {  	s8 =	simm.s32 $0x8;
	v13 =	vand.u32 $0xFFFFFFFC, v12;
	v12 =	vand.u32 $0xFFFFFFFD, v14;
	s4 =	simm.s32 $0x1EA00;
	s13 =	simm.s32 $0x4;
	v9 =	vld.idx.msk [tilespmem:v11+s25+$0x0], $0xffff;
	v11 =	vand.u32 $0xFFFFFFFE, v15  }
.LBB2_16:
0x227: {  	s14 =	sadd.s32 $0x27, s13;
	s13 =	smov.u32 s8;
	s8 =	sadd.s32 $0x4, s8  }
0x228: {  	v13 =	vbroadcast v13, $0x0;
	v12 =	vbroadcast v12, $0x0;
	[tilespmem:s2+$0x80] =	vst v5;
	v5 =	vld.idx.msk [tilespmem:v10+s25+$0x0], $0xffff;
	s4 =	sadd.s32 $0x200, s4;
	p0 =	slt.u32 s8, $0x1C  }
.Ltmp7:
0x229: {  	v11 =	vbroadcast v11, $0x0;
	v10 =	vmov s14;
	[tilespmem:s2+$0xFFFFFF00] =	vst v6;
	v6 =	vld.idx.msk [tilespmem:v4+s25+$0x0], $0xffff;
	(pc) =	sbr.rel @p0 .LBB2_16-.Ltmp7, $4  }
0x22a: {  	[tilespmem:s2+$0x0] =	vst v7;
	v7 =	vld.idx.msk [tilespmem:v8+s25+$0x0], $0xffff;
	v4 =	vmov v13  }
0x22b: {  	s14 =	sadd.s32 $0x24, s13;
	s15 =	sadd.s32 $0x25, s13;
	s16 =	sadd.s32 $0x26, s13;
	v8 =	vmov v11;
	[tilespmem:s2+$0xFFFFFF80] =	vst v9;
	v9 =	vld.idx.msk [tilespmem:v3+s25+$0x0], $0xffff;
	v3 =	vmov v12  }
0x22c: {  	v11 =	vmov s14;
	v14 =	vmov s16;
	v12 =	vmov s15;
	s2 =	smov.u32 s4  }
0x22d: {  	v13 =	vand.u32 $0xFFFFFFFC, v11;
	v11 =	vand.u32 $0xFFFFFFFE, v14;
	v12 =	vand.u32 $0xFFFFFFFD, v12  }
0x22e: {  	_ =	sdelay $0x1  }
0x22f: {  	s8 =	sadd.s32 $0x27, s13  }
0x230: {  	v13 =	vbroadcast v13, $0x0;
	v14 =	vmov s8  }
0x231: {  	v10 =	vld.idx.msk [tilespmem:v10+s25+$0x0], $0xffff;
	v11 =	vbroadcast v11, $0x0  }
0x232: {  	[tilespmem:s2+$0x80] =	vst v5;
	v59 =	vbroadcast v12, $0x0;
	v4 =	vld.idx.msk [tilespmem:v4+s25+$0x0], $0xffff  }
0x233: {  	[tilespmem:s2+$0xFFFFFF00] =	vst v6;
	v60 =	vld.idx.msk [tilespmem:v8+s25+$0x0], $0xffff  }
0x234: {  	v3 =	vld.idx.msk [tilespmem:v3+s25+$0x0], $0xffff;
	[tilespmem:s2+$0x0] =	vst v7  }
0x235: {  	s4 =	sadd.s32 $0x200, s4;
	[tilespmem:s2+$0xFFFFFF80] =	vst v9;
	v61 =	vld.idx.msk [tilespmem:v14+s25+$0x0], $0xffff  }
0x236: {  	[tilespmem:s4+$0x80] =	vst v10;
	v62 =	vld.idx.msk [tilespmem:v13+s25+$0x0], $0xffff  }
0x237: {  	[tilespmem:s4+$0xFFFFFF00] =	vst v4;
	v63 =	vld.idx.msk [tilespmem:v11+s25+$0x0], $0xffff  }
0x238: {  	[tilespmem:s4+$0x0] =	vst v60;
	v5 =	vld.idx.msk [tilespmem:v59+s25+$0x0], $0xffff  }
0x239: {  	s24 =	sadd.s32 $0x200, s4;
	[tilespmem:s4+$0xFFFFFF80] =	vst v3  }
0x23a: {  	[tilespmem:s24+$0x80] =	vst v61  }
0x23b: {  	[tilespmem:s24+$0xFFFFFF00] =	vst v62  }
0x23c: {  	[tilespmem:s24+$0x0] =	vst v63  }
0x23d: {  	[tilespmem:s24+$0xFFFFFF80] =	vst v5  }
0x23e: {  	_ =	swait.ge [sflag:s18], $0x6000  }
0x23f: {  	[sflag:s18] =	ssyncset.done $0x0  }
0x240: {  	[sflag:s18] =	ssyncadd.s32 $0xFFFFA000  }
0x241: {  	_ =	swait.ge [sflag:s22], $0x6000  }
0x242: {  	s14 =	simm.s32 $0x0;
	[sflag:s22] =	ssyncset.done $0x0  }
0x243: {  	s20 =	simm.s32 $0x0;
	s8 =	simm.s32 $0x0;
	[sflag:s22] =	ssyncadd.s32 $0xFFFFA000  }
.LBB2_18:
0x244: {  	s7 =	simm.s32 $0x1EB00  }
0x245: {  	v13 =	vld [tilespmem:s7+$0xFFFFFE00]  }
0x246: {  	s2 =	sand.u32 $0x7, s14;
	v6 =	vld [tilespmem:s7+$0x0]  }
0x247: {  	s4 =	sshll.u32 s20, $0x4;
	s13 =	sshll.u32 s20, $0x5;
	s2 =	sshll.u32 s2, $0x6;
	v12 =	vld [tilespmem:s7+$0x180]  }
0x248: {  	s24 =	sand.u32 $0x70, s4;
	s13 =	sand.u32 $0x1FFFFF00, s13;
	v21 =	vld [tilespmem:s7+$0x100];
	s2 =	sshrl.u32 s2, $0x2  }
0x249: {  	v24 =	vld [tilespmem:s7+$0xFFFFFF00];
	v3 =	vmov s2;
	s2 =	sor.u32 s24, s13  }
0x24a: {  	s17 =	sand.u32 $0xFFFFFC00, s8;
	s16 =	sadd.s32 $0x1E300, s2;
	v4 =	vld [tilespmem:s2+$0x1E300];
	s2 =	sor.u32 $0x380, s4  }
0x24b: {  	v5 =	vld [tilespmem:s16+$0x80];
	s23 =	sor.u32 s2, s17  }
0x24c: {  	s15 =	sand.u32 $0x3FFFFC00, s8;
	v14 =	vld [tilespmem:s23+$0x300]  }
0x24d: {  	s13 =	sadd.s32 $0x600, s15;
	v19 =	vld [tilespmem:s23+$0x18300]  }
0x24e: {  	s4 =	sadd.s32 $0x12300, s15;
	v11 =	vld.idx.msk [tilespmem:v3+s13+$0xFFFFFD00 ss:$0x1], $0xffff  }
0x24f: {  	v15 =	vld.idx.msk [tilespmem:v3+s4+$0x6000 ss:$0x1], $0xffff  }
0x250: {  	v16 =	vld.idx.msk [tilespmem:v3+s13+$0xFFFFFD80 ss:$0x1], $0xffff  }
0x251: {  	v17 =	vld.idx.msk [tilespmem:v3+s4+$0x6080 ss:$0x1], $0xffff  }
0x252: {  	v9 =	vld.idx.msk [tilespmem:v3+s13+$0xFFFFFF00 ss:$0x1], $0xffff  }
0x253: {  	v7 =	vld.idx.msk [tilespmem:v3+s4+$0x6280 ss:$0x1], $0xffff  }
0x254: {  	v18 =	vld.idx.msk [tilespmem:v3+s13+$0xFFFFFE00 ss:$0x1], $0xffff  }
0x255: {  	v10 =	vld.idx.msk [tilespmem:v3+s4+$0x6200 ss:$0x1], $0xffff  }
0x256: {  	v20 =	vld.idx.msk [tilespmem:v3+s4+$0x6100 ss:$0x1], $0xffff  }
0x257: {  	v8 =	vld.idx.msk [tilespmem:v3+s4+$0x6300 ss:$0x1], $0xffff  }
0x258: {  	v22 =	vld.idx.msk [tilespmem:v3+s13+$0xFFFFFE80 ss:$0x1], $0xffff  }
0x259: {  	v23 =	vld.idx.msk [tilespmem:v3+s4+$0x6180 ss:$0x1], $0xffff  }
0x25a: {  	vm1 =	veq.s32 v6, $0x0;
	v6 =	vadd.f32 v17, v16;
	v17 =	vld [tilespmem:s7+$0xFFFFFF80]  }
0x25b: {  	vm2 =	veq.s32 v12, $0x0;
	v25 =	vadd.f32 v15, v11;
	v12 =	vadd.f32 v20, v18;
	v11 =	vld.idx.msk [tilespmem:v3+s13+$0x0 ss:$0x1], $0xffff  }
0x25c: {  	v18 =	vsel vm2, v4, v5;
	vm2 =	veq.s32 v13, $0x0;
	v16 =	vsel vm1, v4, v5;
	v13 =	vld.idx.msk [tilespmem:v3+s13+$0xFFFFFF80 ss:$0x1], $0xffff  }
0x25d: {  	s24 =	simm.s32 $0x0;
	vm1 =	veq.s32 v21, $0x0;
	v15 =	vld [tilespmem:s7+$0x80];
	v21 =	vadd.f32 v19, v14;
	v20 =	vsel vm2, v4, v5  }
0x25e: {  	s15 =	sadd.s32 $0x1800, s13;
	s16 =	simm.s32 $0x1EF00;
	s17 =	sadd.s32 $0x1800, s17;
	v14 =	vld [tilespmem:s7+$0xFFFFFE80];
	vm2 =	veq.s32 v24, $0x0;
	v19 =	vadd.f32 v20, v25;
	v20 =	vadd.f32 v23, v22  }
.LBB2_19:
0x25f: {  	v22 =	vld.idx.msk [tilespmem:v3+s15+$0xFFFFFD00 ss:$0x1], $0xffff;
	s7 =	sor.u32 s2, s17;
	s24 =	sadd.s32 $0x8, s24;
	vm3 =	veq.s32 v17, $0x0;
	v9 =	vadd.f32 v10, v9;
	v10 =	vadd.f32 v18, v21;
	s4 =	sadd.s32 $0x1800, s4  }
0x260: {  	v21 =	vld [tilespmem:s16+$0xFFFFFE00];
	p0 =	slt.u32 s24, $0x18;
	v17 =	vsel vm3, v4, v5  }
0x261: {  	v18 =	vld [tilespmem:s16+$0x0];
	[tilespmem:v3+s13+$0xFFFFFD00 ss:$0x1] =	vst.idx.msk $0xffff, v19;
	v17 =	vadd.f32 v17, v20;
	v9 =	vadd.f32 v16, v9  }
0x262: {  	v16 =	vsel vm2, v4, v5;
	v7 =	vadd.f32 v7, v13;
	v19 =	vld [tilespmem:s7+$0x300]  }
0x263: {  	v8 =	vadd.f32 v8, v11;
	v12 =	vadd.f32 v16, v12;
	vm2 =	veq.s32 v15, $0x0;
	v13 =	vld [tilespmem:s16+$0x180];
	[tilespmem:s23+$0x300] =	vst v10;
	s23 =	smov.u32 s7  }
0x264: {  	v11 =	vsel vm1, v4, v5;
	vm3 =	veq.s32 v14, $0x0;
	v10 =	vsel vm2, v4, v5;
	v20 =	vld [tilespmem:s23+$0x18300];
	[tilespmem:v3+s13+$0xFFFFFE80 ss:$0x1] =	vst.idx.msk $0xffff, v17  }
0x265: {  	v8 =	vadd.f32 v11, v8;
	v7 =	vadd.f32 v10, v7;
	v14 =	vld.idx.msk [tilespmem:v3+s4+$0x6000 ss:$0x1], $0xffff;
	[tilespmem:v3+s13+$0xFFFFFF00 ss:$0x1] =	vst.idx.msk $0xffff, v9  }
0x266: {  	v9 =	vsel vm3, v4, v5;
	v11 =	vld.idx.msk [tilespmem:v3+s15+$0xFFFFFD80 ss:$0x1], $0xffff;
	vm1 =	veq.s32 v18, $0x0;
	[tilespmem:v3+s13+$0xFFFFFE00 ss:$0x1] =	vst.idx.msk $0xffff, v12  }
0x267: {  	v6 =	vadd.f32 v9, v6;
	v12 =	vld.idx.msk [tilespmem:v3+s4+$0x6080 ss:$0x1], $0xffff  }
0x268: {  	v9 =	vld.idx.msk [tilespmem:v3+s15+$0xFFFFFF00 ss:$0x1], $0xffff;
	vm2 =	veq.s32 v13, $0x0;
	[tilespmem:v3+s13+$0xFFFFFF80 ss:$0x1] =	vst.idx.msk $0xffff, v7  }
0x269: {  	v7 =	vld.idx.msk [tilespmem:v3+s4+$0x6280 ss:$0x1], $0xffff;
	[tilespmem:v3+s13+$0xFFFFFD80 ss:$0x1] =	vst.idx.msk $0xffff, v6  }
0x26a: {  	v13 =	vld.idx.msk [tilespmem:v3+s15+$0xFFFFFE00 ss:$0x1], $0xffff;
	[tilespmem:v3+s13+$0x0 ss:$0x1] =	vst.idx.msk $0xffff, v8;
	s13 =	smov.u32 s15  }
0x26b: {  	v10 =	vld.idx.msk [tilespmem:v3+s4+$0x6200 ss:$0x1], $0xffff  }
0x26c: {  	v8 =	vld.idx.msk [tilespmem:v3+s4+$0x6300 ss:$0x1], $0xffff  }
0x26d: {  	v15 =	vld.idx.msk [tilespmem:v3+s4+$0x6100 ss:$0x1], $0xffff  }
0x26e: {  	v23 =	vld [tilespmem:s16+$0x100]  }
0x26f: {  	v24 =	vld.idx.msk [tilespmem:v3+s15+$0xFFFFFE80 ss:$0x1], $0xffff  }
0x270: {  	v25 =	vld.idx.msk [tilespmem:v3+s4+$0x6180 ss:$0x1], $0xffff  }
0x271: {  	v26 =	vld [tilespmem:s16+$0xFFFFFF00]  }
.Ltmp8:
0x272: {  	v6 =	vadd.f32 v12, v11;
	v17 =	vld [tilespmem:s16+$0xFFFFFF80];
	(pc) =	sbr.rel @p0 .LBB2_19-.Ltmp8, $4  }
0x273: {  	v18 =	vsel vm2, v4, v5;
	v14 =	vadd.f32 v14, v22;
	v12 =	vadd.f32 v15, v13;
	v11 =	vld.idx.msk [tilespmem:v3+s15+$0x0 ss:$0x1], $0xffff  }
0x274: {  	v16 =	vsel vm1, v4, v5;
	vm2 =	veq.s32 v21, $0x0;
	vm1 =	veq.s32 v23, $0x0;
	v13 =	vld.idx.msk [tilespmem:v3+s15+$0xFFFFFF80 ss:$0x1], $0xffff  }
0x275: {  	v21 =	vadd.f32 v20, v19;
	v22 =	vsel vm2, v4, v5;
	v15 =	vld [tilespmem:s16+$0x80]  }
0x276: {  	s17 =	sadd.s32 $0x1800, s17;
	v19 =	vadd.f32 v22, v14;
	s15 =	sadd.s32 $0x1800, s15;
	v20 =	vadd.f32 v25, v24;
	v14 =	vld [tilespmem:s16+$0xFFFFFE80];
	vm2 =	veq.s32 v26, $0x0;
	s16 =	sadd.s32 $0x400, s16  }
0x277: {  	_ =	sdelay $0x1  }
0x278: {  	vm3 =	veq.s32 v17, $0x0;
	v9 =	vadd.f32 v10, v9  }
0x279: {  	v58 =	vadd.f32 v18, v21;
	v59 =	vsel vm2, v4, v5;
	v17 =	vsel vm3, v4, v5  }
0x27a: {  	[tilespmem:v3+s13+$0xFFFFFD00 ss:$0x1] =	vst.idx.msk $0xffff, v19;
	v12 =	vadd.f32 v59, v12;
	v8 =	vadd.f32 v8, v11  }
0x27b: {  	s20 =	sadd.s32 $0x1, s20;
	v17 =	vadd.f32 v17, v20;
	v7 =	vadd.f32 v7, v13;
	[tilespmem:s23+$0x300] =	vst v58;
	vm2 =	veq.s32 v15, $0x0  }
0x27c: {  	p0 =	sne.s32 s20, $0x30;
	v9 =	vadd.f32 v16, v9;
	[tilespmem:v3+s13+$0xFFFFFE00 ss:$0x1] =	vst.idx.msk $0xffff, v12;
	v60 =	vsel vm2, v4, v5  }
.Ltmp9:
0x27d: {  	v62 =	vsel vm1, v4, v5;
	vm3 =	veq.s32 v14, $0x0;
	[tilespmem:v3+s13+$0xFFFFFE80 ss:$0x1] =	vst.idx.msk $0xffff, v17;
	v7 =	vadd.f32 v60, v7;
	(pc) =	sbr.rel @p0 .LBB2_18-.Ltmp9, $4  }
0x27e: {  	[tilespmem:v3+s13+$0xFFFFFF00 ss:$0x1] =	vst.idx.msk $0xffff, v9;
	v61 =	vsel vm3, v4, v5;
	v4 =	vadd.f32 v62, v8  }
0x27f: {  	v63 =	vadd.f32 v61, v6;
	[tilespmem:v3+s13+$0xFFFFFF80 ss:$0x1] =	vst.idx.msk $0xffff, v7  }
0x280: {  	[tilespmem:v3+s13+$0x0 ss:$0x1] =	vst.idx.msk $0xffff, v4  }
0x281: {  	s14 =	sadd.s32 $0x1, s14;
	s8 =	sadd.s32 $0x80, s8;
	[tilespmem:v3+s13+$0xFFFFFD80 ss:$0x1] =	vst.idx.msk $0xffff, v63  }
0x282: {  	s2 =	rddreg [dreg:$0xc]  }
0x283: {  	[hbm4b:s2+s5] =	stream.linear.scatter [tilespmem:s30], [sflag:$0x6], $0x6000, $0x38;
	[tilespmem:$0x1F900] =	vst v63  }
0x284: {  	_ =	swait.ge [sflag:s26], $0x3000  }
0x285: {  	[sflag:s26] =	ssyncset.done $0x0  }
0x286: {  	[sflag:s26] =	ssyncadd.s32 $0xFFFFD000  }
0x287: {  	v3 =	vld [tilespmem:$0x60];
	_ =	sdelay $0x4  }
0x288: {  	v4 =	vshrl.u32 v3, $0x3  }
0x289: {  	v4 =	vmul.u32 $0x30, v4  }
0x28a: {  	v3 =	vand.u32 $0x7, v3  }
0x28b: {  	v3 =	vor.u32 v3, v4  }
0x28c: {  	v4 =	vperm.xlane v3, v0;
	_ =	sdelay $0x1  }
0x28d: {  	v4 =	vadd.s32 v1, v4;
	_ =	sdelay $0x3  }
0x28e: {  	v3 =	vperm.xlane v3, v2  }
0x28f: {  	[tilespmem:s19], [sflag:$0x3] =	stream.indirect_vreg.gather [hbm4b:s0+s5], $0x80, v4, vm0, $0xb8;
	[tilespmem:$0x1F900] =	vst v63  }
0x290: {  	s4 =	simm.s32 $0xCB00;
	v3 =	vadd.s32 v1, v3  }
0x291: {  	[tilespmem:s4], [sflag:$0x3] =	stream.indirect_vreg.gather [hbm4b:s9+s5], $0x80, v4, vm0, $0xb8;
	[tilespmem:$0x1F900] =	vst v63  }
0x292: {  	s7 =	simm.s32 $0xD300  }
0x293: {  	[tilespmem:s7], [sflag:$0x3] =	stream.indirect_vreg.gather [hbm4b:s10+s5], $0x80, v4, vm0, $0xb8;
	[tilespmem:$0x1F900] =	vst v63  }
0x294: {  	s8 =	simm.s32 $0xDB00  }
0x295: {  	[tilespmem:s8], [sflag:$0x3] =	stream.indirect_vreg.gather [hbm4b:s0+s5], $0x80, v3, vm0, $0xb8;
	[tilespmem:$0x1F900] =	vst v63  }
0x296: {  	s13 =	simm.s32 $0xE300  }
0x297: {  	[tilespmem:s13], [sflag:$0x3] =	stream.indirect_vreg.gather [hbm4b:s9+s5], $0x80, v3, vm0, $0xb8;
	[tilespmem:$0x1F900] =	vst v63  }
0x298: {  	s14 =	simm.s32 $0xEB00  }
0x299: {  	[tilespmem:s14], [sflag:$0x3] =	stream.indirect_vreg.gather [hbm4b:s10+s5], $0x80, v3, vm0, $0xb8;
	[tilespmem:$0x1F900] =	vst v63  }
0x29a: {  	v3 =	vld [tilespmem:$0x70];
	_ =	sdelay $0x4  }
0x29b: {  	v4 =	vshrl.u32 v3, $0x3  }
0x29c: {  	v4 =	vmul.u32 $0x30, v4  }
0x29d: {  	v3 =	vand.u32 $0x7, v3  }
0x29e: {  	v3 =	vor.u32 v3, v4  }
0x29f: {  	v4 =	vperm.xlane v3, v0;
	_ =	sdelay $0x1  }
0x2a0: {  	v4 =	vadd.s32 v1, v4;
	_ =	sdelay $0x3  }
0x2a1: {  	s15 =	simm.s32 $0xF300;
	v3 =	vperm.xlane v3, v2  }
0x2a2: {  	[tilespmem:s15], [sflag:$0x3] =	stream.indirect_vreg.gather [hbm4b:s0+s5], $0x80, v4, vm0, $0xb8;
	[tilespmem:$0x1F900] =	vst v63  }
0x2a3: {  	s16 =	simm.s32 $0xFB00;
	v3 =	vadd.s32 v1, v3  }
0x2a4: {  	[tilespmem:s16], [sflag:$0x3] =	stream.indirect_vreg.gather [hbm4b:s9+s5], $0x80, v4, vm0, $0xb8;
	[tilespmem:$0x1F900] =	vst v63  }
0x2a5: {  	s17 =	simm.s32 $0x10300  }
0x2a6: {  	[tilespmem:s17], [sflag:$0x3] =	stream.indirect_vreg.gather [hbm4b:s10+s5], $0x80, v4, vm0, $0xb8;
	[tilespmem:$0x1F900] =	vst v63  }
0x2a7: {  	s20 =	simm.s32 $0x10B00  }
0x2a8: {  	[tilespmem:s20], [sflag:$0x3] =	stream.indirect_vreg.gather [hbm4b:s0+s5], $0x80, v3, vm0, $0xb8;
	[tilespmem:$0x1F900] =	vst v63  }
0x2a9: {  	s23 =	simm.s32 $0x11300  }
0x2aa: {  	[tilespmem:s23], [sflag:$0x3] =	stream.indirect_vreg.gather [hbm4b:s9+s5], $0x80, v3, vm0, $0xb8;
	[tilespmem:$0x1F900] =	vst v63  }
0x2ab: {  	s24 =	simm.s32 $0x11B00  }
0x2ac: {  	[tilespmem:s24], [sflag:$0x3] =	stream.indirect_vreg.gather [hbm4b:s10+s5], $0x80, v3, vm0, $0xb8;
	[tilespmem:$0x1F900] =	vst v63  }
0x2ad: {  	v3 =	vld [tilespmem:$0x160];
	_ =	sdelay $0x4  }
0x2ae: {  	v4 =	vshrl.u32 v3, $0x3  }
0x2af: {  	v4 =	vmul.u32 $0x30, v4  }
0x2b0: {  	v3 =	vand.u32 $0x7, v3  }
0x2b1: {  	v3 =	vor.u32 v3, v4  }
0x2b2: {  	v4 =	vperm.xlane v3, v0;
	_ =	sdelay $0x1  }
0x2b3: {  	v4 =	vadd.s32 v1, v4;
	_ =	sdelay $0x3  }
0x2b4: {  	s4 =	simm.s32 $0x18300;
	v3 =	vperm.xlane v3, v2  }
0x2b5: {  	[tilespmem:s4], [sflag:$0x5] =	stream.indirect_vreg.gather [hbm4b:s3+s5], $0x80, v4, vm0, $0xb8;
	[tilespmem:$0x1F900] =	vst v63  }
0x2b6: {  	s7 =	simm.s32 $0x18B00;
	v3 =	vadd.s32 v1, v3  }
0x2b7: {  	[tilespmem:s7], [sflag:$0x5] =	stream.indirect_vreg.gather [hbm4b:s11+s5], $0x80, v4, vm0, $0xb8;
	[tilespmem:$0x1F900] =	vst v63  }
0x2b8: {  	s8 =	simm.s32 $0x19300  }
0x2b9: {  	[tilespmem:s8], [sflag:$0x5] =	stream.indirect_vreg.gather [hbm4b:s12+s5], $0x80, v4, vm0, $0xb8;
	[tilespmem:$0x1F900] =	vst v63  }
0x2ba: {  	s13 =	simm.s32 $0x19B00  }
0x2bb: {  	[tilespmem:s13], [sflag:$0x5] =	stream.indirect_vreg.gather [hbm4b:s3+s5], $0x80, v3, vm0, $0xb8;
	[tilespmem:$0x1F900] =	vst v63  }
0x2bc: {  	s14 =	simm.s32 $0x1A300  }
0x2bd: {  	[tilespmem:s14], [sflag:$0x5] =	stream.indirect_vreg.gather [hbm4b:s11+s5], $0x80, v3, vm0, $0xb8;
	[tilespmem:$0x1F900] =	vst v63  }
0x2be: {  	s15 =	simm.s32 $0x1AB00  }
0x2bf: {  	[tilespmem:s15], [sflag:$0x5] =	stream.indirect_vreg.gather [hbm4b:s12+s5], $0x80, v3, vm0, $0xb8;
	[tilespmem:$0x1F900] =	vst v63  }
0x2c0: {  	v3 =	vld [tilespmem:$0x170];
	_ =	sdelay $0x4  }
0x2c1: {  	v4 =	vshrl.u32 v3, $0x3  }
0x2c2: {  	v4 =	vmul.u32 $0x30, v4  }
0x2c3: {  	v3 =	vand.u32 $0x7, v3  }
0x2c4: {  	v3 =	vor.u32 v3, v4  }
0x2c5: {  	v4 =	vperm.xlane v3, v0;
	_ =	sdelay $0x1  }
0x2c6: {  	v4 =	vadd.s32 v1, v4;
	_ =	sdelay $0x3  }
0x2c7: {  	s16 =	simm.s32 $0x1B300;
	v3 =	vperm.xlane v3, v2  }
0x2c8: {  	[tilespmem:s16], [sflag:$0x5] =	stream.indirect_vreg.gather [hbm4b:s3+s5], $0x80, v4, vm0, $0xb8;
	[tilespmem:$0x1F900] =	vst v63  }
0x2c9: {  	s17 =	simm.s32 $0x1BB00;
	s20 =	simm.s32 $0x1C300;
	v3 =	vadd.s32 v1, v3  }
0x2ca: {  	[tilespmem:s17], [sflag:$0x5] =	stream.indirect_vreg.gather [hbm4b:s11+s5], $0x80, v4, vm0, $0xb8;
	[tilespmem:$0x1F900] =	vst v63  }
0x2cb: {  	s24 =	simm.s32 $0x40;
	s4 =	simm.s32 $0x41;
	s7 =	simm.s32 $0x42  }
0x2cc: {  	[tilespmem:s20], [sflag:$0x5] =	stream.indirect_vreg.gather [hbm4b:s12+s5], $0x80, v4, vm0, $0xb8;
	v4 =	vmov s24;
	[tilespmem:$0x1F900] =	vst v63  }
0x2cd: {  	s23 =	simm.s32 $0x1CB00;
	v5 =	vmov s4;
	v6 =	vmov s7;
	s8 =	simm.s32 $0x43;
	v4 =	vand.u32 $0xFFFFFFFC, v4  }
0x2ce: {  	v6 =	vand.u32 $0xFFFFFFFE, v6;
	v8 =	vmov s8;
	[tilespmem:s23], [sflag:$0x5] =	stream.indirect_vreg.gather [hbm4b:s3+s5], $0x80, v3, vm0, $0xb8;
	v7 =	vbroadcast v4, $0x0;
	[tilespmem:$0x1F900] =	vst v63  }
0x2cf: {  	v9 =	vbroadcast v6, $0x0;
	s13 =	simm.s32 $0x1D300;
	s14 =	simm.s32 $0x44;
	s15 =	simm.s32 $0x45;
	v4 =	vand.u32 $0xFFFFFFFD, v5  }
0x2d0: {  	v11 =	vbroadcast v4, $0x0;
	[tilespmem:s13], [sflag:$0x5] =	stream.indirect_vreg.gather [hbm4b:s11+s5], $0x80, v3, vm0, $0xb8;
	[tilespmem:$0x1F900] =	vst v63  }
0x2d1: {  	s16 =	simm.s32 $0x46;
	s17 =	simm.s32 $0x1DB00;
	s20 =	simm.s32 $0x47;
	v4 =	vmov s14  }
0x2d2: {  	v10 =	vmov s20;
	v5 =	vmov s16;
	v4 =	vand.u32 $0xFFFFFFFC, v4;
	[tilespmem:s17], [sflag:$0x5] =	stream.indirect_vreg.gather [hbm4b:s12+s5], $0x80, v3, vm0, $0xb8;
	[tilespmem:$0x1F900] =	vst v63  }
0x2d3: {  	s8 =	simm.s32 $0x4A;
	v6 =	vand.u32 $0xFFFFFFFE, v5;
	v4 =	vbroadcast v4, $0x0;
	v3 =	vmov s15;
	v5 =	vld.idx.msk [tilespmem:v8+s25+$0x0], $0xffff  }
0x2d4: {  	v15 =	vmov s8;
	s24 =	simm.s32 $0x49;
	s23 =	simm.s32 $0x48;
	v3 =	vand.u32 $0xFFFFFFFD, v3;
	v8 =	vbroadcast v6, $0x0;
	v6 =	vld.idx.msk [tilespmem:v7+s25+$0x0], $0xffff  }
0x2d5: {  	s2 =	simm.s32 $0x1EA00;
	v14 =	vmov s24;
	v12 =	vmov s23;
	v3 =	vbroadcast v3, $0x0;
	v7 =	vld.idx.msk [tilespmem:v9+s25+$0x0], $0xffff  }
0x2d6: {  	s4 =	simm.s32 $0x1EA00;
	s8 =	simm.s32 $0x8;
	s13 =	simm.s32 $0x4;
	v13 =	vand.u32 $0xFFFFFFFC, v12;
	v12 =	vand.u32 $0xFFFFFFFD, v14;
	v9 =	vld.idx.msk [tilespmem:v11+s25+$0x0], $0xffff;
	v11 =	vand.u32 $0xFFFFFFFE, v15  }
.LBB2_22:
0x2d7: {  	s7 =	sadd.s32 $0x47, s13;
	s13 =	smov.u32 s8;
	s8 =	sadd.s32 $0x4, s8  }
0x2d8: {  	v13 =	vbroadcast v13, $0x0;
	v12 =	vbroadcast v12, $0x0;
	[tilespmem:s2+$0x80] =	vst v5;
	v5 =	vld.idx.msk [tilespmem:v10+s25+$0x0], $0xffff;
	s4 =	sadd.s32 $0x200, s4;
	p0 =	slt.u32 s8, $0x1C  }
.Ltmp10:
0x2d9: {  	v11 =	vbroadcast v11, $0x0;
	v10 =	vmov s7;
	[tilespmem:s2+$0xFFFFFF00] =	vst v6;
	v6 =	vld.idx.msk [tilespmem:v4+s25+$0x0], $0xffff;
	(pc) =	sbr.rel @p0 .LBB2_22-.Ltmp10, $4  }
0x2da: {  	[tilespmem:s2+$0x0] =	vst v7;
	v7 =	vld.idx.msk [tilespmem:v8+s25+$0x0], $0xffff;
	v4 =	vmov v13  }
0x2db: {  	s7 =	sadd.s32 $0x44, s13;
	s14 =	sadd.s32 $0x45, s13;
	s15 =	sadd.s32 $0x46, s13;
	v8 =	vmov v11;
	[tilespmem:s2+$0xFFFFFF80] =	vst v9;
	v9 =	vld.idx.msk [tilespmem:v3+s25+$0x0], $0xffff;
	v3 =	vmov v12  }
0x2dc: {  	v11 =	vmov s7;
	v14 =	vmov s15;
	v12 =	vmov s14;
	s2 =	smov.u32 s4  }
0x2dd: {  	v13 =	vand.u32 $0xFFFFFFFC, v11;
	v11 =	vand.u32 $0xFFFFFFFE, v14;
	v12 =	vand.u32 $0xFFFFFFFD, v12  }
0x2de: {  	_ =	sdelay $0x1  }
0x2df: {  	s7 =	sadd.s32 $0x47, s13  }
0x2e0: {  	v13 =	vbroadcast v13, $0x0;
	v14 =	vmov s7  }
0x2e1: {  	v10 =	vld.idx.msk [tilespmem:v10+s25+$0x0], $0xffff;
	v11 =	vbroadcast v11, $0x0  }
0x2e2: {  	[tilespmem:s2+$0x80] =	vst v5;
	v59 =	vbroadcast v12, $0x0;
	v4 =	vld.idx.msk [tilespmem:v4+s25+$0x0], $0xffff  }
0x2e3: {  	[tilespmem:s2+$0xFFFFFF00] =	vst v6;
	v60 =	vld.idx.msk [tilespmem:v8+s25+$0x0], $0xffff  }
0x2e4: {  	v3 =	vld.idx.msk [tilespmem:v3+s25+$0x0], $0xffff;
	[tilespmem:s2+$0x0] =	vst v7  }
0x2e5: {  	s4 =	sadd.s32 $0x200, s4;
	[tilespmem:s2+$0xFFFFFF80] =	vst v9;
	v61 =	vld.idx.msk [tilespmem:v14+s25+$0x0], $0xffff  }
0x2e6: {  	[tilespmem:s4+$0x80] =	vst v10;
	v62 =	vld.idx.msk [tilespmem:v13+s25+$0x0], $0xffff  }
0x2e7: {  	[tilespmem:s4+$0xFFFFFF00] =	vst v4;
	v63 =	vld.idx.msk [tilespmem:v11+s25+$0x0], $0xffff  }
0x2e8: {  	[tilespmem:s4+$0x0] =	vst v60;
	v5 =	vld.idx.msk [tilespmem:v59+s25+$0x0], $0xffff  }
0x2e9: {  	s24 =	sadd.s32 $0x200, s4;
	[tilespmem:s4+$0xFFFFFF80] =	vst v3  }
0x2ea: {  	[tilespmem:s24+$0x80] =	vst v61  }
0x2eb: {  	[tilespmem:s24+$0xFFFFFF00] =	vst v62  }
0x2ec: {  	[tilespmem:s24+$0x0] =	vst v63  }
0x2ed: {  	[tilespmem:s24+$0xFFFFFF80] =	vst v5  }
0x2ee: {  	_ =	swait.ge [sflag:s21], $0x6000  }
0x2ef: {  	[sflag:s21] =	ssyncset.done $0x0  }
0x2f0: {  	[sflag:s21] =	ssyncadd.s32 $0xFFFFA000  }
0x2f1: {  	_ =	swait.ge [sflag:s6], $0x6000  }
0x2f2: {  	s8 =	simm.s32 $0x0;
	[sflag:s6] =	ssyncset.done $0x0  }
0x2f3: {  	s14 =	simm.s32 $0x0;
	s20 =	simm.s32 $0x0;
	[sflag:s6] =	ssyncadd.s32 $0xFFFFA000  }
.LBB2_24:
0x2f4: {  	s2 =	sand.u32 $0x7, s14  }
0x2f5: {  	s4 =	sshll.u32 s20, $0x4;
	s7 =	sshll.u32 s20, $0x5;
	s2 =	sshll.u32 s2, $0x6  }
0x2f6: {  	s23 =	sand.u32 $0x70, s4;
	s7 =	sand.u32 $0x1FFFFF00, s7;
	s2 =	sshrl.u32 s2, $0x2  }
0x2f7: {  	s16 =	sand.u32 $0xFFFFFC00, s8;
	s4 =	sor.u32 $0x380, s4;
	v3 =	vmov s2;
	s2 =	sor.u32 s23, s7  }
0x2f8: {  	s23 =	sor.u32 s4, s16;
	v4 =	vld [tilespmem:s2+$0x1E300]  }
0x2f9: {  	v14 =	vld [tilespmem:s23+$0x6300]  }
0x2fa: {  	s15 =	sadd.s32 $0x1E300, s2;
	v19 =	vld [tilespmem:s23+$0x12300]  }
0x2fb: {  	s2 =	simm.s32 $0x1EB00;
	v5 =	vld [tilespmem:s15+$0x80]  }
0x2fc: {  	v13 =	vld [tilespmem:s2+$0xFFFFFE00]  }
0x2fd: {  	v6 =	vld [tilespmem:s2+$0x0]  }
0x2fe: {  	v12 =	vld [tilespmem:s2+$0x180]  }
0x2ff: {  	s24 =	sand.u32 $0x3FFFFC00, s8;
	v21 =	vld [tilespmem:s2+$0x100]  }
0x300: {  	s13 =	sor.u32 $0x300, s24;
	v24 =	vld [tilespmem:s2+$0xFFFFFF00]  }
0x301: {  	s7 =	sadd.s32 $0x12600, s24;
	v11 =	vld.idx.msk [tilespmem:v3+s13+$0x6000 ss:$0x1], $0xffff  }
0x302: {  	v15 =	vld.idx.msk [tilespmem:v3+s7+$0xFFFFFD00 ss:$0x1], $0xffff  }
0x303: {  	v16 =	vld.idx.msk [tilespmem:v3+s13+$0x6080 ss:$0x1], $0xffff  }
0x304: {  	v17 =	vld.idx.msk [tilespmem:v3+s7+$0xFFFFFD80 ss:$0x1], $0xffff  }
0x305: {  	v9 =	vld.idx.msk [tilespmem:v3+s13+$0x6200 ss:$0x1], $0xffff  }
0x306: {  	v7 =	vld.idx.msk [tilespmem:v3+s7+$0xFFFFFF80 ss:$0x1], $0xffff  }
0x307: {  	v18 =	vld.idx.msk [tilespmem:v3+s13+$0x6100 ss:$0x1], $0xffff  }
0x308: {  	v10 =	vld.idx.msk [tilespmem:v3+s7+$0xFFFFFF00 ss:$0x1], $0xffff  }
0x309: {  	v20 =	vld.idx.msk [tilespmem:v3+s7+$0xFFFFFE00 ss:$0x1], $0xffff  }
0x30a: {  	v8 =	vld.idx.msk [tilespmem:v3+s7+$0x0 ss:$0x1], $0xffff  }
0x30b: {  	v22 =	vld.idx.msk [tilespmem:v3+s13+$0x6180 ss:$0x1], $0xffff  }
0x30c: {  	v23 =	vld.idx.msk [tilespmem:v3+s7+$0xFFFFFE80 ss:$0x1], $0xffff  }
0x30d: {  	vm1 =	veq.s32 v6, $0x0;
	v6 =	vadd.f32 v17, v16;
	v17 =	vld [tilespmem:s2+$0xFFFFFF80]  }
0x30e: {  	vm2 =	veq.s32 v12, $0x0;
	v25 =	vadd.f32 v15, v11;
	v12 =	vadd.f32 v20, v18;
	v11 =	vld.idx.msk [tilespmem:v3+s13+$0x6300 ss:$0x1], $0xffff  }
0x30f: {  	v18 =	vsel vm2, v4, v5;
	vm2 =	veq.s32 v13, $0x0;
	v16 =	vsel vm1, v4, v5;
	v13 =	vld.idx.msk [tilespmem:v3+s13+$0x6280 ss:$0x1], $0xffff  }
0x310: {  	s24 =	simm.s32 $0x0;
	vm1 =	veq.s32 v21, $0x0;
	v15 =	vld [tilespmem:s2+$0x80];
	v21 =	vadd.f32 v19, v14;
	v20 =	vsel vm2, v4, v5  }
0x311: {  	s16 =	sadd.s32 $0x1800, s16;
	s17 =	sadd.s32 $0x1800, s7;
	s15 =	sadd.s32 $0x1800, s13;
	v14 =	vld [tilespmem:s2+$0xFFFFFE80];
	vm2 =	veq.s32 v24, $0x0;
	v19 =	vadd.f32 v20, v25;
	v20 =	vadd.f32 v23, v22  }
.LBB2_25:
0x312: {  	v22 =	vld.idx.msk [tilespmem:v3+s15+$0x6000 ss:$0x1], $0xffff;
	s7 =	sor.u32 s4, s16;
	s24 =	sadd.s32 $0x8, s24;
	vm3 =	veq.s32 v17, $0x0;
	v9 =	vadd.f32 v10, v9;
	v10 =	vadd.f32 v18, v21;
	s2 =	sadd.s32 $0x400, s2  }
0x313: {  	v21 =	vld [tilespmem:s2+$0xFFFFFE00];
	p0 =	slt.u32 s24, $0x18;
	v17 =	vsel vm3, v4, v5  }
0x314: {  	v18 =	vld [tilespmem:s2+$0x0];
	[tilespmem:v3+s13+$0x6000 ss:$0x1] =	vst.idx.msk $0xffff, v19;
	v17 =	vadd.f32 v17, v20;
	v9 =	vadd.f32 v16, v9  }
0x315: {  	v16 =	vsel vm2, v4, v5;
	v7 =	vadd.f32 v7, v13;
	v19 =	vld [tilespmem:s7+$0x6300]  }
0x316: {  	v8 =	vadd.f32 v8, v11;
	v12 =	vadd.f32 v16, v12;
	vm2 =	veq.s32 v15, $0x0;
	v13 =	vld [tilespmem:s2+$0x180];
	[tilespmem:s23+$0x6300] =	vst v10;
	s23 =	smov.u32 s7  }
0x317: {  	v11 =	vsel vm1, v4, v5;
	vm3 =	veq.s32 v14, $0x0;
	v10 =	vsel vm2, v4, v5;
	v20 =	vld [tilespmem:s23+$0x12300];
	[tilespmem:v3+s13+$0x6180 ss:$0x1] =	vst.idx.msk $0xffff, v17  }
0x318: {  	v8 =	vadd.f32 v11, v8;
	v7 =	vadd.f32 v10, v7;
	v14 =	vld.idx.msk [tilespmem:v3+s17+$0xFFFFFD00 ss:$0x1], $0xffff;
	[tilespmem:v3+s13+$0x6200 ss:$0x1] =	vst.idx.msk $0xffff, v9  }
0x319: {  	v9 =	vsel vm3, v4, v5;
	v11 =	vld.idx.msk [tilespmem:v3+s15+$0x6080 ss:$0x1], $0xffff;
	vm1 =	veq.s32 v18, $0x0;
	[tilespmem:v3+s13+$0x6100 ss:$0x1] =	vst.idx.msk $0xffff, v12  }
0x31a: {  	v6 =	vadd.f32 v9, v6;
	v12 =	vld.idx.msk [tilespmem:v3+s17+$0xFFFFFD80 ss:$0x1], $0xffff  }
0x31b: {  	v9 =	vld.idx.msk [tilespmem:v3+s15+$0x6200 ss:$0x1], $0xffff;
	vm2 =	veq.s32 v13, $0x0;
	[tilespmem:v3+s13+$0x6280 ss:$0x1] =	vst.idx.msk $0xffff, v7  }
0x31c: {  	v7 =	vld.idx.msk [tilespmem:v3+s17+$0xFFFFFF80 ss:$0x1], $0xffff;
	[tilespmem:v3+s13+$0x6080 ss:$0x1] =	vst.idx.msk $0xffff, v6  }
0x31d: {  	v13 =	vld.idx.msk [tilespmem:v3+s15+$0x6100 ss:$0x1], $0xffff;
	[tilespmem:v3+s13+$0x6300 ss:$0x1] =	vst.idx.msk $0xffff, v8;
	s13 =	smov.u32 s15  }
0x31e: {  	v10 =	vld.idx.msk [tilespmem:v3+s17+$0xFFFFFF00 ss:$0x1], $0xffff  }
0x31f: {  	v8 =	vld.idx.msk [tilespmem:v3+s17+$0x0 ss:$0x1], $0xffff  }
0x320: {  	v15 =	vld.idx.msk [tilespmem:v3+s17+$0xFFFFFE00 ss:$0x1], $0xffff  }
0x321: {  	v23 =	vld [tilespmem:s2+$0x100]  }
0x322: {  	v24 =	vld.idx.msk [tilespmem:v3+s15+$0x6180 ss:$0x1], $0xffff  }
0x323: {  	v25 =	vld.idx.msk [tilespmem:v3+s17+$0xFFFFFE80 ss:$0x1], $0xffff  }
0x324: {  	v26 =	vld [tilespmem:s2+$0xFFFFFF00]  }
.Ltmp11:
0x325: {  	v6 =	vadd.f32 v12, v11;
	v17 =	vld [tilespmem:s2+$0xFFFFFF80];
	(pc) =	sbr.rel @p0 .LBB2_25-.Ltmp11, $4  }
0x326: {  	v18 =	vsel vm2, v4, v5;
	v14 =	vadd.f32 v14, v22;
	v12 =	vadd.f32 v15, v13;
	v11 =	vld.idx.msk [tilespmem:v3+s15+$0x6300 ss:$0x1], $0xffff  }
0x327: {  	v16 =	vsel vm1, v4, v5;
	vm2 =	veq.s32 v21, $0x0;
	vm1 =	veq.s32 v23, $0x0;
	v13 =	vld.idx.msk [tilespmem:v3+s15+$0x6280 ss:$0x1], $0xffff  }
0x328: {  	v21 =	vadd.f32 v20, v19;
	v22 =	vsel vm2, v4, v5;
	v15 =	vld [tilespmem:s2+$0x80]  }
0x329: {  	s16 =	sadd.s32 $0x1800, s16;
	v19 =	vadd.f32 v22, v14;
	s17 =	sadd.s32 $0x1800, s17;
	s15 =	sadd.s32 $0x1800, s15;
	v20 =	vadd.f32 v25, v24;
	v14 =	vld [tilespmem:s2+$0xFFFFFE80];
	vm2 =	veq.s32 v26, $0x0  }
0x32a: {  	_ =	sdelay $0x1  }
0x32b: {  	vm3 =	veq.s32 v17, $0x0;
	v9 =	vadd.f32 v10, v9  }
0x32c: {  	v58 =	vadd.f32 v18, v21;
	v59 =	vsel vm2, v4, v5;
	v17 =	vsel vm3, v4, v5  }
0x32d: {  	[tilespmem:v3+s13+$0x6000 ss:$0x1] =	vst.idx.msk $0xffff, v19;
	v12 =	vadd.f32 v59, v12;
	v8 =	vadd.f32 v8, v11  }
0x32e: {  	s20 =	sadd.s32 $0x1, s20;
	v17 =	vadd.f32 v17, v20;
	v7 =	vadd.f32 v7, v13;
	[tilespmem:s23+$0x6300] =	vst v58;
	vm2 =	veq.s32 v15, $0x0  }
0x32f: {  	p0 =	sne.s32 s20, $0x30;
	v9 =	vadd.f32 v16, v9;
	[tilespmem:v3+s13+$0x6100 ss:$0x1] =	vst.idx.msk $0xffff, v12;
	v60 =	vsel vm2, v4, v5  }
.Ltmp12:
0x330: {  	v62 =	vsel vm1, v4, v5;
	vm3 =	veq.s32 v14, $0x0;
	[tilespmem:v3+s13+$0x6180 ss:$0x1] =	vst.idx.msk $0xffff, v17;
	v7 =	vadd.f32 v60, v7;
	(pc) =	sbr.rel @p0 .LBB2_24-.Ltmp12, $4  }
0x331: {  	[tilespmem:v3+s13+$0x6200 ss:$0x1] =	vst.idx.msk $0xffff, v9;
	v61 =	vsel vm3, v4, v5;
	v4 =	vadd.f32 v62, v8  }
0x332: {  	v63 =	vadd.f32 v61, v6;
	[tilespmem:v3+s13+$0x6280 ss:$0x1] =	vst.idx.msk $0xffff, v7  }
0x333: {  	[tilespmem:v3+s13+$0x6300 ss:$0x1] =	vst.idx.msk $0xffff, v4  }
0x334: {  	s14 =	sadd.s32 $0x1, s14;
	s8 =	sadd.s32 $0x80, s8;
	[tilespmem:v3+s13+$0x6080 ss:$0x1] =	vst.idx.msk $0xffff, v63  }
0x335: {  	s2 =	rddreg [dreg:$0xd];
	s4 =	simm.s32 $0x6300  }
0x336: {  	[hbm4b:s2+s5] =	stream.linear.scatter [tilespmem:s4], [sflag:$0x7], $0x6000, $0x38;
	[tilespmem:$0x1F900] =	vst v63  }
0x337: {  	_ =	swait.ge [sflag:s28], $0x6000  }
0x338: {  	[sflag:s28] =	ssyncset.done $0x0  }
0x339: {  	[sflag:s28] =	ssyncadd.s32 $0xFFFFA000  }
0x33a: {  	v3 =	vld [tilespmem:$0x80];
	_ =	sdelay $0x4  }
0x33b: {  	v4 =	vshrl.u32 v3, $0x3  }
0x33c: {  	v4 =	vmul.u32 $0x30, v4  }
0x33d: {  	v3 =	vand.u32 $0x7, v3  }
0x33e: {  	v3 =	vor.u32 v3, v4  }
0x33f: {  	v4 =	vperm.xlane v3, v0;
	_ =	sdelay $0x1  }
0x340: {  	v4 =	vadd.s32 v1, v4;
	_ =	sdelay $0x3  }
0x341: {  	v3 =	vperm.xlane v3, v2  }
0x342: {  	[tilespmem:s30], [sflag:$0x1] =	stream.indirect_vreg.gather [hbm4b:s0+s5], $0x80, v4, vm0, $0xb8;
	[tilespmem:$0x1F900] =	vst v63  }
0x343: {  	s24 =	simm.s32 $0xB00;
	v3 =	vadd.s32 v1, v3  }
0x344: {  	[tilespmem:s24], [sflag:$0x1] =	stream.indirect_vreg.gather [hbm4b:s9+s5], $0x80, v4, vm0, $0xb8;
	[tilespmem:$0x1F900] =	vst v63  }
0x345: {  	s4 =	simm.s32 $0x1300  }
0x346: {  	[tilespmem:s4], [sflag:$0x1] =	stream.indirect_vreg.gather [hbm4b:s10+s5], $0x80, v4, vm0, $0xb8;
	[tilespmem:$0x1F900] =	vst v63  }
0x347: {  	s7 =	simm.s32 $0x1B00  }
0x348: {  	[tilespmem:s7], [sflag:$0x1] =	stream.indirect_vreg.gather [hbm4b:s0+s5], $0x80, v3, vm0, $0xb8;
	[tilespmem:$0x1F900] =	vst v63  }
0x349: {  	s8 =	simm.s32 $0x2300  }
0x34a: {  	[tilespmem:s8], [sflag:$0x1] =	stream.indirect_vreg.gather [hbm4b:s9+s5], $0x80, v3, vm0, $0xb8;
	[tilespmem:$0x1F900] =	vst v63  }
0x34b: {  	s13 =	simm.s32 $0x2B00  }
0x34c: {  	[tilespmem:s13], [sflag:$0x1] =	stream.indirect_vreg.gather [hbm4b:s10+s5], $0x80, v3, vm0, $0xb8;
	[tilespmem:$0x1F900] =	vst v63  }
0x34d: {  	v3 =	vld [tilespmem:$0x90];
	_ =	sdelay $0x4  }
0x34e: {  	v4 =	vshrl.u32 v3, $0x3  }
0x34f: {  	v4 =	vmul.u32 $0x30, v4  }
0x350: {  	v3 =	vand.u32 $0x7, v3  }
0x351: {  	v3 =	vor.u32 v3, v4  }
0x352: {  	v4 =	vperm.xlane v3, v0;
	_ =	sdelay $0x1  }
0x353: {  	v4 =	vadd.s32 v1, v4;
	_ =	sdelay $0x3  }
0x354: {  	s14 =	simm.s32 $0x3300;
	v3 =	vperm.xlane v3, v2  }
0x355: {  	[tilespmem:s14], [sflag:$0x1] =	stream.indirect_vreg.gather [hbm4b:s0+s5], $0x80, v4, vm0, $0xb8;
	[tilespmem:$0x1F900] =	vst v63  }
0x356: {  	s15 =	simm.s32 $0x3B00;
	v3 =	vadd.s32 v1, v3  }
0x357: {  	[tilespmem:s15], [sflag:$0x1] =	stream.indirect_vreg.gather [hbm4b:s9+s5], $0x80, v4, vm0, $0xb8;
	[tilespmem:$0x1F900] =	vst v63  }
0x358: {  	s16 =	simm.s32 $0x4300  }
0x359: {  	[tilespmem:s16], [sflag:$0x1] =	stream.indirect_vreg.gather [hbm4b:s10+s5], $0x80, v4, vm0, $0xb8;
	[tilespmem:$0x1F900] =	vst v63  }
0x35a: {  	s17 =	simm.s32 $0x4B00  }
0x35b: {  	[tilespmem:s17], [sflag:$0x1] =	stream.indirect_vreg.gather [hbm4b:s0+s5], $0x80, v3, vm0, $0xb8;
	[tilespmem:$0x1F900] =	vst v63  }
0x35c: {  	s20 =	simm.s32 $0x5300  }
0x35d: {  	[tilespmem:s20], [sflag:$0x1] =	stream.indirect_vreg.gather [hbm4b:s9+s5], $0x80, v3, vm0, $0xb8;
	[tilespmem:$0x1F900] =	vst v63  }
0x35e: {  	s23 =	simm.s32 $0x5B00  }
0x35f: {  	[tilespmem:s23], [sflag:$0x1] =	stream.indirect_vreg.gather [hbm4b:s10+s5], $0x80, v3, vm0, $0xb8;
	[tilespmem:$0x1F900] =	vst v63  }
0x360: {  	v3 =	vld [tilespmem:$0x180];
	_ =	sdelay $0x4  }
0x361: {  	v4 =	vshrl.u32 v3, $0x3  }
0x362: {  	v4 =	vmul.u32 $0x30, v4  }
0x363: {  	v3 =	vand.u32 $0x7, v3  }
0x364: {  	v3 =	vor.u32 v3, v4  }
0x365: {  	v4 =	vperm.xlane v3, v0;
	_ =	sdelay $0x1  }
0x366: {  	v4 =	vadd.s32 v1, v4;
	_ =	sdelay $0x3  }
0x367: {  	s24 =	simm.s32 $0x12300;
	v3 =	vperm.xlane v3, v2  }
0x368: {  	[tilespmem:s24], [sflag:$0x4] =	stream.indirect_vreg.gather [hbm4b:s3+s5], $0x80, v4, vm0, $0xb8;
	[tilespmem:$0x1F900] =	vst v63  }
0x369: {  	s4 =	simm.s32 $0x12B00;
	v3 =	vadd.s32 v1, v3  }
0x36a: {  	[tilespmem:s4], [sflag:$0x4] =	stream.indirect_vreg.gather [hbm4b:s11+s5], $0x80, v4, vm0, $0xb8;
	[tilespmem:$0x1F900] =	vst v63  }
0x36b: {  	s7 =	simm.s32 $0x13300  }
0x36c: {  	[tilespmem:s7], [sflag:$0x4] =	stream.indirect_vreg.gather [hbm4b:s12+s5], $0x80, v4, vm0, $0xb8;
	[tilespmem:$0x1F900] =	vst v63  }
0x36d: {  	s8 =	simm.s32 $0x13B00  }
0x36e: {  	[tilespmem:s8], [sflag:$0x4] =	stream.indirect_vreg.gather [hbm4b:s3+s5], $0x80, v3, vm0, $0xb8;
	[tilespmem:$0x1F900] =	vst v63  }
0x36f: {  	s13 =	simm.s32 $0x14300  }
0x370: {  	[tilespmem:s13], [sflag:$0x4] =	stream.indirect_vreg.gather [hbm4b:s11+s5], $0x80, v3, vm0, $0xb8;
	[tilespmem:$0x1F900] =	vst v63  }
0x371: {  	s14 =	simm.s32 $0x14B00  }
0x372: {  	[tilespmem:s14], [sflag:$0x4] =	stream.indirect_vreg.gather [hbm4b:s12+s5], $0x80, v3, vm0, $0xb8;
	[tilespmem:$0x1F900] =	vst v63  }
0x373: {  	v3 =	vld [tilespmem:$0x190];
	_ =	sdelay $0x4  }
0x374: {  	v4 =	vshrl.u32 v3, $0x3  }
0x375: {  	v4 =	vmul.u32 $0x30, v4  }
0x376: {  	v3 =	vand.u32 $0x7, v3  }
0x377: {  	v3 =	vor.u32 v3, v4  }
0x378: {  	v4 =	vperm.xlane v3, v0;
	_ =	sdelay $0x1  }
0x379: {  	v4 =	vadd.s32 v1, v4;
	_ =	sdelay $0x3  }
0x37a: {  	s15 =	simm.s32 $0x15300;
	v3 =	vperm.xlane v3, v2  }
0x37b: {  	[tilespmem:s15], [sflag:$0x4] =	stream.indirect_vreg.gather [hbm4b:s3+s5], $0x80, v4, vm0, $0xb8;
	[tilespmem:$0x1F900] =	vst v63  }
0x37c: {  	s16 =	simm.s32 $0x15B00;
	s17 =	simm.s32 $0x16300;
	v3 =	vadd.s32 v1, v3  }
0x37d: {  	[tilespmem:s16], [sflag:$0x4] =	stream.indirect_vreg.gather [hbm4b:s11+s5], $0x80, v4, vm0, $0xb8;
	[tilespmem:$0x1F900] =	vst v63  }
0x37e: {  	s23 =	simm.s32 $0x60;
	s24 =	simm.s32 $0x61;
	s7 =	simm.s32 $0x62  }
0x37f: {  	[tilespmem:s17], [sflag:$0x4] =	stream.indirect_vreg.gather [hbm4b:s12+s5], $0x80, v4, vm0, $0xb8;
	v4 =	vmov s23;
	[tilespmem:$0x1F900] =	vst v63  }
0x380: {  	s20 =	simm.s32 $0x16B00;
	v5 =	vmov s24;
	v6 =	vmov s7;
	s8 =	simm.s32 $0x63;
	v4 =	vand.u32 $0xFFFFFFFC, v4  }
0x381: {  	v6 =	vand.u32 $0xFFFFFFFE, v6;
	v8 =	vmov s8;
	[tilespmem:s20], [sflag:$0x4] =	stream.indirect_vreg.gather [hbm4b:s3+s5], $0x80, v3, vm0, $0xb8;
	v7 =	vbroadcast v4, $0x0;
	[tilespmem:$0x1F900] =	vst v63  }
0x382: {  	v9 =	vbroadcast v6, $0x0;
	s13 =	simm.s32 $0x17300;
	s14 =	simm.s32 $0x64;
	s16 =	simm.s32 $0x66;
	v4 =	vand.u32 $0xFFFFFFFD, v5  }
0x383: {  	v11 =	vbroadcast v4, $0x0;
	[tilespmem:s13], [sflag:$0x4] =	stream.indirect_vreg.gather [hbm4b:s11+s5], $0x80, v3, vm0, $0xb8;
	[tilespmem:$0x1F900] =	vst v63  }
0x384: {  	s15 =	simm.s32 $0x65;
	s17 =	simm.s32 $0x17B00;
	v5 =	vmov s16;
	s20 =	simm.s32 $0x67;
	v4 =	vmov s14  }
0x385: {  	v6 =	vand.u32 $0xFFFFFFFE, v5;
	v4 =	vand.u32 $0xFFFFFFFC, v4;
	[tilespmem:s17], [sflag:$0x4] =	stream.indirect_vreg.gather [hbm4b:s12+s5], $0x80, v3, vm0, $0xb8;
	[tilespmem:$0x1F900] =	vst v63  }
0x386: {  	s24 =	simm.s32 $0x69;
	v10 =	vmov s20;
	v4 =	vbroadcast v4, $0x0;
	v3 =	vmov s15;
	v5 =	vld.idx.msk [tilespmem:v8+s25+$0x0], $0xffff  }
0x387: {  	v14 =	vmov s24;
	s8 =	simm.s32 $0x6A;
	s23 =	simm.s32 $0x68;
	v3 =	vand.u32 $0xFFFFFFFD, v3;
	v8 =	vbroadcast v6, $0x0;
	v6 =	vld.idx.msk [tilespmem:v7+s25+$0x0], $0xffff  }
0x388: {  	s2 =	simm.s32 $0x1EA00;
	v15 =	vmov s8;
	v12 =	vmov s23;
	v3 =	vbroadcast v3, $0x0;
	v7 =	vld.idx.msk [tilespmem:v9+s25+$0x0], $0xffff  }
0x389: {  	s4 =	simm.s32 $0x1EA00;
	s8 =	simm.s32 $0x8;
	v13 =	vand.u32 $0xFFFFFFFC, v12;
	v12 =	vand.u32 $0xFFFFFFFD, v14;
	s13 =	simm.s32 $0x4;
	v9 =	vld.idx.msk [tilespmem:v11+s25+$0x0], $0xffff;
	v11 =	vand.u32 $0xFFFFFFFE, v15  }
.LBB2_28:
0x38a: {  	s7 =	sadd.s32 $0x67, s13;
	s13 =	smov.u32 s8;
	s8 =	sadd.s32 $0x4, s8  }
0x38b: {  	v13 =	vbroadcast v13, $0x0;
	v12 =	vbroadcast v12, $0x0;
	[tilespmem:s2+$0x80] =	vst v5;
	v5 =	vld.idx.msk [tilespmem:v10+s25+$0x0], $0xffff;
	s4 =	sadd.s32 $0x200, s4;
	p0 =	slt.u32 s8, $0x1C  }
.Ltmp13:
0x38c: {  	v11 =	vbroadcast v11, $0x0;
	v10 =	vmov s7;
	[tilespmem:s2+$0xFFFFFF00] =	vst v6;
	v6 =	vld.idx.msk [tilespmem:v4+s25+$0x0], $0xffff;
	(pc) =	sbr.rel @p0 .LBB2_28-.Ltmp13, $4  }
0x38d: {  	[tilespmem:s2+$0x0] =	vst v7;
	v7 =	vld.idx.msk [tilespmem:v8+s25+$0x0], $0xffff;
	v4 =	vmov v13  }
0x38e: {  	s7 =	sadd.s32 $0x64, s13;
	s14 =	sadd.s32 $0x65, s13;
	s15 =	sadd.s32 $0x66, s13;
	v8 =	vmov v11;
	[tilespmem:s2+$0xFFFFFF80] =	vst v9;
	v9 =	vld.idx.msk [tilespmem:v3+s25+$0x0], $0xffff;
	v3 =	vmov v12  }
0x38f: {  	v11 =	vmov s7;
	v14 =	vmov s15;
	v12 =	vmov s14;
	s2 =	smov.u32 s4  }
0x390: {  	v13 =	vand.u32 $0xFFFFFFFC, v11;
	v11 =	vand.u32 $0xFFFFFFFE, v14;
	v12 =	vand.u32 $0xFFFFFFFD, v12  }
0x391: {  	_ =	sdelay $0x1  }
0x392: {  	s7 =	sadd.s32 $0x67, s13  }
0x393: {  	v13 =	vbroadcast v13, $0x0;
	v14 =	vmov s7  }
0x394: {  	v10 =	vld.idx.msk [tilespmem:v10+s25+$0x0], $0xffff;
	v11 =	vbroadcast v11, $0x0  }
0x395: {  	[tilespmem:s2+$0x80] =	vst v5;
	v59 =	vbroadcast v12, $0x0;
	v4 =	vld.idx.msk [tilespmem:v4+s25+$0x0], $0xffff  }
0x396: {  	[tilespmem:s2+$0xFFFFFF00] =	vst v6;
	v60 =	vld.idx.msk [tilespmem:v8+s25+$0x0], $0xffff  }
0x397: {  	v3 =	vld.idx.msk [tilespmem:v3+s25+$0x0], $0xffff;
	[tilespmem:s2+$0x0] =	vst v7  }
0x398: {  	s4 =	sadd.s32 $0x200, s4;
	[tilespmem:s2+$0xFFFFFF80] =	vst v9;
	v61 =	vld.idx.msk [tilespmem:v14+s25+$0x0], $0xffff  }
0x399: {  	[tilespmem:s4+$0x80] =	vst v10;
	v62 =	vld.idx.msk [tilespmem:v13+s25+$0x0], $0xffff  }
0x39a: {  	[tilespmem:s4+$0xFFFFFF00] =	vst v4;
	v63 =	vld.idx.msk [tilespmem:v11+s25+$0x0], $0xffff  }
0x39b: {  	[tilespmem:s4+$0x0] =	vst v60;
	v5 =	vld.idx.msk [tilespmem:v59+s25+$0x0], $0xffff  }
0x39c: {  	s24 =	sadd.s32 $0x200, s4;
	[tilespmem:s4+$0xFFFFFF80] =	vst v3  }
0x39d: {  	[tilespmem:s24+$0x80] =	vst v61  }
0x39e: {  	[tilespmem:s24+$0xFFFFFF00] =	vst v62  }
0x39f: {  	[tilespmem:s24+$0x0] =	vst v63  }
0x3a0: {  	[tilespmem:s24+$0xFFFFFF80] =	vst v5  }
0x3a1: {  	_ =	swait.ge [sflag:s31], $0x6000  }
0x3a2: {  	[sflag:s31] =	ssyncset.done $0x0  }
0x3a3: {  	[sflag:s31] =	ssyncadd.s32 $0xFFFFA000  }
0x3a4: {  	_ =	swait.ge [sflag:s22], $0x6000  }
0x3a5: {  	s8 =	simm.s32 $0x0;
	[sflag:s22] =	ssyncset.done $0x0  }
0x3a6: {  	s14 =	simm.s32 $0x0;
	s20 =	simm.s32 $0x0;
	[sflag:s22] =	ssyncadd.s32 $0xFFFFA000  }
.LBB2_30:
0x3a7: {  	s16 =	simm.s32 $0x1EB00  }
0x3a8: {  	v13 =	vld [tilespmem:s16+$0xFFFFFE00]  }
0x3a9: {  	s2 =	sand.u32 $0x7, s14;
	v6 =	vld [tilespmem:s16+$0x0]  }
0x3aa: {  	s4 =	sshll.u32 s20, $0x4;
	s7 =	sshll.u32 s20, $0x5;
	s2 =	sshll.u32 s2, $0x6;
	v12 =	vld [tilespmem:s16+$0x180]  }
0x3ab: {  	s23 =	sand.u32 $0x70, s4;
	s7 =	sand.u32 $0x1FFFFF00, s7;
	v21 =	vld [tilespmem:s16+$0x100];
	s2 =	sshrl.u32 s2, $0x2  }
0x3ac: {  	v24 =	vld [tilespmem:s16+$0xFFFFFF00];
	v3 =	vmov s2;
	s2 =	sor.u32 s23, s7  }
0x3ad: {  	s17 =	sand.u32 $0xFFFFFC00, s8;
	s15 =	sadd.s32 $0x1E300, s2;
	v4 =	vld [tilespmem:s2+$0x1E300];
	s2 =	sor.u32 $0x380, s4  }
0x3ae: {  	v5 =	vld [tilespmem:s15+$0x80];
	s23 =	sor.u32 s2, s17  }
0x3af: {  	s24 =	sand.u32 $0x3FFFFC00, s8;
	v14 =	vld [tilespmem:s23+$0xC300]  }
0x3b0: {  	s13 =	sor.u32 $0x300, s24;
	v19 =	vld [tilespmem:s23+$0x18300]  }
0x3b1: {  	s4 =	sadd.s32 $0x18480, s24;
	v11 =	vld.idx.msk [tilespmem:v3+s13+$0xC000 ss:$0x1], $0xffff  }
0x3b2: {  	v15 =	vld.idx.msk [tilespmem:v3+s4+$0xFFFFFE80 ss:$0x1], $0xffff  }
0x3b3: {  	v16 =	vld.idx.msk [tilespmem:v3+s13+$0xC080 ss:$0x1], $0xffff  }
0x3b4: {  	v17 =	vld.idx.msk [tilespmem:v3+s4+$0xFFFFFF00 ss:$0x1], $0xffff  }
0x3b5: {  	v9 =	vld.idx.msk [tilespmem:v3+s13+$0xC200 ss:$0x1], $0xffff  }
0x3b6: {  	v7 =	vld.idx.msk [tilespmem:v3+s4+$0x100 ss:$0x1], $0xffff  }
0x3b7: {  	v18 =	vld.idx.msk [tilespmem:v3+s13+$0xC100 ss:$0x1], $0xffff  }
0x3b8: {  	v10 =	vld.idx.msk [tilespmem:v3+s4+$0x80 ss:$0x1], $0xffff  }
0x3b9: {  	v20 =	vld.idx.msk [tilespmem:v3+s4+$0xFFFFFF80 ss:$0x1], $0xffff  }
0x3ba: {  	v8 =	vld.idx.msk [tilespmem:v3+s4+$0x180 ss:$0x1], $0xffff  }
0x3bb: {  	v22 =	vld.idx.msk [tilespmem:v3+s13+$0xC180 ss:$0x1], $0xffff  }
0x3bc: {  	v23 =	vld.idx.msk [tilespmem:v3+s4+$0x0 ss:$0x1], $0xffff  }
0x3bd: {  	vm1 =	veq.s32 v6, $0x0;
	v6 =	vadd.f32 v17, v16;
	v17 =	vld [tilespmem:s16+$0xFFFFFF80]  }
0x3be: {  	vm2 =	veq.s32 v12, $0x0;
	v25 =	vadd.f32 v15, v11;
	v12 =	vadd.f32 v20, v18;
	v11 =	vld.idx.msk [tilespmem:v3+s13+$0xC300 ss:$0x1], $0xffff  }
0x3bf: {  	v18 =	vsel vm2, v4, v5;
	vm2 =	veq.s32 v13, $0x0;
	v16 =	vsel vm1, v4, v5;
	v13 =	vld.idx.msk [tilespmem:v3+s13+$0xC280 ss:$0x1], $0xffff  }
0x3c0: {  	s24 =	simm.s32 $0x0;
	vm1 =	veq.s32 v21, $0x0;
	v15 =	vld [tilespmem:s16+$0x80];
	v21 =	vadd.f32 v19, v14;
	v20 =	vsel vm2, v4, v5  }
0x3c1: {  	s15 =	sadd.s32 $0x1800, s13;
	s17 =	sadd.s32 $0x1800, s17;
	v14 =	vld [tilespmem:s16+$0xFFFFFE80];
	s16 =	simm.s32 $0x1EF00;
	vm2 =	veq.s32 v24, $0x0;
	v19 =	vadd.f32 v20, v25;
	v20 =	vadd.f32 v23, v22  }
.LBB2_31:
0x3c2: {  	v22 =	vld.idx.msk [tilespmem:v3+s15+$0xC000 ss:$0x1], $0xffff;
	s7 =	sor.u32 s2, s17;
	s24 =	sadd.s32 $0x8, s24;
	vm3 =	veq.s32 v17, $0x0;
	v9 =	vadd.f32 v10, v9;
	v10 =	vadd.f32 v18, v21;
	s4 =	sadd.s32 $0x1800, s4  }
0x3c3: {  	v21 =	vld [tilespmem:s16+$0xFFFFFE00];
	p0 =	slt.u32 s24, $0x18;
	v17 =	vsel vm3, v4, v5  }
0x3c4: {  	v18 =	vld [tilespmem:s16+$0x0];
	[tilespmem:v3+s13+$0xC000 ss:$0x1] =	vst.idx.msk $0xffff, v19;
	v17 =	vadd.f32 v17, v20;
	v9 =	vadd.f32 v16, v9  }
0x3c5: {  	v16 =	vsel vm2, v4, v5;
	v7 =	vadd.f32 v7, v13;
	v19 =	vld [tilespmem:s7+$0xC300]  }
0x3c6: {  	v8 =	vadd.f32 v8, v11;
	v12 =	vadd.f32 v16, v12;
	vm2 =	veq.s32 v15, $0x0;
	v13 =	vld [tilespmem:s16+$0x180];
	[tilespmem:s23+$0xC300] =	vst v10;
	s23 =	smov.u32 s7  }
0x3c7: {  	v11 =	vsel vm1, v4, v5;
	vm3 =	veq.s32 v14, $0x0;
	v10 =	vsel vm2, v4, v5;
	v20 =	vld [tilespmem:s23+$0x18300];
	[tilespmem:v3+s13+$0xC180 ss:$0x1] =	vst.idx.msk $0xffff, v17  }
0x3c8: {  	v8 =	vadd.f32 v11, v8;
	v7 =	vadd.f32 v10, v7;
	v14 =	vld.idx.msk [tilespmem:v3+s4+$0xFFFFFE80 ss:$0x1], $0xffff;
	[tilespmem:v3+s13+$0xC200 ss:$0x1] =	vst.idx.msk $0xffff, v9  }
0x3c9: {  	v9 =	vsel vm3, v4, v5;
	v11 =	vld.idx.msk [tilespmem:v3+s15+$0xC080 ss:$0x1], $0xffff;
	vm1 =	veq.s32 v18, $0x0;
	[tilespmem:v3+s13+$0xC100 ss:$0x1] =	vst.idx.msk $0xffff, v12  }
0x3ca: {  	v6 =	vadd.f32 v9, v6;
	v12 =	vld.idx.msk [tilespmem:v3+s4+$0xFFFFFF00 ss:$0x1], $0xffff  }
0x3cb: {  	v9 =	vld.idx.msk [tilespmem:v3+s15+$0xC200 ss:$0x1], $0xffff;
	vm2 =	veq.s32 v13, $0x0;
	[tilespmem:v3+s13+$0xC280 ss:$0x1] =	vst.idx.msk $0xffff, v7  }
0x3cc: {  	v7 =	vld.idx.msk [tilespmem:v3+s4+$0x100 ss:$0x1], $0xffff;
	[tilespmem:v3+s13+$0xC080 ss:$0x1] =	vst.idx.msk $0xffff, v6  }
0x3cd: {  	v13 =	vld.idx.msk [tilespmem:v3+s15+$0xC100 ss:$0x1], $0xffff;
	[tilespmem:v3+s13+$0xC300 ss:$0x1] =	vst.idx.msk $0xffff, v8;
	s13 =	smov.u32 s15  }
0x3ce: {  	v10 =	vld.idx.msk [tilespmem:v3+s4+$0x80 ss:$0x1], $0xffff  }
0x3cf: {  	v8 =	vld.idx.msk [tilespmem:v3+s4+$0x180 ss:$0x1], $0xffff  }
0x3d0: {  	v15 =	vld.idx.msk [tilespmem:v3+s4+$0xFFFFFF80 ss:$0x1], $0xffff  }
0x3d1: {  	v23 =	vld [tilespmem:s16+$0x100]  }
0x3d2: {  	v24 =	vld.idx.msk [tilespmem:v3+s15+$0xC180 ss:$0x1], $0xffff  }
0x3d3: {  	v25 =	vld.idx.msk [tilespmem:v3+s4+$0x0 ss:$0x1], $0xffff  }
0x3d4: {  	v26 =	vld [tilespmem:s16+$0xFFFFFF00]  }
.Ltmp14:
0x3d5: {  	v6 =	vadd.f32 v12, v11;
	v17 =	vld [tilespmem:s16+$0xFFFFFF80];
	(pc) =	sbr.rel @p0 .LBB2_31-.Ltmp14, $4  }
0x3d6: {  	v18 =	vsel vm2, v4, v5;
	v14 =	vadd.f32 v14, v22;
	v12 =	vadd.f32 v15, v13;
	v11 =	vld.idx.msk [tilespmem:v3+s15+$0xC300 ss:$0x1], $0xffff  }
0x3d7: {  	v16 =	vsel vm1, v4, v5;
	vm2 =	veq.s32 v21, $0x0;
	vm1 =	veq.s32 v23, $0x0;
	v13 =	vld.idx.msk [tilespmem:v3+s15+$0xC280 ss:$0x1], $0xffff  }
0x3d8: {  	v21 =	vadd.f32 v20, v19;
	v22 =	vsel vm2, v4, v5;
	v15 =	vld [tilespmem:s16+$0x80]  }
0x3d9: {  	s17 =	sadd.s32 $0x1800, s17;
	v19 =	vadd.f32 v22, v14;
	s15 =	sadd.s32 $0x1800, s15;
	v20 =	vadd.f32 v25, v24;
	v14 =	vld [tilespmem:s16+$0xFFFFFE80];
	vm2 =	veq.s32 v26, $0x0;
	s16 =	sadd.s32 $0x400, s16  }
0x3da: {  	_ =	sdelay $0x1  }
0x3db: {  	vm3 =	veq.s32 v17, $0x0;
	v9 =	vadd.f32 v10, v9  }
0x3dc: {  	v58 =	vadd.f32 v18, v21;
	v59 =	vsel vm2, v4, v5;
	v17 =	vsel vm3, v4, v5  }
0x3dd: {  	[tilespmem:v3+s13+$0xC000 ss:$0x1] =	vst.idx.msk $0xffff, v19;
	v12 =	vadd.f32 v59, v12;
	v8 =	vadd.f32 v8, v11  }
0x3de: {  	s20 =	sadd.s32 $0x1, s20;
	v17 =	vadd.f32 v17, v20;
	v7 =	vadd.f32 v7, v13;
	[tilespmem:s23+$0xC300] =	vst v58;
	vm2 =	veq.s32 v15, $0x0  }
0x3df: {  	p0 =	sne.s32 s20, $0x30;
	v9 =	vadd.f32 v16, v9;
	[tilespmem:v3+s13+$0xC100 ss:$0x1] =	vst.idx.msk $0xffff, v12;
	v60 =	vsel vm2, v4, v5  }
.Ltmp15:
0x3e0: {  	v62 =	vsel vm1, v4, v5;
	vm3 =	veq.s32 v14, $0x0;
	[tilespmem:v3+s13+$0xC180 ss:$0x1] =	vst.idx.msk $0xffff, v17;
	v7 =	vadd.f32 v60, v7;
	(pc) =	sbr.rel @p0 .LBB2_30-.Ltmp15, $4  }
0x3e1: {  	[tilespmem:v3+s13+$0xC200 ss:$0x1] =	vst.idx.msk $0xffff, v9;
	v61 =	vsel vm3, v4, v5;
	v4 =	vadd.f32 v62, v8  }
0x3e2: {  	v63 =	vadd.f32 v61, v6;
	[tilespmem:v3+s13+$0xC280 ss:$0x1] =	vst.idx.msk $0xffff, v7  }
0x3e3: {  	[tilespmem:v3+s13+$0xC300 ss:$0x1] =	vst.idx.msk $0xffff, v4  }
0x3e4: {  	s14 =	sadd.s32 $0x1, s14;
	s8 =	sadd.s32 $0x80, s8;
	[tilespmem:v3+s13+$0xC080 ss:$0x1] =	vst.idx.msk $0xffff, v63  }
0x3e5: {  	s2 =	rddreg [dreg:$0xe]  }
0x3e6: {  	[hbm4b:s2+s5] =	stream.linear.scatter [tilespmem:s19], [sflag:$0x8], $0x6000, $0x38;
	[tilespmem:$0x1F900] =	vst v63  }
0x3e7: {  	_ =	swait.ge [sflag:s29], $0x6000  }
0x3e8: {  	[sflag:s29] =	ssyncset.done $0x0  }
0x3e9: {  	[sflag:s29] =	ssyncadd.s32 $0xFFFFA000  }
0x3ea: {  	v3 =	vld [tilespmem:$0xA0];
	_ =	sdelay $0x4  }
0x3eb: {  	v4 =	vshrl.u32 v3, $0x3  }
0x3ec: {  	v4 =	vmul.u32 $0x30, v4  }
0x3ed: {  	v3 =	vand.u32 $0x7, v3  }
0x3ee: {  	v3 =	vor.u32 v3, v4  }
0x3ef: {  	v4 =	vperm.xlane v3, v0;
	_ =	sdelay $0x1  }
0x3f0: {  	v4 =	vadd.s32 v1, v4;
	_ =	sdelay $0x3  }
0x3f1: {  	s24 =	simm.s32 $0x6300;
	v3 =	vperm.xlane v3, v2  }
0x3f2: {  	[tilespmem:s24], [sflag:$0x2] =	stream.indirect_vreg.gather [hbm4b:s0+s5], $0x80, v4, vm0, $0xb8;
	[tilespmem:$0x1F900] =	vst v63  }
0x3f3: {  	s4 =	simm.s32 $0x6B00;
	v3 =	vadd.s32 v1, v3  }
0x3f4: {  	[tilespmem:s4], [sflag:$0x2] =	stream.indirect_vreg.gather [hbm4b:s9+s5], $0x80, v4, vm0, $0xb8;
	[tilespmem:$0x1F900] =	vst v63  }
0x3f5: {  	s7 =	simm.s32 $0x7300  }
0x3f6: {  	[tilespmem:s7], [sflag:$0x2] =	stream.indirect_vreg.gather [hbm4b:s10+s5], $0x80, v4, vm0, $0xb8;
	[tilespmem:$0x1F900] =	vst v63  }
0x3f7: {  	s8 =	simm.s32 $0x7B00  }
0x3f8: {  	[tilespmem:s8], [sflag:$0x2] =	stream.indirect_vreg.gather [hbm4b:s0+s5], $0x80, v3, vm0, $0xb8;
	[tilespmem:$0x1F900] =	vst v63  }
0x3f9: {  	s13 =	simm.s32 $0x8300  }
0x3fa: {  	[tilespmem:s13], [sflag:$0x2] =	stream.indirect_vreg.gather [hbm4b:s9+s5], $0x80, v3, vm0, $0xb8;
	[tilespmem:$0x1F900] =	vst v63  }
0x3fb: {  	s14 =	simm.s32 $0x8B00  }
0x3fc: {  	[tilespmem:s14], [sflag:$0x2] =	stream.indirect_vreg.gather [hbm4b:s10+s5], $0x80, v3, vm0, $0xb8;
	[tilespmem:$0x1F900] =	vst v63  }
0x3fd: {  	v3 =	vld [tilespmem:$0xB0];
	_ =	sdelay $0x4  }
0x3fe: {  	v4 =	vshrl.u32 v3, $0x3  }
0x3ff: {  	v4 =	vmul.u32 $0x30, v4  }
0x400: {  	v3 =	vand.u32 $0x7, v3  }
0x401: {  	v3 =	vor.u32 v3, v4  }
0x402: {  	v4 =	vperm.xlane v3, v0;
	_ =	sdelay $0x1  }
0x403: {  	v4 =	vadd.s32 v1, v4;
	_ =	sdelay $0x3  }
0x404: {  	s15 =	simm.s32 $0x9300;
	v3 =	vperm.xlane v3, v2  }
0x405: {  	[tilespmem:s15], [sflag:$0x2] =	stream.indirect_vreg.gather [hbm4b:s0+s5], $0x80, v4, vm0, $0xb8;
	[tilespmem:$0x1F900] =	vst v63  }
0x406: {  	s16 =	simm.s32 $0x9B00;
	v3 =	vadd.s32 v1, v3  }
0x407: {  	[tilespmem:s16], [sflag:$0x2] =	stream.indirect_vreg.gather [hbm4b:s9+s5], $0x80, v4, vm0, $0xb8;
	[tilespmem:$0x1F900] =	vst v63  }
0x408: {  	s17 =	simm.s32 $0xA300  }
0x409: {  	[tilespmem:s17], [sflag:$0x2] =	stream.indirect_vreg.gather [hbm4b:s10+s5], $0x80, v4, vm0, $0xb8;
	[tilespmem:$0x1F900] =	vst v63  }
0x40a: {  	s20 =	simm.s32 $0xAB00  }
0x40b: {  	[tilespmem:s20], [sflag:$0x2] =	stream.indirect_vreg.gather [hbm4b:s0+s5], $0x80, v3, vm0, $0xb8;
	[tilespmem:$0x1F900] =	vst v63  }
0x40c: {  	s23 =	simm.s32 $0xB300  }
0x40d: {  	[tilespmem:s23], [sflag:$0x2] =	stream.indirect_vreg.gather [hbm4b:s9+s5], $0x80, v3, vm0, $0xb8;
	[tilespmem:$0x1F900] =	vst v63  }
0x40e: {  	s24 =	simm.s32 $0xBB00  }
0x40f: {  	[tilespmem:s24], [sflag:$0x2] =	stream.indirect_vreg.gather [hbm4b:s10+s5], $0x80, v3, vm0, $0xb8;
	[tilespmem:$0x1F900] =	vst v63  }
0x410: {  	v3 =	vld [tilespmem:$0x1A0];
	_ =	sdelay $0x4  }
0x411: {  	v4 =	vshrl.u32 v3, $0x3  }
0x412: {  	v4 =	vmul.u32 $0x30, v4  }
0x413: {  	v3 =	vand.u32 $0x7, v3  }
0x414: {  	v3 =	vor.u32 v3, v4  }
0x415: {  	v4 =	vperm.xlane v3, v0;
	_ =	sdelay $0x1  }
0x416: {  	v4 =	vadd.s32 v1, v4;
	_ =	sdelay $0x3  }
0x417: {  	s4 =	simm.s32 $0x18300;
	v3 =	vperm.xlane v3, v2  }
0x418: {  	[tilespmem:s4], [sflag:$0x5] =	stream.indirect_vreg.gather [hbm4b:s3+s5], $0x80, v4, vm0, $0xb8;
	[tilespmem:$0x1F900] =	vst v63  }
0x419: {  	s7 =	simm.s32 $0x18B00;
	v3 =	vadd.s32 v1, v3  }
0x41a: {  	[tilespmem:s7], [sflag:$0x5] =	stream.indirect_vreg.gather [hbm4b:s11+s5], $0x80, v4, vm0, $0xb8;
	[tilespmem:$0x1F900] =	vst v63  }
0x41b: {  	s8 =	simm.s32 $0x19300  }
0x41c: {  	[tilespmem:s8], [sflag:$0x5] =	stream.indirect_vreg.gather [hbm4b:s12+s5], $0x80, v4, vm0, $0xb8;
	[tilespmem:$0x1F900] =	vst v63  }
0x41d: {  	s13 =	simm.s32 $0x19B00  }
0x41e: {  	[tilespmem:s13], [sflag:$0x5] =	stream.indirect_vreg.gather [hbm4b:s3+s5], $0x80, v3, vm0, $0xb8;
	[tilespmem:$0x1F900] =	vst v63  }
0x41f: {  	s14 =	simm.s32 $0x1A300  }
0x420: {  	[tilespmem:s14], [sflag:$0x5] =	stream.indirect_vreg.gather [hbm4b:s11+s5], $0x80, v3, vm0, $0xb8;
	[tilespmem:$0x1F900] =	vst v63  }
0x421: {  	s15 =	simm.s32 $0x1AB00  }
0x422: {  	[tilespmem:s15], [sflag:$0x5] =	stream.indirect_vreg.gather [hbm4b:s12+s5], $0x80, v3, vm0, $0xb8;
	[tilespmem:$0x1F900] =	vst v63  }
0x423: {  	v3 =	vld [tilespmem:$0x1B0];
	_ =	sdelay $0x4  }
0x424: {  	v4 =	vshrl.u32 v3, $0x3  }
0x425: {  	v4 =	vmul.u32 $0x30, v4  }
0x426: {  	v3 =	vand.u32 $0x7, v3  }
0x427: {  	v3 =	vor.u32 v3, v4  }
0x428: {  	v4 =	vperm.xlane v3, v0;
	_ =	sdelay $0x1  }
0x429: {  	v4 =	vadd.s32 v1, v4;
	_ =	sdelay $0x3  }
0x42a: {  	s16 =	simm.s32 $0x1B300;
	v3 =	vperm.xlane v3, v2  }
0x42b: {  	[tilespmem:s16], [sflag:$0x5] =	stream.indirect_vreg.gather [hbm4b:s3+s5], $0x80, v4, vm0, $0xb8;
	[tilespmem:$0x1F900] =	vst v63  }
0x42c: {  	s17 =	simm.s32 $0x1BB00;
	s20 =	simm.s32 $0x1C300;
	v3 =	vadd.s32 v1, v3  }
0x42d: {  	[tilespmem:s17], [sflag:$0x5] =	stream.indirect_vreg.gather [hbm4b:s11+s5], $0x80, v4, vm0, $0xb8;
	[tilespmem:$0x1F900] =	vst v63  }
0x42e: {  	s24 =	simm.s32 $0x80;
	s4 =	simm.s32 $0x81;
	s7 =	simm.s32 $0x82  }
0x42f: {  	[tilespmem:s20], [sflag:$0x5] =	stream.indirect_vreg.gather [hbm4b:s12+s5], $0x80, v4, vm0, $0xb8;
	v4 =	vmov s24;
	[tilespmem:$0x1F900] =	vst v63  }
0x430: {  	s23 =	simm.s32 $0x1CB00;
	v5 =	vmov s4;
	v6 =	vmov s7;
	s8 =	simm.s32 $0x83;
	v4 =	vand.u32 $0xFFFFFFFC, v4  }
0x431: {  	v6 =	vand.u32 $0xFFFFFFFE, v6;
	v8 =	vmov s8;
	[tilespmem:s23], [sflag:$0x5] =	stream.indirect_vreg.gather [hbm4b:s3+s5], $0x80, v3, vm0, $0xb8;
	v7 =	vbroadcast v4, $0x0;
	[tilespmem:$0x1F900] =	vst v63  }
0x432: {  	v9 =	vbroadcast v6, $0x0;
	s13 =	simm.s32 $0x1D300;
	s14 =	simm.s32 $0x84;
	s15 =	simm.s32 $0x85;
	v4 =	vand.u32 $0xFFFFFFFD, v5  }
0x433: {  	v11 =	vbroadcast v4, $0x0;
	[tilespmem:s13], [sflag:$0x5] =	stream.indirect_vreg.gather [hbm4b:s11+s5], $0x80, v3, vm0, $0xb8;
	[tilespmem:$0x1F900] =	vst v63  }
0x434: {  	s16 =	simm.s32 $0x86;
	s17 =	simm.s32 $0x1DB00;
	s20 =	simm.s32 $0x87;
	v4 =	vmov s14  }
0x435: {  	v10 =	vmov s20;
	v5 =	vmov s16;
	v4 =	vand.u32 $0xFFFFFFFC, v4;
	[tilespmem:s17], [sflag:$0x5] =	stream.indirect_vreg.gather [hbm4b:s12+s5], $0x80, v3, vm0, $0xb8;
	[tilespmem:$0x1F900] =	vst v63  }
0x436: {  	s8 =	simm.s32 $0x8A;
	v6 =	vand.u32 $0xFFFFFFFE, v5;
	v4 =	vbroadcast v4, $0x0;
	v3 =	vmov s15;
	v5 =	vld.idx.msk [tilespmem:v8+s25+$0x0], $0xffff  }
0x437: {  	v15 =	vmov s8;
	s24 =	simm.s32 $0x89;
	s23 =	simm.s32 $0x88;
	v3 =	vand.u32 $0xFFFFFFFD, v3;
	v8 =	vbroadcast v6, $0x0;
	v6 =	vld.idx.msk [tilespmem:v7+s25+$0x0], $0xffff  }
0x438: {  	s2 =	simm.s32 $0x1EA00;
	v14 =	vmov s24;
	v12 =	vmov s23;
	v3 =	vbroadcast v3, $0x0;
	v7 =	vld.idx.msk [tilespmem:v9+s25+$0x0], $0xffff  }
0x439: {  	s4 =	simm.s32 $0x1EA00;
	s8 =	simm.s32 $0x8;
	s13 =	simm.s32 $0x4;
	v13 =	vand.u32 $0xFFFFFFFC, v12;
	v12 =	vand.u32 $0xFFFFFFFD, v14;
	v9 =	vld.idx.msk [tilespmem:v11+s25+$0x0], $0xffff;
	v11 =	vand.u32 $0xFFFFFFFE, v15  }
.LBB2_34:
0x43a: {  	s7 =	sadd.s32 $0x87, s13;
	s13 =	smov.u32 s8;
	s8 =	sadd.s32 $0x4, s8  }
0x43b: {  	v13 =	vbroadcast v13, $0x0;
	v12 =	vbroadcast v12, $0x0;
	[tilespmem:s2+$0x80] =	vst v5;
	v5 =	vld.idx.msk [tilespmem:v10+s25+$0x0], $0xffff;
	s4 =	sadd.s32 $0x200, s4;
	p0 =	slt.u32 s8, $0x1C  }
.Ltmp16:
0x43c: {  	v11 =	vbroadcast v11, $0x0;
	v10 =	vmov s7;
	[tilespmem:s2+$0xFFFFFF00] =	vst v6;
	v6 =	vld.idx.msk [tilespmem:v4+s25+$0x0], $0xffff;
	(pc) =	sbr.rel @p0 .LBB2_34-.Ltmp16, $4  }
0x43d: {  	[tilespmem:s2+$0x0] =	vst v7;
	v7 =	vld.idx.msk [tilespmem:v8+s25+$0x0], $0xffff;
	v4 =	vmov v13  }
0x43e: {  	s7 =	sadd.s32 $0x84, s13;
	s14 =	sadd.s32 $0x85, s13;
	s15 =	sadd.s32 $0x86, s13;
	v8 =	vmov v11;
	[tilespmem:s2+$0xFFFFFF80] =	vst v9;
	v9 =	vld.idx.msk [tilespmem:v3+s25+$0x0], $0xffff;
	v3 =	vmov v12  }
0x43f: {  	v11 =	vmov s7;
	v14 =	vmov s15;
	v12 =	vmov s14;
	s2 =	smov.u32 s4  }
0x440: {  	v13 =	vand.u32 $0xFFFFFFFC, v11;
	v11 =	vand.u32 $0xFFFFFFFE, v14;
	v12 =	vand.u32 $0xFFFFFFFD, v12  }
0x441: {  	_ =	sdelay $0x1  }
0x442: {  	s7 =	sadd.s32 $0x87, s13  }
0x443: {  	v13 =	vbroadcast v13, $0x0;
	v14 =	vmov s7  }
0x444: {  	v10 =	vld.idx.msk [tilespmem:v10+s25+$0x0], $0xffff;
	v11 =	vbroadcast v11, $0x0  }
0x445: {  	[tilespmem:s2+$0x80] =	vst v5;
	v59 =	vbroadcast v12, $0x0;
	v4 =	vld.idx.msk [tilespmem:v4+s25+$0x0], $0xffff  }
0x446: {  	[tilespmem:s2+$0xFFFFFF00] =	vst v6;
	v60 =	vld.idx.msk [tilespmem:v8+s25+$0x0], $0xffff  }
0x447: {  	v3 =	vld.idx.msk [tilespmem:v3+s25+$0x0], $0xffff;
	[tilespmem:s2+$0x0] =	vst v7  }
0x448: {  	s4 =	sadd.s32 $0x200, s4;
	[tilespmem:s2+$0xFFFFFF80] =	vst v9;
	v61 =	vld.idx.msk [tilespmem:v14+s25+$0x0], $0xffff  }
0x449: {  	[tilespmem:s4+$0x80] =	vst v10;
	v62 =	vld.idx.msk [tilespmem:v13+s25+$0x0], $0xffff  }
0x44a: {  	[tilespmem:s4+$0xFFFFFF00] =	vst v4;
	v63 =	vld.idx.msk [tilespmem:v11+s25+$0x0], $0xffff  }
0x44b: {  	[tilespmem:s4+$0x0] =	vst v60;
	v5 =	vld.idx.msk [tilespmem:v59+s25+$0x0], $0xffff  }
0x44c: {  	s24 =	sadd.s32 $0x200, s4;
	[tilespmem:s4+$0xFFFFFF80] =	vst v3  }
0x44d: {  	[tilespmem:s24+$0x80] =	vst v61  }
0x44e: {  	[tilespmem:s24+$0xFFFFFF00] =	vst v62  }
0x44f: {  	[tilespmem:s24+$0x0] =	vst v63  }
0x450: {  	[tilespmem:s24+$0xFFFFFF80] =	vst v5  }
0x451: {  	_ =	swait.ge [sflag:s18], $0x6000  }
0x452: {  	[sflag:s18] =	ssyncset.done $0x0  }
0x453: {  	[sflag:s18] =	ssyncadd.s32 $0xFFFFA000  }
0x454: {  	_ =	swait.ge [sflag:s6], $0x6000  }
0x455: {  	s8 =	simm.s32 $0x0;
	[sflag:s6] =	ssyncset.done $0x0  }
0x456: {  	s14 =	simm.s32 $0x0;
	s20 =	simm.s32 $0x0;
	[sflag:s6] =	ssyncadd.s32 $0xFFFFA000  }
.LBB2_36:
0x457: {  	s7 =	sshll.u32 s20, $0x4;
	s13 =	sshll.u32 s20, $0x5  }
0x458: {  	s2 =	sshll.u32 s14, $0x2;
	s15 =	sand.u32 $0x70, s7;
	s13 =	sand.u32 $0x1FFFFF00, s13  }
0x459: {  	s4 =	sand.u32 $0x7, s8;
	s2 =	sand.u32 $0xFFFFF000, s2;
	s24 =	sor.u32 s15, s13  }
0x45a: {  	s4 =	sshll.u32 s4, $0x6;
	s23 =	sor.u32 $0x380, s7;
	s15 =	sadd.s32 $0x1E300, s24;
	v3 =	vld [tilespmem:s24+$0x1E300]  }
0x45b: {  	s2 =	sor.u32 s4, s2;
	s4 =	sand.u32 $0xFFFFFC00, s14;
	s24 =	simm.s32 $0x1EB00;
	v4 =	vld [tilespmem:s15+$0x80]  }
0x45c: {  	s17 =	sor.u32 s23, s4;
	v23 =	vld [tilespmem:s24+$0x180]  }
0x45d: {  	v24 =	vld [tilespmem:s17+$0x300]  }
0x45e: {  	s2 =	sshrl.u32 s2, $0x2;
	v25 =	vld [tilespmem:s17+$0x12300]  }
0x45f: {  	s13 =	sadd.s32 $0x480, s2;
	v26 =	vld [tilespmem:s24+$0xFFFFFE00]  }
0x460: {  	s2 =	sadd.s32 $0x12480, s2;
	v5 =	vld [tilespmem:s13+$0xFFFFFE80]  }
0x461: {  	v6 =	vld [tilespmem:s2+$0xFFFFFE80]  }
0x462: {  	v7 =	vld [tilespmem:s13+$0xFFFFFF00]  }
0x463: {  	v8 =	vld [tilespmem:s2+$0xFFFFFF00]  }
0x464: {  	v9 =	vld [tilespmem:s13+$0xFFFFFF80]  }
0x465: {  	v10 =	vld [tilespmem:s2+$0xFFFFFF80]  }
0x466: {  	v11 =	vld [tilespmem:s13+$0x0]  }
0x467: {  	v13 =	vld [tilespmem:s2+$0x0]  }
0x468: {  	v17 =	vld [tilespmem:s13+$0x80]  }
0x469: {  	v18 =	vld [tilespmem:s2+$0x80]  }
0x46a: {  	v19 =	vld [tilespmem:s13+$0x100]  }
0x46b: {  	v20 =	vld [tilespmem:s2+$0x100]  }
0x46c: {  	v21 =	vld [tilespmem:s13+$0x180]  }
0x46d: {  	v22 =	vld [tilespmem:s2+$0x180]  }
0x46e: {  	v27 =	vld [tilespmem:s24+$0xFFFFFE80]  }
0x46f: {  	v16 =	vld [tilespmem:s24+$0xFFFFFF00];
	v15 =	vadd.f32 v6, v5;
	v12 =	vadd.f32 v8, v7  }
0x470: {  	v14 =	vld [tilespmem:s24+$0xFFFFFF80];
	vm1 =	veq.s32 v23, $0x0;
	v9 =	vadd.f32 v10, v9;
	v8 =	vadd.f32 v13, v11  }
0x471: {  	vm2 =	veq.s32 v26, $0x0;
	v7 =	vadd.f32 v18, v17;
	v10 =	vld [tilespmem:s24+$0x0];
	v17 =	vadd.f32 v25, v24  }
0x472: {  	v5 =	vadd.f32 v20, v19;
	v11 =	vld [tilespmem:s24+$0x80];
	v6 =	vadd.f32 v22, v21;
	v19 =	vsel vm1, v3, v4  }
0x473: {  	s15 =	simm.s32 $0x0;
	s16 =	sadd.s32 $0x1800, s13;
	v18 =	vsel vm2, v3, v4;
	vm1 =	veq.s32 v27, $0x0;
	v13 =	vld [tilespmem:s24+$0x100];
	v17 =	vadd.f32 v19, v17  }
.LBB2_37:
0x474: {  	v19 =	vld [tilespmem:s16+$0xFFFFFE80];
	v15 =	vadd.f32 v18, v15;
	v18 =	vsel vm1, v3, v4;
	vm1 =	veq.s32 v16, $0x0;
	s2 =	sadd.s32 $0x1800, s2  }
0x475: {  	v16 =	vld [tilespmem:s2+$0xFFFFFE80];
	v12 =	vadd.f32 v18, v12;
	v18 =	vsel vm1, v3, v4;
	vm1 =	veq.s32 v14, $0x0;
	[tilespmem:s17+$0x300] =	vst v17  }
0x476: {  	v14 =	vld [tilespmem:s16+$0xFFFFFF00];
	[tilespmem:s13+$0xFFFFFE80] =	vst v15;
	v9 =	vadd.f32 v18, v9;
	v15 =	vsel vm1, v3, v4;
	vm1 =	veq.s32 v10, $0x0  }
0x477: {  	v10 =	vld [tilespmem:s2+$0xFFFFFF00];
	[tilespmem:s13+$0xFFFFFF00] =	vst v12;
	v8 =	vadd.f32 v15, v8;
	v12 =	vsel vm1, v3, v4;
	vm1 =	veq.s32 v11, $0x0  }
0x478: {  	v11 =	vld [tilespmem:s16+$0xFFFFFF80];
	[tilespmem:s13+$0xFFFFFF80] =	vst v9;
	v7 =	vadd.f32 v12, v7;
	v9 =	vsel vm1, v3, v4;
	vm1 =	veq.s32 v13, $0x0  }
0x479: {  	v13 =	vld [tilespmem:s2+$0xFFFFFF80];
	[tilespmem:s13+$0x0] =	vst v8;
	v5 =	vadd.f32 v9, v5;
	v8 =	vsel vm1, v3, v4  }
0x47a: {  	v17 =	vld [tilespmem:s16+$0x0];
	[tilespmem:s13+$0x80] =	vst v7;
	v6 =	vadd.f32 v8, v6  }
0x47b: {  	v7 =	vld [tilespmem:s2+$0x0];
	[tilespmem:s13+$0x100] =	vst v5  }
0x47c: {  	v5 =	vld [tilespmem:s16+$0x80];
	[tilespmem:s13+$0x180] =	vst v6;
	s13 =	smov.u32 s16  }
0x47d: {  	v6 =	vld [tilespmem:s2+$0x80]  }
0x47e: {  	v18 =	vld [tilespmem:s16+$0x100]  }
0x47f: {  	v20 =	vld [tilespmem:s2+$0x100]  }
0x480: {  	v21 =	vld [tilespmem:s16+$0x180]  }
0x481: {  	s4 =	sadd.s32 $0x1800, s4;
	s24 =	sadd.s32 $0x400, s24;
	v22 =	vld [tilespmem:s2+$0x180]  }
0x482: {  	s17 =	sor.u32 s23, s4;
	v23 =	vld [tilespmem:s24+$0x180]  }
0x483: {  	s15 =	sadd.s32 $0x8, s15;
	v24 =	vld [tilespmem:s17+$0x300]  }
0x484: {  	p0 =	slt.u32 s15, $0x18;
	v25 =	vld [tilespmem:s17+$0x12300]  }
0x485: {  	v26 =	vld [tilespmem:s24+$0xFFFFFE00]  }
0x486: {  	v15 =	vadd.f32 v16, v19;
	v19 =	vld [tilespmem:s24+$0xFFFFFE80]  }
.Ltmp17:
0x487: {  	v12 =	vadd.f32 v10, v14;
	v9 =	vadd.f32 v13, v11;
	v16 =	vld [tilespmem:s24+$0xFFFFFF00];
	(pc) =	sbr.rel @p0 .LBB2_37-.Ltmp17, $4  }
0x488: {  	v8 =	vadd.f32 v7, v17;
	v7 =	vadd.f32 v6, v5;
	v14 =	vld [tilespmem:s24+$0xFFFFFF80]  }
0x489: {  	v5 =	vadd.f32 v20, v18;
	vm1 =	veq.s32 v23, $0x0;
	v10 =	vld [tilespmem:s24+$0x0];
	v17 =	vadd.f32 v25, v24  }
0x48a: {  	v6 =	vadd.f32 v22, v21;
	v20 =	vsel vm1, v3, v4;
	vm2 =	veq.s32 v26, $0x0;
	v11 =	vld [tilespmem:s24+$0x80]  }
0x48b: {  	s16 =	sadd.s32 $0x1800, s16;
	v18 =	vsel vm2, v3, v4;
	vm1 =	veq.s32 v19, $0x0;
	v13 =	vld [tilespmem:s24+$0x100];
	v17 =	vadd.f32 v20, v17  }
0x48c: {  	v15 =	vadd.f32 v18, v15;
	v62 =	vsel vm1, v3, v4;
	vm1 =	veq.s32 v16, $0x0  }
0x48d: {  	v12 =	vadd.f32 v62, v12;
	v16 =	vsel vm1, v3, v4;
	vm1 =	veq.s32 v14, $0x0;
	[tilespmem:s17+$0x300] =	vst v17  }
0x48e: {  	s20 =	sadd.s32 $0x1, s20;
	[tilespmem:s13+$0xFFFFFE80] =	vst v15;
	v9 =	vadd.f32 v16, v9;
	v14 =	vsel vm1, v3, v4;
	vm1 =	veq.s32 v10, $0x0  }
0x48f: {  	p0 =	sne.s32 s20, $0x30;
	[tilespmem:s13+$0xFFFFFF00] =	vst v12;
	v8 =	vadd.f32 v14, v8;
	v10 =	vsel vm1, v3, v4;
	vm1 =	veq.s32 v11, $0x0  }
.Ltmp18:
0x490: {  	[tilespmem:s13+$0xFFFFFF80] =	vst v9;
	v7 =	vadd.f32 v10, v7;
	v63 =	vsel vm1, v3, v4;
	vm1 =	veq.s32 v13, $0x0;
	(pc) =	sbr.rel @p0 .LBB2_36-.Ltmp18, $4  }
0x491: {  	[tilespmem:s13+$0x0] =	vst v8;
	v5 =	vadd.f32 v63, v5;
	v3 =	vsel vm1, v3, v4  }
0x492: {  	[tilespmem:s13+$0x80] =	vst v7;
	v3 =	vadd.f32 v3, v6  }
0x493: {  	[tilespmem:s13+$0x100] =	vst v5  }
0x494: {  	s14 =	sadd.s32 $0x80, s14;
	s8 =	sadd.s32 $0x1, s8;
	[tilespmem:s13+$0x180] =	vst v3  }
0x495: {  	s2 =	rddreg [dreg:$0xf]  }
0x496: {  	[hbm4b:s2+s5] =	stream.linear.scatter [tilespmem:s30], [sflag:$0x6], $0x6000, $0x38;
	[tilespmem:$0x1F900] =	vst v63  }
0x497: {  	_ =	swait.ge [sflag:s26], $0x6000  }
0x498: {  	[sflag:s26] =	ssyncset.done $0x0  }
0x499: {  	[sflag:s26] =	ssyncadd.s32 $0xFFFFA000  }
0x49a: {  	v3 =	vld [tilespmem:$0xC0];
	_ =	sdelay $0x4  }
0x49b: {  	v4 =	vshrl.u32 v3, $0x3  }
0x49c: {  	v4 =	vmul.u32 $0x30, v4  }
0x49d: {  	v3 =	vand.u32 $0x7, v3  }
0x49e: {  	v3 =	vor.u32 v3, v4  }
0x49f: {  	v4 =	vperm.xlane v3, v0;
	_ =	sdelay $0x1  }
0x4a0: {  	v4 =	vadd.s32 v1, v4;
	_ =	sdelay $0x3  }
0x4a1: {  	v3 =	vperm.xlane v3, v2  }
0x4a2: {  	[tilespmem:s19], [sflag:$0x3] =	stream.indirect_vreg.gather [hbm4b:s0+s5], $0x80, v4, vm0, $0xb8;
	[tilespmem:$0x1F900] =	vst v63  }
0x4a3: {  	s4 =	simm.s32 $0xCB00;
	v3 =	vadd.s32 v1, v3  }
0x4a4: {  	[tilespmem:s4], [sflag:$0x3] =	stream.indirect_vreg.gather [hbm4b:s9+s5], $0x80, v4, vm0, $0xb8;
	[tilespmem:$0x1F900] =	vst v63  }
0x4a5: {  	s7 =	simm.s32 $0xD300  }
0x4a6: {  	[tilespmem:s7], [sflag:$0x3] =	stream.indirect_vreg.gather [hbm4b:s10+s5], $0x80, v4, vm0, $0xb8;
	[tilespmem:$0x1F900] =	vst v63  }
0x4a7: {  	s8 =	simm.s32 $0xDB00  }
0x4a8: {  	[tilespmem:s8], [sflag:$0x3] =	stream.indirect_vreg.gather [hbm4b:s0+s5], $0x80, v3, vm0, $0xb8;
	[tilespmem:$0x1F900] =	vst v63  }
0x4a9: {  	s13 =	simm.s32 $0xE300  }
0x4aa: {  	[tilespmem:s13], [sflag:$0x3] =	stream.indirect_vreg.gather [hbm4b:s9+s5], $0x80, v3, vm0, $0xb8;
	[tilespmem:$0x1F900] =	vst v63  }
0x4ab: {  	s14 =	simm.s32 $0xEB00  }
0x4ac: {  	[tilespmem:s14], [sflag:$0x3] =	stream.indirect_vreg.gather [hbm4b:s10+s5], $0x80, v3, vm0, $0xb8;
	[tilespmem:$0x1F900] =	vst v63  }
0x4ad: {  	v3 =	vld [tilespmem:$0xD0];
	_ =	sdelay $0x4  }
0x4ae: {  	v4 =	vshrl.u32 v3, $0x3  }
0x4af: {  	v4 =	vmul.u32 $0x30, v4  }
0x4b0: {  	v3 =	vand.u32 $0x7, v3  }
0x4b1: {  	v3 =	vor.u32 v3, v4  }
0x4b2: {  	v4 =	vperm.xlane v3, v0;
	_ =	sdelay $0x1  }
0x4b3: {  	v4 =	vadd.s32 v1, v4;
	_ =	sdelay $0x3  }
0x4b4: {  	s15 =	simm.s32 $0xF300;
	v3 =	vperm.xlane v3, v2  }
0x4b5: {  	[tilespmem:s15], [sflag:$0x3] =	stream.indirect_vreg.gather [hbm4b:s0+s5], $0x80, v4, vm0, $0xb8;
	[tilespmem:$0x1F900] =	vst v63  }
0x4b6: {  	s16 =	simm.s32 $0xFB00;
	v3 =	vadd.s32 v1, v3  }
0x4b7: {  	[tilespmem:s16], [sflag:$0x3] =	stream.indirect_vreg.gather [hbm4b:s9+s5], $0x80, v4, vm0, $0xb8;
	[tilespmem:$0x1F900] =	vst v63  }
0x4b8: {  	s17 =	simm.s32 $0x10300  }
0x4b9: {  	[tilespmem:s17], [sflag:$0x3] =	stream.indirect_vreg.gather [hbm4b:s10+s5], $0x80, v4, vm0, $0xb8;
	[tilespmem:$0x1F900] =	vst v63  }
0x4ba: {  	s20 =	simm.s32 $0x10B00  }
0x4bb: {  	[tilespmem:s20], [sflag:$0x3] =	stream.indirect_vreg.gather [hbm4b:s0+s5], $0x80, v3, vm0, $0xb8;
	[tilespmem:$0x1F900] =	vst v63  }
0x4bc: {  	s23 =	simm.s32 $0x11300  }
0x4bd: {  	[tilespmem:s23], [sflag:$0x3] =	stream.indirect_vreg.gather [hbm4b:s9+s5], $0x80, v3, vm0, $0xb8;
	[tilespmem:$0x1F900] =	vst v63  }
0x4be: {  	s24 =	simm.s32 $0x11B00  }
0x4bf: {  	[tilespmem:s24], [sflag:$0x3] =	stream.indirect_vreg.gather [hbm4b:s10+s5], $0x80, v3, vm0, $0xb8;
	[tilespmem:$0x1F900] =	vst v63  }
0x4c0: {  	v3 =	vld [tilespmem:$0x1C0];
	_ =	sdelay $0x4  }
0x4c1: {  	v4 =	vshrl.u32 v3, $0x3  }
0x4c2: {  	v4 =	vmul.u32 $0x30, v4  }
0x4c3: {  	v3 =	vand.u32 $0x7, v3  }
0x4c4: {  	v3 =	vor.u32 v3, v4  }
0x4c5: {  	v4 =	vperm.xlane v3, v0;
	_ =	sdelay $0x1  }
0x4c6: {  	v4 =	vadd.s32 v1, v4;
	_ =	sdelay $0x3  }
0x4c7: {  	s4 =	simm.s32 $0x12300;
	v3 =	vperm.xlane v3, v2  }
0x4c8: {  	[tilespmem:s4], [sflag:$0x4] =	stream.indirect_vreg.gather [hbm4b:s3+s5], $0x80, v4, vm0, $0xb8;
	[tilespmem:$0x1F900] =	vst v63  }
0x4c9: {  	s7 =	simm.s32 $0x12B00;
	v3 =	vadd.s32 v1, v3  }
0x4ca: {  	[tilespmem:s7], [sflag:$0x4] =	stream.indirect_vreg.gather [hbm4b:s11+s5], $0x80, v4, vm0, $0xb8;
	[tilespmem:$0x1F900] =	vst v63  }
0x4cb: {  	s8 =	simm.s32 $0x13300  }
0x4cc: {  	[tilespmem:s8], [sflag:$0x4] =	stream.indirect_vreg.gather [hbm4b:s12+s5], $0x80, v4, vm0, $0xb8;
	[tilespmem:$0x1F900] =	vst v63  }
0x4cd: {  	s13 =	simm.s32 $0x13B00  }
0x4ce: {  	[tilespmem:s13], [sflag:$0x4] =	stream.indirect_vreg.gather [hbm4b:s3+s5], $0x80, v3, vm0, $0xb8;
	[tilespmem:$0x1F900] =	vst v63  }
0x4cf: {  	s14 =	simm.s32 $0x14300  }
0x4d0: {  	[tilespmem:s14], [sflag:$0x4] =	stream.indirect_vreg.gather [hbm4b:s11+s5], $0x80, v3, vm0, $0xb8;
	[tilespmem:$0x1F900] =	vst v63  }
0x4d1: {  	s15 =	simm.s32 $0x14B00  }
0x4d2: {  	[tilespmem:s15], [sflag:$0x4] =	stream.indirect_vreg.gather [hbm4b:s12+s5], $0x80, v3, vm0, $0xb8;
	[tilespmem:$0x1F900] =	vst v63  }
0x4d3: {  	v3 =	vld [tilespmem:$0x1D0];
	_ =	sdelay $0x4  }
0x4d4: {  	v4 =	vshrl.u32 v3, $0x3  }
0x4d5: {  	v4 =	vmul.u32 $0x30, v4  }
0x4d6: {  	v3 =	vand.u32 $0x7, v3  }
0x4d7: {  	v3 =	vor.u32 v3, v4  }
0x4d8: {  	v4 =	vperm.xlane v3, v0;
	_ =	sdelay $0x1  }
0x4d9: {  	v4 =	vadd.s32 v1, v4;
	_ =	sdelay $0x3  }
0x4da: {  	s16 =	simm.s32 $0x15300;
	v3 =	vperm.xlane v3, v2  }
0x4db: {  	[tilespmem:s16], [sflag:$0x4] =	stream.indirect_vreg.gather [hbm4b:s3+s5], $0x80, v4, vm0, $0xb8;
	[tilespmem:$0x1F900] =	vst v63  }
0x4dc: {  	s17 =	simm.s32 $0x15B00;
	s20 =	simm.s32 $0x16300;
	v3 =	vadd.s32 v1, v3  }
0x4dd: {  	[tilespmem:s17], [sflag:$0x4] =	stream.indirect_vreg.gather [hbm4b:s11+s5], $0x80, v4, vm0, $0xb8;
	[tilespmem:$0x1F900] =	vst v63  }
0x4de: {  	s24 =	simm.s32 $0xA0;
	s4 =	simm.s32 $0xA1;
	s7 =	simm.s32 $0xA2  }
0x4df: {  	[tilespmem:s20], [sflag:$0x4] =	stream.indirect_vreg.gather [hbm4b:s12+s5], $0x80, v4, vm0, $0xb8;
	v4 =	vmov s24;
	[tilespmem:$0x1F900] =	vst v63  }
0x4e0: {  	s23 =	simm.s32 $0x16B00;
	v5 =	vmov s4;
	v6 =	vmov s7;
	s8 =	simm.s32 $0xA3;
	v4 =	vand.u32 $0xFFFFFFFC, v4  }
0x4e1: {  	v6 =	vand.u32 $0xFFFFFFFE, v6;
	v8 =	vmov s8;
	[tilespmem:s23], [sflag:$0x4] =	stream.indirect_vreg.gather [hbm4b:s3+s5], $0x80, v3, vm0, $0xb8;
	v7 =	vbroadcast v4, $0x0;
	[tilespmem:$0x1F900] =	vst v63  }
0x4e2: {  	v9 =	vbroadcast v6, $0x0;
	s13 =	simm.s32 $0x17300;
	s14 =	simm.s32 $0xA4;
	s15 =	simm.s32 $0xA5;
	v4 =	vand.u32 $0xFFFFFFFD, v5  }
0x4e3: {  	v11 =	vbroadcast v4, $0x0;
	[tilespmem:s13], [sflag:$0x4] =	stream.indirect_vreg.gather [hbm4b:s11+s5], $0x80, v3, vm0, $0xb8;
	[tilespmem:$0x1F900] =	vst v63  }
0x4e4: {  	s16 =	simm.s32 $0xA6;
	s17 =	simm.s32 $0x17B00;
	s20 =	simm.s32 $0xA7;
	v4 =	vmov s14  }
0x4e5: {  	v10 =	vmov s20;
	v5 =	vmov s16;
	v4 =	vand.u32 $0xFFFFFFFC, v4;
	[tilespmem:s17], [sflag:$0x4] =	stream.indirect_vreg.gather [hbm4b:s12+s5], $0x80, v3, vm0, $0xb8;
	[tilespmem:$0x1F900] =	vst v63  }
0x4e6: {  	s8 =	simm.s32 $0xAA;
	v6 =	vand.u32 $0xFFFFFFFE, v5;
	v4 =	vbroadcast v4, $0x0;
	v3 =	vmov s15;
	v5 =	vld.idx.msk [tilespmem:v8+s25+$0x0], $0xffff  }
0x4e7: {  	v15 =	vmov s8;
	s24 =	simm.s32 $0xA9;
	s23 =	simm.s32 $0xA8;
	v3 =	vand.u32 $0xFFFFFFFD, v3;
	v8 =	vbroadcast v6, $0x0;
	v6 =	vld.idx.msk [tilespmem:v7+s25+$0x0], $0xffff  }
0x4e8: {  	s2 =	simm.s32 $0x1EA00;
	v14 =	vmov s24;
	v12 =	vmov s23;
	v3 =	vbroadcast v3, $0x0;
	v7 =	vld.idx.msk [tilespmem:v9+s25+$0x0], $0xffff  }
0x4e9: {  	s4 =	simm.s32 $0x1EA00;
	s8 =	simm.s32 $0x8;
	s13 =	simm.s32 $0x4;
	v13 =	vand.u32 $0xFFFFFFFC, v12;
	v12 =	vand.u32 $0xFFFFFFFD, v14;
	v9 =	vld.idx.msk [tilespmem:v11+s25+$0x0], $0xffff;
	v11 =	vand.u32 $0xFFFFFFFE, v15  }
.LBB2_40:
0x4ea: {  	s7 =	sadd.s32 $0xA7, s13;
	s13 =	smov.u32 s8;
	s8 =	sadd.s32 $0x4, s8  }
0x4eb: {  	v13 =	vbroadcast v13, $0x0;
	v12 =	vbroadcast v12, $0x0;
	[tilespmem:s2+$0x80] =	vst v5;
	v5 =	vld.idx.msk [tilespmem:v10+s25+$0x0], $0xffff;
	s4 =	sadd.s32 $0x200, s4;
	p0 =	slt.u32 s8, $0x1C  }
.Ltmp19:
0x4ec: {  	v11 =	vbroadcast v11, $0x0;
	v10 =	vmov s7;
	[tilespmem:s2+$0xFFFFFF00] =	vst v6;
	v6 =	vld.idx.msk [tilespmem:v4+s25+$0x0], $0xffff;
	(pc) =	sbr.rel @p0 .LBB2_40-.Ltmp19, $4  }
0x4ed: {  	[tilespmem:s2+$0x0] =	vst v7;
	v7 =	vld.idx.msk [tilespmem:v8+s25+$0x0], $0xffff;
	v4 =	vmov v13  }
0x4ee: {  	s7 =	sadd.s32 $0xA4, s13;
	s14 =	sadd.s32 $0xA5, s13;
	s15 =	sadd.s32 $0xA6, s13;
	v8 =	vmov v11;
	[tilespmem:s2+$0xFFFFFF80] =	vst v9;
	v9 =	vld.idx.msk [tilespmem:v3+s25+$0x0], $0xffff;
	v3 =	vmov v12  }
0x4ef: {  	v11 =	vmov s7;
	v14 =	vmov s15;
	v12 =	vmov s14;
	s2 =	smov.u32 s4  }
0x4f0: {  	v13 =	vand.u32 $0xFFFFFFFC, v11;
	v11 =	vand.u32 $0xFFFFFFFE, v14;
	v12 =	vand.u32 $0xFFFFFFFD, v12  }
0x4f1: {  	_ =	sdelay $0x1  }
0x4f2: {  	s7 =	sadd.s32 $0xA7, s13  }
0x4f3: {  	v13 =	vbroadcast v13, $0x0;
	v14 =	vmov s7  }
0x4f4: {  	v10 =	vld.idx.msk [tilespmem:v10+s25+$0x0], $0xffff;
	v11 =	vbroadcast v11, $0x0  }
0x4f5: {  	[tilespmem:s2+$0x80] =	vst v5;
	v59 =	vbroadcast v12, $0x0;
	v4 =	vld.idx.msk [tilespmem:v4+s25+$0x0], $0xffff  }
0x4f6: {  	[tilespmem:s2+$0xFFFFFF00] =	vst v6;
	v60 =	vld.idx.msk [tilespmem:v8+s25+$0x0], $0xffff  }
0x4f7: {  	v3 =	vld.idx.msk [tilespmem:v3+s25+$0x0], $0xffff;
	[tilespmem:s2+$0x0] =	vst v7  }
0x4f8: {  	s4 =	sadd.s32 $0x200, s4;
	[tilespmem:s2+$0xFFFFFF80] =	vst v9;
	v61 =	vld.idx.msk [tilespmem:v14+s25+$0x0], $0xffff  }
0x4f9: {  	[tilespmem:s4+$0x80] =	vst v10;
	v62 =	vld.idx.msk [tilespmem:v13+s25+$0x0], $0xffff  }
0x4fa: {  	[tilespmem:s4+$0xFFFFFF00] =	vst v4;
	v63 =	vld.idx.msk [tilespmem:v11+s25+$0x0], $0xffff  }
0x4fb: {  	[tilespmem:s4+$0x0] =	vst v60;
	v5 =	vld.idx.msk [tilespmem:v59+s25+$0x0], $0xffff  }
0x4fc: {  	s24 =	sadd.s32 $0x200, s4;
	[tilespmem:s4+$0xFFFFFF80] =	vst v3  }
0x4fd: {  	[tilespmem:s24+$0x80] =	vst v61  }
0x4fe: {  	[tilespmem:s24+$0xFFFFFF00] =	vst v62  }
0x4ff: {  	[tilespmem:s24+$0x0] =	vst v63  }
0x500: {  	[tilespmem:s24+$0xFFFFFF80] =	vst v5  }
0x501: {  	_ =	swait.ge [sflag:s21], $0x6000  }
0x502: {  	[sflag:s21] =	ssyncset.done $0x0  }
0x503: {  	[sflag:s21] =	ssyncadd.s32 $0xFFFFA000  }
0x504: {  	_ =	swait.ge [sflag:s22], $0x6000  }
0x505: {  	s8 =	simm.s32 $0x0;
	[sflag:s22] =	ssyncset.done $0x0  }
0x506: {  	s14 =	simm.s32 $0x0;
	s20 =	simm.s32 $0x0;
	[sflag:s22] =	ssyncadd.s32 $0xFFFFA000  }
.LBB2_42:
0x507: {  	s16 =	simm.s32 $0x1EB00  }
0x508: {  	v13 =	vld [tilespmem:s16+$0xFFFFFE00]  }
0x509: {  	s2 =	sand.u32 $0x7, s14;
	v6 =	vld [tilespmem:s16+$0x0]  }
0x50a: {  	s4 =	sshll.u32 s20, $0x4;
	s7 =	sshll.u32 s20, $0x5;
	s2 =	sshll.u32 s2, $0x6;
	v12 =	vld [tilespmem:s16+$0x180]  }
0x50b: {  	s23 =	sand.u32 $0x70, s4;
	s7 =	sand.u32 $0x1FFFFF00, s7;
	v21 =	vld [tilespmem:s16+$0x100];
	s2 =	sshrl.u32 s2, $0x2  }
0x50c: {  	v24 =	vld [tilespmem:s16+$0xFFFFFF00];
	v3 =	vmov s2;
	s2 =	sor.u32 s23, s7  }
0x50d: {  	s17 =	sand.u32 $0xFFFFFC00, s8;
	s15 =	sadd.s32 $0x1E300, s2;
	v4 =	vld [tilespmem:s2+$0x1E300];
	s2 =	sor.u32 $0x380, s4  }
0x50e: {  	v5 =	vld [tilespmem:s15+$0x80];
	s23 =	sor.u32 s2, s17  }
0x50f: {  	s24 =	sand.u32 $0x3FFFFC00, s8;
	v14 =	vld [tilespmem:s23+$0x6300]  }
0x510: {  	s13 =	sor.u32 $0x300, s24;
	v19 =	vld [tilespmem:s23+$0x18300]  }
0x511: {  	s4 =	sadd.s32 $0x12300, s24;
	v11 =	vld.idx.msk [tilespmem:v3+s13+$0x6000 ss:$0x1], $0xffff  }
0x512: {  	v15 =	vld.idx.msk [tilespmem:v3+s4+$0x6000 ss:$0x1], $0xffff  }
0x513: {  	v16 =	vld.idx.msk [tilespmem:v3+s13+$0x6080 ss:$0x1], $0xffff  }
0x514: {  	v17 =	vld.idx.msk [tilespmem:v3+s4+$0x6080 ss:$0x1], $0xffff  }
0x515: {  	v9 =	vld.idx.msk [tilespmem:v3+s13+$0x6200 ss:$0x1], $0xffff  }
0x516: {  	v7 =	vld.idx.msk [tilespmem:v3+s4+$0x6280 ss:$0x1], $0xffff  }
0x517: {  	v18 =	vld.idx.msk [tilespmem:v3+s13+$0x6100 ss:$0x1], $0xffff  }
0x518: {  	v10 =	vld.idx.msk [tilespmem:v3+s4+$0x6200 ss:$0x1], $0xffff  }
0x519: {  	v20 =	vld.idx.msk [tilespmem:v3+s4+$0x6100 ss:$0x1], $0xffff  }
0x51a: {  	v8 =	vld.idx.msk [tilespmem:v3+s4+$0x6300 ss:$0x1], $0xffff  }
0x51b: {  	v22 =	vld.idx.msk [tilespmem:v3+s13+$0x6180 ss:$0x1], $0xffff  }
0x51c: {  	v23 =	vld.idx.msk [tilespmem:v3+s4+$0x6180 ss:$0x1], $0xffff  }
0x51d: {  	vm1 =	veq.s32 v6, $0x0;
	v6 =	vadd.f32 v17, v16;
	v17 =	vld [tilespmem:s16+$0xFFFFFF80]  }
0x51e: {  	vm2 =	veq.s32 v12, $0x0;
	v25 =	vadd.f32 v15, v11;
	v12 =	vadd.f32 v20, v18;
	v11 =	vld.idx.msk [tilespmem:v3+s13+$0x6300 ss:$0x1], $0xffff  }
0x51f: {  	v18 =	vsel vm2, v4, v5;
	vm2 =	veq.s32 v13, $0x0;
	v16 =	vsel vm1, v4, v5;
	v13 =	vld.idx.msk [tilespmem:v3+s13+$0x6280 ss:$0x1], $0xffff  }
0x520: {  	s24 =	simm.s32 $0x0;
	vm1 =	veq.s32 v21, $0x0;
	v15 =	vld [tilespmem:s16+$0x80];
	v21 =	vadd.f32 v19, v14;
	v20 =	vsel vm2, v4, v5  }
0x521: {  	s15 =	sadd.s32 $0x1800, s13;
	s17 =	sadd.s32 $0x1800, s17;
	v14 =	vld [tilespmem:s16+$0xFFFFFE80];
	s16 =	simm.s32 $0x1EF00;
	vm2 =	veq.s32 v24, $0x0;
	v19 =	vadd.f32 v20, v25;
	v20 =	vadd.f32 v23, v22  }
.LBB2_43:
0x522: {  	v22 =	vld.idx.msk [tilespmem:v3+s15+$0x6000 ss:$0x1], $0xffff;
	s7 =	sor.u32 s2, s17;
	s24 =	sadd.s32 $0x8, s24;
	vm3 =	veq.s32 v17, $0x0;
	v9 =	vadd.f32 v10, v9;
	v10 =	vadd.f32 v18, v21;
	s4 =	sadd.s32 $0x1800, s4  }
0x523: {  	v21 =	vld [tilespmem:s16+$0xFFFFFE00];
	p0 =	slt.u32 s24, $0x18;
	v17 =	vsel vm3, v4, v5  }
0x524: {  	v18 =	vld [tilespmem:s16+$0x0];
	[tilespmem:v3+s13+$0x6000 ss:$0x1] =	vst.idx.msk $0xffff, v19;
	v17 =	vadd.f32 v17, v20;
	v9 =	vadd.f32 v16, v9  }
0x525: {  	v16 =	vsel vm2, v4, v5;
	v7 =	vadd.f32 v7, v13;
	v19 =	vld [tilespmem:s7+$0x6300]  }
0x526: {  	v8 =	vadd.f32 v8, v11;
	v12 =	vadd.f32 v16, v12;
	vm2 =	veq.s32 v15, $0x0;
	v13 =	vld [tilespmem:s16+$0x180];
	[tilespmem:s23+$0x6300] =	vst v10;
	s23 =	smov.u32 s7  }
0x527: {  	v11 =	vsel vm1, v4, v5;
	vm3 =	veq.s32 v14, $0x0;
	v10 =	vsel vm2, v4, v5;
	v20 =	vld [tilespmem:s23+$0x18300];
	[tilespmem:v3+s13+$0x6180 ss:$0x1] =	vst.idx.msk $0xffff, v17  }
0x528: {  	v8 =	vadd.f32 v11, v8;
	v7 =	vadd.f32 v10, v7;
	v14 =	vld.idx.msk [tilespmem:v3+s4+$0x6000 ss:$0x1], $0xffff;
	[tilespmem:v3+s13+$0x6200 ss:$0x1] =	vst.idx.msk $0xffff, v9  }
0x529: {  	v9 =	vsel vm3, v4, v5;
	v11 =	vld.idx.msk [tilespmem:v3+s15+$0x6080 ss:$0x1], $0xffff;
	vm1 =	veq.s32 v18, $0x0;
	[tilespmem:v3+s13+$0x6100 ss:$0x1] =	vst.idx.msk $0xffff, v12  }
0x52a: {  	v6 =	vadd.f32 v9, v6;
	v12 =	vld.idx.msk [tilespmem:v3+s4+$0x6080 ss:$0x1], $0xffff  }
0x52b: {  	v9 =	vld.idx.msk [tilespmem:v3+s15+$0x6200 ss:$0x1], $0xffff;
	vm2 =	veq.s32 v13, $0x0;
	[tilespmem:v3+s13+$0x6280 ss:$0x1] =	vst.idx.msk $0xffff, v7  }
0x52c: {  	v7 =	vld.idx.msk [tilespmem:v3+s4+$0x6280 ss:$0x1], $0xffff;
	[tilespmem:v3+s13+$0x6080 ss:$0x1] =	vst.idx.msk $0xffff, v6  }
0x52d: {  	v13 =	vld.idx.msk [tilespmem:v3+s15+$0x6100 ss:$0x1], $0xffff;
	[tilespmem:v3+s13+$0x6300 ss:$0x1] =	vst.idx.msk $0xffff, v8;
	s13 =	smov.u32 s15  }
0x52e: {  	v10 =	vld.idx.msk [tilespmem:v3+s4+$0x6200 ss:$0x1], $0xffff  }
0x52f: {  	v8 =	vld.idx.msk [tilespmem:v3+s4+$0x6300 ss:$0x1], $0xffff  }
0x530: {  	v15 =	vld.idx.msk [tilespmem:v3+s4+$0x6100 ss:$0x1], $0xffff  }
0x531: {  	v23 =	vld [tilespmem:s16+$0x100]  }
0x532: {  	v24 =	vld.idx.msk [tilespmem:v3+s15+$0x6180 ss:$0x1], $0xffff  }
0x533: {  	v25 =	vld.idx.msk [tilespmem:v3+s4+$0x6180 ss:$0x1], $0xffff  }
0x534: {  	v26 =	vld [tilespmem:s16+$0xFFFFFF00]  }
.Ltmp20:
0x535: {  	v6 =	vadd.f32 v12, v11;
	v17 =	vld [tilespmem:s16+$0xFFFFFF80];
	(pc) =	sbr.rel @p0 .LBB2_43-.Ltmp20, $4  }
0x536: {  	v18 =	vsel vm2, v4, v5;
	v14 =	vadd.f32 v14, v22;
	v12 =	vadd.f32 v15, v13;
	v11 =	vld.idx.msk [tilespmem:v3+s15+$0x6300 ss:$0x1], $0xffff  }
0x537: {  	v16 =	vsel vm1, v4, v5;
	vm2 =	veq.s32 v21, $0x0;
	vm1 =	veq.s32 v23, $0x0;
	v13 =	vld.idx.msk [tilespmem:v3+s15+$0x6280 ss:$0x1], $0xffff  }
0x538: {  	v21 =	vadd.f32 v20, v19;
	v22 =	vsel vm2, v4, v5;
	v15 =	vld [tilespmem:s16+$0x80]  }
0x539: {  	s17 =	sadd.s32 $0x1800, s17;
	v19 =	vadd.f32 v22, v14;
	s15 =	sadd.s32 $0x1800, s15;
	v20 =	vadd.f32 v25, v24;
	v14 =	vld [tilespmem:s16+$0xFFFFFE80];
	vm2 =	veq.s32 v26, $0x0;
	s16 =	sadd.s32 $0x400, s16  }
0x53a: {  	_ =	sdelay $0x1  }
0x53b: {  	vm3 =	veq.s32 v17, $0x0;
	v9 =	vadd.f32 v10, v9  }
0x53c: {  	v58 =	vadd.f32 v18, v21;
	v59 =	vsel vm2, v4, v5;
	v17 =	vsel vm3, v4, v5  }
0x53d: {  	[tilespmem:v3+s13+$0x6000 ss:$0x1] =	vst.idx.msk $0xffff, v19;
	v12 =	vadd.f32 v59, v12;
	v8 =	vadd.f32 v8, v11  }
0x53e: {  	s20 =	sadd.s32 $0x1, s20;
	v17 =	vadd.f32 v17, v20;
	v7 =	vadd.f32 v7, v13;
	[tilespmem:s23+$0x6300] =	vst v58;
	vm2 =	veq.s32 v15, $0x0  }
0x53f: {  	p0 =	sne.s32 s20, $0x30;
	v9 =	vadd.f32 v16, v9;
	[tilespmem:v3+s13+$0x6100 ss:$0x1] =	vst.idx.msk $0xffff, v12;
	v60 =	vsel vm2, v4, v5  }
.Ltmp21:
0x540: {  	v62 =	vsel vm1, v4, v5;
	vm3 =	veq.s32 v14, $0x0;
	[tilespmem:v3+s13+$0x6180 ss:$0x1] =	vst.idx.msk $0xffff, v17;
	v7 =	vadd.f32 v60, v7;
	(pc) =	sbr.rel @p0 .LBB2_42-.Ltmp21, $4  }
0x541: {  	[tilespmem:v3+s13+$0x6200 ss:$0x1] =	vst.idx.msk $0xffff, v9;
	v61 =	vsel vm3, v4, v5;
	v4 =	vadd.f32 v62, v8  }
0x542: {  	v63 =	vadd.f32 v61, v6;
	[tilespmem:v3+s13+$0x6280 ss:$0x1] =	vst.idx.msk $0xffff, v7  }
0x543: {  	[tilespmem:v3+s13+$0x6300 ss:$0x1] =	vst.idx.msk $0xffff, v4  }
0x544: {  	s14 =	sadd.s32 $0x1, s14;
	s8 =	sadd.s32 $0x80, s8;
	[tilespmem:v3+s13+$0x6080 ss:$0x1] =	vst.idx.msk $0xffff, v63  }
0x545: {  	s2 =	rddreg [dreg:$0x10];
	s4 =	simm.s32 $0x6300  }
0x546: {  	[hbm4b:s2+s5] =	stream.linear.scatter [tilespmem:s4], [sflag:$0x7], $0x6000, $0x38;
	[tilespmem:$0x1F900] =	vst v63  }
0x547: {  	_ =	swait.ge [sflag:s28], $0x6000  }
0x548: {  	[sflag:s28] =	ssyncset.done $0x0  }
0x549: {  	[sflag:s28] =	ssyncadd.s32 $0xFFFFA000  }
0x54a: {  	v3 =	vld [tilespmem:$0xE0];
	_ =	sdelay $0x4  }
0x54b: {  	v4 =	vshrl.u32 v3, $0x3  }
0x54c: {  	v4 =	vmul.u32 $0x30, v4  }
0x54d: {  	v3 =	vand.u32 $0x7, v3  }
0x54e: {  	v3 =	vor.u32 v3, v4  }
0x54f: {  	v4 =	vperm.xlane v3, v0;
	_ =	sdelay $0x1  }
0x550: {  	v4 =	vadd.s32 v1, v4;
	_ =	sdelay $0x3  }
0x551: {  	v3 =	vperm.xlane v3, v2  }
0x552: {  	[tilespmem:s30], [sflag:$0x1] =	stream.indirect_vreg.gather [hbm4b:s0+s5], $0x80, v4, vm0, $0xb8;
	[tilespmem:$0x1F900] =	vst v63  }
0x553: {  	s24 =	simm.s32 $0xB00;
	v3 =	vadd.s32 v1, v3  }
0x554: {  	[tilespmem:s24], [sflag:$0x1] =	stream.indirect_vreg.gather [hbm4b:s9+s5], $0x80, v4, vm0, $0xb8;
	[tilespmem:$0x1F900] =	vst v63  }
0x555: {  	s4 =	simm.s32 $0x1300  }
0x556: {  	[tilespmem:s4], [sflag:$0x1] =	stream.indirect_vreg.gather [hbm4b:s10+s5], $0x80, v4, vm0, $0xb8;
	[tilespmem:$0x1F900] =	vst v63  }
0x557: {  	s7 =	simm.s32 $0x1B00  }
0x558: {  	[tilespmem:s7], [sflag:$0x1] =	stream.indirect_vreg.gather [hbm4b:s0+s5], $0x80, v3, vm0, $0xb8;
	[tilespmem:$0x1F900] =	vst v63  }
0x559: {  	s8 =	simm.s32 $0x2300  }
0x55a: {  	[tilespmem:s8], [sflag:$0x1] =	stream.indirect_vreg.gather [hbm4b:s9+s5], $0x80, v3, vm0, $0xb8;
	[tilespmem:$0x1F900] =	vst v63  }
0x55b: {  	s13 =	simm.s32 $0x2B00  }
0x55c: {  	[tilespmem:s13], [sflag:$0x1] =	stream.indirect_vreg.gather [hbm4b:s10+s5], $0x80, v3, vm0, $0xb8;
	[tilespmem:$0x1F900] =	vst v63  }
0x55d: {  	v3 =	vld [tilespmem:$0xF0];
	_ =	sdelay $0x4  }
0x55e: {  	v4 =	vshrl.u32 v3, $0x3  }
0x55f: {  	v4 =	vmul.u32 $0x30, v4  }
0x560: {  	v3 =	vand.u32 $0x7, v3  }
0x561: {  	v3 =	vor.u32 v3, v4  }
0x562: {  	v4 =	vperm.xlane v3, v0;
	_ =	sdelay $0x1  }
0x563: {  	v4 =	vadd.s32 v1, v4;
	_ =	sdelay $0x3  }
0x564: {  	s14 =	simm.s32 $0x3300;
	v3 =	vperm.xlane v3, v2  }
0x565: {  	[tilespmem:s14], [sflag:$0x1] =	stream.indirect_vreg.gather [hbm4b:s0+s5], $0x80, v4, vm0, $0xb8;
	[tilespmem:$0x1F900] =	vst v63  }
0x566: {  	s15 =	simm.s32 $0x3B00;
	v3 =	vadd.s32 v1, v3  }
0x567: {  	[tilespmem:s15], [sflag:$0x1] =	stream.indirect_vreg.gather [hbm4b:s9+s5], $0x80, v4, vm0, $0xb8;
	[tilespmem:$0x1F900] =	vst v63  }
0x568: {  	s16 =	simm.s32 $0x4300  }
0x569: {  	[tilespmem:s16], [sflag:$0x1] =	stream.indirect_vreg.gather [hbm4b:s10+s5], $0x80, v4, vm0, $0xb8;
	[tilespmem:$0x1F900] =	vst v63  }
0x56a: {  	s17 =	simm.s32 $0x4B00  }
0x56b: {  	[tilespmem:s17], [sflag:$0x1] =	stream.indirect_vreg.gather [hbm4b:s0+s5], $0x80, v3, vm0, $0xb8;
	[tilespmem:$0x1F900] =	vst v63  }
0x56c: {  	s20 =	simm.s32 $0x5300  }
0x56d: {  	[tilespmem:s20], [sflag:$0x1] =	stream.indirect_vreg.gather [hbm4b:s9+s5], $0x80, v3, vm0, $0xb8;
	[tilespmem:$0x1F900] =	vst v63  }
0x56e: {  	s23 =	simm.s32 $0x5B00  }
0x56f: {  	[tilespmem:s23], [sflag:$0x1] =	stream.indirect_vreg.gather [hbm4b:s10+s5], $0x80, v3, vm0, $0xb8;
	[tilespmem:$0x1F900] =	vst v63  }
0x570: {  	v3 =	vld [tilespmem:$0x1E0];
	_ =	sdelay $0x4  }
0x571: {  	v4 =	vshrl.u32 v3, $0x3  }
0x572: {  	v4 =	vmul.u32 $0x30, v4  }
0x573: {  	v3 =	vand.u32 $0x7, v3  }
0x574: {  	v3 =	vor.u32 v3, v4  }
0x575: {  	v4 =	vperm.xlane v3, v0;
	_ =	sdelay $0x1  }
0x576: {  	v4 =	vadd.s32 v1, v4;
	_ =	sdelay $0x3  }
0x577: {  	s24 =	simm.s32 $0x18300;
	v3 =	vperm.xlane v3, v2  }
0x578: {  	[tilespmem:s24], [sflag:$0x5] =	stream.indirect_vreg.gather [hbm4b:s3+s5], $0x80, v4, vm0, $0xb8;
	[tilespmem:$0x1F900] =	vst v63  }
0x579: {  	s4 =	simm.s32 $0x18B00;
	v3 =	vadd.s32 v1, v3  }
0x57a: {  	[tilespmem:s4], [sflag:$0x5] =	stream.indirect_vreg.gather [hbm4b:s11+s5], $0x80, v4, vm0, $0xb8;
	[tilespmem:$0x1F900] =	vst v63  }
0x57b: {  	s7 =	simm.s32 $0x19300  }
0x57c: {  	[tilespmem:s7], [sflag:$0x5] =	stream.indirect_vreg.gather [hbm4b:s12+s5], $0x80, v4, vm0, $0xb8;
	[tilespmem:$0x1F900] =	vst v63  }
0x57d: {  	s8 =	simm.s32 $0x19B00  }
0x57e: {  	[tilespmem:s8], [sflag:$0x5] =	stream.indirect_vreg.gather [hbm4b:s3+s5], $0x80, v3, vm0, $0xb8;
	[tilespmem:$0x1F900] =	vst v63  }
0x57f: {  	s13 =	simm.s32 $0x1A300  }
0x580: {  	[tilespmem:s13], [sflag:$0x5] =	stream.indirect_vreg.gather [hbm4b:s11+s5], $0x80, v3, vm0, $0xb8;
	[tilespmem:$0x1F900] =	vst v63  }
0x581: {  	s14 =	simm.s32 $0x1AB00  }
0x582: {  	[tilespmem:s14], [sflag:$0x5] =	stream.indirect_vreg.gather [hbm4b:s12+s5], $0x80, v3, vm0, $0xb8;
	[tilespmem:$0x1F900] =	vst v63  }
0x583: {  	v3 =	vld [tilespmem:$0x1F0];
	_ =	sdelay $0x4  }
0x584: {  	v4 =	vshrl.u32 v3, $0x3  }
0x585: {  	v4 =	vmul.u32 $0x30, v4  }
0x586: {  	v3 =	vand.u32 $0x7, v3  }
0x587: {  	v3 =	vor.u32 v3, v4  }
0x588: {  	v4 =	vperm.xlane v3, v0;
	_ =	sdelay $0x1  }
0x589: {  	v4 =	vadd.s32 v1, v4;
	_ =	sdelay $0x3  }
0x58a: {  	s15 =	simm.s32 $0x1B300;
	v3 =	vperm.xlane v3, v2  }
0x58b: {  	[tilespmem:s15], [sflag:$0x5] =	stream.indirect_vreg.gather [hbm4b:s3+s5], $0x80, v4, vm0, $0xb8;
	[tilespmem:$0x1F900] =	vst v63  }
0x58c: {  	s16 =	simm.s32 $0x1BB00;
	s17 =	simm.s32 $0x1C300;
	v3 =	vadd.s32 v1, v3  }
0x58d: {  	[tilespmem:s16], [sflag:$0x5] =	stream.indirect_vreg.gather [hbm4b:s11+s5], $0x80, v4, vm0, $0xb8;
	[tilespmem:$0x1F900] =	vst v63  }
0x58e: {  	s23 =	simm.s32 $0xC0;
	s24 =	simm.s32 $0xC1;
	s7 =	simm.s32 $0xC2  }
0x58f: {  	[tilespmem:s17], [sflag:$0x5] =	stream.indirect_vreg.gather [hbm4b:s12+s5], $0x80, v4, vm0, $0xb8;
	v4 =	vmov s23;
	[tilespmem:$0x1F900] =	vst v63  }
0x590: {  	s20 =	simm.s32 $0x1CB00;
	v5 =	vmov s24;
	v6 =	vmov s7;
	s8 =	simm.s32 $0xC3;
	v4 =	vand.u32 $0xFFFFFFFC, v4  }
0x591: {  	v6 =	vand.u32 $0xFFFFFFFE, v6;
	v8 =	vmov s8;
	[tilespmem:s20], [sflag:$0x5] =	stream.indirect_vreg.gather [hbm4b:s3+s5], $0x80, v3, vm0, $0xb8;
	v7 =	vbroadcast v4, $0x0;
	[tilespmem:$0x1F900] =	vst v63  }
0x592: {  	v9 =	vbroadcast v6, $0x0;
	s13 =	simm.s32 $0x1D300;
	s14 =	simm.s32 $0xC4;
	s16 =	simm.s32 $0xC6;
	v4 =	vand.u32 $0xFFFFFFFD, v5  }
0x593: {  	v11 =	vbroadcast v4, $0x0;
	[tilespmem:s13], [sflag:$0x5] =	stream.indirect_vreg.gather [hbm4b:s11+s5], $0x80, v3, vm0, $0xb8;
	[tilespmem:$0x1F900] =	vst v63  }
0x594: {  	s15 =	simm.s32 $0xC5;
	s17 =	simm.s32 $0x1DB00;
	v5 =	vmov s16;
	s20 =	simm.s32 $0xC7;
	v4 =	vmov s14  }
0x595: {  	v6 =	vand.u32 $0xFFFFFFFE, v5;
	v4 =	vand.u32 $0xFFFFFFFC, v4;
	[tilespmem:s17], [sflag:$0x5] =	stream.indirect_vreg.gather [hbm4b:s12+s5], $0x80, v3, vm0, $0xb8;
	[tilespmem:$0x1F900] =	vst v63  }
0x596: {  	s24 =	simm.s32 $0xC9;
	v10 =	vmov s20;
	v4 =	vbroadcast v4, $0x0;
	v3 =	vmov s15;
	v5 =	vld.idx.msk [tilespmem:v8+s25+$0x0], $0xffff  }
0x597: {  	v14 =	vmov s24;
	s8 =	simm.s32 $0xCA;
	s23 =	simm.s32 $0xC8;
	v3 =	vand.u32 $0xFFFFFFFD, v3;
	v8 =	vbroadcast v6, $0x0;
	v6 =	vld.idx.msk [tilespmem:v7+s25+$0x0], $0xffff  }
0x598: {  	s2 =	simm.s32 $0x1EA00;
	v15 =	vmov s8;
	v12 =	vmov s23;
	v3 =	vbroadcast v3, $0x0;
	v7 =	vld.idx.msk [tilespmem:v9+s25+$0x0], $0xffff  }
0x599: {  	s4 =	simm.s32 $0x1EA00;
	s8 =	simm.s32 $0x8;
	v13 =	vand.u32 $0xFFFFFFFC, v12;
	v12 =	vand.u32 $0xFFFFFFFD, v14;
	s13 =	simm.s32 $0x4;
	v9 =	vld.idx.msk [tilespmem:v11+s25+$0x0], $0xffff;
	v11 =	vand.u32 $0xFFFFFFFE, v15  }
.LBB2_46:
0x59a: {  	s7 =	sadd.s32 $0xC7, s13;
	s13 =	smov.u32 s8;
	s8 =	sadd.s32 $0x4, s8  }
0x59b: {  	v13 =	vbroadcast v13, $0x0;
	v12 =	vbroadcast v12, $0x0;
	[tilespmem:s2+$0x80] =	vst v5;
	v5 =	vld.idx.msk [tilespmem:v10+s25+$0x0], $0xffff;
	s4 =	sadd.s32 $0x200, s4;
	p0 =	slt.u32 s8, $0x1C  }
.Ltmp22:
0x59c: {  	v11 =	vbroadcast v11, $0x0;
	v10 =	vmov s7;
	[tilespmem:s2+$0xFFFFFF00] =	vst v6;
	v6 =	vld.idx.msk [tilespmem:v4+s25+$0x0], $0xffff;
	(pc) =	sbr.rel @p0 .LBB2_46-.Ltmp22, $4  }
0x59d: {  	[tilespmem:s2+$0x0] =	vst v7;
	v7 =	vld.idx.msk [tilespmem:v8+s25+$0x0], $0xffff;
	v4 =	vmov v13  }
0x59e: {  	s7 =	sadd.s32 $0xC4, s13;
	s14 =	sadd.s32 $0xC5, s13;
	s15 =	sadd.s32 $0xC6, s13;
	v8 =	vmov v11;
	[tilespmem:s2+$0xFFFFFF80] =	vst v9;
	v9 =	vld.idx.msk [tilespmem:v3+s25+$0x0], $0xffff;
	v3 =	vmov v12  }
0x59f: {  	v11 =	vmov s7;
	v14 =	vmov s15;
	v12 =	vmov s14;
	s2 =	smov.u32 s4  }
0x5a0: {  	v13 =	vand.u32 $0xFFFFFFFC, v11;
	v11 =	vand.u32 $0xFFFFFFFE, v14;
	v12 =	vand.u32 $0xFFFFFFFD, v12  }
0x5a1: {  	_ =	sdelay $0x1  }
0x5a2: {  	s7 =	sadd.s32 $0xC7, s13  }
0x5a3: {  	v13 =	vbroadcast v13, $0x0;
	v14 =	vmov s7  }
0x5a4: {  	v10 =	vld.idx.msk [tilespmem:v10+s25+$0x0], $0xffff;
	v11 =	vbroadcast v11, $0x0  }
0x5a5: {  	[tilespmem:s2+$0x80] =	vst v5;
	v59 =	vbroadcast v12, $0x0;
	v4 =	vld.idx.msk [tilespmem:v4+s25+$0x0], $0xffff  }
0x5a6: {  	[tilespmem:s2+$0xFFFFFF00] =	vst v6;
	v60 =	vld.idx.msk [tilespmem:v8+s25+$0x0], $0xffff  }
0x5a7: {  	v3 =	vld.idx.msk [tilespmem:v3+s25+$0x0], $0xffff;
	[tilespmem:s2+$0x0] =	vst v7  }
0x5a8: {  	s4 =	sadd.s32 $0x200, s4;
	[tilespmem:s2+$0xFFFFFF80] =	vst v9;
	v61 =	vld.idx.msk [tilespmem:v14+s25+$0x0], $0xffff  }
0x5a9: {  	[tilespmem:s4+$0x80] =	vst v10;
	v62 =	vld.idx.msk [tilespmem:v13+s25+$0x0], $0xffff  }
0x5aa: {  	[tilespmem:s4+$0xFFFFFF00] =	vst v4;
	v63 =	vld.idx.msk [tilespmem:v11+s25+$0x0], $0xffff  }
0x5ab: {  	[tilespmem:s4+$0x0] =	vst v60;
	v5 =	vld.idx.msk [tilespmem:v59+s25+$0x0], $0xffff  }
0x5ac: {  	s24 =	sadd.s32 $0x200, s4;
	[tilespmem:s4+$0xFFFFFF80] =	vst v3  }
0x5ad: {  	[tilespmem:s24+$0x80] =	vst v61  }
0x5ae: {  	[tilespmem:s24+$0xFFFFFF00] =	vst v62  }
0x5af: {  	[tilespmem:s24+$0x0] =	vst v63  }
0x5b0: {  	[tilespmem:s24+$0xFFFFFF80] =	vst v5  }
0x5b1: {  	_ =	swait.ge [sflag:s31], $0x6000  }
0x5b2: {  	[sflag:s31] =	ssyncset.done $0x0  }
0x5b3: {  	[sflag:s31] =	ssyncadd.s32 $0xFFFFA000  }
0x5b4: {  	_ =	swait.ge [sflag:s6], $0x6000  }
0x5b5: {  	s8 =	simm.s32 $0x0;
	[sflag:s6] =	ssyncset.done $0x0  }
0x5b6: {  	s14 =	simm.s32 $0x0;
	s20 =	simm.s32 $0x0;
	[sflag:s6] =	ssyncadd.s32 $0xFFFFA000  }
.LBB2_48:
0x5b7: {  	s2 =	sand.u32 $0x7, s14  }
0x5b8: {  	s4 =	sshll.u32 s20, $0x4;
	s7 =	sshll.u32 s20, $0x5;
	s2 =	sshll.u32 s2, $0x6  }
0x5b9: {  	s23 =	sand.u32 $0x70, s4;
	s7 =	sand.u32 $0x1FFFFF00, s7;
	s2 =	sshrl.u32 s2, $0x2  }
0x5ba: {  	s16 =	sand.u32 $0xFFFFFC00, s8;
	s4 =	sor.u32 $0x380, s4;
	v3 =	vmov s2;
	s2 =	sor.u32 s23, s7  }
0x5bb: {  	s23 =	sor.u32 s4, s16;
	v4 =	vld [tilespmem:s2+$0x1E300]  }
0x5bc: {  	v14 =	vld [tilespmem:s23+$0xC300]  }
0x5bd: {  	s15 =	sadd.s32 $0x1E300, s2;
	v19 =	vld [tilespmem:s23+$0x12300]  }
0x5be: {  	s2 =	simm.s32 $0x1EB00;
	v5 =	vld [tilespmem:s15+$0x80]  }
0x5bf: {  	v13 =	vld [tilespmem:s2+$0xFFFFFE00]  }
0x5c0: {  	v6 =	vld [tilespmem:s2+$0x0]  }
0x5c1: {  	v12 =	vld [tilespmem:s2+$0x180]  }
0x5c2: {  	s24 =	sand.u32 $0x3FFFFC00, s8;
	v21 =	vld [tilespmem:s2+$0x100]  }
0x5c3: {  	s13 =	sor.u32 $0x300, s24;
	v24 =	vld [tilespmem:s2+$0xFFFFFF00]  }
0x5c4: {  	s7 =	sadd.s32 $0x12600, s24;
	v11 =	vld.idx.msk [tilespmem:v3+s13+$0xC000 ss:$0x1], $0xffff  }
0x5c5: {  	v15 =	vld.idx.msk [tilespmem:v3+s7+$0xFFFFFD00 ss:$0x1], $0xffff  }
0x5c6: {  	v16 =	vld.idx.msk [tilespmem:v3+s13+$0xC080 ss:$0x1], $0xffff  }
0x5c7: {  	v17 =	vld.idx.msk [tilespmem:v3+s7+$0xFFFFFD80 ss:$0x1], $0xffff  }
0x5c8: {  	v9 =	vld.idx.msk [tilespmem:v3+s13+$0xC200 ss:$0x1], $0xffff  }
0x5c9: {  	v7 =	vld.idx.msk [tilespmem:v3+s7+$0xFFFFFF80 ss:$0x1], $0xffff  }
0x5ca: {  	v18 =	vld.idx.msk [tilespmem:v3+s13+$0xC100 ss:$0x1], $0xffff  }
0x5cb: {  	v10 =	vld.idx.msk [tilespmem:v3+s7+$0xFFFFFF00 ss:$0x1], $0xffff  }
0x5cc: {  	v20 =	vld.idx.msk [tilespmem:v3+s7+$0xFFFFFE00 ss:$0x1], $0xffff  }
0x5cd: {  	v8 =	vld.idx.msk [tilespmem:v3+s7+$0x0 ss:$0x1], $0xffff  }
0x5ce: {  	v22 =	vld.idx.msk [tilespmem:v3+s13+$0xC180 ss:$0x1], $0xffff  }
0x5cf: {  	v23 =	vld.idx.msk [tilespmem:v3+s7+$0xFFFFFE80 ss:$0x1], $0xffff  }
0x5d0: {  	vm1 =	veq.s32 v6, $0x0;
	v6 =	vadd.f32 v17, v16;
	v17 =	vld [tilespmem:s2+$0xFFFFFF80]  }
0x5d1: {  	vm2 =	veq.s32 v12, $0x0;
	v25 =	vadd.f32 v15, v11;
	v12 =	vadd.f32 v20, v18;
	v11 =	vld.idx.msk [tilespmem:v3+s13+$0xC300 ss:$0x1], $0xffff  }
0x5d2: {  	v18 =	vsel vm2, v4, v5;
	vm2 =	veq.s32 v13, $0x0;
	v16 =	vsel vm1, v4, v5;
	v13 =	vld.idx.msk [tilespmem:v3+s13+$0xC280 ss:$0x1], $0xffff  }
0x5d3: {  	s24 =	simm.s32 $0x0;
	vm1 =	veq.s32 v21, $0x0;
	v15 =	vld [tilespmem:s2+$0x80];
	v21 =	vadd.f32 v19, v14;
	v20 =	vsel vm2, v4, v5  }
0x5d4: {  	s16 =	sadd.s32 $0x1800, s16;
	s17 =	sadd.s32 $0x1800, s7;
	s15 =	sadd.s32 $0x1800, s13;
	v14 =	vld [tilespmem:s2+$0xFFFFFE80];
	vm2 =	veq.s32 v24, $0x0;
	v19 =	vadd.f32 v20, v25;
	v20 =	vadd.f32 v23, v22  }
.LBB2_49:
0x5d5: {  	v22 =	vld.idx.msk [tilespmem:v3+s15+$0xC000 ss:$0x1], $0xffff;
	s7 =	sor.u32 s4, s16;
	s24 =	sadd.s32 $0x8, s24;
	vm3 =	veq.s32 v17, $0x0;
	v9 =	vadd.f32 v10, v9;
	v10 =	vadd.f32 v18, v21;
	s2 =	sadd.s32 $0x400, s2  }
0x5d6: {  	v21 =	vld [tilespmem:s2+$0xFFFFFE00];
	p0 =	slt.u32 s24, $0x18;
	v17 =	vsel vm3, v4, v5  }
0x5d7: {  	v18 =	vld [tilespmem:s2+$0x0];
	[tilespmem:v3+s13+$0xC000 ss:$0x1] =	vst.idx.msk $0xffff, v19;
	v17 =	vadd.f32 v17, v20;
	v9 =	vadd.f32 v16, v9  }
0x5d8: {  	v16 =	vsel vm2, v4, v5;
	v7 =	vadd.f32 v7, v13;
	v19 =	vld [tilespmem:s7+$0xC300]  }
0x5d9: {  	v8 =	vadd.f32 v8, v11;
	v12 =	vadd.f32 v16, v12;
	vm2 =	veq.s32 v15, $0x0;
	v13 =	vld [tilespmem:s2+$0x180];
	[tilespmem:s23+$0xC300] =	vst v10;
	s23 =	smov.u32 s7  }
0x5da: {  	v11 =	vsel vm1, v4, v5;
	vm3 =	veq.s32 v14, $0x0;
	v10 =	vsel vm2, v4, v5;
	v20 =	vld [tilespmem:s23+$0x12300];
	[tilespmem:v3+s13+$0xC180 ss:$0x1] =	vst.idx.msk $0xffff, v17  }
0x5db: {  	v8 =	vadd.f32 v11, v8;
	v7 =	vadd.f32 v10, v7;
	v14 =	vld.idx.msk [tilespmem:v3+s17+$0xFFFFFD00 ss:$0x1], $0xffff;
	[tilespmem:v3+s13+$0xC200 ss:$0x1] =	vst.idx.msk $0xffff, v9  }
0x5dc: {  	v9 =	vsel vm3, v4, v5;
	v11 =	vld.idx.msk [tilespmem:v3+s15+$0xC080 ss:$0x1], $0xffff;
	vm1 =	veq.s32 v18, $0x0;
	[tilespmem:v3+s13+$0xC100 ss:$0x1] =	vst.idx.msk $0xffff, v12  }
0x5dd: {  	v6 =	vadd.f32 v9, v6;
	v12 =	vld.idx.msk [tilespmem:v3+s17+$0xFFFFFD80 ss:$0x1], $0xffff  }
0x5de: {  	v9 =	vld.idx.msk [tilespmem:v3+s15+$0xC200 ss:$0x1], $0xffff;
	vm2 =	veq.s32 v13, $0x0;
	[tilespmem:v3+s13+$0xC280 ss:$0x1] =	vst.idx.msk $0xffff, v7  }
0x5df: {  	v7 =	vld.idx.msk [tilespmem:v3+s17+$0xFFFFFF80 ss:$0x1], $0xffff;
	[tilespmem:v3+s13+$0xC080 ss:$0x1] =	vst.idx.msk $0xffff, v6  }
0x5e0: {  	v13 =	vld.idx.msk [tilespmem:v3+s15+$0xC100 ss:$0x1], $0xffff;
	[tilespmem:v3+s13+$0xC300 ss:$0x1] =	vst.idx.msk $0xffff, v8;
	s13 =	smov.u32 s15  }
0x5e1: {  	v10 =	vld.idx.msk [tilespmem:v3+s17+$0xFFFFFF00 ss:$0x1], $0xffff  }
0x5e2: {  	v8 =	vld.idx.msk [tilespmem:v3+s17+$0x0 ss:$0x1], $0xffff  }
0x5e3: {  	v15 =	vld.idx.msk [tilespmem:v3+s17+$0xFFFFFE00 ss:$0x1], $0xffff  }
0x5e4: {  	v23 =	vld [tilespmem:s2+$0x100]  }
0x5e5: {  	v24 =	vld.idx.msk [tilespmem:v3+s15+$0xC180 ss:$0x1], $0xffff  }
0x5e6: {  	v25 =	vld.idx.msk [tilespmem:v3+s17+$0xFFFFFE80 ss:$0x1], $0xffff  }
0x5e7: {  	v26 =	vld [tilespmem:s2+$0xFFFFFF00]  }
.Ltmp23:
0x5e8: {  	v6 =	vadd.f32 v12, v11;
	v17 =	vld [tilespmem:s2+$0xFFFFFF80];
	(pc) =	sbr.rel @p0 .LBB2_49-.Ltmp23, $4  }
0x5e9: {  	v18 =	vsel vm2, v4, v5;
	v14 =	vadd.f32 v14, v22;
	v12 =	vadd.f32 v15, v13;
	v11 =	vld.idx.msk [tilespmem:v3+s15+$0xC300 ss:$0x1], $0xffff  }
0x5ea: {  	v16 =	vsel vm1, v4, v5;
	vm2 =	veq.s32 v21, $0x0;
	vm1 =	veq.s32 v23, $0x0;
	v13 =	vld.idx.msk [tilespmem:v3+s15+$0xC280 ss:$0x1], $0xffff  }
0x5eb: {  	v21 =	vadd.f32 v20, v19;
	v22 =	vsel vm2, v4, v5;
	v15 =	vld [tilespmem:s2+$0x80]  }
0x5ec: {  	s16 =	sadd.s32 $0x1800, s16;
	v19 =	vadd.f32 v22, v14;
	s17 =	sadd.s32 $0x1800, s17;
	s15 =	sadd.s32 $0x1800, s15;
	v20 =	vadd.f32 v25, v24;
	v14 =	vld [tilespmem:s2+$0xFFFFFE80];
	vm2 =	veq.s32 v26, $0x0  }
0x5ed: {  	_ =	sdelay $0x1  }
0x5ee: {  	vm3 =	veq.s32 v17, $0x0;
	v9 =	vadd.f32 v10, v9  }
0x5ef: {  	v58 =	vadd.f32 v18, v21;
	v59 =	vsel vm2, v4, v5;
	v17 =	vsel vm3, v4, v5  }
0x5f0: {  	[tilespmem:v3+s13+$0xC000 ss:$0x1] =	vst.idx.msk $0xffff, v19;
	v12 =	vadd.f32 v59, v12;
	v8 =	vadd.f32 v8, v11  }
0x5f1: {  	s20 =	sadd.s32 $0x1, s20;
	v17 =	vadd.f32 v17, v20;
	v7 =	vadd.f32 v7, v13;
	[tilespmem:s23+$0xC300] =	vst v58;
	vm2 =	veq.s32 v15, $0x0  }
0x5f2: {  	p0 =	sne.s32 s20, $0x30;
	v9 =	vadd.f32 v16, v9;
	[tilespmem:v3+s13+$0xC100 ss:$0x1] =	vst.idx.msk $0xffff, v12;
	v60 =	vsel vm2, v4, v5  }
.Ltmp24:
0x5f3: {  	v62 =	vsel vm1, v4, v5;
	vm3 =	veq.s32 v14, $0x0;
	[tilespmem:v3+s13+$0xC180 ss:$0x1] =	vst.idx.msk $0xffff, v17;
	v7 =	vadd.f32 v60, v7;
	(pc) =	sbr.rel @p0 .LBB2_48-.Ltmp24, $4  }
0x5f4: {  	[tilespmem:v3+s13+$0xC200 ss:$0x1] =	vst.idx.msk $0xffff, v9;
	v61 =	vsel vm3, v4, v5;
	v4 =	vadd.f32 v62, v8  }
0x5f5: {  	v63 =	vadd.f32 v61, v6;
	[tilespmem:v3+s13+$0xC280 ss:$0x1] =	vst.idx.msk $0xffff, v7  }
0x5f6: {  	[tilespmem:v3+s13+$0xC300 ss:$0x1] =	vst.idx.msk $0xffff, v4  }
0x5f7: {  	s14 =	sadd.s32 $0x1, s14;
	s8 =	sadd.s32 $0x80, s8;
	[tilespmem:v3+s13+$0xC080 ss:$0x1] =	vst.idx.msk $0xffff, v63  }
0x5f8: {  	s2 =	simm.s32 $0xE0  }
0x5f9: {  	s4 =	simm.s32 $0xE1;
	s7 =	simm.s32 $0xE2;
	v3 =	vmov s2  }
0x5fa: {  	s13 =	simm.s32 $0xE3;
	v4 =	vmov s4;
	v5 =	vmov s7;
	v3 =	vand.u32 $0xFFFFFFFC, v3  }
0x5fb: {  	v5 =	vand.u32 $0xFFFFFFFE, v5;
	v6 =	vbroadcast v3, $0x0;
	v3 =	vmov s13  }
0x5fc: {  	v4 =	vand.u32 $0xFFFFFFFD, v4;
	v7 =	vbroadcast v5, $0x0  }
0x5fd: {  	s14 =	simm.s32 $0xE4;
	s15 =	simm.s32 $0xE5;
	s16 =	simm.s32 $0xE6;
	v9 =	vbroadcast v4, $0x0  }
0x5fe: {  	s17 =	rddreg [dreg:$0x11];
	s20 =	simm.s32 $0xE7;
	v8 =	vmov s16;
	v4 =	vmov s14;
	v5 =	vmov s15  }
0x5ff: {  	[hbm4b:s17+s5] =	stream.linear.scatter [tilespmem:s19], [sflag:$0x8], $0x6000, $0x38;
	v8 =	vand.u32 $0xFFFFFFFE, v8;
	v4 =	vand.u32 $0xFFFFFFFC, v4;
	v10 =	vand.u32 $0xFFFFFFFD, v5;
	[tilespmem:$0x1F900] =	vst v63  }
0x600: {  	v4 =	vbroadcast v4, $0x0;
	v5 =	vld.idx.msk [tilespmem:v3+s25+$0x0], $0xffff;
	v3 =	vbroadcast v10, $0x0;
	v10 =	vmov s20  }
0x601: {  	s23 =	simm.s32 $0xE8;
	s24 =	simm.s32 $0xE9;
	s8 =	simm.s32 $0xEA;
	v8 =	vbroadcast v8, $0x0;
	v6 =	vld.idx.msk [tilespmem:v6+s25+$0x0], $0xffff  }
0x602: {  	s2 =	simm.s32 $0x1EA00;
	v11 =	vmov s23;
	v12 =	vmov s24;
	v14 =	vmov s8;
	v7 =	vld.idx.msk [tilespmem:v7+s25+$0x0], $0xffff  }
0x603: {  	s8 =	simm.s32 $0x8;
	s4 =	simm.s32 $0x1EA00;
	v13 =	vand.u32 $0xFFFFFFFC, v11;
	v12 =	vand.u32 $0xFFFFFFFD, v12;
	v11 =	vand.u32 $0xFFFFFFFE, v14;
	s13 =	simm.s32 $0x4;
	v9 =	vld.idx.msk [tilespmem:v9+s25+$0x0], $0xffff  }
.LBB2_52:
0x604: {  	s7 =	sadd.s32 $0xE7, s13;
	s13 =	smov.u32 s8;
	s8 =	sadd.s32 $0x4, s8  }
0x605: {  	v13 =	vbroadcast v13, $0x0;
	v12 =	vbroadcast v12, $0x0;
	[tilespmem:s2+$0x80] =	vst v5;
	v5 =	vld.idx.msk [tilespmem:v10+s25+$0x0], $0xffff;
	s4 =	sadd.s32 $0x200, s4;
	p0 =	slt.u32 s8, $0x1C  }
.Ltmp25:
0x606: {  	v11 =	vbroadcast v11, $0x0;
	v10 =	vmov s7;
	[tilespmem:s2+$0xFFFFFF00] =	vst v6;
	v6 =	vld.idx.msk [tilespmem:v4+s25+$0x0], $0xffff;
	(pc) =	sbr.rel @p0 .LBB2_52-.Ltmp25, $4  }
0x607: {  	[tilespmem:s2+$0x0] =	vst v7;
	v7 =	vld.idx.msk [tilespmem:v8+s25+$0x0], $0xffff;
	v4 =	vmov v13  }
0x608: {  	s7 =	sadd.s32 $0xE4, s13;
	s14 =	sadd.s32 $0xE5, s13;
	s15 =	sadd.s32 $0xE6, s13;
	v8 =	vmov v11;
	[tilespmem:s2+$0xFFFFFF80] =	vst v9;
	v9 =	vld.idx.msk [tilespmem:v3+s25+$0x0], $0xffff;
	v3 =	vmov v12  }
0x609: {  	v11 =	vmov s7;
	v14 =	vmov s15;
	v12 =	vmov s14;
	s2 =	smov.u32 s4  }
0x60a: {  	v13 =	vand.u32 $0xFFFFFFFC, v11;
	v11 =	vand.u32 $0xFFFFFFFE, v14;
	v12 =	vand.u32 $0xFFFFFFFD, v12  }
0x60b: {  	_ =	sdelay $0x1  }
0x60c: {  	s7 =	sadd.s32 $0xE7, s13  }
0x60d: {  	v13 =	vbroadcast v13, $0x0;
	v14 =	vmov s7  }
0x60e: {  	v10 =	vld.idx.msk [tilespmem:v10+s25+$0x0], $0xffff;
	v11 =	vbroadcast v11, $0x0  }
0x60f: {  	[tilespmem:s2+$0x80] =	vst v5;
	v59 =	vbroadcast v12, $0x0;
	v4 =	vld.idx.msk [tilespmem:v4+s25+$0x0], $0xffff  }
0x610: {  	[tilespmem:s2+$0xFFFFFF00] =	vst v6;
	v60 =	vld.idx.msk [tilespmem:v8+s25+$0x0], $0xffff  }
0x611: {  	v3 =	vld.idx.msk [tilespmem:v3+s25+$0x0], $0xffff;
	[tilespmem:s2+$0x0] =	vst v7  }
0x612: {  	s4 =	sadd.s32 $0x200, s4;
	[tilespmem:s2+$0xFFFFFF80] =	vst v9;
	v61 =	vld.idx.msk [tilespmem:v14+s25+$0x0], $0xffff  }
0x613: {  	[tilespmem:s4+$0x80] =	vst v10;
	v62 =	vld.idx.msk [tilespmem:v13+s25+$0x0], $0xffff  }
0x614: {  	[tilespmem:s4+$0xFFFFFF00] =	vst v4;
	v63 =	vld.idx.msk [tilespmem:v11+s25+$0x0], $0xffff  }
0x615: {  	[tilespmem:s4+$0x0] =	vst v60;
	v5 =	vld.idx.msk [tilespmem:v59+s25+$0x0], $0xffff  }
0x616: {  	s24 =	sadd.s32 $0x200, s4;
	[tilespmem:s4+$0xFFFFFF80] =	vst v3  }
0x617: {  	[tilespmem:s24+$0x80] =	vst v61  }
0x618: {  	[tilespmem:s24+$0xFFFFFF00] =	vst v62  }
0x619: {  	[tilespmem:s24+$0x0] =	vst v63  }
0x61a: {  	[tilespmem:s24+$0xFFFFFF80] =	vst v5  }
0x61b: {  	_ =	swait.ge [sflag:s18], $0x6000  }
0x61c: {  	[sflag:s18] =	ssyncset.done $0x0  }
0x61d: {  	[sflag:s18] =	ssyncadd.s32 $0xFFFFA000  }
0x61e: {  	_ =	swait.ge [sflag:s22], $0x6000  }
0x61f: {  	s8 =	simm.s32 $0x0;
	[sflag:s22] =	ssyncset.done $0x0  }
0x620: {  	s14 =	simm.s32 $0x0;
	s20 =	simm.s32 $0x0;
	[sflag:s22] =	ssyncadd.s32 $0xFFFFA000  }
.LBB2_54:
0x621: {  	s16 =	simm.s32 $0x1EB00  }
0x622: {  	v13 =	vld [tilespmem:s16+$0xFFFFFE00]  }
0x623: {  	s2 =	sand.u32 $0x7, s14;
	v6 =	vld [tilespmem:s16+$0x0]  }
0x624: {  	s4 =	sshll.u32 s20, $0x4;
	s7 =	sshll.u32 s20, $0x5;
	s2 =	sshll.u32 s2, $0x6;
	v12 =	vld [tilespmem:s16+$0x180]  }
0x625: {  	s23 =	sand.u32 $0x70, s4;
	s7 =	sand.u32 $0x1FFFFF00, s7;
	v21 =	vld [tilespmem:s16+$0x100];
	s2 =	sshrl.u32 s2, $0x2  }
0x626: {  	v24 =	vld [tilespmem:s16+$0xFFFFFF00];
	v3 =	vmov s2;
	s2 =	sor.u32 s23, s7  }
0x627: {  	s17 =	sand.u32 $0xFFFFFC00, s8;
	s15 =	sadd.s32 $0x1E300, s2;
	v4 =	vld [tilespmem:s2+$0x1E300];
	s2 =	sor.u32 $0x380, s4  }
0x628: {  	v5 =	vld [tilespmem:s15+$0x80];
	s23 =	sor.u32 s2, s17  }
0x629: {  	s24 =	sand.u32 $0x3FFFFC00, s8;
	v14 =	vld [tilespmem:s23+$0x300]  }
0x62a: {  	s13 =	sadd.s32 $0x600, s24;
	v19 =	vld [tilespmem:s23+$0x18300]  }
0x62b: {  	s4 =	sadd.s32 $0x12300, s24;
	v11 =	vld.idx.msk [tilespmem:v3+s13+$0xFFFFFD00 ss:$0x1], $0xffff  }
0x62c: {  	v15 =	vld.idx.msk [tilespmem:v3+s4+$0x6000 ss:$0x1], $0xffff  }
0x62d: {  	v16 =	vld.idx.msk [tilespmem:v3+s13+$0xFFFFFD80 ss:$0x1], $0xffff  }
0x62e: {  	v17 =	vld.idx.msk [tilespmem:v3+s4+$0x6080 ss:$0x1], $0xffff  }
0x62f: {  	v9 =	vld.idx.msk [tilespmem:v3+s13+$0xFFFFFF00 ss:$0x1], $0xffff  }
0x630: {  	v7 =	vld.idx.msk [tilespmem:v3+s4+$0x6280 ss:$0x1], $0xffff  }
0x631: {  	v18 =	vld.idx.msk [tilespmem:v3+s13+$0xFFFFFE00 ss:$0x1], $0xffff  }
0x632: {  	v10 =	vld.idx.msk [tilespmem:v3+s4+$0x6200 ss:$0x1], $0xffff  }
0x633: {  	v20 =	vld.idx.msk [tilespmem:v3+s4+$0x6100 ss:$0x1], $0xffff  }
0x634: {  	v8 =	vld.idx.msk [tilespmem:v3+s4+$0x6300 ss:$0x1], $0xffff  }
0x635: {  	v22 =	vld.idx.msk [tilespmem:v3+s13+$0xFFFFFE80 ss:$0x1], $0xffff  }
0x636: {  	v23 =	vld.idx.msk [tilespmem:v3+s4+$0x6180 ss:$0x1], $0xffff  }
0x637: {  	vm1 =	veq.s32 v6, $0x0;
	v6 =	vadd.f32 v17, v16;
	v17 =	vld [tilespmem:s16+$0xFFFFFF80]  }
0x638: {  	vm2 =	veq.s32 v12, $0x0;
	v25 =	vadd.f32 v15, v11;
	v12 =	vadd.f32 v20, v18;
	v11 =	vld.idx.msk [tilespmem:v3+s13+$0x0 ss:$0x1], $0xffff  }
0x639: {  	v18 =	vsel vm2, v4, v5;
	vm2 =	veq.s32 v13, $0x0;
	v16 =	vsel vm1, v4, v5;
	v13 =	vld.idx.msk [tilespmem:v3+s13+$0xFFFFFF80 ss:$0x1], $0xffff  }
0x63a: {  	s24 =	simm.s32 $0x0;
	vm1 =	veq.s32 v21, $0x0;
	v15 =	vld [tilespmem:s16+$0x80];
	v21 =	vadd.f32 v19, v14;
	v20 =	vsel vm2, v4, v5  }
0x63b: {  	s15 =	sadd.s32 $0x1800, s13;
	s17 =	sadd.s32 $0x1800, s17;
	v14 =	vld [tilespmem:s16+$0xFFFFFE80];
	s16 =	simm.s32 $0x1EF00;
	vm2 =	veq.s32 v24, $0x0;
	v19 =	vadd.f32 v20, v25;
	v20 =	vadd.f32 v23, v22  }
.LBB2_55:
0x63c: {  	v22 =	vld.idx.msk [tilespmem:v3+s15+$0xFFFFFD00 ss:$0x1], $0xffff;
	s7 =	sor.u32 s2, s17;
	s24 =	sadd.s32 $0x8, s24;
	vm3 =	veq.s32 v17, $0x0;
	v9 =	vadd.f32 v10, v9;
	v10 =	vadd.f32 v18, v21;
	s4 =	sadd.s32 $0x1800, s4  }
0x63d: {  	v21 =	vld [tilespmem:s16+$0xFFFFFE00];
	p0 =	slt.u32 s24, $0x18;
	v17 =	vsel vm3, v4, v5  }
0x63e: {  	v18 =	vld [tilespmem:s16+$0x0];
	[tilespmem:v3+s13+$0xFFFFFD00 ss:$0x1] =	vst.idx.msk $0xffff, v19;
	v17 =	vadd.f32 v17, v20;
	v9 =	vadd.f32 v16, v9  }
0x63f: {  	v16 =	vsel vm2, v4, v5;
	v7 =	vadd.f32 v7, v13;
	v19 =	vld [tilespmem:s7+$0x300]  }
0x640: {  	v8 =	vadd.f32 v8, v11;
	v12 =	vadd.f32 v16, v12;
	vm2 =	veq.s32 v15, $0x0;
	v13 =	vld [tilespmem:s16+$0x180];
	[tilespmem:s23+$0x300] =	vst v10;
	s23 =	smov.u32 s7  }
0x641: {  	v11 =	vsel vm1, v4, v5;
	vm3 =	veq.s32 v14, $0x0;
	v10 =	vsel vm2, v4, v5;
	v20 =	vld [tilespmem:s23+$0x18300];
	[tilespmem:v3+s13+$0xFFFFFE80 ss:$0x1] =	vst.idx.msk $0xffff, v17  }
0x642: {  	v8 =	vadd.f32 v11, v8;
	v7 =	vadd.f32 v10, v7;
	v14 =	vld.idx.msk [tilespmem:v3+s4+$0x6000 ss:$0x1], $0xffff;
	[tilespmem:v3+s13+$0xFFFFFF00 ss:$0x1] =	vst.idx.msk $0xffff, v9  }
0x643: {  	v9 =	vsel vm3, v4, v5;
	v11 =	vld.idx.msk [tilespmem:v3+s15+$0xFFFFFD80 ss:$0x1], $0xffff;
	vm1 =	veq.s32 v18, $0x0;
	[tilespmem:v3+s13+$0xFFFFFE00 ss:$0x1] =	vst.idx.msk $0xffff, v12  }
0x644: {  	v6 =	vadd.f32 v9, v6;
	v12 =	vld.idx.msk [tilespmem:v3+s4+$0x6080 ss:$0x1], $0xffff  }
0x645: {  	v9 =	vld.idx.msk [tilespmem:v3+s15+$0xFFFFFF00 ss:$0x1], $0xffff;
	vm2 =	veq.s32 v13, $0x0;
	[tilespmem:v3+s13+$0xFFFFFF80 ss:$0x1] =	vst.idx.msk $0xffff, v7  }
0x646: {  	v7 =	vld.idx.msk [tilespmem:v3+s4+$0x6280 ss:$0x1], $0xffff;
	[tilespmem:v3+s13+$0xFFFFFD80 ss:$0x1] =	vst.idx.msk $0xffff, v6  }
0x647: {  	v13 =	vld.idx.msk [tilespmem:v3+s15+$0xFFFFFE00 ss:$0x1], $0xffff;
	[tilespmem:v3+s13+$0x0 ss:$0x1] =	vst.idx.msk $0xffff, v8;
	s13 =	smov.u32 s15  }
0x648: {  	v10 =	vld.idx.msk [tilespmem:v3+s4+$0x6200 ss:$0x1], $0xffff  }
0x649: {  	v8 =	vld.idx.msk [tilespmem:v3+s4+$0x6300 ss:$0x1], $0xffff  }
0x64a: {  	v15 =	vld.idx.msk [tilespmem:v3+s4+$0x6100 ss:$0x1], $0xffff  }
0x64b: {  	v23 =	vld [tilespmem:s16+$0x100]  }
0x64c: {  	v24 =	vld.idx.msk [tilespmem:v3+s15+$0xFFFFFE80 ss:$0x1], $0xffff  }
0x64d: {  	v25 =	vld.idx.msk [tilespmem:v3+s4+$0x6180 ss:$0x1], $0xffff  }
0x64e: {  	v26 =	vld [tilespmem:s16+$0xFFFFFF00]  }
.Ltmp26:
0x64f: {  	v6 =	vadd.f32 v12, v11;
	v17 =	vld [tilespmem:s16+$0xFFFFFF80];
	(pc) =	sbr.rel @p0 .LBB2_55-.Ltmp26, $4  }
0x650: {  	v18 =	vsel vm2, v4, v5;
	v14 =	vadd.f32 v14, v22;
	v12 =	vadd.f32 v15, v13;
	v11 =	vld.idx.msk [tilespmem:v3+s15+$0x0 ss:$0x1], $0xffff  }
0x651: {  	v16 =	vsel vm1, v4, v5;
	vm2 =	veq.s32 v21, $0x0;
	vm1 =	veq.s32 v23, $0x0;
	v13 =	vld.idx.msk [tilespmem:v3+s15+$0xFFFFFF80 ss:$0x1], $0xffff  }
0x652: {  	v21 =	vadd.f32 v20, v19;
	v22 =	vsel vm2, v4, v5;
	v15 =	vld [tilespmem:s16+$0x80]  }
0x653: {  	s17 =	sadd.s32 $0x1800, s17;
	v19 =	vadd.f32 v22, v14;
	s15 =	sadd.s32 $0x1800, s15;
	v20 =	vadd.f32 v25, v24;
	v14 =	vld [tilespmem:s16+$0xFFFFFE80];
	vm2 =	veq.s32 v26, $0x0;
	s16 =	sadd.s32 $0x400, s16  }
0x654: {  	_ =	sdelay $0x1  }
0x655: {  	vm3 =	veq.s32 v17, $0x0;
	v9 =	vadd.f32 v10, v9  }
0x656: {  	v58 =	vadd.f32 v18, v21;
	v59 =	vsel vm2, v4, v5;
	v17 =	vsel vm3, v4, v5  }
0x657: {  	[tilespmem:v3+s13+$0xFFFFFD00 ss:$0x1] =	vst.idx.msk $0xffff, v19;
	v12 =	vadd.f32 v59, v12;
	v8 =	vadd.f32 v8, v11  }
0x658: {  	s20 =	sadd.s32 $0x1, s20;
	v17 =	vadd.f32 v17, v20;
	v7 =	vadd.f32 v7, v13;
	[tilespmem:s23+$0x300] =	vst v58;
	vm2 =	veq.s32 v15, $0x0  }
0x659: {  	p0 =	sne.s32 s20, $0x30;
	v9 =	vadd.f32 v16, v9;
	[tilespmem:v3+s13+$0xFFFFFE00 ss:$0x1] =	vst.idx.msk $0xffff, v12;
	v60 =	vsel vm2, v4, v5  }
.Ltmp27:
0x65a: {  	v62 =	vsel vm1, v4, v5;
	vm3 =	veq.s32 v14, $0x0;
	[tilespmem:v3+s13+$0xFFFFFE80 ss:$0x1] =	vst.idx.msk $0xffff, v17;
	v7 =	vadd.f32 v60, v7;
	(pc) =	sbr.rel @p0 .LBB2_54-.Ltmp27, $4  }
0x65b: {  	[tilespmem:v3+s13+$0xFFFFFF00 ss:$0x1] =	vst.idx.msk $0xffff, v9;
	v61 =	vsel vm3, v4, v5;
	v4 =	vadd.f32 v62, v8  }
0x65c: {  	v63 =	vadd.f32 v61, v6;
	[tilespmem:v3+s13+$0xFFFFFF80 ss:$0x1] =	vst.idx.msk $0xffff, v7  }
0x65d: {  	[tilespmem:v3+s13+$0x0 ss:$0x1] =	vst.idx.msk $0xffff, v4  }
0x65e: {  	s14 =	sadd.s32 $0x1, s14;
	s8 =	sadd.s32 $0x80, s8;
	[tilespmem:v3+s13+$0xFFFFFD80 ss:$0x1] =	vst.idx.msk $0xffff, v63  }
0x65f: {  	s2 =	rddreg [dreg:$0x12]  }
0x660: {  	[hbm4b:s2+s5] =	stream.linear.scatter [tilespmem:s30], [sflag:$0x6], $0x6000, $0x38;
	[tilespmem:$0x1F900] =	vst v63  }
0x661: {  	_ =	swait.ge [sflag:s29], $0x6000  }
0x662: {  	[sflag:s29] =	ssyncset.done $0x0  }
0x663: {  	[sflag:s29] =	ssyncadd.s32 $0xFFFFA000  }
0x664: {  	_ =	swait.ge [sflag:s26], $0x6000  }
0x665: {  	[sflag:s26] =	ssyncset.done $0x0  }
0x666: {  	[sflag:s26] =	ssyncadd.s32 $0xFFFFA000  }
0x667: {  	_ =	swait.ge [sflag:s28], $0x6000  }
0x668: {  	s1 =	sadd.s32 $0x1, s1;
	s24 =	rddreg [dreg:$0x13]  }
0x669: {  	p0 =	sne.s32 s1, s24  }
.Ltmp28:
0x66a: {  	_ = 	snop;
	(pc) =	sbr.rel @p0 .LBB2_1-.Ltmp28, $3  }
0x66b: {  	_ =	sdelay $0x1  }
0x66c: {  	[sflag:s28] =	ssyncset.done $0x0  }
0x66d: {  	[sflag:s28] =	ssyncadd.s32 $0xFFFFA000  }
0x66e: {  	_ =	sfence.sel $0x180000  }
0x66f: {  	[bflag:$0x0] =	sbarrier.arrive $0xFFFF  }
0x670: {  	_ =	strace $0x90000047  }
0x671: {  	s0 =	stileid.u32;
	[bflag:$0x2] =	sbarrier.arrive $0xFFFF  }
0x672: {  	p0 =	sne.s32 s0, $0x0;
	s0 =	rddreg [dreg:$0x5]  }
0x673: {  	s0 =	sadd.s32 @!p0 $0x100000, s0  }
0x674: {  	[sflag:s0] =	ssyncadd.tile.s32 @!p0 $0x1;
	_ =	shalt  }
.Lfunc_end2:
_tile_overlayer_lowered:
.L_overlay_start_2:
0x675: {  	(tag) =	ssettag $0x2  }
0x676: {  	s0 =	rddreg [dreg:$0x0];
	s2 =	stileid.u32  }
0x677: {  	s1 =	rddreg [dreg:$0x1];
	p0 =	sne.s32 s2, $0x0  }
0x678: {  	s3 =	rddreg [dreg:$0x2];
	[bflag:$0x3] =	sbarrier.arrive $0xFFFF;
	s2 =	simm.s32 @!p0 $0x1C09  }
0x679: {  	[timem:s3], [sflag:s2] =	dma.local @!p0 [hbm:s0], s1  }
0x67a: {  	s0 =	simm.s32 @!p0 $0x9  }
0x67b: {  	_ =	swait.ge @!p0 [sflag:s0], s1  }
0x67c: {  	s1 =	ssub.s32 @!p0 $0x0, s1;
	[sflag:s0] =	ssyncset.done @!p0 $0x0  }
0x67d: {  	[sflag:s0] =	ssyncadd.s32 @!p0 s1  }
0x67e: {  	[bflag:$0x3] =	sbarrier.arrive $0xFFFF  }
0x67f: {  	_ =	shalt  }

</sc_bundles>
